<compile_context>
chip_gen: v7x
topology: tpu7x:2x2x1
jax: 0.10.2.dev20260603
libtpu: 0.0.44.dev20260713+nightly
codegen_flags: <defaults>
</compile_context>

<pallas_src>
import functools
import math

import jax
import jax.numpy as jnp
from jax import lax
from jax.experimental import pallas as pl
from jax.experimental.pallas import tpu as pltpu
from jax.experimental.pallas import tpu_sc as plsc

EMBED = 128
HEADS = 8
HEAD_DIM = 16
G = 64

NC = 2
NS = 16
NW = NC * NS
EB = 80

BN_EPS = 1e-5
BG = 0.1

_NEG = float('-inf')


def _pre_body(x_ref, d_ref, w_ref, b_ref, y_ref, mom_ref):
    i = pl.program_id(0)
    x = x_ref[...]
    y = jnp.dot(x, w_ref[...], preferred_element_type=jnp.float32) + b_ref[...]
    dep = d_ref[...].astype(jnp.float32)
    lin = lax.broadcasted_iota(jnp.int32, (1, EMBED // 2), 1).astype(jnp.float32) / (EMBED // 2 - 1)
    freq = jnp.exp(lin * (-math.log(10000.0)))
    ang = dep * freq
    y = y + jnp.concatenate([jnp.sin(ang), jnp.cos(ang)], axis=1)
    y_ref[...] = y

    @pl.when(i == 0)
    def _():
        mom_ref[...] = jnp.zeros_like(mom_ref)

    s = jnp.sum(y, axis=0, keepdims=True)
    ss = jnp.sum(y * y, axis=0, keepdims=True)
    mom_ref[...] += jnp.concatenate(
        [s, ss, jnp.zeros((6, EMBED), jnp.float32)], axis=0)


def _qkv_body(y_ref, mom_ref, g_ref, be_ref, wq_ref, bq_ref, wk_ref, bk_ref,
              wv_ref, bv_ref, q_ref, k_ref, v_ref, n_rows):
    m = mom_ref[0:1, :] / n_rows
    var = mom_ref[1:2, :] / n_rows - m * m
    xn = g_ref[...] * (y_ref[...] - m) * lax.rsqrt(var + BN_EPS) + be_ref[...]
    q = jnp.dot(xn, wq_ref[...], preferred_element_type=jnp.float32) + bq_ref[...]
    q_ref[...] = q * (1.0 / math.sqrt(HEAD_DIM))
    k_ref[...] = jnp.dot(xn, wk_ref[...], preferred_element_type=jnp.float32) + bk_ref[...]
    v_ref[...] = jnp.dot(xn, wv_ref[...], preferred_element_type=jnp.float32) + bv_ref[...]


def _edge_body(q_hbm, k_hbm, v_hbm, src_hbm, dst_hbm, outn_hbm,
               di, si, d2, qr, kr, cd, accn, s1, s2, s3,
               e_per_w, n_batches, rows_per_tile):
    cid = lax.axis_index("c")
    sid = lax.axis_index("s")
    wid = sid * NC + cid
    np_rows = rows_per_tile * NS
    all_rows = np_rows + np_rows // 8
    lane = lax.broadcasted_iota(jnp.int32, (16,), 0)
    zeros16 = jnp.zeros((16,), jnp.float32)

    def _zrow(r, _):
        for c in range(EMBED // 16):
            qr[r, pl.ds(c * 16, 16)] = zeros16
        cd[r, :] = zeros16
        return 0
    lax.fori_loop(0, EB, _zrow, 0)

    row0 = sid * rows_per_tile
    def _zacc(j, _):
        pltpu.sync_copy(qr, accn.at[pl.ds(row0 + j * EB, EB)])
        return 0
    lax.fori_loop(0, rows_per_tile // EB, _zacc, 0)
    den0 = np_rows + sid * (rows_per_tile // 8)
    pltpu.sync_copy(qr.at[pl.ds(0, rows_per_tile // 8)], accn.at[pl.ds(den0, rows_per_tile // 8)])
    plsc.subcore_barrier()

    def _batch(j, _):
        base = wid * e_per_w + j * EB
        pltpu.sync_copy(dst_hbm.at[pl.ds(base, EB)], di)
        pltpu.sync_copy(src_hbm.at[pl.ds(base, EB)], si)
        dq = pltpu.async_copy(q_hbm.at[di], qr, s1)
        dk = pltpu.async_copy(k_hbm.at[si], kr, s2)
        for g in range(EB // 16):
            sl = pl.ds(g * 16, 16)
            d2[sl] = np_rows + lax.shift_right_logical(di[sl], 3)
        dq.wait()
        dk.wait()

        perms = [jnp.bitwise_xor(lane, k)[:, None] for k in (1, 2, 4, 8)]
        gdn = lax.GatherDimensionNumbers(
            offset_dims=(), collapsed_slice_dims=(0,), start_index_map=(0,))

        def _sum16(xv):
            for p in perms:
                xv = xv + lax.gather(
                    xv, p, gdn, slice_sizes=(1,),
                    mode=lax.GatherScatterMode.PROMISE_IN_BOUNDS)
            return xv

        def _edge(e, _):
            den_v = zeros16
            for h in range(HEADS):
                sl = pl.ds(h * 16, 16)
                prod = qr[e, sl] * kr[e, sl]
                ex_v = jnp.exp(_sum16(prod))
                qr[e, sl] = ex_v
                den_v = jnp.where(lane == h, ex_v, den_v)
            cd[e, :] = den_v
            return 0
        lax.fori_loop(0, EB, _edge, 0)

        dv = pltpu.async_copy(v_hbm.at[si], kr, s3)
        dv.wait()

        def _scale(e, _):
            for h in range(HEADS):
                sl = pl.ds(h * 16, 16)
                qr[e, sl] = qr[e, sl] * kr[e, sl]
            return 0
        lax.fori_loop(0, EB, _scale, 0)

        pltpu.sync_copy(qr, accn.at[di], add=True)

        ones16 = jnp.ones((16,), jnp.float32)

        def _dens(g, _):
            dv16 = di[pl.ds(g * 16, 16)]
            m8all = jnp.bitwise_and(dv16, 7)
            inds = [jnp.where(m8all == c, ones16, zeros16) for c in range(8)]
            for l in range(16):
                e = g * 16 + l
                dv_ = cd[e, :]
                for c in range(8):
                    s = lax.gather(
                        inds[c], jnp.full((16, 1), l, jnp.int32), gdn,
                        slice_sizes=(1,),
                        mode=lax.GatherScatterMode.PROMISE_IN_BOUNDS)
                    kr[e, pl.ds(c * 16, 16)] = s * dv_
            return 0
        lax.fori_loop(0, EB // 16, _dens, 0)

        pltpu.sync_copy(kr, accn.at[d2], add=True)
        return 0
    lax.fori_loop(0, n_batches, _batch, 0)

    plsc.subcore_barrier()

    out0 = cid * all_rows + row0

    def _wb(j, _):
        pltpu.sync_copy(accn.at[pl.ds(row0 + j * EB, EB)], qr)
        pltpu.sync_copy(qr, outn_hbm.at[pl.ds(out0 + j * EB, EB)])
        return 0
    lax.fori_loop(0, rows_per_tile // EB, _wb, 0)
    dout0 = cid * all_rows + den0
    pltpu.sync_copy(accn.at[pl.ds(den0, rows_per_tile // 8)], qr.at[pl.ds(0, rows_per_tile // 8)])
    pltpu.sync_copy(qr.at[pl.ds(0, rows_per_tile // 8)], outn_hbm.at[pl.ds(dout0, rows_per_tile // 8)])


def _mid_body(an_ref, ad_ref, y_ref, e16_ref, wl_ref, bl_ref,
              wr_ref, br_ref, ur_ref, bur_ref, wz_ref, bz_ref, uz_ref, buz_ref,
              wg_ref, bg_ref, ug_ref, bug_ref, g1_ref, mom_ref):
    i = pl.program_id(0)
    num = an_ref[0] + an_ref[1]
    den = ad_ref[0] + ad_ref[1]
    den_w = jnp.dot(den, e16_ref[...], preferred_element_type=jnp.float32)
    h1 = num / (den_w + 1e-16)
    h1 = jnp.maximum(
        jnp.dot(h1, wl_ref[...], preferred_element_type=jnp.float32) + bl_ref[...], 0.0)
    y = y_ref[...]
    r = jax.nn.sigmoid(
        jnp.dot(h1, wr_ref[...], preferred_element_type=jnp.float32) + br_ref[...]
        + jnp.dot(y, ur_ref[...], preferred_element_type=jnp.float32) + bur_ref[...])
    z = jax.nn.sigmoid(
        jnp.dot(h1, wz_ref[...], preferred_element_type=jnp.float32) + bz_ref[...]
        + jnp.dot(y, uz_ref[...], preferred_element_type=jnp.float32) + buz_ref[...]
        - BG)
    g = jnp.tanh(
        jnp.dot(h1, wg_ref[...], preferred_element_type=jnp.float32) + bg_ref[...]
        + jnp.dot(r * y, ug_ref[...], preferred_element_type=jnp.float32) + bug_ref[...])
    g1 = (1.0 - z) * y + z * g
    g1_ref[...] = g1

    @pl.when(i == 0)
    def _():
        mom_ref[...] = jnp.zeros_like(mom_ref)

    s = jnp.sum(g1, axis=0, keepdims=True)
    ss = jnp.sum(g1 * g1, axis=0, keepdims=True)
    mom_ref[...] += jnp.concatenate(
        [s, ss, jnp.zeros((6, EMBED), jnp.float32)], axis=0)


def _mlp_body(g1_ref, mom_ref, gm_ref, bt_ref, w1_ref, b1_ref, w2_ref, b2_ref,
              wr_ref, br_ref, ur_ref, bur_ref, wz_ref, bz_ref, uz_ref, buz_ref,
              wg_ref, bg_ref, ug_ref, bug_ref, batch_ref, msk_ref,
              hn_ref, hdag_ref, n_rows):
    i = pl.program_id(0)
    g1 = g1_ref[...]
    m = mom_ref[0:1, :] / n_rows
    var = mom_ref[1:2, :] / n_rows - m * m
    xb = gm_ref[...] * (g1 - m) * lax.rsqrt(var + BN_EPS) + bt_ref[...]
    t = jnp.maximum(
        jnp.dot(xb, w1_ref[...], preferred_element_type=jnp.float32) + b1_ref[...], 0.0)
    h2 = jnp.maximum(
        jnp.dot(t, w2_ref[...], preferred_element_type=jnp.float32) + b2_ref[...], 0.0)
    r = jax.nn.sigmoid(
        jnp.dot(h2, wr_ref[...], preferred_element_type=jnp.float32) + br_ref[...]
        + jnp.dot(g1, ur_ref[...], preferred_element_type=jnp.float32) + bur_ref[...])
    z = jax.nn.sigmoid(
        jnp.dot(h2, wz_ref[...], preferred_element_type=jnp.float32) + bz_ref[...]
        + jnp.dot(g1, uz_ref[...], preferred_element_type=jnp.float32) + buz_ref[...]
        - BG)
    g = jnp.tanh(
        jnp.dot(h2, wg_ref[...], preferred_element_type=jnp.float32) + bg_ref[...]
        + jnp.dot(r * g1, ug_ref[...], preferred_element_type=jnp.float32) + bug_ref[...])
    hn = (1.0 - z) * g1 + z * g
    hn_ref[...] = hn

    @pl.when(i == 0)
    def _():
        hdag_ref[...] = jnp.full_like(hdag_ref, _NEG)

    bm = batch_ref[...]
    hm = jnp.where(msk_ref[...] > 0, hn, _NEG)
    for gi in range(G):
        contrib = jnp.max(jnp.where(bm == gi, hm, _NEG), axis=0, keepdims=True)
        hdag_ref[gi:gi + 1, :] = jnp.maximum(hdag_ref[gi:gi + 1, :], contrib)


def _head_body(hd_ref, wd_ref, bd_ref, wg_ref, bg_ref, oh_ref,
               hdag_ref, hglob_ref):
    hd = hd_ref[...]
    hd = jnp.where(hd > jnp.float32(-3e38), hd, 0.0)
    h_dag = jnp.dot(hd, wd_ref[...], preferred_element_type=jnp.float32) + bd_ref[...]
    hdag_ref[...] = h_dag
    oh = oh_ref[...]
    rows = []
    for s in range(oh.shape[0]):
        msk = oh[s:s + 1, :].T > 0
        rows.append(jnp.max(jnp.where(msk, h_dag, _NEG), axis=0, keepdims=True))
    hg = jnp.concatenate(rows, axis=0)
    hg = jnp.where(hg > jnp.float32(-3e38), hg, 0.0)
    hglob_ref[...] = jnp.dot(hg, wg_ref[...], preferred_element_type=jnp.float32) + bg_ref[...]


def _full(shape):
    nd = len(shape)
    return pl.BlockSpec(shape, lambda i, _nd=nd: (0,) * _nd)


def _row1(x):
    return x.reshape(1, -1)


def kernel(x, edge_index, node_depth, stage_mask, batch, obs_ptr, num_graphs, params):
    n = x.shape[0]
    e = edge_index.shape[1]
    bn = 1000
    grid = n // bn
    np_rows = ((n + NW * EB - 1) // (NW * EB)) * NW * EB
    rows_per_tile = np_rows // NS
    e_per_w = e // NW
    n_batches = e_per_w // EB

    lp = params['layers'][0]
    f32 = jnp.float32

    src = edge_index[0].astype(jnp.int32)
    dst = edge_index[1].astype(jnp.int32)
    depth = node_depth.astype(jnp.int32).reshape(n, 1)
    batch_i = batch.astype(jnp.int32).reshape(n, 1)
    mask_i = stage_mask.astype(jnp.int32).reshape(n, 1)

    row_spec = pl.BlockSpec((bn, EMBED), lambda i: (i, 0))
    mom_spec = _full((8, EMBED))

    y, mom1 = pl.pallas_call(
        _pre_body,
        grid=(grid,),
        in_specs=[row_spec, pl.BlockSpec((bn, 1), lambda i: (i, 0)),
                  _full((EMBED, EMBED)), _full((1, EMBED))],
        out_specs=[row_spec, mom_spec],
        out_shape=[jax.ShapeDtypeStruct((n, EMBED), f32),
                   jax.ShapeDtypeStruct((8, EMBED), f32)],
    )(x, depth, params['prep']['W'], _row1(params['prep']['b']))

    q, k, v = pl.pallas_call(
        functools.partial(_qkv_body, n_rows=float(n)),
        grid=(grid,),
        in_specs=[row_spec, mom_spec, _full((1, EMBED)), _full((1, EMBED)),
                  _full((EMBED, EMBED)), _full((1, EMBED)),
                  _full((EMBED, EMBED)), _full((1, EMBED)),
                  _full((EMBED, EMBED)), _full((1, EMBED))],
        out_specs=[row_spec, row_spec, row_spec],
        out_shape=[jax.ShapeDtypeStruct((n, EMBED), f32)] * 3,
    )(y, mom1, _row1(lp['bn1']['gamma']), _row1(lp['bn1']['beta']),
      lp['q']['W'], _row1(lp['q']['b']), lp['k']['W'], _row1(lp['k']['b']),
      lp['v']['W'], _row1(lp['v']['b']))

    mesh = plsc.VectorSubcoreMesh(core_axis_name="c", subcore_axis_name="s")
    edge_call = functools.partial(
        pl.kernel,
        _edge_body_bound(e_per_w, n_batches, rows_per_tile),
        out_type=jax.ShapeDtypeStruct((NC * (np_rows + np_rows // 8), EMBED), f32),
        mesh=mesh,
        scratch_types=[
            pltpu.VMEM((EB,), jnp.int32),
            pltpu.VMEM((EB,), jnp.int32),
            pltpu.VMEM((EB,), jnp.int32),
            pltpu.VMEM((EB, EMBED), f32),
            pltpu.VMEM((EB, EMBED), f32),
            pltpu.VMEM((EB, 16), f32),
            pltpu.VMEM_SHARED((np_rows + np_rows // 8, EMBED), f32),
            pltpu.SemaphoreType.DMA,
            pltpu.SemaphoreType.DMA,
            pltpu.SemaphoreType.DMA,
        ],
    )
    acc = edge_call()(q, k, v, src, dst).reshape(NC, np_rows + np_rows // 8, EMBED)
    accn = acc[:, :np_rows]
    accd = acc[:, np_rows:].reshape(NC, np_rows, 16)

    e16 = (jnp.arange(16)[:, None] == (jnp.arange(EMBED)[None, :] // HEAD_DIM)
           ).astype(f32)
    gp = lp['gate1']
    g1, mom2 = pl.pallas_call(
        _mid_body,
        grid=(grid,),
        in_specs=[pl.BlockSpec((NC, bn, EMBED), lambda i: (0, i, 0)),
                  pl.BlockSpec((NC, bn, 16), lambda i: (0, i, 0)),
                  row_spec, _full((16, EMBED)),
                  _full((EMBED, EMBED)), _full((1, EMBED)),
                  _full((EMBED, EMBED)), _full((1, EMBED)),
                  _full((EMBED, EMBED)), _full((1, EMBED)),
                  _full((EMBED, EMBED)), _full((1, EMBED)),
                  _full((EMBED, EMBED)), _full((1, EMBED)),
                  _full((EMBED, EMBED)), _full((1, EMBED)),
                  _full((EMBED, EMBED)), _full((1, EMBED))],
        out_specs=[row_spec, mom_spec],
        out_shape=[jax.ShapeDtypeStruct((n, EMBED), f32),
                   jax.ShapeDtypeStruct((8, EMBED), f32)],
    )(accn, accd, y, e16,
      lp['lin']['W'], _row1(lp['lin']['b']),
      gp['Wr']['W'], _row1(gp['Wr']['b']), gp['Ur']['W'], _row1(gp['Ur']['b']),
      gp['Wz']['W'], _row1(gp['Wz']['b']), gp['Uz']['W'], _row1(gp['Uz']['b']),
      gp['Wg']['W'], _row1(gp['Wg']['b']), gp['Ug']['W'], _row1(gp['Ug']['b']))

    gp2 = lp['gate2']
    h_node, hdag_raw = pl.pallas_call(
        functools.partial(_mlp_body, n_rows=float(n)),
        grid=(grid,),
        in_specs=[row_spec, mom_spec, _full((1, EMBED)), _full((1, EMBED)),
                  _full((EMBED, 2 * EMBED)), _full((1, 2 * EMBED)),
                  _full((2 * EMBED, EMBED)), _full((1, EMBED)),
                  _full((EMBED, EMBED)), _full((1, EMBED)),
                  _full((EMBED, EMBED)), _full((1, EMBED)),
                  _full((EMBED, EMBED)), _full((1, EMBED)),
                  _full((EMBED, EMBED)), _full((1, EMBED)),
                  _full((EMBED, EMBED)), _full((1, EMBED)),
                  _full((EMBED, EMBED)), _full((1, EMBED)),
                  pl.BlockSpec((bn, 1), lambda i: (i, 0)),
                  pl.BlockSpec((bn, 1), lambda i: (i, 0))],
        out_specs=[row_spec, _full((G, EMBED))],
        out_shape=[jax.ShapeDtypeStruct((n, EMBED), f32),
                   jax.ShapeDtypeStruct((G, EMBED), f32)],
    )(g1, mom2, _row1(lp['bn2']['gamma']), _row1(lp['bn2']['beta']),
      lp['mlp1']['W'], _row1(lp['mlp1']['b']),
      lp['mlp2']['W'], _row1(lp['mlp2']['b']),
      gp2['Wr']['W'], _row1(gp2['Wr']['b']), gp2['Ur']['W'], _row1(gp2['Ur']['b']),
      gp2['Wz']['W'], _row1(gp2['Wz']['b']), gp2['Uz']['W'], _row1(gp2['Uz']['b']),
      gp2['Wg']['W'], _row1(gp2['Wg']['b']), gp2['Ug']['W'], _row1(gp2['Ug']['b']),
      batch_i, mask_i)

    s_out = int(obs_ptr.shape[0]) - 1
    gids = jnp.arange(G) + (num_graphs - G)
    seg = jnp.searchsorted(obs_ptr.astype(jnp.int32), gids, side='right') - 1
    oh = (seg[None, :] == jnp.arange(s_out)[:, None]).astype(f32)
    h_dag, h_glob = pl.pallas_call(
        _head_body,
        grid=(1,),
        in_specs=[_full((G, EMBED)), _full((EMBED, EMBED)), _full((1, EMBED)),
                  _full((EMBED, EMBED)), _full((1, EMBED)), _full((s_out, G))],
        out_specs=[_full((G, EMBED)), _full((s_out, EMBED))],
        out_shape=[jax.ShapeDtypeStruct((G, EMBED), f32),
                   jax.ShapeDtypeStruct((s_out, EMBED), f32)],
    )(hdag_raw, params['dag']['W'], _row1(params['dag']['b']),
      params['glob']['W'], _row1(params['glob']['b']), oh)

    return h_node, h_dag, h_glob


def _edge_body_bound(e_per_w, n_batches, rows_per_tile):
    return functools.partial(_edge_body, e_per_w=e_per_w, n_batches=n_batches,
                             rows_per_tile=rows_per_tile)

# --- scband reference (transcript-rebuilt; emitter-appended) ---
"""Pipeline reference for scband-actor-network-7232724927114 (READ-ONLY COPY).

The authoritative reference and input builder live on the scoring server;
editing this copy changes nothing except your own understanding.
"""

import jax, jax.numpy as jnp
import numpy as np

EMBED = 128
HEADS = 8
HEAD_DIM = EMBED // HEADS
NFEAT = 128
NLAYERS = 1
BG = 0.1


def _dense(key, din, dout):
    return {'W': jax.random.normal(key, (din, dout), jnp.float32) / np.sqrt(din),
            'b': jnp.zeros((dout,), jnp.float32)}


def _lin(x, p):
    return x @ p['W'] + p['b']


def _bn(x, p, eps=1e-5):
    m = x.mean(0)
    v = ((x - m) ** 2).mean(0)
    return p['gamma'] * (x - m) / jnp.sqrt(v + eps) + p['beta']


def _pe(depth):
    freq = 1.0 / (10000.0 ** jnp.linspace(0.0, 1.0, EMBED // 2))
    out = depth.astype(jnp.float32)[:, None] * freq[None, :]
    return jnp.concatenate([jnp.sin(out), jnp.cos(out)], axis=-1)


def _gate(x, y, p):
    r = jax.nn.sigmoid(_lin(y, p['Wr']) + _lin(x, p['Ur']))
    z = jax.nn.sigmoid(_lin(y, p['Wz']) + _lin(x, p['Uz']) - BG)
    h = jnp.tanh(_lin(y, p['Wg']) + _lin(r * x, p['Ug']))
    return (1.0 - z) * x + z * h


def _tconv(x, src, dst, p, N):
    q = _lin(x, p['q']).reshape(N, HEADS, HEAD_DIM)
    k = _lin(x, p['k']).reshape(N, HEADS, HEAD_DIM)
    v = _lin(x, p['v']).reshape(N, HEADS, HEAD_DIM)
    alpha = (q[dst] * k[src]).sum(-1) / np.sqrt(HEAD_DIM)
    amax = jax.ops.segment_max(alpha, dst, num_segments=N)
    amax = jnp.where(jnp.isfinite(amax), amax, 0.0)
    ex = jnp.exp(alpha - amax[dst])
    den = jax.ops.segment_sum(ex, dst, num_segments=N)
    attn = ex / (den[dst] + 1e-16)
    out = jax.ops.segment_sum(attn[..., None] * v[src], dst, num_segments=N)
    return out.reshape(N, EMBED)


def _gate_params(key):
    ks = jax.random.split(key, 6)
    return {n: _dense(k, EMBED, EMBED) for n, k in zip(['Wr', 'Ur', 'Wz', 'Uz', 'Wg', 'Ug'], ks)}


def _init_params(key):
    ks = jax.random.split(key, 8)
    layers = []
    for l in range(NLAYERS):
        lk = jax.random.split(jax.random.fold_in(ks[0], l), 8)
        layers.append({
            'bn1': {'gamma': jnp.ones((EMBED,), jnp.float32), 'beta': jnp.zeros((EMBED,), jnp.float32)},
            'q': _dense(lk[0], EMBED, EMBED), 'k': _dense(lk[1], EMBED, EMBED), 'v': _dense(lk[2], EMBED, EMBED),
            'lin': _dense(lk[3], EMBED, EMBED),
            'gate1': _gate_params(lk[4]),
            'bn2': {'gamma': jnp.ones((EMBED,), jnp.float32), 'beta': jnp.zeros((EMBED,), jnp.float32)},
            'mlp1': _dense(lk[5], EMBED, 2 * EMBED), 'mlp2': _dense(lk[6], 2 * EMBED, EMBED),
            'gate2': _gate_params(lk[7]),
        })
    return {'prep': _dense(ks[1], NFEAT, EMBED), 'layers': layers,
            'dag': _dense(ks[2], EMBED, EMBED), 'glob': _dense(ks[3], EMBED, EMBED)}


def _forward(x, params, src, dst, node_depth, stage_mask, batch, obs_ptr, num_graphs):
    N = x.shape[0]
    G = 64
    h0 = _lin(x, params['prep'])
    dagpe = _pe(node_depth)
    for lp in params['layers']:
        h0 = h0 + dagpe
        h1 = _tconv(_bn(h0, lp['bn1']), src, dst, lp, N)
        h1 = jax.nn.relu(_lin(h1, lp['lin']))
        h1 = _gate(h0, h1, lp['gate1'])
        h2 = jax.nn.relu(_lin(jax.nn.relu(_lin(_bn(h1, lp['bn2']), lp['mlp1'])), lp['mlp2']))
        h0 = _gate(h1, h2, lp['gate2'])
    h_node = h0
    h_masked = jnp.where(stage_mask[:, None], h_node, -jnp.inf)
    hdag = jax.ops.segment_max(h_masked, batch, num_segments=G)
    hdag = jnp.where(jnp.isfinite(hdag), hdag, 0.0)
    h_dag = _lin(hdag, params['dag'])
    gids = jnp.arange(G) + (num_graphs - G)
    seg = jnp.searchsorted(obs_ptr, gids, side='right') - 1
    hg = jax.ops.segment_max(h_dag, seg, num_segments=int(obs_ptr.shape[0]) - 1)
    hg = jnp.where(jnp.isfinite(hg), hg, 0.0)
    h_glob = _lin(hg, params['glob'])
    return h_node, h_dag, h_glob


def setup_inputs(seed: int = 0):
    key = jax.random.key(seed)
    ks = jax.random.split(key, 6)
    N, E, G = 10000, 320000, 64
    x = jax.random.normal(ks[0], (N, NFEAT), jnp.float32)
    edge_index = jax.random.randint(ks[1], (2, E), 0, N)
    node_depth = jax.random.randint(ks[2], (N,), 0, 32)
    stage_mask = jnp.ones((N,), dtype=bool)
    batch = jnp.sort(jax.random.randint(ks[3], (N,), 0, G))
    obs_ptr = jnp.array([0, 32, 64], dtype=jnp.int32)
    params = _init_params(ks[4])
    return {'x': x, 'edge_index': edge_index, 'node_depth': node_depth,
            'stage_mask': stage_mask, 'batch': batch, 'obs_ptr': obs_ptr,
            'num_graphs': G, 'params': params}


def reference(x, edge_index, node_depth, stage_mask, batch, obs_ptr, num_graphs, params):
    return _forward(x, params, edge_index[0], edge_index[1], node_depth, stage_mask, batch, obs_ptr, num_graphs)

if __name__ == "__main__":
    import jax
    _d = setup_inputs()
    print(jax.jit(kernel)(*tuple(_d.values())))

</pallas_src>

<mosaic_0001>
#map = affine_map<(d0, d1) -> (0, 0)>
#map1 = affine_map<(d0, d1) -> (0)>
module attributes {stable_mosaic.version = 14 : i64} {
  func.func @_edge_body(%arg0: i32, %arg1: i32, %arg2: memref<10000x128xf32, #tpu.memory_space<hbm>>, %arg3: memref<10000x128xf32, #tpu.memory_space<hbm>>, %arg4: memref<10000x128xf32, #tpu.memory_space<hbm>>, %arg5: memref<320000xi32, #tpu.memory_space<hbm>>, %arg6: memref<320000xi32, #tpu.memory_space<hbm>>, %arg7: memref<23040x128xf32, #tpu.memory_space<hbm>>, %arg8: memref<80xi32, #tpu.memory_space<vmem>>, %arg9: memref<80xi32, #tpu.memory_space<vmem>>, %arg10: memref<80xi32, #tpu.memory_space<vmem>>, %arg11: memref<80x128xf32, #tpu.memory_space<vmem>>, %arg12: memref<80x128xf32, #tpu.memory_space<vmem>>, %arg13: memref<80x16xf32, #tpu.memory_space<vmem>>, %arg14: memref<11520x128xf32, #tpu.memory_space<vmem_shared>>, %arg15: memref<!tpu.dma_semaphore, #tpu.memory_space<semaphore_mem>>, %arg16: memref<!tpu.dma_semaphore, #tpu.memory_space<semaphore_mem>>, %arg17: memref<!tpu.dma_semaphore, #tpu.memory_space<semaphore_mem>>) attributes {dimension_semantics = [#tpu.dimension_semantics<core_parallel>, #tpu.dimension_semantics<subcore_parallel>], iteration_bounds = array<i64: 2, 16>, scalar_prefetch = 0 : i64, scratch_operands = 10 : i64, tpu.core_type = #tpu.core_type<sc_vector_subcore>, window_params = [{transform_indices = #map}, {transform_indices = #map}, {transform_indices = #map}, {transform_indices = #map1}, {transform_indices = #map1}, {transform_indices = #map}]} {
    %mul3A = arith.constant 2 : i32
    %mul3A_0 = arith.muli %arg1, %mul3A : i32
    %add3A = arith.addi %mul3A_0, %arg0 : i32
    %iota3A = tpu.iota {dimensions = array<i32: 0>} : vector<16xi32>
    %broadcast_in_dim3A = arith.constant 0.000000e+00 : f32
    %broadcast_in_dim3A_1 = vector.broadcast %broadcast_in_dim3A : f32 to vector<16xf32>
    %scan3A = arith.constant 0 : i32
    %scan3A_2 = arith.constant 0 : i32
    %scan3A_3 = arith.constant 80 : i32
    %scan3A_4 = arith.addi %scan3A_2, %scan3A_3 : i32
    %scan3A_5 = arith.constant 1 : i32
    %scan3A_6 = scf.for %scan3A_42 = %scan3A_2 to %scan3A_4 step %scan3A_5 iter_args(%scan3A_43 = %scan3A) -> (i32)  : i32 {
      %swap3A = arith.index_cast %scan3A_42 : i32 to index
      %swap3A_44 = arith.constant 0 : index
      %swap3A_45 = tpu.vector_load %arg11[%swap3A, %swap3A_44] {strides = array<i32>} : memref<80x128xf32, #tpu.memory_space<vmem>>, vector<1x16xf32>,
      %swap3A_46 = vector.shape_cast %swap3A_45 : vector<1x16xf32> to vector<16xf32>
      %swap3A_47 = vector.shape_cast %broadcast_in_dim3A_1 : vector<16xf32> to vector<1x16xf32>
      tpu.vector_store %arg11[%swap3A, %swap3A_44], %swap3A_47 {strides = array<i32>} : memref<80x128xf32, #tpu.memory_space<vmem>>, vector<1x16xf32>,
      %swap3A_48 = arith.index_cast %scan3A_42 : i32 to index
      %swap3A_49 = arith.constant 16 : index
      %swap3A_50 = tpu.vector_load %arg11[%swap3A_48, %swap3A_49] {strides = array<i32>} : memref<80x128xf32, #tpu.memory_space<vmem>>, vector<1x16xf32>,
      %swap3A_51 = vector.shape_cast %swap3A_50 : vector<1x16xf32> to vector<16xf32>
      %swap3A_52 = vector.shape_cast %broadcast_in_dim3A_1 : vector<16xf32> to vector<1x16xf32>
      tpu.vector_store %arg11[%swap3A_48, %swap3A_49], %swap3A_52 {strides = array<i32>} : memref<80x128xf32, #tpu.memory_space<vmem>>, vector<1x16xf32>,
      %swap3A_53 = arith.index_cast %scan3A_42 : i32 to index
      %swap3A_54 = arith.constant 32 : index
      %swap3A_55 = tpu.vector_load %arg11[%swap3A_53, %swap3A_54] {strides = array<i32>} : memref<80x128xf32, #tpu.memory_space<vmem>>, vector<1x16xf32>,
      %swap3A_56 = vector.shape_cast %swap3A_55 : vector<1x16xf32> to vector<16xf32>
      %swap3A_57 = vector.shape_cast %broadcast_in_dim3A_1 : vector<16xf32> to vector<1x16xf32>
      tpu.vector_store %arg11[%swap3A_53, %swap3A_54], %swap3A_57 {strides = array<i32>} : memref<80x128xf32, #tpu.memory_space<vmem>>, vector<1x16xf32>,
      %swap3A_58 = arith.index_cast %scan3A_42 : i32 to index
      %swap3A_59 = arith.constant 48 : index
      %swap3A_60 = tpu.vector_load %arg11[%swap3A_58, %swap3A_59] {strides = array<i32>} : memref<80x128xf32, #tpu.memory_space<vmem>>, vector<1x16xf32>,
      %swap3A_61 = vector.shape_cast %swap3A_60 : vector<1x16xf32> to vector<16xf32>
      %swap3A_62 = vector.shape_cast %broadcast_in_dim3A_1 : vector<16xf32> to vector<1x16xf32>
      tpu.vector_store %arg11[%swap3A_58, %swap3A_59], %swap3A_62 {strides = array<i32>} : memref<80x128xf32, #tpu.memory_space<vmem>>, vector<1x16xf32>,
      %swap3A_63 = arith.index_cast %scan3A_42 : i32 to index
      %swap3A_64 = arith.constant 64 : index
      %swap3A_65 = tpu.vector_load %arg11[%swap3A_63, %swap3A_64] {strides = array<i32>} : memref<80x128xf32, #tpu.memory_space<vmem>>, vector<1x16xf32>,
      %swap3A_66 = vector.shape_cast %swap3A_65 : vector<1x16xf32> to vector<16xf32>
      %swap3A_67 = vector.shape_cast %broadcast_in_dim3A_1 : vector<16xf32> to vector<1x16xf32>
      tpu.vector_store %arg11[%swap3A_63, %swap3A_64], %swap3A_67 {strides = array<i32>} : memref<80x128xf32, #tpu.memory_space<vmem>>, vector<1x16xf32>,
      %swap3A_68 = arith.index_cast %scan3A_42 : i32 to index
      %swap3A_69 = arith.constant 80 : index
      %swap3A_70 = tpu.vector_load %arg11[%swap3A_68, %swap3A_69] {strides = array<i32>} : memref<80x128xf32, #tpu.memory_space<vmem>>, vector<1x16xf32>,
      %swap3A_71 = vector.shape_cast %swap3A_70 : vector<1x16xf32> to vector<16xf32>
      %swap3A_72 = vector.shape_cast %broadcast_in_dim3A_1 : vector<16xf32> to vector<1x16xf32>
      tpu.vector_store %arg11[%swap3A_68, %swap3A_69], %swap3A_72 {strides = array<i32>} : memref<80x128xf32, #tpu.memory_space<vmem>>, vector<1x16xf32>,
      %swap3A_73 = arith.index_cast %scan3A_42 : i32 to index
      %swap3A_74 = arith.constant 96 : index
      %swap3A_75 = tpu.vector_load %arg11[%swap3A_73, %swap3A_74] {strides = array<i32>} : memref<80x128xf32, #tpu.memory_space<vmem>>, vector<1x16xf32>,
      %swap3A_76 = vector.shape_cast %swap3A_75 : vector<1x16xf32> to vector<16xf32>
      %swap3A_77 = vector.shape_cast %broadcast_in_dim3A_1 : vector<16xf32> to vector<1x16xf32>
      tpu.vector_store %arg11[%swap3A_73, %swap3A_74], %swap3A_77 {strides = array<i32>} : memref<80x128xf32, #tpu.memory_space<vmem>>, vector<1x16xf32>,
      %swap3A_78 = arith.index_cast %scan3A_42 : i32 to index
      %swap3A_79 = arith.constant 112 : index
      %swap3A_80 = tpu.vector_load %arg11[%swap3A_78, %swap3A_79] {strides = array<i32>} : memref<80x128xf32, #tpu.memory_space<vmem>>, vector<1x16xf32>,
      %swap3A_81 = vector.shape_cast %swap3A_80 : vector<1x16xf32> to vector<16xf32>
      %swap3A_82 = vector.shape_cast %broadcast_in_dim3A_1 : vector<16xf32> to vector<1x16xf32>
      tpu.vector_store %arg11[%swap3A_78, %swap3A_79], %swap3A_82 {strides = array<i32>} : memref<80x128xf32, #tpu.memory_space<vmem>>, vector<1x16xf32>,
      %swap3A_83 = arith.index_cast %scan3A_42 : i32 to index
      %swap3A_84 = arith.constant 0 : index
      %swap3A_85 = tpu.vector_load %arg13[%swap3A_83, %swap3A_84] {strides = array<i32>} : memref<80x16xf32, #tpu.memory_space<vmem>>, vector<1x16xf32>,
      %swap3A_86 = vector.shape_cast %swap3A_85 : vector<1x16xf32> to vector<16xf32>
      %swap3A_87 = vector.shape_cast %broadcast_in_dim3A_1 : vector<16xf32> to vector<1x16xf32>
      tpu.vector_store %arg13[%swap3A_83, %swap3A_84], %swap3A_87 {strides = array<i32>} : memref<80x16xf32, #tpu.memory_space<vmem>>, vector<1x16xf32>,
      %scan3A_88 = arith.constant 0 : i32
      scf.yield %scan3A_88 : i32
    }
    %scan3A_7 = arith.constant 80 : i32
    %mul3A_8 = arith.constant 640 : i32
    %mul3A_9 = arith.muli %arg1, %mul3A_8 : i32
    %scan3A_10 = arith.constant 0 : i32
    %scan3A_11 = arith.constant 0 : i32
    %scan3A_12 = arith.constant 8 : i32
    %scan3A_13 = arith.addi %scan3A_11, %scan3A_12 : i32
    %scan3A_14 = arith.constant 1 : i32
    %scan3A_15 = scf.for %scan3A_42 = %scan3A_11 to %scan3A_13 step %scan3A_14 iter_args(%scan3A_43 = %scan3A_10) -> (i32)  : i32 {
      %mul3A_44 = arith.constant 80 : i32
      %mul3A_45 = arith.muli %scan3A_42, %mul3A_44 : i32
      %add3A_46 = arith.addi %mul3A_9, %mul3A_45 : i32
      "tpu.region"() ({
        %run_scoped3A = tpu.sem_alloc : memref<!tpu.dma_semaphore, #tpu.memory_space<semaphore_mem>>
        %dma_start3A = arith.constant 0 : i32
        %dma_start3A_48 = tpu.memref_slice %arg14[%add3A_46, %dma_start3A] : memref<11520x128xf32, #tpu.memory_space<vmem_shared>> -> memref<80x128xf32, #tpu.memory_space<vmem_shared>>
        %dma_start3A_49 = arith.constant 0 : i32
        %dma_start3A_50 = tpu.memref_slice %arg14[%add3A_46, %dma_start3A_49] : memref<11520x128xf32, #tpu.memory_space<vmem_shared>> -> memref<80x128xf32, #tpu.memory_space<vmem_shared>>
        tpu.enqueue_dma source(%arg11 : memref<80x128xf32, #tpu.memory_space<vmem>>) target(%dma_start3A_50 : memref<80x128xf32, #tpu.memory_space<vmem_shared>>) target_semaphore(%run_scoped3A : memref<!tpu.dma_semaphore, #tpu.memory_space<semaphore_mem>>)
        %dma_wait3A = arith.constant 0 : i32
        %dma_wait3A_51 = tpu.memref_slice %arg14[%add3A_46, %dma_wait3A] : memref<11520x128xf32, #tpu.memory_space<vmem_shared>> -> memref<80x128xf32, #tpu.memory_space<vmem_shared>>
        %dma_wait3A_52 = arith.constant 0 : i32
        %dma_wait3A_53 = tpu.memref_slice %arg14[%add3A_46, %dma_wait3A_52] : memref<11520x128xf32, #tpu.memory_space<vmem_shared>> -> memref<80x128xf32, #tpu.memory_space<vmem_shared>>
        tpu.wait_dma2 semaphore(%run_scoped3A : memref<!tpu.dma_semaphore, #tpu.memory_space<semaphore_mem>>) src(%arg11 : memref<80x128xf32, #tpu.memory_space<vmem>>) dst(%dma_wait3A_53 : memref<80x128xf32, #tpu.memory_space<vmem_shared>>)
        tpu.yield
      }) : () -> ()
      %scan3A_47 = arith.constant 0 : i32
      scf.yield %scan3A_47 : i32
    }
    %scan3A_16 = arith.constant 8 : i32
    %mul3A_17 = arith.constant 80 : i32
    %mul3A_18 = arith.muli %arg1, %mul3A_17 : i32
    %add3A_19 = arith.constant 10240 : i32
    %add3A_20 = arith.addi %add3A_19, %mul3A_18 : i32
    "tpu.region"() ({
      %run_scoped3A = tpu.sem_alloc : memref<!tpu.dma_semaphore, #tpu.memory_space<semaphore_mem>>
      %dma_start3A = arith.constant 0 : i32
      %dma_start3A_42 = arith.constant 0 : i32
      %dma_start3A_43 = tpu.memref_slice %arg11[%dma_start3A, %dma_start3A_42] : memref<80x128xf32, #tpu.memory_space<vmem>> -> memref<80x128xf32, #tpu.memory_space<vmem>>
      %dma_start3A_44 = arith.constant 0 : i32
      %dma_start3A_45 = tpu.memref_slice %arg14[%add3A_20, %dma_start3A_44] : memref<11520x128xf32, #tpu.memory_space<vmem_shared>> -> memref<80x128xf32, #tpu.memory_space<vmem_shared>>
      %dma_start3A_46 = arith.constant 0 : i32
      %dma_start3A_47 = tpu.memref_slice %arg14[%add3A_20, %dma_start3A_46] : memref<11520x128xf32, #tpu.memory_space<vmem_shared>> -> memref<80x128xf32, #tpu.memory_space<vmem_shared>>
      %dma_start3A_48 = arith.constant 0 : i32
      %dma_start3A_49 = arith.constant 0 : i32
      %dma_start3A_50 = tpu.memref_slice %arg11[%dma_start3A_48, %dma_start3A_49] : memref<80x128xf32, #tpu.memory_space<vmem>> -> memref<80x128xf32, #tpu.memory_space<vmem>>
      tpu.enqueue_dma source(%dma_start3A_50 : memref<80x128xf32, #tpu.memory_space<vmem>>) target(%dma_start3A_47 : memref<80x128xf32, #tpu.memory_space<vmem_shared>>) target_semaphore(%run_scoped3A : memref<!tpu.dma_semaphore, #tpu.memory_space<semaphore_mem>>)
      %dma_wait3A = arith.constant 0 : i32
      %dma_wait3A_51 = arith.constant 0 : i32
      %dma_wait3A_52 = tpu.memref_slice %arg11[%dma_wait3A, %dma_wait3A_51] : memref<80x128xf32, #tpu.memory_space<vmem>> -> memref<80x128xf32, #tpu.memory_space<vmem>>
      %dma_wait3A_53 = arith.constant 0 : i32
      %dma_wait3A_54 = tpu.memref_slice %arg14[%add3A_20, %dma_wait3A_53] : memref<11520x128xf32, #tpu.memory_space<vmem_shared>> -> memref<80x128xf32, #tpu.memory_space<vmem_shared>>
      %dma_wait3A_55 = arith.constant 0 : i32
      %dma_wait3A_56 = tpu.memref_slice %arg14[%add3A_20, %dma_wait3A_55] : memref<11520x128xf32, #tpu.memory_space<vmem_shared>> -> memref<80x128xf32, #tpu.memory_space<vmem_shared>>
      %dma_wait3A_57 = arith.constant 0 : i32
      %dma_wait3A_58 = arith.constant 0 : i32
      %dma_wait3A_59 = tpu.memref_slice %arg11[%dma_wait3A_57, %dma_wait3A_58] : memref<80x128xf32, #tpu.memory_space<vmem>> -> memref<80x128xf32, #tpu.memory_space<vmem>>
      tpu.wait_dma2 semaphore(%run_scoped3A : memref<!tpu.dma_semaphore, #tpu.memory_space<semaphore_mem>>) src(%dma_wait3A_59 : memref<80x128xf32, #tpu.memory_space<vmem>>) dst(%dma_wait3A_56 : memref<80x128xf32, #tpu.memory_space<vmem_shared>>)
      tpu.yield
    }) : () -> ()
    %barrier3A = arith.constant 0 : index
    tpu.barrier barrier_id(%barrier3A)
    %scan3A_21 = arith.constant 0 : i32
    %scan3A_22 = arith.constant 0 : i32
    %scan3A_23 = arith.constant 125 : i32
    %scan3A_24 = arith.addi %scan3A_22, %scan3A_23 : i32
    %scan3A_25 = arith.constant 1 : i32
    %scan3A_26 = scf.for %scan3A_42 = %scan3A_22 to %scan3A_24 step %scan3A_25 iter_args(%scan3A_43 = %scan3A_21) -> (i32)  : i32 {
      %mul3A_44 = arith.constant 10000 : i32
      %mul3A_45 = arith.muli %add3A, %mul3A_44 : i32
      %mul3A_46 = arith.constant 80 : i32
      %mul3A_47 = arith.muli %scan3A_42, %mul3A_46 : i32
      %add3A_48 = arith.addi %mul3A_45, %mul3A_47 : i32
      "tpu.region"() ({
        %run_scoped3A = tpu.sem_alloc : memref<!tpu.dma_semaphore, #tpu.memory_space<semaphore_mem>>
        %dma_start3A_166 = tpu.memref_slice %arg6[%add3A_48] : memref<320000xi32, #tpu.memory_space<hbm>> -> memref<80xi32, #tpu.memory_space<hbm>>
        %dma_start3A_167 = tpu.memref_slice %arg6[%add3A_48] : memref<320000xi32, #tpu.memory_space<hbm>> -> memref<80xi32, #tpu.memory_space<hbm>>
        tpu.enqueue_dma source(%dma_start3A_167 : memref<80xi32, #tpu.memory_space<hbm>>) target(%arg8 : memref<80xi32, #tpu.memory_space<vmem>>) target_semaphore(%run_scoped3A : memref<!tpu.dma_semaphore, #tpu.memory_space<semaphore_mem>>)
        %dma_wait3A_168 = tpu.memref_slice %arg6[%add3A_48] : memref<320000xi32, #tpu.memory_space<hbm>> -> memref<80xi32, #tpu.memory_space<hbm>>
        %dma_wait3A_169 = tpu.memref_slice %arg6[%add3A_48] : memref<320000xi32, #tpu.memory_space<hbm>> -> memref<80xi32, #tpu.memory_space<hbm>>
        tpu.wait_dma2 semaphore(%run_scoped3A : memref<!tpu.dma_semaphore, #tpu.memory_space<semaphore_mem>>) src(%dma_wait3A_169 : memref<80xi32, #tpu.memory_space<hbm>>) dst(%arg8 : memref<80xi32, #tpu.memory_space<vmem>>)
        tpu.yield
      }) : () -> ()
      "tpu.region"() ({
        %run_scoped3A = tpu.sem_alloc : memref<!tpu.dma_semaphore, #tpu.memory_space<semaphore_mem>>
        %dma_start3A_166 = tpu.memref_slice %arg5[%add3A_48] : memref<320000xi32, #tpu.memory_space<hbm>> -> memref<80xi32, #tpu.memory_space<hbm>>
        %dma_start3A_167 = tpu.memref_slice %arg5[%add3A_48] : memref<320000xi32, #tpu.memory_space<hbm>> -> memref<80xi32, #tpu.memory_space<hbm>>
        tpu.enqueue_dma source(%dma_start3A_167 : memref<80xi32, #tpu.memory_space<hbm>>) target(%arg9 : memref<80xi32, #tpu.memory_space<vmem>>) target_semaphore(%run_scoped3A : memref<!tpu.dma_semaphore, #tpu.memory_space<semaphore_mem>>)
        %dma_wait3A_168 = tpu.memref_slice %arg5[%add3A_48] : memref<320000xi32, #tpu.memory_space<hbm>> -> memref<80xi32, #tpu.memory_space<hbm>>
        %dma_wait3A_169 = tpu.memref_slice %arg5[%add3A_48] : memref<320000xi32, #tpu.memory_space<hbm>> -> memref<80xi32, #tpu.memory_space<hbm>>
        tpu.wait_dma2 semaphore(%run_scoped3A : memref<!tpu.dma_semaphore, #tpu.memory_space<semaphore_mem>>) src(%dma_wait3A_169 : memref<80xi32, #tpu.memory_space<hbm>>) dst(%arg9 : memref<80xi32, #tpu.memory_space<vmem>>)
        tpu.yield
      }) : () -> ()
      %dma_start3A = arith.constant 0 : i32
      %dma_start3A_49 = arith.constant 0 : i32
      %dma_start3A_50 = tpu.memref_slice %arg2[%dma_start3A, %dma_start3A_49] : memref<10000x128xf32, #tpu.memory_space<hbm>> -> memref<10000x128xf32, #tpu.memory_space<hbm>>
      tpu.enqueue_indirect_dma source(%dma_start3A_50 : memref<10000x128xf32, #tpu.memory_space<hbm>>) target(%arg11 : memref<80x128xf32, #tpu.memory_space<vmem>>) offsets(%arg8 : memref<80xi32, #tpu.memory_space<vmem>>) semaphore(%arg15 : memref<!tpu.dma_semaphore, #tpu.memory_space<semaphore_mem>>)
      %dma_start3A_51 = arith.constant 0 : i32
      %dma_start3A_52 = arith.constant 0 : i32
      %dma_start3A_53 = tpu.memref_slice %arg3[%dma_start3A_51, %dma_start3A_52] : memref<10000x128xf32, #tpu.memory_space<hbm>> -> memref<10000x128xf32, #tpu.memory_space<hbm>>
      tpu.enqueue_indirect_dma source(%dma_start3A_53 : memref<10000x128xf32, #tpu.memory_space<hbm>>) target(%arg12 : memref<80x128xf32, #tpu.memory_space<vmem>>) offsets(%arg9 : memref<80xi32, #tpu.memory_space<vmem>>) semaphore(%arg16 : memref<!tpu.dma_semaphore, #tpu.memory_space<semaphore_mem>>)
      %get3A = arith.constant 0 : index
      %get3A_54 = tpu.vector_load %arg8[%get3A] {strides = array<i32>} : memref<80xi32, #tpu.memory_space<vmem>>, vector<16xi32>,
      %get3A_55 = vector.shape_cast %get3A_54 : vector<16xi32> to vector<16xi32>
      %shift_right_logical3A = arith.constant 3 : i32
      %shift_right_logical3A_56 = vector.broadcast %shift_right_logical3A : i32 to vector<16xi32>
      %shift_right_logical3A_57 = arith.shrui %get3A_55, %shift_right_logical3A_56 : vector<16xi32>
      %add3A_58 = arith.constant 10240 : i32
      %add3A_59 = vector.broadcast %add3A_58 : i32 to vector<16xi32>
      %add3A_60 = arith.addi %add3A_59, %shift_right_logical3A_57 : vector<16xi32>
      %swap3A = arith.constant 0 : index
      %swap3A_61 = tpu.vector_load %arg10[%swap3A] {strides = array<i32>} : memref<80xi32, #tpu.memory_space<vmem>>, vector<16xi32>,
      %swap3A_62 = vector.shape_cast %swap3A_61 : vector<16xi32> to vector<16xi32>
      %swap3A_63 = vector.shape_cast %add3A_60 : vector<16xi32> to vector<16xi32>
      tpu.vector_store %arg10[%swap3A], %swap3A_63 {strides = array<i32>} : memref<80xi32, #tpu.memory_space<vmem>>, vector<16xi32>,
      %get3A_64 = arith.constant 16 : index
      %get3A_65 = tpu.vector_load %arg8[%get3A_64] {strides = array<i32>} : memref<80xi32, #tpu.memory_space<vmem>>, vector<16xi32>,
      %get3A_66 = vector.shape_cast %get3A_65 : vector<16xi32> to vector<16xi32>
      %shift_right_logical3A_67 = arith.constant 3 : i32
      %shift_right_logical3A_68 = vector.broadcast %shift_right_logical3A_67 : i32 to vector<16xi32>
      %shift_right_logical3A_69 = arith.shrui %get3A_66, %shift_right_logical3A_68 : vector<16xi32>
      %add3A_70 = arith.constant 10240 : i32
      %add3A_71 = vector.broadcast %add3A_70 : i32 to vector<16xi32>
      %add3A_72 = arith.addi %add3A_71, %shift_right_logical3A_69 : vector<16xi32>
      %swap3A_73 = arith.constant 16 : index
      %swap3A_74 = tpu.vector_load %arg10[%swap3A_73] {strides = array<i32>} : memref<80xi32, #tpu.memory_space<vmem>>, vector<16xi32>,
      %swap3A_75 = vector.shape_cast %swap3A_74 : vector<16xi32> to vector<16xi32>
      %swap3A_76 = vector.shape_cast %add3A_72 : vector<16xi32> to vector<16xi32>
      tpu.vector_store %arg10[%swap3A_73], %swap3A_76 {strides = array<i32>} : memref<80xi32, #tpu.memory_space<vmem>>, vector<16xi32>,
      %get3A_77 = arith.constant 32 : index
      %get3A_78 = tpu.vector_load %arg8[%get3A_77] {strides = array<i32>} : memref<80xi32, #tpu.memory_space<vmem>>, vector<16xi32>,
      %get3A_79 = vector.shape_cast %get3A_78 : vector<16xi32> to vector<16xi32>
      %shift_right_logical3A_80 = arith.constant 3 : i32
      %shift_right_logical3A_81 = vector.broadcast %shift_right_logical3A_80 : i32 to vector<16xi32>
      %shift_right_logical3A_82 = arith.shrui %get3A_79, %shift_right_logical3A_81 : vector<16xi32>
      %add3A_83 = arith.constant 10240 : i32
      %add3A_84 = vector.broadcast %add3A_83 : i32 to vector<16xi32>
      %add3A_85 = arith.addi %add3A_84, %shift_right_logical3A_82 : vector<16xi32>
      %swap3A_86 = arith.constant 32 : index
      %swap3A_87 = tpu.vector_load %arg10[%swap3A_86] {strides = array<i32>} : memref<80xi32, #tpu.memory_space<vmem>>, vector<16xi32>,
      %swap3A_88 = vector.shape_cast %swap3A_87 : vector<16xi32> to vector<16xi32>
      %swap3A_89 = vector.shape_cast %add3A_85 : vector<16xi32> to vector<16xi32>
      tpu.vector_store %arg10[%swap3A_86], %swap3A_89 {strides = array<i32>} : memref<80xi32, #tpu.memory_space<vmem>>, vector<16xi32>,
      %get3A_90 = arith.constant 48 : index
      %get3A_91 = tpu.vector_load %arg8[%get3A_90] {strides = array<i32>} : memref<80xi32, #tpu.memory_space<vmem>>, vector<16xi32>,
      %get3A_92 = vector.shape_cast %get3A_91 : vector<16xi32> to vector<16xi32>
      %shift_right_logical3A_93 = arith.constant 3 : i32
      %shift_right_logical3A_94 = vector.broadcast %shift_right_logical3A_93 : i32 to vector<16xi32>
      %shift_right_logical3A_95 = arith.shrui %get3A_92, %shift_right_logical3A_94 : vector<16xi32>
      %add3A_96 = arith.constant 10240 : i32
      %add3A_97 = vector.broadcast %add3A_96 : i32 to vector<16xi32>
      %add3A_98 = arith.addi %add3A_97, %shift_right_logical3A_95 : vector<16xi32>
      %swap3A_99 = arith.constant 48 : index
      %swap3A_100 = tpu.vector_load %arg10[%swap3A_99] {strides = array<i32>} : memref<80xi32, #tpu.memory_space<vmem>>, vector<16xi32>,
      %swap3A_101 = vector.shape_cast %swap3A_100 : vector<16xi32> to vector<16xi32>
      %swap3A_102 = vector.shape_cast %add3A_98 : vector<16xi32> to vector<16xi32>
      tpu.vector_store %arg10[%swap3A_99], %swap3A_102 {strides = array<i32>} : memref<80xi32, #tpu.memory_space<vmem>>, vector<16xi32>,
      %get3A_103 = arith.constant 64 : index
      %get3A_104 = tpu.vector_load %arg8[%get3A_103] {strides = array<i32>} : memref<80xi32, #tpu.memory_space<vmem>>, vector<16xi32>,
      %get3A_105 = vector.shape_cast %get3A_104 : vector<16xi32> to vector<16xi32>
      %shift_right_logical3A_106 = arith.constant 3 : i32
      %shift_right_logical3A_107 = vector.broadcast %shift_right_logical3A_106 : i32 to vector<16xi32>
      %shift_right_logical3A_108 = arith.shrui %get3A_105, %shift_right_logical3A_107 : vector<16xi32>
      %add3A_109 = arith.constant 10240 : i32
      %add3A_110 = vector.broadcast %add3A_109 : i32 to vector<16xi32>
      %add3A_111 = arith.addi %add3A_110, %shift_right_logical3A_108 : vector<16xi32>
      %swap3A_112 = arith.constant 64 : index
      %swap3A_113 = tpu.vector_load %arg10[%swap3A_112] {strides = array<i32>} : memref<80xi32, #tpu.memory_space<vmem>>, vector<16xi32>,
      %swap3A_114 = vector.shape_cast %swap3A_113 : vector<16xi32> to vector<16xi32>
      %swap3A_115 = vector.shape_cast %add3A_111 : vector<16xi32> to vector<16xi32>
      tpu.vector_store %arg10[%swap3A_112], %swap3A_115 {strides = array<i32>} : memref<80xi32, #tpu.memory_space<vmem>>, vector<16xi32>,
      %dma_wait3A = arith.constant 0 : i32
      %dma_wait3A_116 = arith.constant 0 : i32
      %dma_wait3A_117 = tpu.memref_slice %arg2[%dma_wait3A, %dma_wait3A_116] : memref<10000x128xf32, #tpu.memory_space<hbm>> -> memref<10000x128xf32, #tpu.memory_space<hbm>>
      tpu.wait_indirect_dma semaphore(%arg15 : memref<!tpu.dma_semaphore, #tpu.memory_space<semaphore_mem>>) src(%dma_wait3A_117 : memref<10000x128xf32, #tpu.memory_space<hbm>>) dst(%arg11 : memref<80x128xf32, #tpu.memory_space<vmem>>)
      %dma_wait3A_118 = arith.constant 0 : i32
      %dma_wait3A_119 = arith.constant 0 : i32
      %dma_wait3A_120 = tpu.memref_slice %arg3[%dma_wait3A_118, %dma_wait3A_119] : memref<10000x128xf32, #tpu.memory_space<hbm>> -> memref<10000x128xf32, #tpu.memory_space<hbm>>
      tpu.wait_indirect_dma semaphore(%arg16 : memref<!tpu.dma_semaphore, #tpu.memory_space<semaphore_mem>>) src(%dma_wait3A_120 : memref<10000x128xf32, #tpu.memory_space<hbm>>) dst(%arg12 : memref<80x128xf32, #tpu.memory_space<vmem>>)
      %xor3A = arith.constant 1 : i32
      %xor3A_121 = vector.broadcast %xor3A : i32 to vector<16xi32>
      %xor3A_122 = arith.xori %iota3A, %xor3A_121 : vector<16xi32>
      %broadcast_in_dim3A_123 = vector.shape_cast %xor3A_122 : vector<16xi32> to vector<16x1xi32>
      %xor3A_124 = arith.constant 2 : i32
      %xor3A_125 = vector.broadcast %xor3A_124 : i32 to vector<16xi32>
      %xor3A_126 = arith.xori %iota3A, %xor3A_125 : vector<16xi32>
      %broadcast_in_dim3A_127 = vector.shape_cast %xor3A_126 : vector<16xi32> to vector<16x1xi32>
      %xor3A_128 = arith.constant 4 : i32
      %xor3A_129 = vector.broadcast %xor3A_128 : i32 to vector<16xi32>
      %xor3A_130 = arith.xori %iota3A, %xor3A_129 : vector<16xi32>
      %broadcast_in_dim3A_131 = vector.shape_cast %xor3A_130 : vector<16xi32> to vector<16x1xi32>
      %xor3A_132 = arith.constant 8 : i32
      %xor3A_133 = vector.broadcast %xor3A_132 : i32 to vector<16xi32>
      %xor3A_134 = arith.xori %iota3A, %xor3A_133 : vector<16xi32>
      %broadcast_in_dim3A_135 = vector.shape_cast %xor3A_134 : vector<16xi32> to vector<16x1xi32>
      %scan3A_136 = arith.constant 0 : i32
      %scan3A_137 = arith.constant 0 : i32
      %scan3A_138 = arith.constant 80 : i32
      %scan3A_139 = arith.addi %scan3A_137, %scan3A_138 : i32
      %scan3A_140 = arith.constant 1 : i32
      %scan3A_141 = scf.for %scan3A_166 = %scan3A_137 to %scan3A_139 step %scan3A_140 iter_args(%scan3A_167 = %scan3A_136) -> (i32)  : i32 {
        %get3A_168 = arith.index_cast %scan3A_166 : i32 to index
        %get3A_169 = arith.constant 0 : index
        %get3A_170 = tpu.vector_load %arg11[%get3A_168, %get3A_169] {strides = array<i32>} : memref<80x128xf32, #tpu.memory_space<vmem>>, vector<1x16xf32>,
        %get3A_171 = vector.shape_cast %get3A_170 : vector<1x16xf32> to vector<16xf32>
        %get3A_172 = arith.index_cast %scan3A_166 : i32 to index
        %get3A_173 = arith.constant 0 : index
        %get3A_174 = tpu.vector_load %arg12[%get3A_172, %get3A_173] {strides = array<i32>} : memref<80x128xf32, #tpu.memory_space<vmem>>, vector<1x16xf32>,
        %get3A_175 = vector.shape_cast %get3A_174 : vector<1x16xf32> to vector<16xf32>
        %mul3A_176 = arith.mulf %get3A_171, %get3A_175 : vector<16xf32>
        %gather3A = vector.shape_cast %broadcast_in_dim3A_123 : vector<16x1xi32> to vector<16xi32>
        %gather3A_177 = tpu.dynamic_gather %mul3A_176[%gather3A] in [0] : vector<16xf32>, vector<16xi32> -> vector<16xf32>
        %add3A_178 = arith.addf %mul3A_176, %gather3A_177 : vector<16xf32>
        %gather3A_179 = vector.shape_cast %broadcast_in_dim3A_127 : vector<16x1xi32> to vector<16xi32>
        %gather3A_180 = tpu.dynamic_gather %add3A_178[%gather3A_179] in [0] : vector<16xf32>, vector<16xi32> -> vector<16xf32>
        %add3A_181 = arith.addf %add3A_178, %gather3A_180 : vector<16xf32>
        %gather3A_182 = vector.shape_cast %broadcast_in_dim3A_131 : vector<16x1xi32> to vector<16xi32>
        %gather3A_183 = tpu.dynamic_gather %add3A_181[%gather3A_182] in [0] : vector<16xf32>, vector<16xi32> -> vector<16xf32>
        %add3A_184 = arith.addf %add3A_181, %gather3A_183 : vector<16xf32>
        %gather3A_185 = vector.shape_cast %broadcast_in_dim3A_135 : vector<16x1xi32> to vector<16xi32>
        %gather3A_186 = tpu.dynamic_gather %add3A_184[%gather3A_185] in [0] : vector<16xf32>, vector<16xi32> -> vector<16xf32>
        %add3A_187 = arith.addf %add3A_184, %gather3A_186 : vector<16xf32>
        %exp3A = math.exp %add3A_187 : vector<16xf32>
        %swap3A_188 = arith.index_cast %scan3A_166 : i32 to index
        %swap3A_189 = arith.constant 0 : index
        %swap3A_190 = tpu.vector_load %arg11[%swap3A_188, %swap3A_189] {strides = array<i32>} : memref<80x128xf32, #tpu.memory_space<vmem>>, vector<1x16xf32>,
        %swap3A_191 = vector.shape_cast %swap3A_190 : vector<1x16xf32> to vector<16xf32>
        %swap3A_192 = vector.shape_cast %exp3A : vector<16xf32> to vector<1x16xf32>
        tpu.vector_store %arg11[%swap3A_188, %swap3A_189], %swap3A_192 {strides = array<i32>} : memref<80x128xf32, #tpu.memory_space<vmem>>, vector<1x16xf32>,
        %eq3A = arith.constant 0 : i32
        %eq3A_193 = vector.broadcast %eq3A : i32 to vector<16xi32>
        %eq3A_194 = arith.cmpi eq, %iota3A, %eq3A_193 : vector<16xi32>
        %select_n3A = arith.select %eq3A_194, %exp3A, %broadcast_in_dim3A_1 : vector<16xi1>, vector<16xf32>
        %get3A_195 = arith.index_cast %scan3A_166 : i32 to index
        %get3A_196 = arith.constant 16 : index
        %get3A_197 = tpu.vector_load %arg11[%get3A_195, %get3A_196] {strides = array<i32>} : memref<80x128xf32, #tpu.memory_space<vmem>>, vector<1x16xf32>,
        %get3A_198 = vector.shape_cast %get3A_197 : vector<1x16xf32> to vector<16xf32>
        %get3A_199 = arith.index_cast %scan3A_166 : i32 to index
        %get3A_200 = arith.constant 16 : index
        %get3A_201 = tpu.vector_load %arg12[%get3A_199, %get3A_200] {strides = array<i32>} : memref<80x128xf32, #tpu.memory_space<vmem>>, vector<1x16xf32>,
        %get3A_202 = vector.shape_cast %get3A_201 : vector<1x16xf32> to vector<16xf32>
        %mul3A_203 = arith.mulf %get3A_198, %get3A_202 : vector<16xf32>
        %gather3A_204 = vector.shape_cast %broadcast_in_dim3A_123 : vector<16x1xi32> to vector<16xi32>
        %gather3A_205 = tpu.dynamic_gather %mul3A_203[%gather3A_204] in [0] : vector<16xf32>, vector<16xi32> -> vector<16xf32>
        %add3A_206 = arith.addf %mul3A_203, %gather3A_205 : vector<16xf32>
        %gather3A_207 = vector.shape_cast %broadcast_in_dim3A_127 : vector<16x1xi32> to vector<16xi32>
        %gather3A_208 = tpu.dynamic_gather %add3A_206[%gather3A_207] in [0] : vector<16xf32>, vector<16xi32> -> vector<16xf32>
        %add3A_209 = arith.addf %add3A_206, %gather3A_208 : vector<16xf32>
        %gather3A_210 = vector.shape_cast %broadcast_in_dim3A_131 : vector<16x1xi32> to vector<16xi32>
        %gather3A_211 = tpu.dynamic_gather %add3A_209[%gather3A_210] in [0] : vector<16xf32>, vector<16xi32> -> vector<16xf32>
        %add3A_212 = arith.addf %add3A_209, %gather3A_211 : vector<16xf32>
        %gather3A_213 = vector.shape_cast %broadcast_in_dim3A_135 : vector<16x1xi32> to vector<16xi32>
        %gather3A_214 = tpu.dynamic_gather %add3A_212[%gather3A_213] in [0] : vector<16xf32>, vector<16xi32> -> vector<16xf32>
        %add3A_215 = arith.addf %add3A_212, %gather3A_214 : vector<16xf32>
        %exp3A_216 = math.exp %add3A_215 : vector<16xf32>
        %swap3A_217 = arith.index_cast %scan3A_166 : i32 to index
        %swap3A_218 = arith.constant 16 : index
        %swap3A_219 = tpu.vector_load %arg11[%swap3A_217, %swap3A_218] {strides = array<i32>} : memref<80x128xf32, #tpu.memory_space<vmem>>, vector<1x16xf32>,
        %swap3A_220 = vector.shape_cast %swap3A_219 : vector<1x16xf32> to vector<16xf32>
        %swap3A_221 = vector.shape_cast %exp3A_216 : vector<16xf32> to vector<1x16xf32>
        tpu.vector_store %arg11[%swap3A_217, %swap3A_218], %swap3A_221 {strides = array<i32>} : memref<80x128xf32, #tpu.memory_space<vmem>>, vector<1x16xf32>,
        %eq3A_222 = arith.constant 1 : i32
        %eq3A_223 = vector.broadcast %eq3A_222 : i32 to vector<16xi32>
        %eq3A_224 = arith.cmpi eq, %iota3A, %eq3A_223 : vector<16xi32>
        %select_n3A_225 = arith.select %eq3A_224, %exp3A_216, %select_n3A : vector<16xi1>, vector<16xf32>
        %get3A_226 = arith.index_cast %scan3A_166 : i32 to index
        %get3A_227 = arith.constant 32 : index
        %get3A_228 = tpu.vector_load %arg11[%get3A_226, %get3A_227] {strides = array<i32>} : memref<80x128xf32, #tpu.memory_space<vmem>>, vector<1x16xf32>,
        %get3A_229 = vector.shape_cast %get3A_228 : vector<1x16xf32> to vector<16xf32>
        %get3A_230 = arith.index_cast %scan3A_166 : i32 to index
        %get3A_231 = arith.constant 32 : index
        %get3A_232 = tpu.vector_load %arg12[%get3A_230, %get3A_231] {strides = array<i32>} : memref<80x128xf32, #tpu.memory_space<vmem>>, vector<1x16xf32>,
        %get3A_233 = vector.shape_cast %get3A_232 : vector<1x16xf32> to vector<16xf32>
        %mul3A_234 = arith.mulf %get3A_229, %get3A_233 : vector<16xf32>
        %gather3A_235 = vector.shape_cast %broadcast_in_dim3A_123 : vector<16x1xi32> to vector<16xi32>
        %gather3A_236 = tpu.dynamic_gather %mul3A_234[%gather3A_235] in [0] : vector<16xf32>, vector<16xi32> -> vector<16xf32>
        %add3A_237 = arith.addf %mul3A_234, %gather3A_236 : vector<16xf32>
        %gather3A_238 = vector.shape_cast %broadcast_in_dim3A_127 : vector<16x1xi32> to vector<16xi32>
        %gather3A_239 = tpu.dynamic_gather %add3A_237[%gather3A_238] in [0] : vector<16xf32>, vector<16xi32> -> vector<16xf32>
        %add3A_240 = arith.addf %add3A_237, %gather3A_239 : vector<16xf32>
        %gather3A_241 = vector.shape_cast %broadcast_in_dim3A_131 : vector<16x1xi32> to vector<16xi32>
        %gather3A_242 = tpu.dynamic_gather %add3A_240[%gather3A_241] in [0] : vector<16xf32>, vector<16xi32> -> vector<16xf32>
        %add3A_243 = arith.addf %add3A_240, %gather3A_242 : vector<16xf32>
        %gather3A_244 = vector.shape_cast %broadcast_in_dim3A_135 : vector<16x1xi32> to vector<16xi32>
        %gather3A_245 = tpu.dynamic_gather %add3A_243[%gather3A_244] in [0] : vector<16xf32>, vector<16xi32> -> vector<16xf32>
        %add3A_246 = arith.addf %add3A_243, %gather3A_245 : vector<16xf32>
        %exp3A_247 = math.exp %add3A_246 : vector<16xf32>
        %swap3A_248 = arith.index_cast %scan3A_166 : i32 to index
        %swap3A_249 = arith.constant 32 : index
        %swap3A_250 = tpu.vector_load %arg11[%swap3A_248, %swap3A_249] {strides = array<i32>} : memref<80x128xf32, #tpu.memory_space<vmem>>, vector<1x16xf32>,
        %swap3A_251 = vector.shape_cast %swap3A_250 : vector<1x16xf32> to vector<16xf32>
        %swap3A_252 = vector.shape_cast %exp3A_247 : vector<16xf32> to vector<1x16xf32>
        tpu.vector_store %arg11[%swap3A_248, %swap3A_249], %swap3A_252 {strides = array<i32>} : memref<80x128xf32, #tpu.memory_space<vmem>>, vector<1x16xf32>,
        %eq3A_253 = arith.constant 2 : i32
        %eq3A_254 = vector.broadcast %eq3A_253 : i32 to vector<16xi32>
        %eq3A_255 = arith.cmpi eq, %iota3A, %eq3A_254 : vector<16xi32>
        %select_n3A_256 = arith.select %eq3A_255, %exp3A_247, %select_n3A_225 : vector<16xi1>, vector<16xf32>
        %get3A_257 = arith.index_cast %scan3A_166 : i32 to index
        %get3A_258 = arith.constant 48 : index
        %get3A_259 = tpu.vector_load %arg11[%get3A_257, %get3A_258] {strides = array<i32>} : memref<80x128xf32, #tpu.memory_space<vmem>>, vector<1x16xf32>,
        %get3A_260 = vector.shape_cast %get3A_259 : vector<1x16xf32> to vector<16xf32>
        %get3A_261 = arith.index_cast %scan3A_166 : i32 to index
        %get3A_262 = arith.constant 48 : index
        %get3A_263 = tpu.vector_load %arg12[%get3A_261, %get3A_262] {strides = array<i32>} : memref<80x128xf32, #tpu.memory_space<vmem>>, vector<1x16xf32>,
        %get3A_264 = vector.shape_cast %get3A_263 : vector<1x16xf32> to vector<16xf32>
        %mul3A_265 = arith.mulf %get3A_260, %get3A_264 : vector<16xf32>
        %gather3A_266 = vector.shape_cast %broadcast_in_dim3A_123 : vector<16x1xi32> to vector<16xi32>
        %gather3A_267 = tpu.dynamic_gather %mul3A_265[%gather3A_266] in [0] : vector<16xf32>, vector<16xi32> -> vector<16xf32>
        %add3A_268 = arith.addf %mul3A_265, %gather3A_267 : vector<16xf32>
        %gather3A_269 = vector.shape_cast %broadcast_in_dim3A_127 : vector<16x1xi32> to vector<16xi32>
        %gather3A_270 = tpu.dynamic_gather %add3A_268[%gather3A_269] in [0] : vector<16xf32>, vector<16xi32> -> vector<16xf32>
        %add3A_271 = arith.addf %add3A_268, %gather3A_270 : vector<16xf32>
        %gather3A_272 = vector.shape_cast %broadcast_in_dim3A_131 : vector<16x1xi32> to vector<16xi32>
        %gather3A_273 = tpu.dynamic_gather %add3A_271[%gather3A_272] in [0] : vector<16xf32>, vector<16xi32> -> vector<16xf32>
        %add3A_274 = arith.addf %add3A_271, %gather3A_273 : vector<16xf32>
        %gather3A_275 = vector.shape_cast %broadcast_in_dim3A_135 : vector<16x1xi32> to vector<16xi32>
        %gather3A_276 = tpu.dynamic_gather %add3A_274[%gather3A_275] in [0] : vector<16xf32>, vector<16xi32> -> vector<16xf32>
        %add3A_277 = arith.addf %add3A_274, %gather3A_276 : vector<16xf32>
        %exp3A_278 = math.exp %add3A_277 : vector<16xf32>
        %swap3A_279 = arith.index_cast %scan3A_166 : i32 to index
        %swap3A_280 = arith.constant 48 : index
        %swap3A_281 = tpu.vector_load %arg11[%swap3A_279, %swap3A_280] {strides = array<i32>} : memref<80x128xf32, #tpu.memory_space<vmem>>, vector<1x16xf32>,
        %swap3A_282 = vector.shape_cast %swap3A_281 : vector<1x16xf32> to vector<16xf32>
        %swap3A_283 = vector.shape_cast %exp3A_278 : vector<16xf32> to vector<1x16xf32>
        tpu.vector_store %arg11[%swap3A_279, %swap3A_280], %swap3A_283 {strides = array<i32>} : memref<80x128xf32, #tpu.memory_space<vmem>>, vector<1x16xf32>,
        %eq3A_284 = arith.constant 3 : i32
        %eq3A_285 = vector.broadcast %eq3A_284 : i32 to vector<16xi32>
        %eq3A_286 = arith.cmpi eq, %iota3A, %eq3A_285 : vector<16xi32>
        %select_n3A_287 = arith.select %eq3A_286, %exp3A_278, %select_n3A_256 : vector<16xi1>, vector<16xf32>
        %get3A_288 = arith.index_cast %scan3A_166 : i32 to index
        %get3A_289 = arith.constant 64 : index
        %get3A_290 = tpu.vector_load %arg11[%get3A_288, %get3A_289] {strides = array<i32>} : memref<80x128xf32, #tpu.memory_space<vmem>>, vector<1x16xf32>,
        %get3A_291 = vector.shape_cast %get3A_290 : vector<1x16xf32> to vector<16xf32>
        %get3A_292 = arith.index_cast %scan3A_166 : i32 to index
        %get3A_293 = arith.constant 64 : index
        %get3A_294 = tpu.vector_load %arg12[%get3A_292, %get3A_293] {strides = array<i32>} : memref<80x128xf32, #tpu.memory_space<vmem>>, vector<1x16xf32>,
        %get3A_295 = vector.shape_cast %get3A_294 : vector<1x16xf32> to vector<16xf32>
        %mul3A_296 = arith.mulf %get3A_291, %get3A_295 : vector<16xf32>
        %gather3A_297 = vector.shape_cast %broadcast_in_dim3A_123 : vector<16x1xi32> to vector<16xi32>
        %gather3A_298 = tpu.dynamic_gather %mul3A_296[%gather3A_297] in [0] : vector<16xf32>, vector<16xi32> -> vector<16xf32>
        %add3A_299 = arith.addf %mul3A_296, %gather3A_298 : vector<16xf32>
        %gather3A_300 = vector.shape_cast %broadcast_in_dim3A_127 : vector<16x1xi32> to vector<16xi32>
        %gather3A_301 = tpu.dynamic_gather %add3A_299[%gather3A_300] in [0] : vector<16xf32>, vector<16xi32> -> vector<16xf32>
        %add3A_302 = arith.addf %add3A_299, %gather3A_301 : vector<16xf32>
        %gather3A_303 = vector.shape_cast %broadcast_in_dim3A_131 : vector<16x1xi32> to vector<16xi32>
        %gather3A_304 = tpu.dynamic_gather %add3A_302[%gather3A_303] in [0] : vector<16xf32>, vector<16xi32> -> vector<16xf32>
        %add3A_305 = arith.addf %add3A_302, %gather3A_304 : vector<16xf32>
        %gather3A_306 = vector.shape_cast %broadcast_in_dim3A_135 : vector<16x1xi32> to vector<16xi32>
        %gather3A_307 = tpu.dynamic_gather %add3A_305[%gather3A_306] in [0] : vector<16xf32>, vector<16xi32> -> vector<16xf32>
        %add3A_308 = arith.addf %add3A_305, %gather3A_307 : vector<16xf32>
        %exp3A_309 = math.exp %add3A_308 : vector<16xf32>
        %swap3A_310 = arith.index_cast %scan3A_166 : i32 to index
        %swap3A_311 = arith.constant 64 : index
        %swap3A_312 = tpu.vector_load %arg11[%swap3A_310, %swap3A_311] {strides = array<i32>} : memref<80x128xf32, #tpu.memory_space<vmem>>, vector<1x16xf32>,
        %swap3A_313 = vector.shape_cast %swap3A_312 : vector<1x16xf32> to vector<16xf32>
        %swap3A_314 = vector.shape_cast %exp3A_309 : vector<16xf32> to vector<1x16xf32>
        tpu.vector_store %arg11[%swap3A_310, %swap3A_311], %swap3A_314 {strides = array<i32>} : memref<80x128xf32, #tpu.memory_space<vmem>>, vector<1x16xf32>,
        %eq3A_315 = arith.constant 4 : i32
        %eq3A_316 = vector.broadcast %eq3A_315 : i32 to vector<16xi32>
        %eq3A_317 = arith.cmpi eq, %iota3A, %eq3A_316 : vector<16xi32>
        %select_n3A_318 = arith.select %eq3A_317, %exp3A_309, %select_n3A_287 : vector<16xi1>, vector<16xf32>
        %get3A_319 = arith.index_cast %scan3A_166 : i32 to index
        %get3A_320 = arith.constant 80 : index
        %get3A_321 = tpu.vector_load %arg11[%get3A_319, %get3A_320] {strides = array<i32>} : memref<80x128xf32, #tpu.memory_space<vmem>>, vector<1x16xf32>,
        %get3A_322 = vector.shape_cast %get3A_321 : vector<1x16xf32> to vector<16xf32>
        %get3A_323 = arith.index_cast %scan3A_166 : i32 to index
        %get3A_324 = arith.constant 80 : index
        %get3A_325 = tpu.vector_load %arg12[%get3A_323, %get3A_324] {strides = array<i32>} : memref<80x128xf32, #tpu.memory_space<vmem>>, vector<1x16xf32>,
        %get3A_326 = vector.shape_cast %get3A_325 : vector<1x16xf32> to vector<16xf32>
        %mul3A_327 = arith.mulf %get3A_322, %get3A_326 : vector<16xf32>
        %gather3A_328 = vector.shape_cast %broadcast_in_dim3A_123 : vector<16x1xi32> to vector<16xi32>
        %gather3A_329 = tpu.dynamic_gather %mul3A_327[%gather3A_328] in [0] : vector<16xf32>, vector<16xi32> -> vector<16xf32>
        %add3A_330 = arith.addf %mul3A_327, %gather3A_329 : vector<16xf32>
        %gather3A_331 = vector.shape_cast %broadcast_in_dim3A_127 : vector<16x1xi32> to vector<16xi32>
        %gather3A_332 = tpu.dynamic_gather %add3A_330[%gather3A_331] in [0] : vector<16xf32>, vector<16xi32> -> vector<16xf32>
        %add3A_333 = arith.addf %add3A_330, %gather3A_332 : vector<16xf32>
        %gather3A_334 = vector.shape_cast %broadcast_in_dim3A_131 : vector<16x1xi32> to vector<16xi32>
        %gather3A_335 = tpu.dynamic_gather %add3A_333[%gather3A_334] in [0] : vector<16xf32>, vector<16xi32> -> vector<16xf32>
        %add3A_336 = arith.addf %add3A_333, %gather3A_335 : vector<16xf32>
        %gather3A_337 = vector.shape_cast %broadcast_in_dim3A_135 : vector<16x1xi32> to vector<16xi32>
        %gather3A_338 = tpu.dynamic_gather %add3A_336[%gather3A_337] in [0] : vector<16xf32>, vector<16xi32> -> vector<16xf32>
        %add3A_339 = arith.addf %add3A_336, %gather3A_338 : vector<16xf32>
        %exp3A_340 = math.exp %add3A_339 : vector<16xf32>
        %swap3A_341 = arith.index_cast %scan3A_166 : i32 to index
        %swap3A_342 = arith.constant 80 : index
        %swap3A_343 = tpu.vector_load %arg11[%swap3A_341, %swap3A_342] {strides = array<i32>} : memref<80x128xf32, #tpu.memory_space<vmem>>, vector<1x16xf32>,
        %swap3A_344 = vector.shape_cast %swap3A_343 : vector<1x16xf32> to vector<16xf32>
        %swap3A_345 = vector.shape_cast %exp3A_340 : vector<16xf32> to vector<1x16xf32>
        tpu.vector_store %arg11[%swap3A_341, %swap3A_342], %swap3A_345 {strides = array<i32>} : memref<80x128xf32, #tpu.memory_space<vmem>>, vector<1x16xf32>,
        %eq3A_346 = arith.constant 5 : i32
        %eq3A_347 = vector.broadcast %eq3A_346 : i32 to vector<16xi32>
        %eq3A_348 = arith.cmpi eq, %iota3A, %eq3A_347 : vector<16xi32>
        %select_n3A_349 = arith.select %eq3A_348, %exp3A_340, %select_n3A_318 : vector<16xi1>, vector<16xf32>
        %get3A_350 = arith.index_cast %scan3A_166 : i32 to index
        %get3A_351 = arith.constant 96 : index
        %get3A_352 = tpu.vector_load %arg11[%get3A_350, %get3A_351] {strides = array<i32>} : memref<80x128xf32, #tpu.memory_space<vmem>>, vector<1x16xf32>,
        %get3A_353 = vector.shape_cast %get3A_352 : vector<1x16xf32> to vector<16xf32>
        %get3A_354 = arith.index_cast %scan3A_166 : i32 to index
        %get3A_355 = arith.constant 96 : index
        %get3A_356 = tpu.vector_load %arg12[%get3A_354, %get3A_355] {strides = array<i32>} : memref<80x128xf32, #tpu.memory_space<vmem>>, vector<1x16xf32>,
        %get3A_357 = vector.shape_cast %get3A_356 : vector<1x16xf32> to vector<16xf32>
        %mul3A_358 = arith.mulf %get3A_353, %get3A_357 : vector<16xf32>
        %gather3A_359 = vector.shape_cast %broadcast_in_dim3A_123 : vector<16x1xi32> to vector<16xi32>
        %gather3A_360 = tpu.dynamic_gather %mul3A_358[%gather3A_359] in [0] : vector<16xf32>, vector<16xi32> -> vector<16xf32>
        %add3A_361 = arith.addf %mul3A_358, %gather3A_360 : vector<16xf32>
        %gather3A_362 = vector.shape_cast %broadcast_in_dim3A_127 : vector<16x1xi32> to vector<16xi32>
        %gather3A_363 = tpu.dynamic_gather %add3A_361[%gather3A_362] in [0] : vector<16xf32>, vector<16xi32> -> vector<16xf32>
        %add3A_364 = arith.addf %add3A_361, %gather3A_363 : vector<16xf32>
        %gather3A_365 = vector.shape_cast %broadcast_in_dim3A_131 : vector<16x1xi32> to vector<16xi32>
        %gather3A_366 = tpu.dynamic_gather %add3A_364[%gather3A_365] in [0] : vector<16xf32>, vector<16xi32> -> vector<16xf32>
        %add3A_367 = arith.addf %add3A_364, %gather3A_366 : vector<16xf32>
        %gather3A_368 = vector.shape_cast %broadcast_in_dim3A_135 : vector<16x1xi32> to vector<16xi32>
        %gather3A_369 = tpu.dynamic_gather %add3A_367[%gather3A_368] in [0] : vector<16xf32>, vector<16xi32> -> vector<16xf32>
        %add3A_370 = arith.addf %add3A_367, %gather3A_369 : vector<16xf32>
        %exp3A_371 = math.exp %add3A_370 : vector<16xf32>
        %swap3A_372 = arith.index_cast %scan3A_166 : i32 to index
        %swap3A_373 = arith.constant 96 : index
        %swap3A_374 = tpu.vector_load %arg11[%swap3A_372, %swap3A_373] {strides = array<i32>} : memref<80x128xf32, #tpu.memory_space<vmem>>, vector<1x16xf32>,
        %swap3A_375 = vector.shape_cast %swap3A_374 : vector<1x16xf32> to vector<16xf32>
        %swap3A_376 = vector.shape_cast %exp3A_371 : vector<16xf32> to vector<1x16xf32>
        tpu.vector_store %arg11[%swap3A_372, %swap3A_373], %swap3A_376 {strides = array<i32>} : memref<80x128xf32, #tpu.memory_space<vmem>>, vector<1x16xf32>,
        %eq3A_377 = arith.constant 6 : i32
        %eq3A_378 = vector.broadcast %eq3A_377 : i32 to vector<16xi32>
        %eq3A_379 = arith.cmpi eq, %iota3A, %eq3A_378 : vector<16xi32>
        %select_n3A_380 = arith.select %eq3A_379, %exp3A_371, %select_n3A_349 : vector<16xi1>, vector<16xf32>
        %get3A_381 = arith.index_cast %scan3A_166 : i32 to index
        %get3A_382 = arith.constant 112 : index
        %get3A_383 = tpu.vector_load %arg11[%get3A_381, %get3A_382] {strides = array<i32>} : memref<80x128xf32, #tpu.memory_space<vmem>>, vector<1x16xf32>,
        %get3A_384 = vector.shape_cast %get3A_383 : vector<1x16xf32> to vector<16xf32>
        %get3A_385 = arith.index_cast %scan3A_166 : i32 to index
        %get3A_386 = arith.constant 112 : index
        %get3A_387 = tpu.vector_load %arg12[%get3A_385, %get3A_386] {strides = array<i32>} : memref<80x128xf32, #tpu.memory_space<vmem>>, vector<1x16xf32>,
        %get3A_388 = vector.shape_cast %get3A_387 : vector<1x16xf32> to vector<16xf32>
        %mul3A_389 = arith.mulf %get3A_384, %get3A_388 : vector<16xf32>
        %gather3A_390 = vector.shape_cast %broadcast_in_dim3A_123 : vector<16x1xi32> to vector<16xi32>
        %gather3A_391 = tpu.dynamic_gather %mul3A_389[%gather3A_390] in [0] : vector<16xf32>, vector<16xi32> -> vector<16xf32>
        %add3A_392 = arith.addf %mul3A_389, %gather3A_391 : vector<16xf32>
        %gather3A_393 = vector.shape_cast %broadcast_in_dim3A_127 : vector<16x1xi32> to vector<16xi32>
        %gather3A_394 = tpu.dynamic_gather %add3A_392[%gather3A_393] in [0] : vector<16xf32>, vector<16xi32> -> vector<16xf32>
        %add3A_395 = arith.addf %add3A_392, %gather3A_394 : vector<16xf32>
        %gather3A_396 = vector.shape_cast %broadcast_in_dim3A_131 : vector<16x1xi32> to vector<16xi32>
        %gather3A_397 = tpu.dynamic_gather %add3A_395[%gather3A_396] in [0] : vector<16xf32>, vector<16xi32> -> vector<16xf32>
        %add3A_398 = arith.addf %add3A_395, %gather3A_397 : vector<16xf32>
        %gather3A_399 = vector.shape_cast %broadcast_in_dim3A_135 : vector<16x1xi32> to vector<16xi32>
        %gather3A_400 = tpu.dynamic_gather %add3A_398[%gather3A_399] in [0] : vector<16xf32>, vector<16xi32> -> vector<16xf32>
        %add3A_401 = arith.addf %add3A_398, %gather3A_400 : vector<16xf32>
        %exp3A_402 = math.exp %add3A_401 : vector<16xf32>
        %swap3A_403 = arith.index_cast %scan3A_166 : i32 to index
        %swap3A_404 = arith.constant 112 : index
        %swap3A_405 = tpu.vector_load %arg11[%swap3A_403, %swap3A_404] {strides = array<i32>} : memref<80x128xf32, #tpu.memory_space<vmem>>, vector<1x16xf32>,
        %swap3A_406 = vector.shape_cast %swap3A_405 : vector<1x16xf32> to vector<16xf32>
        %swap3A_407 = vector.shape_cast %exp3A_402 : vector<16xf32> to vector<1x16xf32>
        tpu.vector_store %arg11[%swap3A_403, %swap3A_404], %swap3A_407 {strides = array<i32>} : memref<80x128xf32, #tpu.memory_space<vmem>>, vector<1x16xf32>,
        %eq3A_408 = arith.constant 7 : i32
        %eq3A_409 = vector.broadcast %eq3A_408 : i32 to vector<16xi32>
        %eq3A_410 = arith.cmpi eq, %iota3A, %eq3A_409 : vector<16xi32>
        %select_n3A_411 = arith.select %eq3A_410, %exp3A_402, %select_n3A_380 : vector<16xi1>, vector<16xf32>
        %swap3A_412 = arith.index_cast %scan3A_166 : i32 to index
        %swap3A_413 = arith.constant 0 : index
        %swap3A_414 = tpu.vector_load %arg13[%swap3A_412, %swap3A_413] {strides = array<i32>} : memref<80x16xf32, #tpu.memory_space<vmem>>, vector<1x16xf32>,
        %swap3A_415 = vector.shape_cast %swap3A_414 : vector<1x16xf32> to vector<16xf32>
        %swap3A_416 = vector.shape_cast %select_n3A_411 : vector<16xf32> to vector<1x16xf32>
        tpu.vector_store %arg13[%swap3A_412, %swap3A_413], %swap3A_416 {strides = array<i32>} : memref<80x16xf32, #tpu.memory_space<vmem>>, vector<1x16xf32>,
        %scan3A_417 = arith.constant 0 : i32
        scf.yield %scan3A_417 : i32
      }
      %scan3A_142 = arith.constant 80 : i32
      %dma_start3A_143 = arith.constant 0 : i32
      %dma_start3A_144 = arith.constant 0 : i32
      %dma_start3A_145 = tpu.memref_slice %arg4[%dma_start3A_143, %dma_start3A_144] : memref<10000x128xf32, #tpu.memory_space<hbm>> -> memref<10000x128xf32, #tpu.memory_space<hbm>>
      tpu.enqueue_indirect_dma source(%dma_start3A_145 : memref<10000x128xf32, #tpu.memory_space<hbm>>) target(%arg12 : memref<80x128xf32, #tpu.memory_space<vmem>>) offsets(%arg9 : memref<80xi32, #tpu.memory_space<vmem>>) semaphore(%arg17 : memref<!tpu.dma_semaphore, #tpu.memory_space<semaphore_mem>>)
      %dma_wait3A_146 = arith.constant 0 : i32
      %dma_wait3A_147 = arith.constant 0 : i32
      %dma_wait3A_148 = tpu.memref_slice %arg4[%dma_wait3A_146, %dma_wait3A_147] : memref<10000x128xf32, #tpu.memory_space<hbm>> -> memref<10000x128xf32, #tpu.memory_space<hbm>>
      tpu.wait_indirect_dma semaphore(%arg17 : memref<!tpu.dma_semaphore, #tpu.memory_space<semaphore_mem>>) src(%dma_wait3A_148 : memref<10000x128xf32, #tpu.memory_space<hbm>>) dst(%arg12 : memref<80x128xf32, #tpu.memory_space<vmem>>)
      %scan3A_149 = arith.constant 0 : i32
      %scan3A_150 = arith.constant 0 : i32
      %scan3A_151 = arith.constant 80 : i32
      %scan3A_152 = arith.addi %scan3A_150, %scan3A_151 : i32
      %scan3A_153 = arith.constant 1 : i32
      %scan3A_154 = scf.for %scan3A_166 = %scan3A_150 to %scan3A_152 step %scan3A_153 iter_args(%scan3A_167 = %scan3A_149) -> (i32)  : i32 {
        %get3A_168 = arith.index_cast %scan3A_166 : i32 to index
        %get3A_169 = arith.constant 0 : index
        %get3A_170 = tpu.vector_load %arg11[%get3A_168, %get3A_169] {strides = array<i32>} : memref<80x128xf32, #tpu.memory_space<vmem>>, vector<1x16xf32>,
        %get3A_171 = vector.shape_cast %get3A_170 : vector<1x16xf32> to vector<16xf32>
        %get3A_172 = arith.index_cast %scan3A_166 : i32 to index
        %get3A_173 = arith.constant 0 : index
        %get3A_174 = tpu.vector_load %arg12[%get3A_172, %get3A_173] {strides = array<i32>} : memref<80x128xf32, #tpu.memory_space<vmem>>, vector<1x16xf32>,
        %get3A_175 = vector.shape_cast %get3A_174 : vector<1x16xf32> to vector<16xf32>
        %mul3A_176 = arith.mulf %get3A_171, %get3A_175 : vector<16xf32>
        %swap3A_177 = arith.index_cast %scan3A_166 : i32 to index
        %swap3A_178 = arith.constant 0 : index
        %swap3A_179 = tpu.vector_load %arg11[%swap3A_177, %swap3A_178] {strides = array<i32>} : memref<80x128xf32, #tpu.memory_space<vmem>>, vector<1x16xf32>,
        %swap3A_180 = vector.shape_cast %swap3A_179 : vector<1x16xf32> to vector<16xf32>
        %swap3A_181 = vector.shape_cast %mul3A_176 : vector<16xf32> to vector<1x16xf32>
        tpu.vector_store %arg11[%swap3A_177, %swap3A_178], %swap3A_181 {strides = array<i32>} : memref<80x128xf32, #tpu.memory_space<vmem>>, vector<1x16xf32>,
        %get3A_182 = arith.index_cast %scan3A_166 : i32 to index
        %get3A_183 = arith.constant 16 : index
        %get3A_184 = tpu.vector_load %arg11[%get3A_182, %get3A_183] {strides = array<i32>} : memref<80x128xf32, #tpu.memory_space<vmem>>, vector<1x16xf32>,
        %get3A_185 = vector.shape_cast %get3A_184 : vector<1x16xf32> to vector<16xf32>
        %get3A_186 = arith.index_cast %scan3A_166 : i32 to index
        %get3A_187 = arith.constant 16 : index
        %get3A_188 = tpu.vector_load %arg12[%get3A_186, %get3A_187] {strides = array<i32>} : memref<80x128xf32, #tpu.memory_space<vmem>>, vector<1x16xf32>,
        %get3A_189 = vector.shape_cast %get3A_188 : vector<1x16xf32> to vector<16xf32>
        %mul3A_190 = arith.mulf %get3A_185, %get3A_189 : vector<16xf32>
        %swap3A_191 = arith.index_cast %scan3A_166 : i32 to index
        %swap3A_192 = arith.constant 16 : index
        %swap3A_193 = tpu.vector_load %arg11[%swap3A_191, %swap3A_192] {strides = array<i32>} : memref<80x128xf32, #tpu.memory_space<vmem>>, vector<1x16xf32>,
        %swap3A_194 = vector.shape_cast %swap3A_193 : vector<1x16xf32> to vector<16xf32>
        %swap3A_195 = vector.shape_cast %mul3A_190 : vector<16xf32> to vector<1x16xf32>
        tpu.vector_store %arg11[%swap3A_191, %swap3A_192], %swap3A_195 {strides = array<i32>} : memref<80x128xf32, #tpu.memory_space<vmem>>, vector<1x16xf32>,
        %get3A_196 = arith.index_cast %scan3A_166 : i32 to index
        %get3A_197 = arith.constant 32 : index
        %get3A_198 = tpu.vector_load %arg11[%get3A_196, %get3A_197] {strides = array<i32>} : memref<80x128xf32, #tpu.memory_space<vmem>>, vector<1x16xf32>,
        %get3A_199 = vector.shape_cast %get3A_198 : vector<1x16xf32> to vector<16xf32>
        %get3A_200 = arith.index_cast %scan3A_166 : i32 to index
        %get3A_201 = arith.constant 32 : index
        %get3A_202 = tpu.vector_load %arg12[%get3A_200, %get3A_201] {strides = array<i32>} : memref<80x128xf32, #tpu.memory_space<vmem>>, vector<1x16xf32>,
        %get3A_203 = vector.shape_cast %get3A_202 : vector<1x16xf32> to vector<16xf32>
        %mul3A_204 = arith.mulf %get3A_199, %get3A_203 : vector<16xf32>
        %swap3A_205 = arith.index_cast %scan3A_166 : i32 to index
        %swap3A_206 = arith.constant 32 : index
        %swap3A_207 = tpu.vector_load %arg11[%swap3A_205, %swap3A_206] {strides = array<i32>} : memref<80x128xf32, #tpu.memory_space<vmem>>, vector<1x16xf32>,
        %swap3A_208 = vector.shape_cast %swap3A_207 : vector<1x16xf32> to vector<16xf32>
        %swap3A_209 = vector.shape_cast %mul3A_204 : vector<16xf32> to vector<1x16xf32>
        tpu.vector_store %arg11[%swap3A_205, %swap3A_206], %swap3A_209 {strides = array<i32>} : memref<80x128xf32, #tpu.memory_space<vmem>>, vector<1x16xf32>,
        %get3A_210 = arith.index_cast %scan3A_166 : i32 to index
        %get3A_211 = arith.constant 48 : index
        %get3A_212 = tpu.vector_load %arg11[%get3A_210, %get3A_211] {strides = array<i32>} : memref<80x128xf32, #tpu.memory_space<vmem>>, vector<1x16xf32>,
        %get3A_213 = vector.shape_cast %get3A_212 : vector<1x16xf32> to vector<16xf32>
        %get3A_214 = arith.index_cast %scan3A_166 : i32 to index
        %get3A_215 = arith.constant 48 : index
        %get3A_216 = tpu.vector_load %arg12[%get3A_214, %get3A_215] {strides = array<i32>} : memref<80x128xf32, #tpu.memory_space<vmem>>, vector<1x16xf32>,
        %get3A_217 = vector.shape_cast %get3A_216 : vector<1x16xf32> to vector<16xf32>
        %mul3A_218 = arith.mulf %get3A_213, %get3A_217 : vector<16xf32>
        %swap3A_219 = arith.index_cast %scan3A_166 : i32 to index
        %swap3A_220 = arith.constant 48 : index
        %swap3A_221 = tpu.vector_load %arg11[%swap3A_219, %swap3A_220] {strides = array<i32>} : memref<80x128xf32, #tpu.memory_space<vmem>>, vector<1x16xf32>,
        %swap3A_222 = vector.shape_cast %swap3A_221 : vector<1x16xf32> to vector<16xf32>
        %swap3A_223 = vector.shape_cast %mul3A_218 : vector<16xf32> to vector<1x16xf32>
        tpu.vector_store %arg11[%swap3A_219, %swap3A_220], %swap3A_223 {strides = array<i32>} : memref<80x128xf32, #tpu.memory_space<vmem>>, vector<1x16xf32>,
        %get3A_224 = arith.index_cast %scan3A_166 : i32 to index
        %get3A_225 = arith.constant 64 : index
        %get3A_226 = tpu.vector_load %arg11[%get3A_224, %get3A_225] {strides = array<i32>} : memref<80x128xf32, #tpu.memory_space<vmem>>, vector<1x16xf32>,
        %get3A_227 = vector.shape_cast %get3A_226 : vector<1x16xf32> to vector<16xf32>
        %get3A_228 = arith.index_cast %scan3A_166 : i32 to index
        %get3A_229 = arith.constant 64 : index
        %get3A_230 = tpu.vector_load %arg12[%get3A_228, %get3A_229] {strides = array<i32>} : memref<80x128xf32, #tpu.memory_space<vmem>>, vector<1x16xf32>,
        %get3A_231 = vector.shape_cast %get3A_230 : vector<1x16xf32> to vector<16xf32>
        %mul3A_232 = arith.mulf %get3A_227, %get3A_231 : vector<16xf32>
        %swap3A_233 = arith.index_cast %scan3A_166 : i32 to index
        %swap3A_234 = arith.constant 64 : index
        %swap3A_235 = tpu.vector_load %arg11[%swap3A_233, %swap3A_234] {strides = array<i32>} : memref<80x128xf32, #tpu.memory_space<vmem>>, vector<1x16xf32>,
        %swap3A_236 = vector.shape_cast %swap3A_235 : vector<1x16xf32> to vector<16xf32>
        %swap3A_237 = vector.shape_cast %mul3A_232 : vector<16xf32> to vector<1x16xf32>
        tpu.vector_store %arg11[%swap3A_233, %swap3A_234], %swap3A_237 {strides = array<i32>} : memref<80x128xf32, #tpu.memory_space<vmem>>, vector<1x16xf32>,
        %get3A_238 = arith.index_cast %scan3A_166 : i32 to index
        %get3A_239 = arith.constant 80 : index
        %get3A_240 = tpu.vector_load %arg11[%get3A_238, %get3A_239] {strides = array<i32>} : memref<80x128xf32, #tpu.memory_space<vmem>>, vector<1x16xf32>,
        %get3A_241 = vector.shape_cast %get3A_240 : vector<1x16xf32> to vector<16xf32>
        %get3A_242 = arith.index_cast %scan3A_166 : i32 to index
        %get3A_243 = arith.constant 80 : index
        %get3A_244 = tpu.vector_load %arg12[%get3A_242, %get3A_243] {strides = array<i32>} : memref<80x128xf32, #tpu.memory_space<vmem>>, vector<1x16xf32>,
        %get3A_245 = vector.shape_cast %get3A_244 : vector<1x16xf32> to vector<16xf32>
        %mul3A_246 = arith.mulf %get3A_241, %get3A_245 : vector<16xf32>
        %swap3A_247 = arith.index_cast %scan3A_166 : i32 to index
        %swap3A_248 = arith.constant 80 : index
        %swap3A_249 = tpu.vector_load %arg11[%swap3A_247, %swap3A_248] {strides = array<i32>} : memref<80x128xf32, #tpu.memory_space<vmem>>, vector<1x16xf32>,
        %swap3A_250 = vector.shape_cast %swap3A_249 : vector<1x16xf32> to vector<16xf32>
        %swap3A_251 = vector.shape_cast %mul3A_246 : vector<16xf32> to vector<1x16xf32>
        tpu.vector_store %arg11[%swap3A_247, %swap3A_248], %swap3A_251 {strides = array<i32>} : memref<80x128xf32, #tpu.memory_space<vmem>>, vector<1x16xf32>,
        %get3A_252 = arith.index_cast %scan3A_166 : i32 to index
        %get3A_253 = arith.constant 96 : index
        %get3A_254 = tpu.vector_load %arg11[%get3A_252, %get3A_253] {strides = array<i32>} : memref<80x128xf32, #tpu.memory_space<vmem>>, vector<1x16xf32>,
        %get3A_255 = vector.shape_cast %get3A_254 : vector<1x16xf32> to vector<16xf32>
        %get3A_256 = arith.index_cast %scan3A_166 : i32 to index
        %get3A_257 = arith.constant 96 : index
        %get3A_258 = tpu.vector_load %arg12[%get3A_256, %get3A_257] {strides = array<i32>} : memref<80x128xf32, #tpu.memory_space<vmem>>, vector<1x16xf32>,
        %get3A_259 = vector.shape_cast %get3A_258 : vector<1x16xf32> to vector<16xf32>
        %mul3A_260 = arith.mulf %get3A_255, %get3A_259 : vector<16xf32>
        %swap3A_261 = arith.index_cast %scan3A_166 : i32 to index
        %swap3A_262 = arith.constant 96 : index
        %swap3A_263 = tpu.vector_load %arg11[%swap3A_261, %swap3A_262] {strides = array<i32>} : memref<80x128xf32, #tpu.memory_space<vmem>>, vector<1x16xf32>,
        %swap3A_264 = vector.shape_cast %swap3A_263 : vector<1x16xf32> to vector<16xf32>
        %swap3A_265 = vector.shape_cast %mul3A_260 : vector<16xf32> to vector<1x16xf32>
        tpu.vector_store %arg11[%swap3A_261, %swap3A_262], %swap3A_265 {strides = array<i32>} : memref<80x128xf32, #tpu.memory_space<vmem>>, vector<1x16xf32>,
        %get3A_266 = arith.index_cast %scan3A_166 : i32 to index
        %get3A_267 = arith.constant 112 : index
        %get3A_268 = tpu.vector_load %arg11[%get3A_266, %get3A_267] {strides = array<i32>} : memref<80x128xf32, #tpu.memory_space<vmem>>, vector<1x16xf32>,
        %get3A_269 = vector.shape_cast %get3A_268 : vector<1x16xf32> to vector<16xf32>
        %get3A_270 = arith.index_cast %scan3A_166 : i32 to index
        %get3A_271 = arith.constant 112 : index
        %get3A_272 = tpu.vector_load %arg12[%get3A_270, %get3A_271] {strides = array<i32>} : memref<80x128xf32, #tpu.memory_space<vmem>>, vector<1x16xf32>,
        %get3A_273 = vector.shape_cast %get3A_272 : vector<1x16xf32> to vector<16xf32>
        %mul3A_274 = arith.mulf %get3A_269, %get3A_273 : vector<16xf32>
        %swap3A_275 = arith.index_cast %scan3A_166 : i32 to index
        %swap3A_276 = arith.constant 112 : index
        %swap3A_277 = tpu.vector_load %arg11[%swap3A_275, %swap3A_276] {strides = array<i32>} : memref<80x128xf32, #tpu.memory_space<vmem>>, vector<1x16xf32>,
        %swap3A_278 = vector.shape_cast %swap3A_277 : vector<1x16xf32> to vector<16xf32>
        %swap3A_279 = vector.shape_cast %mul3A_274 : vector<16xf32> to vector<1x16xf32>
        tpu.vector_store %arg11[%swap3A_275, %swap3A_276], %swap3A_279 {strides = array<i32>} : memref<80x128xf32, #tpu.memory_space<vmem>>, vector<1x16xf32>,
        %scan3A_280 = arith.constant 0 : i32
        scf.yield %scan3A_280 : i32
      }
      %scan3A_155 = arith.constant 80 : i32
      "tpu.region"() ({
        %run_scoped3A = tpu.sem_alloc : memref<!tpu.dma_semaphore, #tpu.memory_space<semaphore_mem>>
        %dma_start3A_166 = arith.constant 0 : i32
        %dma_start3A_167 = arith.constant 0 : i32
        %dma_start3A_168 = tpu.memref_slice %arg14[%dma_start3A_166, %dma_start3A_167] : memref<11520x128xf32, #tpu.memory_space<vmem_shared>> -> memref<11520x128xf32, #tpu.memory_space<vmem_shared>>
        tpu.enqueue_indirect_dma source(%arg11 : memref<80x128xf32, #tpu.memory_space<vmem>>) target(%dma_start3A_168 : memref<11520x128xf32, #tpu.memory_space<vmem_shared>>) offsets(%arg8 : memref<80xi32, #tpu.memory_space<vmem>>) semaphore(%run_scoped3A : memref<!tpu.dma_semaphore, #tpu.memory_space<semaphore_mem>>) {add = true}
        %dma_wait3A_169 = arith.constant 0 : i32
        %dma_wait3A_170 = arith.constant 0 : i32
        %dma_wait3A_171 = tpu.memref_slice %arg14[%dma_wait3A_169, %dma_wait3A_170] : memref<11520x128xf32, #tpu.memory_space<vmem_shared>> -> memref<11520x128xf32, #tpu.memory_space<vmem_shared>>
        tpu.wait_indirect_dma semaphore(%run_scoped3A : memref<!tpu.dma_semaphore, #tpu.memory_space<semaphore_mem>>) src(%arg11 : memref<80x128xf32, #tpu.memory_space<vmem>>) dst(%dma_wait3A_171 : memref<11520x128xf32, #tpu.memory_space<vmem_shared>>)
        tpu.yield
      }) : () -> ()
      %broadcast_in_dim3A_156 = arith.constant 1.000000e+00 : f32
      %broadcast_in_dim3A_157 = vector.broadcast %broadcast_in_dim3A_156 : f32 to vector<16xf32>
      %scan3A_158 = arith.constant 0 : i32
      %scan3A_159 = arith.constant 0 : i32
      %scan3A_160 = arith.constant 5 : i32
      %scan3A_161 = arith.addi %scan3A_159, %scan3A_160 : i32
      %scan3A_162 = arith.constant 1 : i32
      %scan3A_163 = scf.for %scan3A_166 = %scan3A_159 to %scan3A_161 step %scan3A_162 iter_args(%scan3A_167 = %scan3A_158) -> (i32)  : i32 {
        %mul3A_168 = arith.constant 16 : i32
        %mul3A_169 = arith.muli %scan3A_166, %mul3A_168 : i32
        %get3A_170 = arith.index_cast %mul3A_169 : i32 to index
        %get3A_171 = tpu.vector_load %arg8[%get3A_170] {strides = array<i32>} : memref<80xi32, #tpu.memory_space<vmem>>, vector<16xi32>,
        %get3A_172 = vector.shape_cast %get3A_171 : vector<16xi32> to vector<16xi32>
        %and3A = arith.constant 7 : i32
        %and3A_173 = vector.broadcast %and3A : i32 to vector<16xi32>
        %and3A_174 = arith.andi %get3A_172, %and3A_173 : vector<16xi32>
        %eq3A = arith.constant 0 : i32
        %eq3A_175 = vector.broadcast %eq3A : i32 to vector<16xi32>
        %eq3A_176 = arith.cmpi eq, %and3A_174, %eq3A_175 : vector<16xi32>
        %select_n3A = arith.select %eq3A_176, %broadcast_in_dim3A_157, %broadcast_in_dim3A_1 : vector<16xi1>, vector<16xf32>
        %eq3A_177 = arith.constant 1 : i32
        %eq3A_178 = vector.broadcast %eq3A_177 : i32 to vector<16xi32>
        %eq3A_179 = arith.cmpi eq, %and3A_174, %eq3A_178 : vector<16xi32>
        %select_n3A_180 = arith.select %eq3A_179, %broadcast_in_dim3A_157, %broadcast_in_dim3A_1 : vector<16xi1>, vector<16xf32>
        %eq3A_181 = arith.constant 2 : i32
        %eq3A_182 = vector.broadcast %eq3A_181 : i32 to vector<16xi32>
        %eq3A_183 = arith.cmpi eq, %and3A_174, %eq3A_182 : vector<16xi32>
        %select_n3A_184 = arith.select %eq3A_183, %broadcast_in_dim3A_157, %broadcast_in_dim3A_1 : vector<16xi1>, vector<16xf32>
        %eq3A_185 = arith.constant 3 : i32
        %eq3A_186 = vector.broadcast %eq3A_185 : i32 to vector<16xi32>
        %eq3A_187 = arith.cmpi eq, %and3A_174, %eq3A_186 : vector<16xi32>
        %select_n3A_188 = arith.select %eq3A_187, %broadcast_in_dim3A_157, %broadcast_in_dim3A_1 : vector<16xi1>, vector<16xf32>
        %eq3A_189 = arith.constant 4 : i32
        %eq3A_190 = vector.broadcast %eq3A_189 : i32 to vector<16xi32>
        %eq3A_191 = arith.cmpi eq, %and3A_174, %eq3A_190 : vector<16xi32>
        %select_n3A_192 = arith.select %eq3A_191, %broadcast_in_dim3A_157, %broadcast_in_dim3A_1 : vector<16xi1>, vector<16xf32>
        %eq3A_193 = arith.constant 5 : i32
        %eq3A_194 = vector.broadcast %eq3A_193 : i32 to vector<16xi32>
        %eq3A_195 = arith.cmpi eq, %and3A_174, %eq3A_194 : vector<16xi32>
        %select_n3A_196 = arith.select %eq3A_195, %broadcast_in_dim3A_157, %broadcast_in_dim3A_1 : vector<16xi1>, vector<16xf32>
        %eq3A_197 = arith.constant 6 : i32
        %eq3A_198 = vector.broadcast %eq3A_197 : i32 to vector<16xi32>
        %eq3A_199 = arith.cmpi eq, %and3A_174, %eq3A_198 : vector<16xi32>
        %select_n3A_200 = arith.select %eq3A_199, %broadcast_in_dim3A_157, %broadcast_in_dim3A_1 : vector<16xi1>, vector<16xf32>
        %eq3A_201 = arith.constant 7 : i32
        %eq3A_202 = vector.broadcast %eq3A_201 : i32 to vector<16xi32>
        %eq3A_203 = arith.cmpi eq, %and3A_174, %eq3A_202 : vector<16xi32>
        %select_n3A_204 = arith.select %eq3A_203, %broadcast_in_dim3A_157, %broadcast_in_dim3A_1 : vector<16xi1>, vector<16xf32>
        %mul3A_205 = arith.constant 16 : i32
        %mul3A_206 = arith.muli %scan3A_166, %mul3A_205 : i32
        %add3A_207 = arith.constant 0 : i32
        %add3A_208 = arith.addi %mul3A_206, %add3A_207 : i32
        %get3A_209 = arith.index_cast %add3A_208 : i32 to index
        %get3A_210 = arith.constant 0 : index
        %get3A_211 = tpu.vector_load %arg13[%get3A_209, %get3A_210] {strides = array<i32>} : memref<80x16xf32, #tpu.memory_space<vmem>>, vector<1x16xf32>,
        %get3A_212 = vector.shape_cast %get3A_211 : vector<1x16xf32> to vector<16xf32>
        %broadcast_in_dim3A_213 = arith.constant 0 : i32
        %broadcast_in_dim3A_214 = vector.broadcast %broadcast_in_dim3A_213 : i32 to vector<16x1xi32>
        %gather3A = vector.shape_cast %broadcast_in_dim3A_214 : vector<16x1xi32> to vector<16xi32>
        %gather3A_215 = tpu.dynamic_gather %select_n3A[%gather3A] in [0] : vector<16xf32>, vector<16xi32> -> vector<16xf32>
        %mul3A_216 = arith.mulf %gather3A_215, %get3A_212 : vector<16xf32>
        %swap3A_217 = arith.index_cast %add3A_208 : i32 to index
        %swap3A_218 = arith.constant 0 : index
        %swap3A_219 = tpu.vector_load %arg12[%swap3A_217, %swap3A_218] {strides = array<i32>} : memref<80x128xf32, #tpu.memory_space<vmem>>, vector<1x16xf32>,
        %swap3A_220 = vector.shape_cast %swap3A_219 : vector<1x16xf32> to vector<16xf32>
        %swap3A_221 = vector.shape_cast %mul3A_216 : vector<16xf32> to vector<1x16xf32>
        tpu.vector_store %arg12[%swap3A_217, %swap3A_218], %swap3A_221 {strides = array<i32>} : memref<80x128xf32, #tpu.memory_space<vmem>>, vector<1x16xf32>,
        %broadcast_in_dim3A_222 = arith.constant 0 : i32
        %broadcast_in_dim3A_223 = vector.broadcast %broadcast_in_dim3A_222 : i32 to vector<16x1xi32>
        %gather3A_224 = vector.shape_cast %broadcast_in_dim3A_223 : vector<16x1xi32> to vector<16xi32>
        %gather3A_225 = tpu.dynamic_gather %select_n3A_180[%gather3A_224] in [0] : vector<16xf32>, vector<16xi32> -> vector<16xf32>
        %mul3A_226 = arith.mulf %gather3A_225, %get3A_212 : vector<16xf32>
        %swap3A_227 = arith.index_cast %add3A_208 : i32 to index
        %swap3A_228 = arith.constant 16 : index
        %swap3A_229 = tpu.vector_load %arg12[%swap3A_227, %swap3A_228] {strides = array<i32>} : memref<80x128xf32, #tpu.memory_space<vmem>>, vector<1x16xf32>,
        %swap3A_230 = vector.shape_cast %swap3A_229 : vector<1x16xf32> to vector<16xf32>
        %swap3A_231 = vector.shape_cast %mul3A_226 : vector<16xf32> to vector<1x16xf32>
        tpu.vector_store %arg12[%swap3A_227, %swap3A_228], %swap3A_231 {strides = array<i32>} : memref<80x128xf32, #tpu.memory_space<vmem>>, vector<1x16xf32>,
        %broadcast_in_dim3A_232 = arith.constant 0 : i32
        %broadcast_in_dim3A_233 = vector.broadcast %broadcast_in_dim3A_232 : i32 to vector<16x1xi32>
        %gather3A_234 = vector.shape_cast %broadcast_in_dim3A_233 : vector<16x1xi32> to vector<16xi32>
        %gather3A_235 = tpu.dynamic_gather %select_n3A_184[%gather3A_234] in [0] : vector<16xf32>, vector<16xi32> -> vector<16xf32>
        %mul3A_236 = arith.mulf %gather3A_235, %get3A_212 : vector<16xf32>
        %swap3A_237 = arith.index_cast %add3A_208 : i32 to index
        %swap3A_238 = arith.constant 32 : index
        %swap3A_239 = tpu.vector_load %arg12[%swap3A_237, %swap3A_238] {strides = array<i32>} : memref<80x128xf32, #tpu.memory_space<vmem>>, vector<1x16xf32>,
        %swap3A_240 = vector.shape_cast %swap3A_239 : vector<1x16xf32> to vector<16xf32>
        %swap3A_241 = vector.shape_cast %mul3A_236 : vector<16xf32> to vector<1x16xf32>
        tpu.vector_store %arg12[%swap3A_237, %swap3A_238], %swap3A_241 {strides = array<i32>} : memref<80x128xf32, #tpu.memory_space<vmem>>, vector<1x16xf32>,
        %broadcast_in_dim3A_242 = arith.constant 0 : i32
        %broadcast_in_dim3A_243 = vector.broadcast %broadcast_in_dim3A_242 : i32 to vector<16x1xi32>
        %gather3A_244 = vector.shape_cast %broadcast_in_dim3A_243 : vector<16x1xi32> to vector<16xi32>
        %gather3A_245 = tpu.dynamic_gather %select_n3A_188[%gather3A_244] in [0] : vector<16xf32>, vector<16xi32> -> vector<16xf32>
        %mul3A_246 = arith.mulf %gather3A_245, %get3A_212 : vector<16xf32>
        %swap3A_247 = arith.index_cast %add3A_208 : i32 to index
        %swap3A_248 = arith.constant 48 : index
        %swap3A_249 = tpu.vector_load %arg12[%swap3A_247, %swap3A_248] {strides = array<i32>} : memref<80x128xf32, #tpu.memory_space<vmem>>, vector<1x16xf32>,
        %swap3A_250 = vector.shape_cast %swap3A_249 : vector<1x16xf32> to vector<16xf32>
        %swap3A_251 = vector.shape_cast %mul3A_246 : vector<16xf32> to vector<1x16xf32>
        tpu.vector_store %arg12[%swap3A_247, %swap3A_248], %swap3A_251 {strides = array<i32>} : memref<80x128xf32, #tpu.memory_space<vmem>>, vector<1x16xf32>,
        %broadcast_in_dim3A_252 = arith.constant 0 : i32
        %broadcast_in_dim3A_253 = vector.broadcast %broadcast_in_dim3A_252 : i32 to vector<16x1xi32>
        %gather3A_254 = vector.shape_cast %broadcast_in_dim3A_253 : vector<16x1xi32> to vector<16xi32>
        %gather3A_255 = tpu.dynamic_gather %select_n3A_192[%gather3A_254] in [0] : vector<16xf32>, vector<16xi32> -> vector<16xf32>
        %mul3A_256 = arith.mulf %gather3A_255, %get3A_212 : vector<16xf32>
        %swap3A_257 = arith.index_cast %add3A_208 : i32 to index
        %swap3A_258 = arith.constant 64 : index
        %swap3A_259 = tpu.vector_load %arg12[%swap3A_257, %swap3A_258] {strides = array<i32>} : memref<80x128xf32, #tpu.memory_space<vmem>>, vector<1x16xf32>,
        %swap3A_260 = vector.shape_cast %swap3A_259 : vector<1x16xf32> to vector<16xf32>
        %swap3A_261 = vector.shape_cast %mul3A_256 : vector<16xf32> to vector<1x16xf32>
        tpu.vector_store %arg12[%swap3A_257, %swap3A_258], %swap3A_261 {strides = array<i32>} : memref<80x128xf32, #tpu.memory_space<vmem>>, vector<1x16xf32>,
        %broadcast_in_dim3A_262 = arith.constant 0 : i32
        %broadcast_in_dim3A_263 = vector.broadcast %broadcast_in_dim3A_262 : i32 to vector<16x1xi32>
        %gather3A_264 = vector.shape_cast %broadcast_in_dim3A_263 : vector<16x1xi32> to vector<16xi32>
        %gather3A_265 = tpu.dynamic_gather %select_n3A_196[%gather3A_264] in [0] : vector<16xf32>, vector<16xi32> -> vector<16xf32>
        %mul3A_266 = arith.mulf %gather3A_265, %get3A_212 : vector<16xf32>
        %swap3A_267 = arith.index_cast %add3A_208 : i32 to index
        %swap3A_268 = arith.constant 80 : index
        %swap3A_269 = tpu.vector_load %arg12[%swap3A_267, %swap3A_268] {strides = array<i32>} : memref<80x128xf32, #tpu.memory_space<vmem>>, vector<1x16xf32>,
        %swap3A_270 = vector.shape_cast %swap3A_269 : vector<1x16xf32> to vector<16xf32>
        %swap3A_271 = vector.shape_cast %mul3A_266 : vector<16xf32> to vector<1x16xf32>
        tpu.vector_store %arg12[%swap3A_267, %swap3A_268], %swap3A_271 {strides = array<i32>} : memref<80x128xf32, #tpu.memory_space<vmem>>, vector<1x16xf32>,
        %broadcast_in_dim3A_272 = arith.constant 0 : i32
        %broadcast_in_dim3A_273 = vector.broadcast %broadcast_in_dim3A_272 : i32 to vector<16x1xi32>
        %gather3A_274 = vector.shape_cast %broadcast_in_dim3A_273 : vector<16x1xi32> to vector<16xi32>
        %gather3A_275 = tpu.dynamic_gather %select_n3A_200[%gather3A_274] in [0] : vector<16xf32>, vector<16xi32> -> vector<16xf32>
        %mul3A_276 = arith.mulf %gather3A_275, %get3A_212 : vector<16xf32>
        %swap3A_277 = arith.index_cast %add3A_208 : i32 to index
        %swap3A_278 = arith.constant 96 : index
        %swap3A_279 = tpu.vector_load %arg12[%swap3A_277, %swap3A_278] {strides = array<i32>} : memref<80x128xf32, #tpu.memory_space<vmem>>, vector<1x16xf32>,
        %swap3A_280 = vector.shape_cast %swap3A_279 : vector<1x16xf32> to vector<16xf32>
        %swap3A_281 = vector.shape_cast %mul3A_276 : vector<16xf32> to vector<1x16xf32>
        tpu.vector_store %arg12[%swap3A_277, %swap3A_278], %swap3A_281 {strides = array<i32>} : memref<80x128xf32, #tpu.memory_space<vmem>>, vector<1x16xf32>,
        %broadcast_in_dim3A_282 = arith.constant 0 : i32
        %broadcast_in_dim3A_283 = vector.broadcast %broadcast_in_dim3A_282 : i32 to vector<16x1xi32>
        %gather3A_284 = vector.shape_cast %broadcast_in_dim3A_283 : vector<16x1xi32> to vector<16xi32>
        %gather3A_285 = tpu.dynamic_gather %select_n3A_204[%gather3A_284] in [0] : vector<16xf32>, vector<16xi32> -> vector<16xf32>
        %mul3A_286 = arith.mulf %gather3A_285, %get3A_212 : vector<16xf32>
        %swap3A_287 = arith.index_cast %add3A_208 : i32 to index
        %swap3A_288 = arith.constant 112 : index
        %swap3A_289 = tpu.vector_load %arg12[%swap3A_287, %swap3A_288] {strides = array<i32>} : memref<80x128xf32, #tpu.memory_space<vmem>>, vector<1x16xf32>,
        %swap3A_290 = vector.shape_cast %swap3A_289 : vector<1x16xf32> to vector<16xf32>
        %swap3A_291 = vector.shape_cast %mul3A_286 : vector<16xf32> to vector<1x16xf32>
        tpu.vector_store %arg12[%swap3A_287, %swap3A_288], %swap3A_291 {strides = array<i32>} : memref<80x128xf32, #tpu.memory_space<vmem>>, vector<1x16xf32>,
        %mul3A_292 = arith.constant 16 : i32
        %mul3A_293 = arith.muli %scan3A_166, %mul3A_292 : i32
        %add3A_294 = arith.constant 1 : i32
        %add3A_295 = arith.addi %mul3A_293, %add3A_294 : i32
        %get3A_296 = arith.index_cast %add3A_295 : i32 to index
        %get3A_297 = arith.constant 0 : index
        %get3A_298 = tpu.vector_load %arg13[%get3A_296, %get3A_297] {strides = array<i32>} : memref<80x16xf32, #tpu.memory_space<vmem>>, vector<1x16xf32>,
        %get3A_299 = vector.shape_cast %get3A_298 : vector<1x16xf32> to vector<16xf32>
        %broadcast_in_dim3A_300 = arith.constant 1 : i32
        %broadcast_in_dim3A_301 = vector.broadcast %broadcast_in_dim3A_300 : i32 to vector<16x1xi32>
        %gather3A_302 = vector.shape_cast %broadcast_in_dim3A_301 : vector<16x1xi32> to vector<16xi32>
        %gather3A_303 = tpu.dynamic_gather %select_n3A[%gather3A_302] in [0] : vector<16xf32>, vector<16xi32> -> vector<16xf32>
        %mul3A_304 = arith.mulf %gather3A_303, %get3A_299 : vector<16xf32>
        %swap3A_305 = arith.index_cast %add3A_295 : i32 to index
        %swap3A_306 = arith.constant 0 : index
        %swap3A_307 = tpu.vector_load %arg12[%swap3A_305, %swap3A_306] {strides = array<i32>} : memref<80x128xf32, #tpu.memory_space<vmem>>, vector<1x16xf32>,
        %swap3A_308 = vector.shape_cast %swap3A_307 : vector<1x16xf32> to vector<16xf32>
        %swap3A_309 = vector.shape_cast %mul3A_304 : vector<16xf32> to vector<1x16xf32>
        tpu.vector_store %arg12[%swap3A_305, %swap3A_306], %swap3A_309 {strides = array<i32>} : memref<80x128xf32, #tpu.memory_space<vmem>>, vector<1x16xf32>,
        %broadcast_in_dim3A_310 = arith.constant 1 : i32
        %broadcast_in_dim3A_311 = vector.broadcast %broadcast_in_dim3A_310 : i32 to vector<16x1xi32>
        %gather3A_312 = vector.shape_cast %broadcast_in_dim3A_311 : vector<16x1xi32> to vector<16xi32>
        %gather3A_313 = tpu.dynamic_gather %select_n3A_180[%gather3A_312] in [0] : vector<16xf32>, vector<16xi32> -> vector<16xf32>
        %mul3A_314 = arith.mulf %gather3A_313, %get3A_299 : vector<16xf32>
        %swap3A_315 = arith.index_cast %add3A_295 : i32 to index
        %swap3A_316 = arith.constant 16 : index
        %swap3A_317 = tpu.vector_load %arg12[%swap3A_315, %swap3A_316] {strides = array<i32>} : memref<80x128xf32, #tpu.memory_space<vmem>>, vector<1x16xf32>,
        %swap3A_318 = vector.shape_cast %swap3A_317 : vector<1x16xf32> to vector<16xf32>
        %swap3A_319 = vector.shape_cast %mul3A_314 : vector<16xf32> to vector<1x16xf32>
        tpu.vector_store %arg12[%swap3A_315, %swap3A_316], %swap3A_319 {strides = array<i32>} : memref<80x128xf32, #tpu.memory_space<vmem>>, vector<1x16xf32>,
        %broadcast_in_dim3A_320 = arith.constant 1 : i32
        %broadcast_in_dim3A_321 = vector.broadcast %broadcast_in_dim3A_320 : i32 to vector<16x1xi32>
        %gather3A_322 = vector.shape_cast %broadcast_in_dim3A_321 : vector<16x1xi32> to vector<16xi32>
        %gather3A_323 = tpu.dynamic_gather %select_n3A_184[%gather3A_322] in [0] : vector<16xf32>, vector<16xi32> -> vector<16xf32>
        %mul3A_324 = arith.mulf %gather3A_323, %get3A_299 : vector<16xf32>
        %swap3A_325 = arith.index_cast %add3A_295 : i32 to index
        %swap3A_326 = arith.constant 32 : index
        %swap3A_327 = tpu.vector_load %arg12[%swap3A_325, %swap3A_326] {strides = array<i32>} : memref<80x128xf32, #tpu.memory_space<vmem>>, vector<1x16xf32>,
        %swap3A_328 = vector.shape_cast %swap3A_327 : vector<1x16xf32> to vector<16xf32>
        %swap3A_329 = vector.shape_cast %mul3A_324 : vector<16xf32> to vector<1x16xf32>
        tpu.vector_store %arg12[%swap3A_325, %swap3A_326], %swap3A_329 {strides = array<i32>} : memref<80x128xf32, #tpu.memory_space<vmem>>, vector<1x16xf32>,
        %broadcast_in_dim3A_330 = arith.constant 1 : i32
        %broadcast_in_dim3A_331 = vector.broadcast %broadcast_in_dim3A_330 : i32 to vector<16x1xi32>
        %gather3A_332 = vector.shape_cast %broadcast_in_dim3A_331 : vector<16x1xi32> to vector<16xi32>
        %gather3A_333 = tpu.dynamic_gather %select_n3A_188[%gather3A_332] in [0] : vector<16xf32>, vector<16xi32> -> vector<16xf32>
        %mul3A_334 = arith.mulf %gather3A_333, %get3A_299 : vector<16xf32>
        %swap3A_335 = arith.index_cast %add3A_295 : i32 to index
        %swap3A_336 = arith.constant 48 : index
        %swap3A_337 = tpu.vector_load %arg12[%swap3A_335, %swap3A_336] {strides = array<i32>} : memref<80x128xf32, #tpu.memory_space<vmem>>, vector<1x16xf32>,
        %swap3A_338 = vector.shape_cast %swap3A_337 : vector<1x16xf32> to vector<16xf32>
        %swap3A_339 = vector.shape_cast %mul3A_334 : vector<16xf32> to vector<1x16xf32>
        tpu.vector_store %arg12[%swap3A_335, %swap3A_336], %swap3A_339 {strides = array<i32>} : memref<80x128xf32, #tpu.memory_space<vmem>>, vector<1x16xf32>,
        %broadcast_in_dim3A_340 = arith.constant 1 : i32
        %broadcast_in_dim3A_341 = vector.broadcast %broadcast_in_dim3A_340 : i32 to vector<16x1xi32>
        %gather3A_342 = vector.shape_cast %broadcast_in_dim3A_341 : vector<16x1xi32> to vector<16xi32>
        %gather3A_343 = tpu.dynamic_gather %select_n3A_192[%gather3A_342] in [0] : vector<16xf32>, vector<16xi32> -> vector<16xf32>
        %mul3A_344 = arith.mulf %gather3A_343, %get3A_299 : vector<16xf32>
        %swap3A_345 = arith.index_cast %add3A_295 : i32 to index
        %swap3A_346 = arith.constant 64 : index
        %swap3A_347 = tpu.vector_load %arg12[%swap3A_345, %swap3A_346] {strides = array<i32>} : memref<80x128xf32, #tpu.memory_space<vmem>>, vector<1x16xf32>,
        %swap3A_348 = vector.shape_cast %swap3A_347 : vector<1x16xf32> to vector<16xf32>
        %swap3A_349 = vector.shape_cast %mul3A_344 : vector<16xf32> to vector<1x16xf32>
        tpu.vector_store %arg12[%swap3A_345, %swap3A_346], %swap3A_349 {strides = array<i32>} : memref<80x128xf32, #tpu.memory_space<vmem>>, vector<1x16xf32>,
        %broadcast_in_dim3A_350 = arith.constant 1 : i32
        %broadcast_in_dim3A_351 = vector.broadcast %broadcast_in_dim3A_350 : i32 to vector<16x1xi32>
        %gather3A_352 = vector.shape_cast %broadcast_in_dim3A_351 : vector<16x1xi32> to vector<16xi32>
        %gather3A_353 = tpu.dynamic_gather %select_n3A_196[%gather3A_352] in [0] : vector<16xf32>, vector<16xi32> -> vector<16xf32>
        %mul3A_354 = arith.mulf %gather3A_353, %get3A_299 : vector<16xf32>
        %swap3A_355 = arith.index_cast %add3A_295 : i32 to index
        %swap3A_356 = arith.constant 80 : index
        %swap3A_357 = tpu.vector_load %arg12[%swap3A_355, %swap3A_356] {strides = array<i32>} : memref<80x128xf32, #tpu.memory_space<vmem>>, vector<1x16xf32>,
        %swap3A_358 = vector.shape_cast %swap3A_357 : vector<1x16xf32> to vector<16xf32>
        %swap3A_359 = vector.shape_cast %mul3A_354 : vector<16xf32> to vector<1x16xf32>
        tpu.vector_store %arg12[%swap3A_355, %swap3A_356], %swap3A_359 {strides = array<i32>} : memref<80x128xf32, #tpu.memory_space<vmem>>, vector<1x16xf32>,
        %broadcast_in_dim3A_360 = arith.constant 1 : i32
        %broadcast_in_dim3A_361 = vector.broadcast %broadcast_in_dim3A_360 : i32 to vector<16x1xi32>
        %gather3A_362 = vector.shape_cast %broadcast_in_dim3A_361 : vector<16x1xi32> to vector<16xi32>
        %gather3A_363 = tpu.dynamic_gather %select_n3A_200[%gather3A_362] in [0] : vector<16xf32>, vector<16xi32> -> vector<16xf32>
        %mul3A_364 = arith.mulf %gather3A_363, %get3A_299 : vector<16xf32>
        %swap3A_365 = arith.index_cast %add3A_295 : i32 to index
        %swap3A_366 = arith.constant 96 : index
        %swap3A_367 = tpu.vector_load %arg12[%swap3A_365, %swap3A_366] {strides = array<i32>} : memref<80x128xf32, #tpu.memory_space<vmem>>, vector<1x16xf32>,
        %swap3A_368 = vector.shape_cast %swap3A_367 : vector<1x16xf32> to vector<16xf32>
        %swap3A_369 = vector.shape_cast %mul3A_364 : vector<16xf32> to vector<1x16xf32>
        tpu.vector_store %arg12[%swap3A_365, %swap3A_366], %swap3A_369 {strides = array<i32>} : memref<80x128xf32, #tpu.memory_space<vmem>>, vector<1x16xf32>,
        %broadcast_in_dim3A_370 = arith.constant 1 : i32
        %broadcast_in_dim3A_371 = vector.broadcast %broadcast_in_dim3A_370 : i32 to vector<16x1xi32>
        %gather3A_372 = vector.shape_cast %broadcast_in_dim3A_371 : vector<16x1xi32> to vector<16xi32>
        %gather3A_373 = tpu.dynamic_gather %select_n3A_204[%gather3A_372] in [0] : vector<16xf32>, vector<16xi32> -> vector<16xf32>
        %mul3A_374 = arith.mulf %gather3A_373, %get3A_299 : vector<16xf32>
        %swap3A_375 = arith.index_cast %add3A_295 : i32 to index
        %swap3A_376 = arith.constant 112 : index
        %swap3A_377 = tpu.vector_load %arg12[%swap3A_375, %swap3A_376] {strides = array<i32>} : memref<80x128xf32, #tpu.memory_space<vmem>>, vector<1x16xf32>,
        %swap3A_378 = vector.shape_cast %swap3A_377 : vector<1x16xf32> to vector<16xf32>
        %swap3A_379 = vector.shape_cast %mul3A_374 : vector<16xf32> to vector<1x16xf32>
        tpu.vector_store %arg12[%swap3A_375, %swap3A_376], %swap3A_379 {strides = array<i32>} : memref<80x128xf32, #tpu.memory_space<vmem>>, vector<1x16xf32>,
        %mul3A_380 = arith.constant 16 : i32
        %mul3A_381 = arith.muli %scan3A_166, %mul3A_380 : i32
        %add3A_382 = arith.constant 2 : i32
        %add3A_383 = arith.addi %mul3A_381, %add3A_382 : i32
        %get3A_384 = arith.index_cast %add3A_383 : i32 to index
        %get3A_385 = arith.constant 0 : index
        %get3A_386 = tpu.vector_load %arg13[%get3A_384, %get3A_385] {strides = array<i32>} : memref<80x16xf32, #tpu.memory_space<vmem>>, vector<1x16xf32>,
        %get3A_387 = vector.shape_cast %get3A_386 : vector<1x16xf32> to vector<16xf32>
        %broadcast_in_dim3A_388 = arith.constant 2 : i32
        %broadcast_in_dim3A_389 = vector.broadcast %broadcast_in_dim3A_388 : i32 to vector<16x1xi32>
        %gather3A_390 = vector.shape_cast %broadcast_in_dim3A_389 : vector<16x1xi32> to vector<16xi32>
        %gather3A_391 = tpu.dynamic_gather %select_n3A[%gather3A_390] in [0] : vector<16xf32>, vector<16xi32> -> vector<16xf32>
        %mul3A_392 = arith.mulf %gather3A_391, %get3A_387 : vector<16xf32>
        %swap3A_393 = arith.index_cast %add3A_383 : i32 to index
        %swap3A_394 = arith.constant 0 : index
        %swap3A_395 = tpu.vector_load %arg12[%swap3A_393, %swap3A_394] {strides = array<i32>} : memref<80x128xf32, #tpu.memory_space<vmem>>, vector<1x16xf32>,
        %swap3A_396 = vector.shape_cast %swap3A_395 : vector<1x16xf32> to vector<16xf32>
        %swap3A_397 = vector.shape_cast %mul3A_392 : vector<16xf32> to vector<1x16xf32>
        tpu.vector_store %arg12[%swap3A_393, %swap3A_394], %swap3A_397 {strides = array<i32>} : memref<80x128xf32, #tpu.memory_space<vmem>>, vector<1x16xf32>,
        %broadcast_in_dim3A_398 = arith.constant 2 : i32
        %broadcast_in_dim3A_399 = vector.broadcast %broadcast_in_dim3A_398 : i32 to vector<16x1xi32>
        %gather3A_400 = vector.shape_cast %broadcast_in_dim3A_399 : vector<16x1xi32> to vector<16xi32>
        %gather3A_401 = tpu.dynamic_gather %select_n3A_180[%gather3A_400] in [0] : vector<16xf32>, vector<16xi32> -> vector<16xf32>
        %mul3A_402 = arith.mulf %gather3A_401, %get3A_387 : vector<16xf32>
        %swap3A_403 = arith.index_cast %add3A_383 : i32 to index
        %swap3A_404 = arith.constant 16 : index
        %swap3A_405 = tpu.vector_load %arg12[%swap3A_403, %swap3A_404] {strides = array<i32>} : memref<80x128xf32, #tpu.memory_space<vmem>>, vector<1x16xf32>,
        %swap3A_406 = vector.shape_cast %swap3A_405 : vector<1x16xf32> to vector<16xf32>
        %swap3A_407 = vector.shape_cast %mul3A_402 : vector<16xf32> to vector<1x16xf32>
        tpu.vector_store %arg12[%swap3A_403, %swap3A_404], %swap3A_407 {strides = array<i32>} : memref<80x128xf32, #tpu.memory_space<vmem>>, vector<1x16xf32>,
        %broadcast_in_dim3A_408 = arith.constant 2 : i32
        %broadcast_in_dim3A_409 = vector.broadcast %broadcast_in_dim3A_408 : i32 to vector<16x1xi32>
        %gather3A_410 = vector.shape_cast %broadcast_in_dim3A_409 : vector<16x1xi32> to vector<16xi32>
        %gather3A_411 = tpu.dynamic_gather %select_n3A_184[%gather3A_410] in [0] : vector<16xf32>, vector<16xi32> -> vector<16xf32>
        %mul3A_412 = arith.mulf %gather3A_411, %get3A_387 : vector<16xf32>
        %swap3A_413 = arith.index_cast %add3A_383 : i32 to index
        %swap3A_414 = arith.constant 32 : index
        %swap3A_415 = tpu.vector_load %arg12[%swap3A_413, %swap3A_414] {strides = array<i32>} : memref<80x128xf32, #tpu.memory_space<vmem>>, vector<1x16xf32>,
        %swap3A_416 = vector.shape_cast %swap3A_415 : vector<1x16xf32> to vector<16xf32>
        %swap3A_417 = vector.shape_cast %mul3A_412 : vector<16xf32> to vector<1x16xf32>
        tpu.vector_store %arg12[%swap3A_413, %swap3A_414], %swap3A_417 {strides = array<i32>} : memref<80x128xf32, #tpu.memory_space<vmem>>, vector<1x16xf32>,
        %broadcast_in_dim3A_418 = arith.constant 2 : i32
        %broadcast_in_dim3A_419 = vector.broadcast %broadcast_in_dim3A_418 : i32 to vector<16x1xi32>
        %gather3A_420 = vector.shape_cast %broadcast_in_dim3A_419 : vector<16x1xi32> to vector<16xi32>
        %gather3A_421 = tpu.dynamic_gather %select_n3A_188[%gather3A_420] in [0] : vector<16xf32>, vector<16xi32> -> vector<16xf32>
        %mul3A_422 = arith.mulf %gather3A_421, %get3A_387 : vector<16xf32>
        %swap3A_423 = arith.index_cast %add3A_383 : i32 to index
        %swap3A_424 = arith.constant 48 : index
        %swap3A_425 = tpu.vector_load %arg12[%swap3A_423, %swap3A_424] {strides = array<i32>} : memref<80x128xf32, #tpu.memory_space<vmem>>, vector<1x16xf32>,
        %swap3A_426 = vector.shape_cast %swap3A_425 : vector<1x16xf32> to vector<16xf32>
        %swap3A_427 = vector.shape_cast %mul3A_422 : vector<16xf32> to vector<1x16xf32>
        tpu.vector_store %arg12[%swap3A_423, %swap3A_424], %swap3A_427 {strides = array<i32>} : memref<80x128xf32, #tpu.memory_space<vmem>>, vector<1x16xf32>,
        %broadcast_in_dim3A_428 = arith.constant 2 : i32
        %broadcast_in_dim3A_429 = vector.broadcast %broadcast_in_dim3A_428 : i32 to vector<16x1xi32>
        %gather3A_430 = vector.shape_cast %broadcast_in_dim3A_429 : vector<16x1xi32> to vector<16xi32>
        %gather3A_431 = tpu.dynamic_gather %select_n3A_192[%gather3A_430] in [0] : vector<16xf32>, vector<16xi32> -> vector<16xf32>
        %mul3A_432 = arith.mulf %gather3A_431, %get3A_387 : vector<16xf32>
        %swap3A_433 = arith.index_cast %add3A_383 : i32 to index
        %swap3A_434 = arith.constant 64 : index
        %swap3A_435 = tpu.vector_load %arg12[%swap3A_433, %swap3A_434] {strides = array<i32>} : memref<80x128xf32, #tpu.memory_space<vmem>>, vector<1x16xf32>,
        %swap3A_436 = vector.shape_cast %swap3A_435 : vector<1x16xf32> to vector<16xf32>
        %swap3A_437 = vector.shape_cast %mul3A_432 : vector<16xf32> to vector<1x16xf32>
        tpu.vector_store %arg12[%swap3A_433, %swap3A_434], %swap3A_437 {strides = array<i32>} : memref<80x128xf32, #tpu.memory_space<vmem>>, vector<1x16xf32>,
        %broadcast_in_dim3A_438 = arith.constant 2 : i32
        %broadcast_in_dim3A_439 = vector.broadcast %broadcast_in_dim3A_438 : i32 to vector<16x1xi32>
        %gather3A_440 = vector.shape_cast %broadcast_in_dim3A_439 : vector<16x1xi32> to vector<16xi32>
        %gather3A_441 = tpu.dynamic_gather %select_n3A_196[%gather3A_440] in [0] : vector<16xf32>, vector<16xi32> -> vector<16xf32>
        %mul3A_442 = arith.mulf %gather3A_441, %get3A_387 : vector<16xf32>
        %swap3A_443 = arith.index_cast %add3A_383 : i32 to index
        %swap3A_444 = arith.constant 80 : index
        %swap3A_445 = tpu.vector_load %arg12[%swap3A_443, %swap3A_444] {strides = array<i32>} : memref<80x128xf32, #tpu.memory_space<vmem>>, vector<1x16xf32>,
        %swap3A_446 = vector.shape_cast %swap3A_445 : vector<1x16xf32> to vector<16xf32>
        %swap3A_447 = vector.shape_cast %mul3A_442 : vector<16xf32> to vector<1x16xf32>
        tpu.vector_store %arg12[%swap3A_443, %swap3A_444], %swap3A_447 {strides = array<i32>} : memref<80x128xf32, #tpu.memory_space<vmem>>, vector<1x16xf32>,
        %broadcast_in_dim3A_448 = arith.constant 2 : i32
        %broadcast_in_dim3A_449 = vector.broadcast %broadcast_in_dim3A_448 : i32 to vector<16x1xi32>
        %gather3A_450 = vector.shape_cast %broadcast_in_dim3A_449 : vector<16x1xi32> to vector<16xi32>
        %gather3A_451 = tpu.dynamic_gather %select_n3A_200[%gather3A_450] in [0] : vector<16xf32>, vector<16xi32> -> vector<16xf32>
        %mul3A_452 = arith.mulf %gather3A_451, %get3A_387 : vector<16xf32>
        %swap3A_453 = arith.index_cast %add3A_383 : i32 to index
        %swap3A_454 = arith.constant 96 : index
        %swap3A_455 = tpu.vector_load %arg12[%swap3A_453, %swap3A_454] {strides = array<i32>} : memref<80x128xf32, #tpu.memory_space<vmem>>, vector<1x16xf32>,
        %swap3A_456 = vector.shape_cast %swap3A_455 : vector<1x16xf32> to vector<16xf32>
        %swap3A_457 = vector.shape_cast %mul3A_452 : vector<16xf32> to vector<1x16xf32>
        tpu.vector_store %arg12[%swap3A_453, %swap3A_454], %swap3A_457 {strides = array<i32>} : memref<80x128xf32, #tpu.memory_space<vmem>>, vector<1x16xf32>,
        %broadcast_in_dim3A_458 = arith.constant 2 : i32
        %broadcast_in_dim3A_459 = vector.broadcast %broadcast_in_dim3A_458 : i32 to vector<16x1xi32>
        %gather3A_460 = vector.shape_cast %broadcast_in_dim3A_459 : vector<16x1xi32> to vector<16xi32>
        %gather3A_461 = tpu.dynamic_gather %select_n3A_204[%gather3A_460] in [0] : vector<16xf32>, vector<16xi32> -> vector<16xf32>
        %mul3A_462 = arith.mulf %gather3A_461, %get3A_387 : vector<16xf32>
        %swap3A_463 = arith.index_cast %add3A_383 : i32 to index
        %swap3A_464 = arith.constant 112 : index
        %swap3A_465 = tpu.vector_load %arg12[%swap3A_463, %swap3A_464] {strides = array<i32>} : memref<80x128xf32, #tpu.memory_space<vmem>>, vector<1x16xf32>,
        %swap3A_466 = vector.shape_cast %swap3A_465 : vector<1x16xf32> to vector<16xf32>
        %swap3A_467 = vector.shape_cast %mul3A_462 : vector<16xf32> to vector<1x16xf32>
        tpu.vector_store %arg12[%swap3A_463, %swap3A_464], %swap3A_467 {strides = array<i32>} : memref<80x128xf32, #tpu.memory_space<vmem>>, vector<1x16xf32>,
        %mul3A_468 = arith.constant 16 : i32
        %mul3A_469 = arith.muli %scan3A_166, %mul3A_468 : i32
        %add3A_470 = arith.constant 3 : i32
        %add3A_471 = arith.addi %mul3A_469, %add3A_470 : i32
        %get3A_472 = arith.index_cast %add3A_471 : i32 to index
        %get3A_473 = arith.constant 0 : index
        %get3A_474 = tpu.vector_load %arg13[%get3A_472, %get3A_473] {strides = array<i32>} : memref<80x16xf32, #tpu.memory_space<vmem>>, vector<1x16xf32>,
        %get3A_475 = vector.shape_cast %get3A_474 : vector<1x16xf32> to vector<16xf32>
        %broadcast_in_dim3A_476 = arith.constant 3 : i32
        %broadcast_in_dim3A_477 = vector.broadcast %broadcast_in_dim3A_476 : i32 to vector<16x1xi32>
        %gather3A_478 = vector.shape_cast %broadcast_in_dim3A_477 : vector<16x1xi32> to vector<16xi32>
        %gather3A_479 = tpu.dynamic_gather %select_n3A[%gather3A_478] in [0] : vector<16xf32>, vector<16xi32> -> vector<16xf32>
        %mul3A_480 = arith.mulf %gather3A_479, %get3A_475 : vector<16xf32>
        %swap3A_481 = arith.index_cast %add3A_471 : i32 to index
        %swap3A_482 = arith.constant 0 : index
        %swap3A_483 = tpu.vector_load %arg12[%swap3A_481, %swap3A_482] {strides = array<i32>} : memref<80x128xf32, #tpu.memory_space<vmem>>, vector<1x16xf32>,
        %swap3A_484 = vector.shape_cast %swap3A_483 : vector<1x16xf32> to vector<16xf32>
        %swap3A_485 = vector.shape_cast %mul3A_480 : vector<16xf32> to vector<1x16xf32>
        tpu.vector_store %arg12[%swap3A_481, %swap3A_482], %swap3A_485 {strides = array<i32>} : memref<80x128xf32, #tpu.memory_space<vmem>>, vector<1x16xf32>,
        %broadcast_in_dim3A_486 = arith.constant 3 : i32
        %broadcast_in_dim3A_487 = vector.broadcast %broadcast_in_dim3A_486 : i32 to vector<16x1xi32>
        %gather3A_488 = vector.shape_cast %broadcast_in_dim3A_487 : vector<16x1xi32> to vector<16xi32>
        %gather3A_489 = tpu.dynamic_gather %select_n3A_180[%gather3A_488] in [0] : vector<16xf32>, vector<16xi32> -> vector<16xf32>
        %mul3A_490 = arith.mulf %gather3A_489, %get3A_475 : vector<16xf32>
        %swap3A_491 = arith.index_cast %add3A_471 : i32 to index
        %swap3A_492 = arith.constant 16 : index
        %swap3A_493 = tpu.vector_load %arg12[%swap3A_491, %swap3A_492] {strides = array<i32>} : memref<80x128xf32, #tpu.memory_space<vmem>>, vector<1x16xf32>,
        %swap3A_494 = vector.shape_cast %swap3A_493 : vector<1x16xf32> to vector<16xf32>
        %swap3A_495 = vector.shape_cast %mul3A_490 : vector<16xf32> to vector<1x16xf32>
        tpu.vector_store %arg12[%swap3A_491, %swap3A_492], %swap3A_495 {strides = array<i32>} : memref<80x128xf32, #tpu.memory_space<vmem>>, vector<1x16xf32>,
        %broadcast_in_dim3A_496 = arith.constant 3 : i32
        %broadcast_in_dim3A_497 = vector.broadcast %broadcast_in_dim3A_496 : i32 to vector<16x1xi32>
        %gather3A_498 = vector.shape_cast %broadcast_in_dim3A_497 : vector<16x1xi32> to vector<16xi32>
        %gather3A_499 = tpu.dynamic_gather %select_n3A_184[%gather3A_498] in [0] : vector<16xf32>, vector<16xi32> -> vector<16xf32>
        %mul3A_500 = arith.mulf %gather3A_499, %get3A_475 : vector<16xf32>
        %swap3A_501 = arith.index_cast %add3A_471 : i32 to index
        %swap3A_502 = arith.constant 32 : index
        %swap3A_503 = tpu.vector_load %arg12[%swap3A_501, %swap3A_502] {strides = array<i32>} : memref<80x128xf32, #tpu.memory_space<vmem>>, vector<1x16xf32>,
        %swap3A_504 = vector.shape_cast %swap3A_503 : vector<1x16xf32> to vector<16xf32>
        %swap3A_505 = vector.shape_cast %mul3A_500 : vector<16xf32> to vector<1x16xf32>
        tpu.vector_store %arg12[%swap3A_501, %swap3A_502], %swap3A_505 {strides = array<i32>} : memref<80x128xf32, #tpu.memory_space<vmem>>, vector<1x16xf32>,
        %broadcast_in_dim3A_506 = arith.constant 3 : i32
        %broadcast_in_dim3A_507 = vector.broadcast %broadcast_in_dim3A_506 : i32 to vector<16x1xi32>
        %gather3A_508 = vector.shape_cast %broadcast_in_dim3A_507 : vector<16x1xi32> to vector<16xi32>
        %gather3A_509 = tpu.dynamic_gather %select_n3A_188[%gather3A_508] in [0] : vector<16xf32>, vector<16xi32> -> vector<16xf32>
        %mul3A_510 = arith.mulf %gather3A_509, %get3A_475 : vector<16xf32>
        %swap3A_511 = arith.index_cast %add3A_471 : i32 to index
        %swap3A_512 = arith.constant 48 : index
        %swap3A_513 = tpu.vector_load %arg12[%swap3A_511, %swap3A_512] {strides = array<i32>} : memref<80x128xf32, #tpu.memory_space<vmem>>, vector<1x16xf32>,
        %swap3A_514 = vector.shape_cast %swap3A_513 : vector<1x16xf32> to vector<16xf32>
        %swap3A_515 = vector.shape_cast %mul3A_510 : vector<16xf32> to vector<1x16xf32>
        tpu.vector_store %arg12[%swap3A_511, %swap3A_512], %swap3A_515 {strides = array<i32>} : memref<80x128xf32, #tpu.memory_space<vmem>>, vector<1x16xf32>,
        %broadcast_in_dim3A_516 = arith.constant 3 : i32
        %broadcast_in_dim3A_517 = vector.broadcast %broadcast_in_dim3A_516 : i32 to vector<16x1xi32>
        %gather3A_518 = vector.shape_cast %broadcast_in_dim3A_517 : vector<16x1xi32> to vector<16xi32>
        %gather3A_519 = tpu.dynamic_gather %select_n3A_192[%gather3A_518] in [0] : vector<16xf32>, vector<16xi32> -> vector<16xf32>
        %mul3A_520 = arith.mulf %gather3A_519, %get3A_475 : vector<16xf32>
        %swap3A_521 = arith.index_cast %add3A_471 : i32 to index
        %swap3A_522 = arith.constant 64 : index
        %swap3A_523 = tpu.vector_load %arg12[%swap3A_521, %swap3A_522] {strides = array<i32>} : memref<80x128xf32, #tpu.memory_space<vmem>>, vector<1x16xf32>,
        %swap3A_524 = vector.shape_cast %swap3A_523 : vector<1x16xf32> to vector<16xf32>
        %swap3A_525 = vector.shape_cast %mul3A_520 : vector<16xf32> to vector<1x16xf32>
        tpu.vector_store %arg12[%swap3A_521, %swap3A_522], %swap3A_525 {strides = array<i32>} : memref<80x128xf32, #tpu.memory_space<vmem>>, vector<1x16xf32>,
        %broadcast_in_dim3A_526 = arith.constant 3 : i32
        %broadcast_in_dim3A_527 = vector.broadcast %broadcast_in_dim3A_526 : i32 to vector<16x1xi32>
        %gather3A_528 = vector.shape_cast %broadcast_in_dim3A_527 : vector<16x1xi32> to vector<16xi32>
        %gather3A_529 = tpu.dynamic_gather %select_n3A_196[%gather3A_528] in [0] : vector<16xf32>, vector<16xi32> -> vector<16xf32>
        %mul3A_530 = arith.mulf %gather3A_529, %get3A_475 : vector<16xf32>
        %swap3A_531 = arith.index_cast %add3A_471 : i32 to index
        %swap3A_532 = arith.constant 80 : index
        %swap3A_533 = tpu.vector_load %arg12[%swap3A_531, %swap3A_532] {strides = array<i32>} : memref<80x128xf32, #tpu.memory_space<vmem>>, vector<1x16xf32>,
        %swap3A_534 = vector.shape_cast %swap3A_533 : vector<1x16xf32> to vector<16xf32>
        %swap3A_535 = vector.shape_cast %mul3A_530 : vector<16xf32> to vector<1x16xf32>
        tpu.vector_store %arg12[%swap3A_531, %swap3A_532], %swap3A_535 {strides = array<i32>} : memref<80x128xf32, #tpu.memory_space<vmem>>, vector<1x16xf32>,
        %broadcast_in_dim3A_536 = arith.constant 3 : i32
        %broadcast_in_dim3A_537 = vector.broadcast %broadcast_in_dim3A_536 : i32 to vector<16x1xi32>
        %gather3A_538 = vector.shape_cast %broadcast_in_dim3A_537 : vector<16x1xi32> to vector<16xi32>
        %gather3A_539 = tpu.dynamic_gather %select_n3A_200[%gather3A_538] in [0] : vector<16xf32>, vector<16xi32> -> vector<16xf32>
        %mul3A_540 = arith.mulf %gather3A_539, %get3A_475 : vector<16xf32>
        %swap3A_541 = arith.index_cast %add3A_471 : i32 to index
        %swap3A_542 = arith.constant 96 : index
        %swap3A_543 = tpu.vector_load %arg12[%swap3A_541, %swap3A_542] {strides = array<i32>} : memref<80x128xf32, #tpu.memory_space<vmem>>, vector<1x16xf32>,
        %swap3A_544 = vector.shape_cast %swap3A_543 : vector<1x16xf32> to vector<16xf32>
        %swap3A_545 = vector.shape_cast %mul3A_540 : vector<16xf32> to vector<1x16xf32>
        tpu.vector_store %arg12[%swap3A_541, %swap3A_542], %swap3A_545 {strides = array<i32>} : memref<80x128xf32, #tpu.memory_space<vmem>>, vector<1x16xf32>,
        %broadcast_in_dim3A_546 = arith.constant 3 : i32
        %broadcast_in_dim3A_547 = vector.broadcast %broadcast_in_dim3A_546 : i32 to vector<16x1xi32>
        %gather3A_548 = vector.shape_cast %broadcast_in_dim3A_547 : vector<16x1xi32> to vector<16xi32>
        %gather3A_549 = tpu.dynamic_gather %select_n3A_204[%gather3A_548] in [0] : vector<16xf32>, vector<16xi32> -> vector<16xf32>
        %mul3A_550 = arith.mulf %gather3A_549, %get3A_475 : vector<16xf32>
        %swap3A_551 = arith.index_cast %add3A_471 : i32 to index
        %swap3A_552 = arith.constant 112 : index
        %swap3A_553 = tpu.vector_load %arg12[%swap3A_551, %swap3A_552] {strides = array<i32>} : memref<80x128xf32, #tpu.memory_space<vmem>>, vector<1x16xf32>,
        %swap3A_554 = vector.shape_cast %swap3A_553 : vector<1x16xf32> to vector<16xf32>
        %swap3A_555 = vector.shape_cast %mul3A_550 : vector<16xf32> to vector<1x16xf32>
        tpu.vector_store %arg12[%swap3A_551, %swap3A_552], %swap3A_555 {strides = array<i32>} : memref<80x128xf32, #tpu.memory_space<vmem>>, vector<1x16xf32>,
        %mul3A_556 = arith.constant 16 : i32
        %mul3A_557 = arith.muli %scan3A_166, %mul3A_556 : i32
        %add3A_558 = arith.constant 4 : i32
        %add3A_559 = arith.addi %mul3A_557, %add3A_558 : i32
        %get3A_560 = arith.index_cast %add3A_559 : i32 to index
        %get3A_561 = arith.constant 0 : index
        %get3A_562 = tpu.vector_load %arg13[%get3A_560, %get3A_561] {strides = array<i32>} : memref<80x16xf32, #tpu.memory_space<vmem>>, vector<1x16xf32>,
        %get3A_563 = vector.shape_cast %get3A_562 : vector<1x16xf32> to vector<16xf32>
        %broadcast_in_dim3A_564 = arith.constant 4 : i32
        %broadcast_in_dim3A_565 = vector.broadcast %broadcast_in_dim3A_564 : i32 to vector<16x1xi32>
        %gather3A_566 = vector.shape_cast %broadcast_in_dim3A_565 : vector<16x1xi32> to vector<16xi32>
        %gather3A_567 = tpu.dynamic_gather %select_n3A[%gather3A_566] in [0] : vector<16xf32>, vector<16xi32> -> vector<16xf32>
        %mul3A_568 = arith.mulf %gather3A_567, %get3A_563 : vector<16xf32>
        %swap3A_569 = arith.index_cast %add3A_559 : i32 to index
        %swap3A_570 = arith.constant 0 : index
        %swap3A_571 = tpu.vector_load %arg12[%swap3A_569, %swap3A_570] {strides = array<i32>} : memref<80x128xf32, #tpu.memory_space<vmem>>, vector<1x16xf32>,
        %swap3A_572 = vector.shape_cast %swap3A_571 : vector<1x16xf32> to vector<16xf32>
        %swap3A_573 = vector.shape_cast %mul3A_568 : vector<16xf32> to vector<1x16xf32>
        tpu.vector_store %arg12[%swap3A_569, %swap3A_570], %swap3A_573 {strides = array<i32>} : memref<80x128xf32, #tpu.memory_space<vmem>>, vector<1x16xf32>,
        %broadcast_in_dim3A_574 = arith.constant 4 : i32
        %broadcast_in_dim3A_575 = vector.broadcast %broadcast_in_dim3A_574 : i32 to vector<16x1xi32>
        %gather3A_576 = vector.shape_cast %broadcast_in_dim3A_575 : vector<16x1xi32> to vector<16xi32>
        %gather3A_577 = tpu.dynamic_gather %select_n3A_180[%gather3A_576] in [0] : vector<16xf32>, vector<16xi32> -> vector<16xf32>
        %mul3A_578 = arith.mulf %gather3A_577, %get3A_563 : vector<16xf32>
        %swap3A_579 = arith.index_cast %add3A_559 : i32 to index
        %swap3A_580 = arith.constant 16 : index
        %swap3A_581 = tpu.vector_load %arg12[%swap3A_579, %swap3A_580] {strides = array<i32>} : memref<80x128xf32, #tpu.memory_space<vmem>>, vector<1x16xf32>,
        %swap3A_582 = vector.shape_cast %swap3A_581 : vector<1x16xf32> to vector<16xf32>
        %swap3A_583 = vector.shape_cast %mul3A_578 : vector<16xf32> to vector<1x16xf32>
        tpu.vector_store %arg12[%swap3A_579, %swap3A_580], %swap3A_583 {strides = array<i32>} : memref<80x128xf32, #tpu.memory_space<vmem>>, vector<1x16xf32>,
        %broadcast_in_dim3A_584 = arith.constant 4 : i32
        %broadcast_in_dim3A_585 = vector.broadcast %broadcast_in_dim3A_584 : i32 to vector<16x1xi32>
        %gather3A_586 = vector.shape_cast %broadcast_in_dim3A_585 : vector<16x1xi32> to vector<16xi32>
        %gather3A_587 = tpu.dynamic_gather %select_n3A_184[%gather3A_586] in [0] : vector<16xf32>, vector<16xi32> -> vector<16xf32>
        %mul3A_588 = arith.mulf %gather3A_587, %get3A_563 : vector<16xf32>
        %swap3A_589 = arith.index_cast %add3A_559 : i32 to index
        %swap3A_590 = arith.constant 32 : index
        %swap3A_591 = tpu.vector_load %arg12[%swap3A_589, %swap3A_590] {strides = array<i32>} : memref<80x128xf32, #tpu.memory_space<vmem>>, vector<1x16xf32>,
        %swap3A_592 = vector.shape_cast %swap3A_591 : vector<1x16xf32> to vector<16xf32>
        %swap3A_593 = vector.shape_cast %mul3A_588 : vector<16xf32> to vector<1x16xf32>
        tpu.vector_store %arg12[%swap3A_589, %swap3A_590], %swap3A_593 {strides = array<i32>} : memref<80x128xf32, #tpu.memory_space<vmem>>, vector<1x16xf32>,
        %broadcast_in_dim3A_594 = arith.constant 4 : i32
        %broadcast_in_dim3A_595 = vector.broadcast %broadcast_in_dim3A_594 : i32 to vector<16x1xi32>
        %gather3A_596 = vector.shape_cast %broadcast_in_dim3A_595 : vector<16x1xi32> to vector<16xi32>
        %gather3A_597 = tpu.dynamic_gather %select_n3A_188[%gather3A_596] in [0] : vector<16xf32>, vector<16xi32> -> vector<16xf32>
        %mul3A_598 = arith.mulf %gather3A_597, %get3A_563 : vector<16xf32>
        %swap3A_599 = arith.index_cast %add3A_559 : i32 to index
        %swap3A_600 = arith.constant 48 : index
        %swap3A_601 = tpu.vector_load %arg12[%swap3A_599, %swap3A_600] {strides = array<i32>} : memref<80x128xf32, #tpu.memory_space<vmem>>, vector<1x16xf32>,
        %swap3A_602 = vector.shape_cast %swap3A_601 : vector<1x16xf32> to vector<16xf32>
        %swap3A_603 = vector.shape_cast %mul3A_598 : vector<16xf32> to vector<1x16xf32>
        tpu.vector_store %arg12[%swap3A_599, %swap3A_600], %swap3A_603 {strides = array<i32>} : memref<80x128xf32, #tpu.memory_space<vmem>>, vector<1x16xf32>,
        %broadcast_in_dim3A_604 = arith.constant 4 : i32
        %broadcast_in_dim3A_605 = vector.broadcast %broadcast_in_dim3A_604 : i32 to vector<16x1xi32>
        %gather3A_606 = vector.shape_cast %broadcast_in_dim3A_605 : vector<16x1xi32> to vector<16xi32>
        %gather3A_607 = tpu.dynamic_gather %select_n3A_192[%gather3A_606] in [0] : vector<16xf32>, vector<16xi32> -> vector<16xf32>
        %mul3A_608 = arith.mulf %gather3A_607, %get3A_563 : vector<16xf32>
        %swap3A_609 = arith.index_cast %add3A_559 : i32 to index
        %swap3A_610 = arith.constant 64 : index
        %swap3A_611 = tpu.vector_load %arg12[%swap3A_609, %swap3A_610] {strides = array<i32>} : memref<80x128xf32, #tpu.memory_space<vmem>>, vector<1x16xf32>,
        %swap3A_612 = vector.shape_cast %swap3A_611 : vector<1x16xf32> to vector<16xf32>
        %swap3A_613 = vector.shape_cast %mul3A_608 : vector<16xf32> to vector<1x16xf32>
        tpu.vector_store %arg12[%swap3A_609, %swap3A_610], %swap3A_613 {strides = array<i32>} : memref<80x128xf32, #tpu.memory_space<vmem>>, vector<1x16xf32>,
        %broadcast_in_dim3A_614 = arith.constant 4 : i32
        %broadcast_in_dim3A_615 = vector.broadcast %broadcast_in_dim3A_614 : i32 to vector<16x1xi32>
        %gather3A_616 = vector.shape_cast %broadcast_in_dim3A_615 : vector<16x1xi32> to vector<16xi32>
        %gather3A_617 = tpu.dynamic_gather %select_n3A_196[%gather3A_616] in [0] : vector<16xf32>, vector<16xi32> -> vector<16xf32>
        %mul3A_618 = arith.mulf %gather3A_617, %get3A_563 : vector<16xf32>
        %swap3A_619 = arith.index_cast %add3A_559 : i32 to index
        %swap3A_620 = arith.constant 80 : index
        %swap3A_621 = tpu.vector_load %arg12[%swap3A_619, %swap3A_620] {strides = array<i32>} : memref<80x128xf32, #tpu.memory_space<vmem>>, vector<1x16xf32>,
        %swap3A_622 = vector.shape_cast %swap3A_621 : vector<1x16xf32> to vector<16xf32>
        %swap3A_623 = vector.shape_cast %mul3A_618 : vector<16xf32> to vector<1x16xf32>
        tpu.vector_store %arg12[%swap3A_619, %swap3A_620], %swap3A_623 {strides = array<i32>} : memref<80x128xf32, #tpu.memory_space<vmem>>, vector<1x16xf32>,
        %broadcast_in_dim3A_624 = arith.constant 4 : i32
        %broadcast_in_dim3A_625 = vector.broadcast %broadcast_in_dim3A_624 : i32 to vector<16x1xi32>
        %gather3A_626 = vector.shape_cast %broadcast_in_dim3A_625 : vector<16x1xi32> to vector<16xi32>
        %gather3A_627 = tpu.dynamic_gather %select_n3A_200[%gather3A_626] in [0] : vector<16xf32>, vector<16xi32> -> vector<16xf32>
        %mul3A_628 = arith.mulf %gather3A_627, %get3A_563 : vector<16xf32>
        %swap3A_629 = arith.index_cast %add3A_559 : i32 to index
        %swap3A_630 = arith.constant 96 : index
        %swap3A_631 = tpu.vector_load %arg12[%swap3A_629, %swap3A_630] {strides = array<i32>} : memref<80x128xf32, #tpu.memory_space<vmem>>, vector<1x16xf32>,
        %swap3A_632 = vector.shape_cast %swap3A_631 : vector<1x16xf32> to vector<16xf32>
        %swap3A_633 = vector.shape_cast %mul3A_628 : vector<16xf32> to vector<1x16xf32>
        tpu.vector_store %arg12[%swap3A_629, %swap3A_630], %swap3A_633 {strides = array<i32>} : memref<80x128xf32, #tpu.memory_space<vmem>>, vector<1x16xf32>,
        %broadcast_in_dim3A_634 = arith.constant 4 : i32
        %broadcast_in_dim3A_635 = vector.broadcast %broadcast_in_dim3A_634 : i32 to vector<16x1xi32>
        %gather3A_636 = vector.shape_cast %broadcast_in_dim3A_635 : vector<16x1xi32> to vector<16xi32>
        %gather3A_637 = tpu.dynamic_gather %select_n3A_204[%gather3A_636] in [0] : vector<16xf32>, vector<16xi32> -> vector<16xf32>
        %mul3A_638 = arith.mulf %gather3A_637, %get3A_563 : vector<16xf32>
        %swap3A_639 = arith.index_cast %add3A_559 : i32 to index
        %swap3A_640 = arith.constant 112 : index
        %swap3A_641 = tpu.vector_load %arg12[%swap3A_639, %swap3A_640] {strides = array<i32>} : memref<80x128xf32, #tpu.memory_space<vmem>>, vector<1x16xf32>,
        %swap3A_642 = vector.shape_cast %swap3A_641 : vector<1x16xf32> to vector<16xf32>
        %swap3A_643 = vector.shape_cast %mul3A_638 : vector<16xf32> to vector<1x16xf32>
        tpu.vector_store %arg12[%swap3A_639, %swap3A_640], %swap3A_643 {strides = array<i32>} : memref<80x128xf32, #tpu.memory_space<vmem>>, vector<1x16xf32>,
        %mul3A_644 = arith.constant 16 : i32
        %mul3A_645 = arith.muli %scan3A_166, %mul3A_644 : i32
        %add3A_646 = arith.constant 5 : i32
        %add3A_647 = arith.addi %mul3A_645, %add3A_646 : i32
        %get3A_648 = arith.index_cast %add3A_647 : i32 to index
        %get3A_649 = arith.constant 0 : index
        %get3A_650 = tpu.vector_load %arg13[%get3A_648, %get3A_649] {strides = array<i32>} : memref<80x16xf32, #tpu.memory_space<vmem>>, vector<1x16xf32>,
        %get3A_651 = vector.shape_cast %get3A_650 : vector<1x16xf32> to vector<16xf32>
        %broadcast_in_dim3A_652 = arith.constant 5 : i32
        %broadcast_in_dim3A_653 = vector.broadcast %broadcast_in_dim3A_652 : i32 to vector<16x1xi32>
        %gather3A_654 = vector.shape_cast %broadcast_in_dim3A_653 : vector<16x1xi32> to vector<16xi32>
        %gather3A_655 = tpu.dynamic_gather %select_n3A[%gather3A_654] in [0] : vector<16xf32>, vector<16xi32> -> vector<16xf32>
        %mul3A_656 = arith.mulf %gather3A_655, %get3A_651 : vector<16xf32>
        %swap3A_657 = arith.index_cast %add3A_647 : i32 to index
        %swap3A_658 = arith.constant 0 : index
        %swap3A_659 = tpu.vector_load %arg12[%swap3A_657, %swap3A_658] {strides = array<i32>} : memref<80x128xf32, #tpu.memory_space<vmem>>, vector<1x16xf32>,
        %swap3A_660 = vector.shape_cast %swap3A_659 : vector<1x16xf32> to vector<16xf32>
        %swap3A_661 = vector.shape_cast %mul3A_656 : vector<16xf32> to vector<1x16xf32>
        tpu.vector_store %arg12[%swap3A_657, %swap3A_658], %swap3A_661 {strides = array<i32>} : memref<80x128xf32, #tpu.memory_space<vmem>>, vector<1x16xf32>,
        %broadcast_in_dim3A_662 = arith.constant 5 : i32
        %broadcast_in_dim3A_663 = vector.broadcast %broadcast_in_dim3A_662 : i32 to vector<16x1xi32>
        %gather3A_664 = vector.shape_cast %broadcast_in_dim3A_663 : vector<16x1xi32> to vector<16xi32>
        %gather3A_665 = tpu.dynamic_gather %select_n3A_180[%gather3A_664] in [0] : vector<16xf32>, vector<16xi32> -> vector<16xf32>
        %mul3A_666 = arith.mulf %gather3A_665, %get3A_651 : vector<16xf32>
        %swap3A_667 = arith.index_cast %add3A_647 : i32 to index
        %swap3A_668 = arith.constant 16 : index
        %swap3A_669 = tpu.vector_load %arg12[%swap3A_667, %swap3A_668] {strides = array<i32>} : memref<80x128xf32, #tpu.memory_space<vmem>>, vector<1x16xf32>,
        %swap3A_670 = vector.shape_cast %swap3A_669 : vector<1x16xf32> to vector<16xf32>
        %swap3A_671 = vector.shape_cast %mul3A_666 : vector<16xf32> to vector<1x16xf32>
        tpu.vector_store %arg12[%swap3A_667, %swap3A_668], %swap3A_671 {strides = array<i32>} : memref<80x128xf32, #tpu.memory_space<vmem>>, vector<1x16xf32>,
        %broadcast_in_dim3A_672 = arith.constant 5 : i32
        %broadcast_in_dim3A_673 = vector.broadcast %broadcast_in_dim3A_672 : i32 to vector<16x1xi32>
        %gather3A_674 = vector.shape_cast %broadcast_in_dim3A_673 : vector<16x1xi32> to vector<16xi32>
        %gather3A_675 = tpu.dynamic_gather %select_n3A_184[%gather3A_674] in [0] : vector<16xf32>, vector<16xi32> -> vector<16xf32>
        %mul3A_676 = arith.mulf %gather3A_675, %get3A_651 : vector<16xf32>
        %swap3A_677 = arith.index_cast %add3A_647 : i32 to index
        %swap3A_678 = arith.constant 32 : index
        %swap3A_679 = tpu.vector_load %arg12[%swap3A_677, %swap3A_678] {strides = array<i32>} : memref<80x128xf32, #tpu.memory_space<vmem>>, vector<1x16xf32>,
        %swap3A_680 = vector.shape_cast %swap3A_679 : vector<1x16xf32> to vector<16xf32>
        %swap3A_681 = vector.shape_cast %mul3A_676 : vector<16xf32> to vector<1x16xf32>
        tpu.vector_store %arg12[%swap3A_677, %swap3A_678], %swap3A_681 {strides = array<i32>} : memref<80x128xf32, #tpu.memory_space<vmem>>, vector<1x16xf32>,
        %broadcast_in_dim3A_682 = arith.constant 5 : i32
        %broadcast_in_dim3A_683 = vector.broadcast %broadcast_in_dim3A_682 : i32 to vector<16x1xi32>
        %gather3A_684 = vector.shape_cast %broadcast_in_dim3A_683 : vector<16x1xi32> to vector<16xi32>
        %gather3A_685 = tpu.dynamic_gather %select_n3A_188[%gather3A_684] in [0] : vector<16xf32>, vector<16xi32> -> vector<16xf32>
        %mul3A_686 = arith.mulf %gather3A_685, %get3A_651 : vector<16xf32>
        %swap3A_687 = arith.index_cast %add3A_647 : i32 to index
        %swap3A_688 = arith.constant 48 : index
        %swap3A_689 = tpu.vector_load %arg12[%swap3A_687, %swap3A_688] {strides = array<i32>} : memref<80x128xf32, #tpu.memory_space<vmem>>, vector<1x16xf32>,
        %swap3A_690 = vector.shape_cast %swap3A_689 : vector<1x16xf32> to vector<16xf32>
        %swap3A_691 = vector.shape_cast %mul3A_686 : vector<16xf32> to vector<1x16xf32>
        tpu.vector_store %arg12[%swap3A_687, %swap3A_688], %swap3A_691 {strides = array<i32>} : memref<80x128xf32, #tpu.memory_space<vmem>>, vector<1x16xf32>,
        %broadcast_in_dim3A_692 = arith.constant 5 : i32
        %broadcast_in_dim3A_693 = vector.broadcast %broadcast_in_dim3A_692 : i32 to vector<16x1xi32>
        %gather3A_694 = vector.shape_cast %broadcast_in_dim3A_693 : vector<16x1xi32> to vector<16xi32>
        %gather3A_695 = tpu.dynamic_gather %select_n3A_192[%gather3A_694] in [0] : vector<16xf32>, vector<16xi32> -> vector<16xf32>
        %mul3A_696 = arith.mulf %gather3A_695, %get3A_651 : vector<16xf32>
        %swap3A_697 = arith.index_cast %add3A_647 : i32 to index
        %swap3A_698 = arith.constant 64 : index
        %swap3A_699 = tpu.vector_load %arg12[%swap3A_697, %swap3A_698] {strides = array<i32>} : memref<80x128xf32, #tpu.memory_space<vmem>>, vector<1x16xf32>,
        %swap3A_700 = vector.shape_cast %swap3A_699 : vector<1x16xf32> to vector<16xf32>
        %swap3A_701 = vector.shape_cast %mul3A_696 : vector<16xf32> to vector<1x16xf32>
        tpu.vector_store %arg12[%swap3A_697, %swap3A_698], %swap3A_701 {strides = array<i32>} : memref<80x128xf32, #tpu.memory_space<vmem>>, vector<1x16xf32>,
        %broadcast_in_dim3A_702 = arith.constant 5 : i32
        %broadcast_in_dim3A_703 = vector.broadcast %broadcast_in_dim3A_702 : i32 to vector<16x1xi32>
        %gather3A_704 = vector.shape_cast %broadcast_in_dim3A_703 : vector<16x1xi32> to vector<16xi32>
        %gather3A_705 = tpu.dynamic_gather %select_n3A_196[%gather3A_704] in [0] : vector<16xf32>, vector<16xi32> -> vector<16xf32>
        %mul3A_706 = arith.mulf %gather3A_705, %get3A_651 : vector<16xf32>
        %swap3A_707 = arith.index_cast %add3A_647 : i32 to index
        %swap3A_708 = arith.constant 80 : index
        %swap3A_709 = tpu.vector_load %arg12[%swap3A_707, %swap3A_708] {strides = array<i32>} : memref<80x128xf32, #tpu.memory_space<vmem>>, vector<1x16xf32>,
        %swap3A_710 = vector.shape_cast %swap3A_709 : vector<1x16xf32> to vector<16xf32>
        %swap3A_711 = vector.shape_cast %mul3A_706 : vector<16xf32> to vector<1x16xf32>
        tpu.vector_store %arg12[%swap3A_707, %swap3A_708], %swap3A_711 {strides = array<i32>} : memref<80x128xf32, #tpu.memory_space<vmem>>, vector<1x16xf32>,
        %broadcast_in_dim3A_712 = arith.constant 5 : i32
        %broadcast_in_dim3A_713 = vector.broadcast %broadcast_in_dim3A_712 : i32 to vector<16x1xi32>
        %gather3A_714 = vector.shape_cast %broadcast_in_dim3A_713 : vector<16x1xi32> to vector<16xi32>
        %gather3A_715 = tpu.dynamic_gather %select_n3A_200[%gather3A_714] in [0] : vector<16xf32>, vector<16xi32> -> vector<16xf32>
        %mul3A_716 = arith.mulf %gather3A_715, %get3A_651 : vector<16xf32>
        %swap3A_717 = arith.index_cast %add3A_647 : i32 to index
        %swap3A_718 = arith.constant 96 : index
        %swap3A_719 = tpu.vector_load %arg12[%swap3A_717, %swap3A_718] {strides = array<i32>} : memref<80x128xf32, #tpu.memory_space<vmem>>, vector<1x16xf32>,
        %swap3A_720 = vector.shape_cast %swap3A_719 : vector<1x16xf32> to vector<16xf32>
        %swap3A_721 = vector.shape_cast %mul3A_716 : vector<16xf32> to vector<1x16xf32>
        tpu.vector_store %arg12[%swap3A_717, %swap3A_718], %swap3A_721 {strides = array<i32>} : memref<80x128xf32, #tpu.memory_space<vmem>>, vector<1x16xf32>,
        %broadcast_in_dim3A_722 = arith.constant 5 : i32
        %broadcast_in_dim3A_723 = vector.broadcast %broadcast_in_dim3A_722 : i32 to vector<16x1xi32>
        %gather3A_724 = vector.shape_cast %broadcast_in_dim3A_723 : vector<16x1xi32> to vector<16xi32>
        %gather3A_725 = tpu.dynamic_gather %select_n3A_204[%gather3A_724] in [0] : vector<16xf32>, vector<16xi32> -> vector<16xf32>
        %mul3A_726 = arith.mulf %gather3A_725, %get3A_651 : vector<16xf32>
        %swap3A_727 = arith.index_cast %add3A_647 : i32 to index
        %swap3A_728 = arith.constant 112 : index
        %swap3A_729 = tpu.vector_load %arg12[%swap3A_727, %swap3A_728] {strides = array<i32>} : memref<80x128xf32, #tpu.memory_space<vmem>>, vector<1x16xf32>,
        %swap3A_730 = vector.shape_cast %swap3A_729 : vector<1x16xf32> to vector<16xf32>
        %swap3A_731 = vector.shape_cast %mul3A_726 : vector<16xf32> to vector<1x16xf32>
        tpu.vector_store %arg12[%swap3A_727, %swap3A_728], %swap3A_731 {strides = array<i32>} : memref<80x128xf32, #tpu.memory_space<vmem>>, vector<1x16xf32>,
        %mul3A_732 = arith.constant 16 : i32
        %mul3A_733 = arith.muli %scan3A_166, %mul3A_732 : i32
        %add3A_734 = arith.constant 6 : i32
        %add3A_735 = arith.addi %mul3A_733, %add3A_734 : i32
        %get3A_736 = arith.index_cast %add3A_735 : i32 to index
        %get3A_737 = arith.constant 0 : index
        %get3A_738 = tpu.vector_load %arg13[%get3A_736, %get3A_737] {strides = array<i32>} : memref<80x16xf32, #tpu.memory_space<vmem>>, vector<1x16xf32>,
        %get3A_739 = vector.shape_cast %get3A_738 : vector<1x16xf32> to vector<16xf32>
        %broadcast_in_dim3A_740 = arith.constant 6 : i32
        %broadcast_in_dim3A_741 = vector.broadcast %broadcast_in_dim3A_740 : i32 to vector<16x1xi32>
        %gather3A_742 = vector.shape_cast %broadcast_in_dim3A_741 : vector<16x1xi32> to vector<16xi32>
        %gather3A_743 = tpu.dynamic_gather %select_n3A[%gather3A_742] in [0] : vector<16xf32>, vector<16xi32> -> vector<16xf32>
        %mul3A_744 = arith.mulf %gather3A_743, %get3A_739 : vector<16xf32>
        %swap3A_745 = arith.index_cast %add3A_735 : i32 to index
        %swap3A_746 = arith.constant 0 : index
        %swap3A_747 = tpu.vector_load %arg12[%swap3A_745, %swap3A_746] {strides = array<i32>} : memref<80x128xf32, #tpu.memory_space<vmem>>, vector<1x16xf32>,
        %swap3A_748 = vector.shape_cast %swap3A_747 : vector<1x16xf32> to vector<16xf32>
        %swap3A_749 = vector.shape_cast %mul3A_744 : vector<16xf32> to vector<1x16xf32>
        tpu.vector_store %arg12[%swap3A_745, %swap3A_746], %swap3A_749 {strides = array<i32>} : memref<80x128xf32, #tpu.memory_space<vmem>>, vector<1x16xf32>,
        %broadcast_in_dim3A_750 = arith.constant 6 : i32
        %broadcast_in_dim3A_751 = vector.broadcast %broadcast_in_dim3A_750 : i32 to vector<16x1xi32>
        %gather3A_752 = vector.shape_cast %broadcast_in_dim3A_751 : vector<16x1xi32> to vector<16xi32>
        %gather3A_753 = tpu.dynamic_gather %select_n3A_180[%gather3A_752] in [0] : vector<16xf32>, vector<16xi32> -> vector<16xf32>
        %mul3A_754 = arith.mulf %gather3A_753, %get3A_739 : vector<16xf32>
        %swap3A_755 = arith.index_cast %add3A_735 : i32 to index
        %swap3A_756 = arith.constant 16 : index
        %swap3A_757 = tpu.vector_load %arg12[%swap3A_755, %swap3A_756] {strides = array<i32>} : memref<80x128xf32, #tpu.memory_space<vmem>>, vector<1x16xf32>,
        %swap3A_758 = vector.shape_cast %swap3A_757 : vector<1x16xf32> to vector<16xf32>
        %swap3A_759 = vector.shape_cast %mul3A_754 : vector<16xf32> to vector<1x16xf32>
        tpu.vector_store %arg12[%swap3A_755, %swap3A_756], %swap3A_759 {strides = array<i32>} : memref<80x128xf32, #tpu.memory_space<vmem>>, vector<1x16xf32>,
        %broadcast_in_dim3A_760 = arith.constant 6 : i32
        %broadcast_in_dim3A_761 = vector.broadcast %broadcast_in_dim3A_760 : i32 to vector<16x1xi32>
        %gather3A_762 = vector.shape_cast %broadcast_in_dim3A_761 : vector<16x1xi32> to vector<16xi32>
        %gather3A_763 = tpu.dynamic_gather %select_n3A_184[%gather3A_762] in [0] : vector<16xf32>, vector<16xi32> -> vector<16xf32>
        %mul3A_764 = arith.mulf %gather3A_763, %get3A_739 : vector<16xf32>
        %swap3A_765 = arith.index_cast %add3A_735 : i32 to index
        %swap3A_766 = arith.constant 32 : index
        %swap3A_767 = tpu.vector_load %arg12[%swap3A_765, %swap3A_766] {strides = array<i32>} : memref<80x128xf32, #tpu.memory_space<vmem>>, vector<1x16xf32>,
        %swap3A_768 = vector.shape_cast %swap3A_767 : vector<1x16xf32> to vector<16xf32>
        %swap3A_769 = vector.shape_cast %mul3A_764 : vector<16xf32> to vector<1x16xf32>
        tpu.vector_store %arg12[%swap3A_765, %swap3A_766], %swap3A_769 {strides = array<i32>} : memref<80x128xf32, #tpu.memory_space<vmem>>, vector<1x16xf32>,
        %broadcast_in_dim3A_770 = arith.constant 6 : i32
        %broadcast_in_dim3A_771 = vector.broadcast %broadcast_in_dim3A_770 : i32 to vector<16x1xi32>
        %gather3A_772 = vector.shape_cast %broadcast_in_dim3A_771 : vector<16x1xi32> to vector<16xi32>
        %gather3A_773 = tpu.dynamic_gather %select_n3A_188[%gather3A_772] in [0] : vector<16xf32>, vector<16xi32> -> vector<16xf32>
        %mul3A_774 = arith.mulf %gather3A_773, %get3A_739 : vector<16xf32>
        %swap3A_775 = arith.index_cast %add3A_735 : i32 to index
        %swap3A_776 = arith.constant 48 : index
        %swap3A_777 = tpu.vector_load %arg12[%swap3A_775, %swap3A_776] {strides = array<i32>} : memref<80x128xf32, #tpu.memory_space<vmem>>, vector<1x16xf32>,
        %swap3A_778 = vector.shape_cast %swap3A_777 : vector<1x16xf32> to vector<16xf32>
        %swap3A_779 = vector.shape_cast %mul3A_774 : vector<16xf32> to vector<1x16xf32>
        tpu.vector_store %arg12[%swap3A_775, %swap3A_776], %swap3A_779 {strides = array<i32>} : memref<80x128xf32, #tpu.memory_space<vmem>>, vector<1x16xf32>,
        %broadcast_in_dim3A_780 = arith.constant 6 : i32
        %broadcast_in_dim3A_781 = vector.broadcast %broadcast_in_dim3A_780 : i32 to vector<16x1xi32>
        %gather3A_782 = vector.shape_cast %broadcast_in_dim3A_781 : vector<16x1xi32> to vector<16xi32>
        %gather3A_783 = tpu.dynamic_gather %select_n3A_192[%gather3A_782] in [0] : vector<16xf32>, vector<16xi32> -> vector<16xf32>
        %mul3A_784 = arith.mulf %gather3A_783, %get3A_739 : vector<16xf32>
        %swap3A_785 = arith.index_cast %add3A_735 : i32 to index
        %swap3A_786 = arith.constant 64 : index
        %swap3A_787 = tpu.vector_load %arg12[%swap3A_785, %swap3A_786] {strides = array<i32>} : memref<80x128xf32, #tpu.memory_space<vmem>>, vector<1x16xf32>,
        %swap3A_788 = vector.shape_cast %swap3A_787 : vector<1x16xf32> to vector<16xf32>
        %swap3A_789 = vector.shape_cast %mul3A_784 : vector<16xf32> to vector<1x16xf32>
        tpu.vector_store %arg12[%swap3A_785, %swap3A_786], %swap3A_789 {strides = array<i32>} : memref<80x128xf32, #tpu.memory_space<vmem>>, vector<1x16xf32>,
        %broadcast_in_dim3A_790 = arith.constant 6 : i32
        %broadcast_in_dim3A_791 = vector.broadcast %broadcast_in_dim3A_790 : i32 to vector<16x1xi32>
        %gather3A_792 = vector.shape_cast %broadcast_in_dim3A_791 : vector<16x1xi32> to vector<16xi32>
        %gather3A_793 = tpu.dynamic_gather %select_n3A_196[%gather3A_792] in [0] : vector<16xf32>, vector<16xi32> -> vector<16xf32>
        %mul3A_794 = arith.mulf %gather3A_793, %get3A_739 : vector<16xf32>
        %swap3A_795 = arith.index_cast %add3A_735 : i32 to index
        %swap3A_796 = arith.constant 80 : index
        %swap3A_797 = tpu.vector_load %arg12[%swap3A_795, %swap3A_796] {strides = array<i32>} : memref<80x128xf32, #tpu.memory_space<vmem>>, vector<1x16xf32>,
        %swap3A_798 = vector.shape_cast %swap3A_797 : vector<1x16xf32> to vector<16xf32>
        %swap3A_799 = vector.shape_cast %mul3A_794 : vector<16xf32> to vector<1x16xf32>
        tpu.vector_store %arg12[%swap3A_795, %swap3A_796], %swap3A_799 {strides = array<i32>} : memref<80x128xf32, #tpu.memory_space<vmem>>, vector<1x16xf32>,
        %broadcast_in_dim3A_800 = arith.constant 6 : i32
        %broadcast_in_dim3A_801 = vector.broadcast %broadcast_in_dim3A_800 : i32 to vector<16x1xi32>
        %gather3A_802 = vector.shape_cast %broadcast_in_dim3A_801 : vector<16x1xi32> to vector<16xi32>
        %gather3A_803 = tpu.dynamic_gather %select_n3A_200[%gather3A_802] in [0] : vector<16xf32>, vector<16xi32> -> vector<16xf32>
        %mul3A_804 = arith.mulf %gather3A_803, %get3A_739 : vector<16xf32>
        %swap3A_805 = arith.index_cast %add3A_735 : i32 to index
        %swap3A_806 = arith.constant 96 : index
        %swap3A_807 = tpu.vector_load %arg12[%swap3A_805, %swap3A_806] {strides = array<i32>} : memref<80x128xf32, #tpu.memory_space<vmem>>, vector<1x16xf32>,
        %swap3A_808 = vector.shape_cast %swap3A_807 : vector<1x16xf32> to vector<16xf32>
        %swap3A_809 = vector.shape_cast %mul3A_804 : vector<16xf32> to vector<1x16xf32>
        tpu.vector_store %arg12[%swap3A_805, %swap3A_806], %swap3A_809 {strides = array<i32>} : memref<80x128xf32, #tpu.memory_space<vmem>>, vector<1x16xf32>,
        %broadcast_in_dim3A_810 = arith.constant 6 : i32
        %broadcast_in_dim3A_811 = vector.broadcast %broadcast_in_dim3A_810 : i32 to vector<16x1xi32>
        %gather3A_812 = vector.shape_cast %broadcast_in_dim3A_811 : vector<16x1xi32> to vector<16xi32>
        %gather3A_813 = tpu.dynamic_gather %select_n3A_204[%gather3A_812] in [0] : vector<16xf32>, vector<16xi32> -> vector<16xf32>
        %mul3A_814 = arith.mulf %gather3A_813, %get3A_739 : vector<16xf32>
        %swap3A_815 = arith.index_cast %add3A_735 : i32 to index
        %swap3A_816 = arith.constant 112 : index
        %swap3A_817 = tpu.vector_load %arg12[%swap3A_815, %swap3A_816] {strides = array<i32>} : memref<80x128xf32, #tpu.memory_space<vmem>>, vector<1x16xf32>,
        %swap3A_818 = vector.shape_cast %swap3A_817 : vector<1x16xf32> to vector<16xf32>
        %swap3A_819 = vector.shape_cast %mul3A_814 : vector<16xf32> to vector<1x16xf32>
        tpu.vector_store %arg12[%swap3A_815, %swap3A_816], %swap3A_819 {strides = array<i32>} : memref<80x128xf32, #tpu.memory_space<vmem>>, vector<1x16xf32>,
        %mul3A_820 = arith.constant 16 : i32
        %mul3A_821 = arith.muli %scan3A_166, %mul3A_820 : i32
        %add3A_822 = arith.constant 7 : i32
        %add3A_823 = arith.addi %mul3A_821, %add3A_822 : i32
        %get3A_824 = arith.index_cast %add3A_823 : i32 to index
        %get3A_825 = arith.constant 0 : index
        %get3A_826 = tpu.vector_load %arg13[%get3A_824, %get3A_825] {strides = array<i32>} : memref<80x16xf32, #tpu.memory_space<vmem>>, vector<1x16xf32>,
        %get3A_827 = vector.shape_cast %get3A_826 : vector<1x16xf32> to vector<16xf32>
        %broadcast_in_dim3A_828 = arith.constant 7 : i32
        %broadcast_in_dim3A_829 = vector.broadcast %broadcast_in_dim3A_828 : i32 to vector<16x1xi32>
        %gather3A_830 = vector.shape_cast %broadcast_in_dim3A_829 : vector<16x1xi32> to vector<16xi32>
        %gather3A_831 = tpu.dynamic_gather %select_n3A[%gather3A_830] in [0] : vector<16xf32>, vector<16xi32> -> vector<16xf32>
        %mul3A_832 = arith.mulf %gather3A_831, %get3A_827 : vector<16xf32>
        %swap3A_833 = arith.index_cast %add3A_823 : i32 to index
        %swap3A_834 = arith.constant 0 : index
        %swap3A_835 = tpu.vector_load %arg12[%swap3A_833, %swap3A_834] {strides = array<i32>} : memref<80x128xf32, #tpu.memory_space<vmem>>, vector<1x16xf32>,
        %swap3A_836 = vector.shape_cast %swap3A_835 : vector<1x16xf32> to vector<16xf32>
        %swap3A_837 = vector.shape_cast %mul3A_832 : vector<16xf32> to vector<1x16xf32>
        tpu.vector_store %arg12[%swap3A_833, %swap3A_834], %swap3A_837 {strides = array<i32>} : memref<80x128xf32, #tpu.memory_space<vmem>>, vector<1x16xf32>,
        %broadcast_in_dim3A_838 = arith.constant 7 : i32
        %broadcast_in_dim3A_839 = vector.broadcast %broadcast_in_dim3A_838 : i32 to vector<16x1xi32>
        %gather3A_840 = vector.shape_cast %broadcast_in_dim3A_839 : vector<16x1xi32> to vector<16xi32>
        %gather3A_841 = tpu.dynamic_gather %select_n3A_180[%gather3A_840] in [0] : vector<16xf32>, vector<16xi32> -> vector<16xf32>
        %mul3A_842 = arith.mulf %gather3A_841, %get3A_827 : vector<16xf32>
        %swap3A_843 = arith.index_cast %add3A_823 : i32 to index
        %swap3A_844 = arith.constant 16 : index
        %swap3A_845 = tpu.vector_load %arg12[%swap3A_843, %swap3A_844] {strides = array<i32>} : memref<80x128xf32, #tpu.memory_space<vmem>>, vector<1x16xf32>,
        %swap3A_846 = vector.shape_cast %swap3A_845 : vector<1x16xf32> to vector<16xf32>
        %swap3A_847 = vector.shape_cast %mul3A_842 : vector<16xf32> to vector<1x16xf32>
        tpu.vector_store %arg12[%swap3A_843, %swap3A_844], %swap3A_847 {strides = array<i32>} : memref<80x128xf32, #tpu.memory_space<vmem>>, vector<1x16xf32>,
        %broadcast_in_dim3A_848 = arith.constant 7 : i32
        %broadcast_in_dim3A_849 = vector.broadcast %broadcast_in_dim3A_848 : i32 to vector<16x1xi32>
        %gather3A_850 = vector.shape_cast %broadcast_in_dim3A_849 : vector<16x1xi32> to vector<16xi32>
        %gather3A_851 = tpu.dynamic_gather %select_n3A_184[%gather3A_850] in [0] : vector<16xf32>, vector<16xi32> -> vector<16xf32>
        %mul3A_852 = arith.mulf %gather3A_851, %get3A_827 : vector<16xf32>
        %swap3A_853 = arith.index_cast %add3A_823 : i32 to index
        %swap3A_854 = arith.constant 32 : index
        %swap3A_855 = tpu.vector_load %arg12[%swap3A_853, %swap3A_854] {strides = array<i32>} : memref<80x128xf32, #tpu.memory_space<vmem>>, vector<1x16xf32>,
        %swap3A_856 = vector.shape_cast %swap3A_855 : vector<1x16xf32> to vector<16xf32>
        %swap3A_857 = vector.shape_cast %mul3A_852 : vector<16xf32> to vector<1x16xf32>
        tpu.vector_store %arg12[%swap3A_853, %swap3A_854], %swap3A_857 {strides = array<i32>} : memref<80x128xf32, #tpu.memory_space<vmem>>, vector<1x16xf32>,
        %broadcast_in_dim3A_858 = arith.constant 7 : i32
        %broadcast_in_dim3A_859 = vector.broadcast %broadcast_in_dim3A_858 : i32 to vector<16x1xi32>
        %gather3A_860 = vector.shape_cast %broadcast_in_dim3A_859 : vector<16x1xi32> to vector<16xi32>
        %gather3A_861 = tpu.dynamic_gather %select_n3A_188[%gather3A_860] in [0] : vector<16xf32>, vector<16xi32> -> vector<16xf32>
        %mul3A_862 = arith.mulf %gather3A_861, %get3A_827 : vector<16xf32>
        %swap3A_863 = arith.index_cast %add3A_823 : i32 to index
        %swap3A_864 = arith.constant 48 : index
        %swap3A_865 = tpu.vector_load %arg12[%swap3A_863, %swap3A_864] {strides = array<i32>} : memref<80x128xf32, #tpu.memory_space<vmem>>, vector<1x16xf32>,
        %swap3A_866 = vector.shape_cast %swap3A_865 : vector<1x16xf32> to vector<16xf32>
        %swap3A_867 = vector.shape_cast %mul3A_862 : vector<16xf32> to vector<1x16xf32>
        tpu.vector_store %arg12[%swap3A_863, %swap3A_864], %swap3A_867 {strides = array<i32>} : memref<80x128xf32, #tpu.memory_space<vmem>>, vector<1x16xf32>,
        %broadcast_in_dim3A_868 = arith.constant 7 : i32
        %broadcast_in_dim3A_869 = vector.broadcast %broadcast_in_dim3A_868 : i32 to vector<16x1xi32>
        %gather3A_870 = vector.shape_cast %broadcast_in_dim3A_869 : vector<16x1xi32> to vector<16xi32>
        %gather3A_871 = tpu.dynamic_gather %select_n3A_192[%gather3A_870] in [0] : vector<16xf32>, vector<16xi32> -> vector<16xf32>
        %mul3A_872 = arith.mulf %gather3A_871, %get3A_827 : vector<16xf32>
        %swap3A_873 = arith.index_cast %add3A_823 : i32 to index
        %swap3A_874 = arith.constant 64 : index
        %swap3A_875 = tpu.vector_load %arg12[%swap3A_873, %swap3A_874] {strides = array<i32>} : memref<80x128xf32, #tpu.memory_space<vmem>>, vector<1x16xf32>,
        %swap3A_876 = vector.shape_cast %swap3A_875 : vector<1x16xf32> to vector<16xf32>
        %swap3A_877 = vector.shape_cast %mul3A_872 : vector<16xf32> to vector<1x16xf32>
        tpu.vector_store %arg12[%swap3A_873, %swap3A_874], %swap3A_877 {strides = array<i32>} : memref<80x128xf32, #tpu.memory_space<vmem>>, vector<1x16xf32>,
        %broadcast_in_dim3A_878 = arith.constant 7 : i32
        %broadcast_in_dim3A_879 = vector.broadcast %broadcast_in_dim3A_878 : i32 to vector<16x1xi32>
        %gather3A_880 = vector.shape_cast %broadcast_in_dim3A_879 : vector<16x1xi32> to vector<16xi32>
        %gather3A_881 = tpu.dynamic_gather %select_n3A_196[%gather3A_880] in [0] : vector<16xf32>, vector<16xi32> -> vector<16xf32>
        %mul3A_882 = arith.mulf %gather3A_881, %get3A_827 : vector<16xf32>
        %swap3A_883 = arith.index_cast %add3A_823 : i32 to index
        %swap3A_884 = arith.constant 80 : index
        %swap3A_885 = tpu.vector_load %arg12[%swap3A_883, %swap3A_884] {strides = array<i32>} : memref<80x128xf32, #tpu.memory_space<vmem>>, vector<1x16xf32>,
        %swap3A_886 = vector.shape_cast %swap3A_885 : vector<1x16xf32> to vector<16xf32>
        %swap3A_887 = vector.shape_cast %mul3A_882 : vector<16xf32> to vector<1x16xf32>
        tpu.vector_store %arg12[%swap3A_883, %swap3A_884], %swap3A_887 {strides = array<i32>} : memref<80x128xf32, #tpu.memory_space<vmem>>, vector<1x16xf32>,
        %broadcast_in_dim3A_888 = arith.constant 7 : i32
        %broadcast_in_dim3A_889 = vector.broadcast %broadcast_in_dim3A_888 : i32 to vector<16x1xi32>
        %gather3A_890 = vector.shape_cast %broadcast_in_dim3A_889 : vector<16x1xi32> to vector<16xi32>
        %gather3A_891 = tpu.dynamic_gather %select_n3A_200[%gather3A_890] in [0] : vector<16xf32>, vector<16xi32> -> vector<16xf32>
        %mul3A_892 = arith.mulf %gather3A_891, %get3A_827 : vector<16xf32>
        %swap3A_893 = arith.index_cast %add3A_823 : i32 to index
        %swap3A_894 = arith.constant 96 : index
        %swap3A_895 = tpu.vector_load %arg12[%swap3A_893, %swap3A_894] {strides = array<i32>} : memref<80x128xf32, #tpu.memory_space<vmem>>, vector<1x16xf32>,
        %swap3A_896 = vector.shape_cast %swap3A_895 : vector<1x16xf32> to vector<16xf32>
        %swap3A_897 = vector.shape_cast %mul3A_892 : vector<16xf32> to vector<1x16xf32>
        tpu.vector_store %arg12[%swap3A_893, %swap3A_894], %swap3A_897 {strides = array<i32>} : memref<80x128xf32, #tpu.memory_space<vmem>>, vector<1x16xf32>,
        %broadcast_in_dim3A_898 = arith.constant 7 : i32
        %broadcast_in_dim3A_899 = vector.broadcast %broadcast_in_dim3A_898 : i32 to vector<16x1xi32>
        %gather3A_900 = vector.shape_cast %broadcast_in_dim3A_899 : vector<16x1xi32> to vector<16xi32>
        %gather3A_901 = tpu.dynamic_gather %select_n3A_204[%gather3A_900] in [0] : vector<16xf32>, vector<16xi32> -> vector<16xf32>
        %mul3A_902 = arith.mulf %gather3A_901, %get3A_827 : vector<16xf32>
        %swap3A_903 = arith.index_cast %add3A_823 : i32 to index
        %swap3A_904 = arith.constant 112 : index
        %swap3A_905 = tpu.vector_load %arg12[%swap3A_903, %swap3A_904] {strides = array<i32>} : memref<80x128xf32, #tpu.memory_space<vmem>>, vector<1x16xf32>,
        %swap3A_906 = vector.shape_cast %swap3A_905 : vector<1x16xf32> to vector<16xf32>
        %swap3A_907 = vector.shape_cast %mul3A_902 : vector<16xf32> to vector<1x16xf32>
        tpu.vector_store %arg12[%swap3A_903, %swap3A_904], %swap3A_907 {strides = array<i32>} : memref<80x128xf32, #tpu.memory_space<vmem>>, vector<1x16xf32>,
        %mul3A_908 = arith.constant 16 : i32
        %mul3A_909 = arith.muli %scan3A_166, %mul3A_908 : i32
        %add3A_910 = arith.constant 8 : i32
        %add3A_911 = arith.addi %mul3A_909, %add3A_910 : i32
        %get3A_912 = arith.index_cast %add3A_911 : i32 to index
        %get3A_913 = arith.constant 0 : index
        %get3A_914 = tpu.vector_load %arg13[%get3A_912, %get3A_913] {strides = array<i32>} : memref<80x16xf32, #tpu.memory_space<vmem>>, vector<1x16xf32>,
        %get3A_915 = vector.shape_cast %get3A_914 : vector<1x16xf32> to vector<16xf32>
        %broadcast_in_dim3A_916 = arith.constant 8 : i32
        %broadcast_in_dim3A_917 = vector.broadcast %broadcast_in_dim3A_916 : i32 to vector<16x1xi32>
        %gather3A_918 = vector.shape_cast %broadcast_in_dim3A_917 : vector<16x1xi32> to vector<16xi32>
        %gather3A_919 = tpu.dynamic_gather %select_n3A[%gather3A_918] in [0] : vector<16xf32>, vector<16xi32> -> vector<16xf32>
        %mul3A_920 = arith.mulf %gather3A_919, %get3A_915 : vector<16xf32>
        %swap3A_921 = arith.index_cast %add3A_911 : i32 to index
        %swap3A_922 = arith.constant 0 : index
        %swap3A_923 = tpu.vector_load %arg12[%swap3A_921, %swap3A_922] {strides = array<i32>} : memref<80x128xf32, #tpu.memory_space<vmem>>, vector<1x16xf32>,
        %swap3A_924 = vector.shape_cast %swap3A_923 : vector<1x16xf32> to vector<16xf32>
        %swap3A_925 = vector.shape_cast %mul3A_920 : vector<16xf32> to vector<1x16xf32>
        tpu.vector_store %arg12[%swap3A_921, %swap3A_922], %swap3A_925 {strides = array<i32>} : memref<80x128xf32, #tpu.memory_space<vmem>>, vector<1x16xf32>,
        %broadcast_in_dim3A_926 = arith.constant 8 : i32
        %broadcast_in_dim3A_927 = vector.broadcast %broadcast_in_dim3A_926 : i32 to vector<16x1xi32>
        %gather3A_928 = vector.shape_cast %broadcast_in_dim3A_927 : vector<16x1xi32> to vector<16xi32>
        %gather3A_929 = tpu.dynamic_gather %select_n3A_180[%gather3A_928] in [0] : vector<16xf32>, vector<16xi32> -> vector<16xf32>
        %mul3A_930 = arith.mulf %gather3A_929, %get3A_915 : vector<16xf32>
        %swap3A_931 = arith.index_cast %add3A_911 : i32 to index
        %swap3A_932 = arith.constant 16 : index
        %swap3A_933 = tpu.vector_load %arg12[%swap3A_931, %swap3A_932] {strides = array<i32>} : memref<80x128xf32, #tpu.memory_space<vmem>>, vector<1x16xf32>,
        %swap3A_934 = vector.shape_cast %swap3A_933 : vector<1x16xf32> to vector<16xf32>
        %swap3A_935 = vector.shape_cast %mul3A_930 : vector<16xf32> to vector<1x16xf32>
        tpu.vector_store %arg12[%swap3A_931, %swap3A_932], %swap3A_935 {strides = array<i32>} : memref<80x128xf32, #tpu.memory_space<vmem>>, vector<1x16xf32>,
        %broadcast_in_dim3A_936 = arith.constant 8 : i32
        %broadcast_in_dim3A_937 = vector.broadcast %broadcast_in_dim3A_936 : i32 to vector<16x1xi32>
        %gather3A_938 = vector.shape_cast %broadcast_in_dim3A_937 : vector<16x1xi32> to vector<16xi32>
        %gather3A_939 = tpu.dynamic_gather %select_n3A_184[%gather3A_938] in [0] : vector<16xf32>, vector<16xi32> -> vector<16xf32>
        %mul3A_940 = arith.mulf %gather3A_939, %get3A_915 : vector<16xf32>
        %swap3A_941 = arith.index_cast %add3A_911 : i32 to index
        %swap3A_942 = arith.constant 32 : index
        %swap3A_943 = tpu.vector_load %arg12[%swap3A_941, %swap3A_942] {strides = array<i32>} : memref<80x128xf32, #tpu.memory_space<vmem>>, vector<1x16xf32>,
        %swap3A_944 = vector.shape_cast %swap3A_943 : vector<1x16xf32> to vector<16xf32>
        %swap3A_945 = vector.shape_cast %mul3A_940 : vector<16xf32> to vector<1x16xf32>
        tpu.vector_store %arg12[%swap3A_941, %swap3A_942], %swap3A_945 {strides = array<i32>} : memref<80x128xf32, #tpu.memory_space<vmem>>, vector<1x16xf32>,
        %broadcast_in_dim3A_946 = arith.constant 8 : i32
        %broadcast_in_dim3A_947 = vector.broadcast %broadcast_in_dim3A_946 : i32 to vector<16x1xi32>
        %gather3A_948 = vector.shape_cast %broadcast_in_dim3A_947 : vector<16x1xi32> to vector<16xi32>
        %gather3A_949 = tpu.dynamic_gather %select_n3A_188[%gather3A_948] in [0] : vector<16xf32>, vector<16xi32> -> vector<16xf32>
        %mul3A_950 = arith.mulf %gather3A_949, %get3A_915 : vector<16xf32>
        %swap3A_951 = arith.index_cast %add3A_911 : i32 to index
        %swap3A_952 = arith.constant 48 : index
        %swap3A_953 = tpu.vector_load %arg12[%swap3A_951, %swap3A_952] {strides = array<i32>} : memref<80x128xf32, #tpu.memory_space<vmem>>, vector<1x16xf32>,
        %swap3A_954 = vector.shape_cast %swap3A_953 : vector<1x16xf32> to vector<16xf32>
        %swap3A_955 = vector.shape_cast %mul3A_950 : vector<16xf32> to vector<1x16xf32>
        tpu.vector_store %arg12[%swap3A_951, %swap3A_952], %swap3A_955 {strides = array<i32>} : memref<80x128xf32, #tpu.memory_space<vmem>>, vector<1x16xf32>,
        %broadcast_in_dim3A_956 = arith.constant 8 : i32
        %broadcast_in_dim3A_957 = vector.broadcast %broadcast_in_dim3A_956 : i32 to vector<16x1xi32>
        %gather3A_958 = vector.shape_cast %broadcast_in_dim3A_957 : vector<16x1xi32> to vector<16xi32>
        %gather3A_959 = tpu.dynamic_gather %select_n3A_192[%gather3A_958] in [0] : vector<16xf32>, vector<16xi32> -> vector<16xf32>
        %mul3A_960 = arith.mulf %gather3A_959, %get3A_915 : vector<16xf32>
        %swap3A_961 = arith.index_cast %add3A_911 : i32 to index
        %swap3A_962 = arith.constant 64 : index
        %swap3A_963 = tpu.vector_load %arg12[%swap3A_961, %swap3A_962] {strides = array<i32>} : memref<80x128xf32, #tpu.memory_space<vmem>>, vector<1x16xf32>,
        %swap3A_964 = vector.shape_cast %swap3A_963 : vector<1x16xf32> to vector<16xf32>
        %swap3A_965 = vector.shape_cast %mul3A_960 : vector<16xf32> to vector<1x16xf32>
        tpu.vector_store %arg12[%swap3A_961, %swap3A_962], %swap3A_965 {strides = array<i32>} : memref<80x128xf32, #tpu.memory_space<vmem>>, vector<1x16xf32>,
        %broadcast_in_dim3A_966 = arith.constant 8 : i32
        %broadcast_in_dim3A_967 = vector.broadcast %broadcast_in_dim3A_966 : i32 to vector<16x1xi32>
        %gather3A_968 = vector.shape_cast %broadcast_in_dim3A_967 : vector<16x1xi32> to vector<16xi32>
        %gather3A_969 = tpu.dynamic_gather %select_n3A_196[%gather3A_968] in [0] : vector<16xf32>, vector<16xi32> -> vector<16xf32>
        %mul3A_970 = arith.mulf %gather3A_969, %get3A_915 : vector<16xf32>
        %swap3A_971 = arith.index_cast %add3A_911 : i32 to index
        %swap3A_972 = arith.constant 80 : index
        %swap3A_973 = tpu.vector_load %arg12[%swap3A_971, %swap3A_972] {strides = array<i32>} : memref<80x128xf32, #tpu.memory_space<vmem>>, vector<1x16xf32>,
        %swap3A_974 = vector.shape_cast %swap3A_973 : vector<1x16xf32> to vector<16xf32>
        %swap3A_975 = vector.shape_cast %mul3A_970 : vector<16xf32> to vector<1x16xf32>
        tpu.vector_store %arg12[%swap3A_971, %swap3A_972], %swap3A_975 {strides = array<i32>} : memref<80x128xf32, #tpu.memory_space<vmem>>, vector<1x16xf32>,
        %broadcast_in_dim3A_976 = arith.constant 8 : i32
        %broadcast_in_dim3A_977 = vector.broadcast %broadcast_in_dim3A_976 : i32 to vector<16x1xi32>
        %gather3A_978 = vector.shape_cast %broadcast_in_dim3A_977 : vector<16x1xi32> to vector<16xi32>
        %gather3A_979 = tpu.dynamic_gather %select_n3A_200[%gather3A_978] in [0] : vector<16xf32>, vector<16xi32> -> vector<16xf32>
        %mul3A_980 = arith.mulf %gather3A_979, %get3A_915 : vector<16xf32>
        %swap3A_981 = arith.index_cast %add3A_911 : i32 to index
        %swap3A_982 = arith.constant 96 : index
        %swap3A_983 = tpu.vector_load %arg12[%swap3A_981, %swap3A_982] {strides = array<i32>} : memref<80x128xf32, #tpu.memory_space<vmem>>, vector<1x16xf32>,
        %swap3A_984 = vector.shape_cast %swap3A_983 : vector<1x16xf32> to vector<16xf32>
        %swap3A_985 = vector.shape_cast %mul3A_980 : vector<16xf32> to vector<1x16xf32>
        tpu.vector_store %arg12[%swap3A_981, %swap3A_982], %swap3A_985 {strides = array<i32>} : memref<80x128xf32, #tpu.memory_space<vmem>>, vector<1x16xf32>,
        %broadcast_in_dim3A_986 = arith.constant 8 : i32
        %broadcast_in_dim3A_987 = vector.broadcast %broadcast_in_dim3A_986 : i32 to vector<16x1xi32>
        %gather3A_988 = vector.shape_cast %broadcast_in_dim3A_987 : vector<16x1xi32> to vector<16xi32>
        %gather3A_989 = tpu.dynamic_gather %select_n3A_204[%gather3A_988] in [0] : vector<16xf32>, vector<16xi32> -> vector<16xf32>
        %mul3A_990 = arith.mulf %gather3A_989, %get3A_915 : vector<16xf32>
        %swap3A_991 = arith.index_cast %add3A_911 : i32 to index
        %swap3A_992 = arith.constant 112 : index
        %swap3A_993 = tpu.vector_load %arg12[%swap3A_991, %swap3A_992] {strides = array<i32>} : memref<80x128xf32, #tpu.memory_space<vmem>>, vector<1x16xf32>,
        %swap3A_994 = vector.shape_cast %swap3A_993 : vector<1x16xf32> to vector<16xf32>
        %swap3A_995 = vector.shape_cast %mul3A_990 : vector<16xf32> to vector<1x16xf32>
        tpu.vector_store %arg12[%swap3A_991, %swap3A_992], %swap3A_995 {strides = array<i32>} : memref<80x128xf32, #tpu.memory_space<vmem>>, vector<1x16xf32>,
        %mul3A_996 = arith.constant 16 : i32
        %mul3A_997 = arith.muli %scan3A_166, %mul3A_996 : i32
        %add3A_998 = arith.constant 9 : i32
        %add3A_999 = arith.addi %mul3A_997, %add3A_998 : i32
        %get3A_1000 = arith.index_cast %add3A_999 : i32 to index
        %get3A_1001 = arith.constant 0 : index
        %get3A_1002 = tpu.vector_load %arg13[%get3A_1000, %get3A_1001] {strides = array<i32>} : memref<80x16xf32, #tpu.memory_space<vmem>>, vector<1x16xf32>,
        %get3A_1003 = vector.shape_cast %get3A_1002 : vector<1x16xf32> to vector<16xf32>
        %broadcast_in_dim3A_1004 = arith.constant 9 : i32
        %broadcast_in_dim3A_1005 = vector.broadcast %broadcast_in_dim3A_1004 : i32 to vector<16x1xi32>
        %gather3A_1006 = vector.shape_cast %broadcast_in_dim3A_1005 : vector<16x1xi32> to vector<16xi32>
        %gather3A_1007 = tpu.dynamic_gather %select_n3A[%gather3A_1006] in [0] : vector<16xf32>, vector<16xi32> -> vector<16xf32>
        %mul3A_1008 = arith.mulf %gather3A_1007, %get3A_1003 : vector<16xf32>
        %swap3A_1009 = arith.index_cast %add3A_999 : i32 to index
        %swap3A_1010 = arith.constant 0 : index
        %swap3A_1011 = tpu.vector_load %arg12[%swap3A_1009, %swap3A_1010] {strides = array<i32>} : memref<80x128xf32, #tpu.memory_space<vmem>>, vector<1x16xf32>,
        %swap3A_1012 = vector.shape_cast %swap3A_1011 : vector<1x16xf32> to vector<16xf32>
        %swap3A_1013 = vector.shape_cast %mul3A_1008 : vector<16xf32> to vector<1x16xf32>
        tpu.vector_store %arg12[%swap3A_1009, %swap3A_1010], %swap3A_1013 {strides = array<i32>} : memref<80x128xf32, #tpu.memory_space<vmem>>, vector<1x16xf32>,
        %broadcast_in_dim3A_1014 = arith.constant 9 : i32
        %broadcast_in_dim3A_1015 = vector.broadcast %broadcast_in_dim3A_1014 : i32 to vector<16x1xi32>
        %gather3A_1016 = vector.shape_cast %broadcast_in_dim3A_1015 : vector<16x1xi32> to vector<16xi32>
        %gather3A_1017 = tpu.dynamic_gather %select_n3A_180[%gather3A_1016] in [0] : vector<16xf32>, vector<16xi32> -> vector<16xf32>
        %mul3A_1018 = arith.mulf %gather3A_1017, %get3A_1003 : vector<16xf32>
        %swap3A_1019 = arith.index_cast %add3A_999 : i32 to index
        %swap3A_1020 = arith.constant 16 : index
        %swap3A_1021 = tpu.vector_load %arg12[%swap3A_1019, %swap3A_1020] {strides = array<i32>} : memref<80x128xf32, #tpu.memory_space<vmem>>, vector<1x16xf32>,
        %swap3A_1022 = vector.shape_cast %swap3A_1021 : vector<1x16xf32> to vector<16xf32>
        %swap3A_1023 = vector.shape_cast %mul3A_1018 : vector<16xf32> to vector<1x16xf32>
        tpu.vector_store %arg12[%swap3A_1019, %swap3A_1020], %swap3A_1023 {strides = array<i32>} : memref<80x128xf32, #tpu.memory_space<vmem>>, vector<1x16xf32>,
        %broadcast_in_dim3A_1024 = arith.constant 9 : i32
        %broadcast_in_dim3A_1025 = vector.broadcast %broadcast_in_dim3A_1024 : i32 to vector<16x1xi32>
        %gather3A_1026 = vector.shape_cast %broadcast_in_dim3A_1025 : vector<16x1xi32> to vector<16xi32>
        %gather3A_1027 = tpu.dynamic_gather %select_n3A_184[%gather3A_1026] in [0] : vector<16xf32>, vector<16xi32> -> vector<16xf32>
        %mul3A_1028 = arith.mulf %gather3A_1027, %get3A_1003 : vector<16xf32>
        %swap3A_1029 = arith.index_cast %add3A_999 : i32 to index
        %swap3A_1030 = arith.constant 32 : index
        %swap3A_1031 = tpu.vector_load %arg12[%swap3A_1029, %swap3A_1030] {strides = array<i32>} : memref<80x128xf32, #tpu.memory_space<vmem>>, vector<1x16xf32>,
        %swap3A_1032 = vector.shape_cast %swap3A_1031 : vector<1x16xf32> to vector<16xf32>
        %swap3A_1033 = vector.shape_cast %mul3A_1028 : vector<16xf32> to vector<1x16xf32>
        tpu.vector_store %arg12[%swap3A_1029, %swap3A_1030], %swap3A_1033 {strides = array<i32>} : memref<80x128xf32, #tpu.memory_space<vmem>>, vector<1x16xf32>,
        %broadcast_in_dim3A_1034 = arith.constant 9 : i32
        %broadcast_in_dim3A_1035 = vector.broadcast %broadcast_in_dim3A_1034 : i32 to vector<16x1xi32>
        %gather3A_1036 = vector.shape_cast %broadcast_in_dim3A_1035 : vector<16x1xi32> to vector<16xi32>
        %gather3A_1037 = tpu.dynamic_gather %select_n3A_188[%gather3A_1036] in [0] : vector<16xf32>, vector<16xi32> -> vector<16xf32>
        %mul3A_1038 = arith.mulf %gather3A_1037, %get3A_1003 : vector<16xf32>
        %swap3A_1039 = arith.index_cast %add3A_999 : i32 to index
        %swap3A_1040 = arith.constant 48 : index
        %swap3A_1041 = tpu.vector_load %arg12[%swap3A_1039, %swap3A_1040] {strides = array<i32>} : memref<80x128xf32, #tpu.memory_space<vmem>>, vector<1x16xf32>,
        %swap3A_1042 = vector.shape_cast %swap3A_1041 : vector<1x16xf32> to vector<16xf32>
        %swap3A_1043 = vector.shape_cast %mul3A_1038 : vector<16xf32> to vector<1x16xf32>
        tpu.vector_store %arg12[%swap3A_1039, %swap3A_1040], %swap3A_1043 {strides = array<i32>} : memref<80x128xf32, #tpu.memory_space<vmem>>, vector<1x16xf32>,
        %broadcast_in_dim3A_1044 = arith.constant 9 : i32
        %broadcast_in_dim3A_1045 = vector.broadcast %broadcast_in_dim3A_1044 : i32 to vector<16x1xi32>
        %gather3A_1046 = vector.shape_cast %broadcast_in_dim3A_1045 : vector<16x1xi32> to vector<16xi32>
        %gather3A_1047 = tpu.dynamic_gather %select_n3A_192[%gather3A_1046] in [0] : vector<16xf32>, vector<16xi32> -> vector<16xf32>
        %mul3A_1048 = arith.mulf %gather3A_1047, %get3A_1003 : vector<16xf32>
        %swap3A_1049 = arith.index_cast %add3A_999 : i32 to index
        %swap3A_1050 = arith.constant 64 : index
        %swap3A_1051 = tpu.vector_load %arg12[%swap3A_1049, %swap3A_1050] {strides = array<i32>} : memref<80x128xf32, #tpu.memory_space<vmem>>, vector<1x16xf32>,
        %swap3A_1052 = vector.shape_cast %swap3A_1051 : vector<1x16xf32> to vector<16xf32>
        %swap3A_1053 = vector.shape_cast %mul3A_1048 : vector<16xf32> to vector<1x16xf32>
        tpu.vector_store %arg12[%swap3A_1049, %swap3A_1050], %swap3A_1053 {strides = array<i32>} : memref<80x128xf32, #tpu.memory_space<vmem>>, vector<1x16xf32>,
        %broadcast_in_dim3A_1054 = arith.constant 9 : i32
        %broadcast_in_dim3A_1055 = vector.broadcast %broadcast_in_dim3A_1054 : i32 to vector<16x1xi32>
        %gather3A_1056 = vector.shape_cast %broadcast_in_dim3A_1055 : vector<16x1xi32> to vector<16xi32>
        %gather3A_1057 = tpu.dynamic_gather %select_n3A_196[%gather3A_1056] in [0] : vector<16xf32>, vector<16xi32> -> vector<16xf32>
        %mul3A_1058 = arith.mulf %gather3A_1057, %get3A_1003 : vector<16xf32>
        %swap3A_1059 = arith.index_cast %add3A_999 : i32 to index
        %swap3A_1060 = arith.constant 80 : index
        %swap3A_1061 = tpu.vector_load %arg12[%swap3A_1059, %swap3A_1060] {strides = array<i32>} : memref<80x128xf32, #tpu.memory_space<vmem>>, vector<1x16xf32>,
        %swap3A_1062 = vector.shape_cast %swap3A_1061 : vector<1x16xf32> to vector<16xf32>
        %swap3A_1063 = vector.shape_cast %mul3A_1058 : vector<16xf32> to vector<1x16xf32>
        tpu.vector_store %arg12[%swap3A_1059, %swap3A_1060], %swap3A_1063 {strides = array<i32>} : memref<80x128xf32, #tpu.memory_space<vmem>>, vector<1x16xf32>,
        %broadcast_in_dim3A_1064 = arith.constant 9 : i32
        %broadcast_in_dim3A_1065 = vector.broadcast %broadcast_in_dim3A_1064 : i32 to vector<16x1xi32>
        %gather3A_1066 = vector.shape_cast %broadcast_in_dim3A_1065 : vector<16x1xi32> to vector<16xi32>
        %gather3A_1067 = tpu.dynamic_gather %select_n3A_200[%gather3A_1066] in [0] : vector<16xf32>, vector<16xi32> -> vector<16xf32>
        %mul3A_1068 = arith.mulf %gather3A_1067, %get3A_1003 : vector<16xf32>
        %swap3A_1069 = arith.index_cast %add3A_999 : i32 to index
        %swap3A_1070 = arith.constant 96 : index
        %swap3A_1071 = tpu.vector_load %arg12[%swap3A_1069, %swap3A_1070] {strides = array<i32>} : memref<80x128xf32, #tpu.memory_space<vmem>>, vector<1x16xf32>,
        %swap3A_1072 = vector.shape_cast %swap3A_1071 : vector<1x16xf32> to vector<16xf32>
        %swap3A_1073 = vector.shape_cast %mul3A_1068 : vector<16xf32> to vector<1x16xf32>
        tpu.vector_store %arg12[%swap3A_1069, %swap3A_1070], %swap3A_1073 {strides = array<i32>} : memref<80x128xf32, #tpu.memory_space<vmem>>, vector<1x16xf32>,
        %broadcast_in_dim3A_1074 = arith.constant 9 : i32
        %broadcast_in_dim3A_1075 = vector.broadcast %broadcast_in_dim3A_1074 : i32 to vector<16x1xi32>
        %gather3A_1076 = vector.shape_cast %broadcast_in_dim3A_1075 : vector<16x1xi32> to vector<16xi32>
        %gather3A_1077 = tpu.dynamic_gather %select_n3A_204[%gather3A_1076] in [0] : vector<16xf32>, vector<16xi32> -> vector<16xf32>
        %mul3A_1078 = arith.mulf %gather3A_1077, %get3A_1003 : vector<16xf32>
        %swap3A_1079 = arith.index_cast %add3A_999 : i32 to index
        %swap3A_1080 = arith.constant 112 : index
        %swap3A_1081 = tpu.vector_load %arg12[%swap3A_1079, %swap3A_1080] {strides = array<i32>} : memref<80x128xf32, #tpu.memory_space<vmem>>, vector<1x16xf32>,
        %swap3A_1082 = vector.shape_cast %swap3A_1081 : vector<1x16xf32> to vector<16xf32>
        %swap3A_1083 = vector.shape_cast %mul3A_1078 : vector<16xf32> to vector<1x16xf32>
        tpu.vector_store %arg12[%swap3A_1079, %swap3A_1080], %swap3A_1083 {strides = array<i32>} : memref<80x128xf32, #tpu.memory_space<vmem>>, vector<1x16xf32>,
        %mul3A_1084 = arith.constant 16 : i32
        %mul3A_1085 = arith.muli %scan3A_166, %mul3A_1084 : i32
        %add3A_1086 = arith.constant 10 : i32
        %add3A_1087 = arith.addi %mul3A_1085, %add3A_1086 : i32
        %get3A_1088 = arith.index_cast %add3A_1087 : i32 to index
        %get3A_1089 = arith.constant 0 : index
        %get3A_1090 = tpu.vector_load %arg13[%get3A_1088, %get3A_1089] {strides = array<i32>} : memref<80x16xf32, #tpu.memory_space<vmem>>, vector<1x16xf32>,
        %get3A_1091 = vector.shape_cast %get3A_1090 : vector<1x16xf32> to vector<16xf32>
        %broadcast_in_dim3A_1092 = arith.constant 10 : i32
        %broadcast_in_dim3A_1093 = vector.broadcast %broadcast_in_dim3A_1092 : i32 to vector<16x1xi32>
        %gather3A_1094 = vector.shape_cast %broadcast_in_dim3A_1093 : vector<16x1xi32> to vector<16xi32>
        %gather3A_1095 = tpu.dynamic_gather %select_n3A[%gather3A_1094] in [0] : vector<16xf32>, vector<16xi32> -> vector<16xf32>
        %mul3A_1096 = arith.mulf %gather3A_1095, %get3A_1091 : vector<16xf32>
        %swap3A_1097 = arith.index_cast %add3A_1087 : i32 to index
        %swap3A_1098 = arith.constant 0 : index
        %swap3A_1099 = tpu.vector_load %arg12[%swap3A_1097, %swap3A_1098] {strides = array<i32>} : memref<80x128xf32, #tpu.memory_space<vmem>>, vector<1x16xf32>,
        %swap3A_1100 = vector.shape_cast %swap3A_1099 : vector<1x16xf32> to vector<16xf32>
        %swap3A_1101 = vector.shape_cast %mul3A_1096 : vector<16xf32> to vector<1x16xf32>
        tpu.vector_store %arg12[%swap3A_1097, %swap3A_1098], %swap3A_1101 {strides = array<i32>} : memref<80x128xf32, #tpu.memory_space<vmem>>, vector<1x16xf32>,
        %broadcast_in_dim3A_1102 = arith.constant 10 : i32
        %broadcast_in_dim3A_1103 = vector.broadcast %broadcast_in_dim3A_1102 : i32 to vector<16x1xi32>
        %gather3A_1104 = vector.shape_cast %broadcast_in_dim3A_1103 : vector<16x1xi32> to vector<16xi32>
        %gather3A_1105 = tpu.dynamic_gather %select_n3A_180[%gather3A_1104] in [0] : vector<16xf32>, vector<16xi32> -> vector<16xf32>
        %mul3A_1106 = arith.mulf %gather3A_1105, %get3A_1091 : vector<16xf32>
        %swap3A_1107 = arith.index_cast %add3A_1087 : i32 to index
        %swap3A_1108 = arith.constant 16 : index
        %swap3A_1109 = tpu.vector_load %arg12[%swap3A_1107, %swap3A_1108] {strides = array<i32>} : memref<80x128xf32, #tpu.memory_space<vmem>>, vector<1x16xf32>,
        %swap3A_1110 = vector.shape_cast %swap3A_1109 : vector<1x16xf32> to vector<16xf32>
        %swap3A_1111 = vector.shape_cast %mul3A_1106 : vector<16xf32> to vector<1x16xf32>
        tpu.vector_store %arg12[%swap3A_1107, %swap3A_1108], %swap3A_1111 {strides = array<i32>} : memref<80x128xf32, #tpu.memory_space<vmem>>, vector<1x16xf32>,
        %broadcast_in_dim3A_1112 = arith.constant 10 : i32
        %broadcast_in_dim3A_1113 = vector.broadcast %broadcast_in_dim3A_1112 : i32 to vector<16x1xi32>
        %gather3A_1114 = vector.shape_cast %broadcast_in_dim3A_1113 : vector<16x1xi32> to vector<16xi32>
        %gather3A_1115 = tpu.dynamic_gather %select_n3A_184[%gather3A_1114] in [0] : vector<16xf32>, vector<16xi32> -> vector<16xf32>
        %mul3A_1116 = arith.mulf %gather3A_1115, %get3A_1091 : vector<16xf32>
        %swap3A_1117 = arith.index_cast %add3A_1087 : i32 to index
        %swap3A_1118 = arith.constant 32 : index
        %swap3A_1119 = tpu.vector_load %arg12[%swap3A_1117, %swap3A_1118] {strides = array<i32>} : memref<80x128xf32, #tpu.memory_space<vmem>>, vector<1x16xf32>,
        %swap3A_1120 = vector.shape_cast %swap3A_1119 : vector<1x16xf32> to vector<16xf32>
        %swap3A_1121 = vector.shape_cast %mul3A_1116 : vector<16xf32> to vector<1x16xf32>
        tpu.vector_store %arg12[%swap3A_1117, %swap3A_1118], %swap3A_1121 {strides = array<i32>} : memref<80x128xf32, #tpu.memory_space<vmem>>, vector<1x16xf32>,
        %broadcast_in_dim3A_1122 = arith.constant 10 : i32
        %broadcast_in_dim3A_1123 = vector.broadcast %broadcast_in_dim3A_1122 : i32 to vector<16x1xi32>
        %gather3A_1124 = vector.shape_cast %broadcast_in_dim3A_1123 : vector<16x1xi32> to vector<16xi32>
        %gather3A_1125 = tpu.dynamic_gather %select_n3A_188[%gather3A_1124] in [0] : vector<16xf32>, vector<16xi32> -> vector<16xf32>
        %mul3A_1126 = arith.mulf %gather3A_1125, %get3A_1091 : vector<16xf32>
        %swap3A_1127 = arith.index_cast %add3A_1087 : i32 to index
        %swap3A_1128 = arith.constant 48 : index
        %swap3A_1129 = tpu.vector_load %arg12[%swap3A_1127, %swap3A_1128] {strides = array<i32>} : memref<80x128xf32, #tpu.memory_space<vmem>>, vector<1x16xf32>,
        %swap3A_1130 = vector.shape_cast %swap3A_1129 : vector<1x16xf32> to vector<16xf32>
        %swap3A_1131 = vector.shape_cast %mul3A_1126 : vector<16xf32> to vector<1x16xf32>
        tpu.vector_store %arg12[%swap3A_1127, %swap3A_1128], %swap3A_1131 {strides = array<i32>} : memref<80x128xf32, #tpu.memory_space<vmem>>, vector<1x16xf32>,
        %broadcast_in_dim3A_1132 = arith.constant 10 : i32
        %broadcast_in_dim3A_1133 = vector.broadcast %broadcast_in_dim3A_1132 : i32 to vector<16x1xi32>
        %gather3A_1134 = vector.shape_cast %broadcast_in_dim3A_1133 : vector<16x1xi32> to vector<16xi32>
        %gather3A_1135 = tpu.dynamic_gather %select_n3A_192[%gather3A_1134] in [0] : vector<16xf32>, vector<16xi32> -> vector<16xf32>
        %mul3A_1136 = arith.mulf %gather3A_1135, %get3A_1091 : vector<16xf32>
        %swap3A_1137 = arith.index_cast %add3A_1087 : i32 to index
        %swap3A_1138 = arith.constant 64 : index
        %swap3A_1139 = tpu.vector_load %arg12[%swap3A_1137, %swap3A_1138] {strides = array<i32>} : memref<80x128xf32, #tpu.memory_space<vmem>>, vector<1x16xf32>,
        %swap3A_1140 = vector.shape_cast %swap3A_1139 : vector<1x16xf32> to vector<16xf32>
        %swap3A_1141 = vector.shape_cast %mul3A_1136 : vector<16xf32> to vector<1x16xf32>
        tpu.vector_store %arg12[%swap3A_1137, %swap3A_1138], %swap3A_1141 {strides = array<i32>} : memref<80x128xf32, #tpu.memory_space<vmem>>, vector<1x16xf32>,
        %broadcast_in_dim3A_1142 = arith.constant 10 : i32
        %broadcast_in_dim3A_1143 = vector.broadcast %broadcast_in_dim3A_1142 : i32 to vector<16x1xi32>
        %gather3A_1144 = vector.shape_cast %broadcast_in_dim3A_1143 : vector<16x1xi32> to vector<16xi32>
        %gather3A_1145 = tpu.dynamic_gather %select_n3A_196[%gather3A_1144] in [0] : vector<16xf32>, vector<16xi32> -> vector<16xf32>
        %mul3A_1146 = arith.mulf %gather3A_1145, %get3A_1091 : vector<16xf32>
        %swap3A_1147 = arith.index_cast %add3A_1087 : i32 to index
        %swap3A_1148 = arith.constant 80 : index
        %swap3A_1149 = tpu.vector_load %arg12[%swap3A_1147, %swap3A_1148] {strides = array<i32>} : memref<80x128xf32, #tpu.memory_space<vmem>>, vector<1x16xf32>,
        %swap3A_1150 = vector.shape_cast %swap3A_1149 : vector<1x16xf32> to vector<16xf32>
        %swap3A_1151 = vector.shape_cast %mul3A_1146 : vector<16xf32> to vector<1x16xf32>
        tpu.vector_store %arg12[%swap3A_1147, %swap3A_1148], %swap3A_1151 {strides = array<i32>} : memref<80x128xf32, #tpu.memory_space<vmem>>, vector<1x16xf32>,
        %broadcast_in_dim3A_1152 = arith.constant 10 : i32
        %broadcast_in_dim3A_1153 = vector.broadcast %broadcast_in_dim3A_1152 : i32 to vector<16x1xi32>
        %gather3A_1154 = vector.shape_cast %broadcast_in_dim3A_1153 : vector<16x1xi32> to vector<16xi32>
        %gather3A_1155 = tpu.dynamic_gather %select_n3A_200[%gather3A_1154] in [0] : vector<16xf32>, vector<16xi32> -> vector<16xf32>
        %mul3A_1156 = arith.mulf %gather3A_1155, %get3A_1091 : vector<16xf32>
        %swap3A_1157 = arith.index_cast %add3A_1087 : i32 to index
        %swap3A_1158 = arith.constant 96 : index
        %swap3A_1159 = tpu.vector_load %arg12[%swap3A_1157, %swap3A_1158] {strides = array<i32>} : memref<80x128xf32, #tpu.memory_space<vmem>>, vector<1x16xf32>,
        %swap3A_1160 = vector.shape_cast %swap3A_1159 : vector<1x16xf32> to vector<16xf32>
        %swap3A_1161 = vector.shape_cast %mul3A_1156 : vector<16xf32> to vector<1x16xf32>
        tpu.vector_store %arg12[%swap3A_1157, %swap3A_1158], %swap3A_1161 {strides = array<i32>} : memref<80x128xf32, #tpu.memory_space<vmem>>, vector<1x16xf32>,
        %broadcast_in_dim3A_1162 = arith.constant 10 : i32
        %broadcast_in_dim3A_1163 = vector.broadcast %broadcast_in_dim3A_1162 : i32 to vector<16x1xi32>
        %gather3A_1164 = vector.shape_cast %broadcast_in_dim3A_1163 : vector<16x1xi32> to vector<16xi32>
        %gather3A_1165 = tpu.dynamic_gather %select_n3A_204[%gather3A_1164] in [0] : vector<16xf32>, vector<16xi32> -> vector<16xf32>
        %mul3A_1166 = arith.mulf %gather3A_1165, %get3A_1091 : vector<16xf32>
        %swap3A_1167 = arith.index_cast %add3A_1087 : i32 to index
        %swap3A_1168 = arith.constant 112 : index
        %swap3A_1169 = tpu.vector_load %arg12[%swap3A_1167, %swap3A_1168] {strides = array<i32>} : memref<80x128xf32, #tpu.memory_space<vmem>>, vector<1x16xf32>,
        %swap3A_1170 = vector.shape_cast %swap3A_1169 : vector<1x16xf32> to vector<16xf32>
        %swap3A_1171 = vector.shape_cast %mul3A_1166 : vector<16xf32> to vector<1x16xf32>
        tpu.vector_store %arg12[%swap3A_1167, %swap3A_1168], %swap3A_1171 {strides = array<i32>} : memref<80x128xf32, #tpu.memory_space<vmem>>, vector<1x16xf32>,
        %mul3A_1172 = arith.constant 16 : i32
        %mul3A_1173 = arith.muli %scan3A_166, %mul3A_1172 : i32
        %add3A_1174 = arith.constant 11 : i32
        %add3A_1175 = arith.addi %mul3A_1173, %add3A_1174 : i32
        %get3A_1176 = arith.index_cast %add3A_1175 : i32 to index
        %get3A_1177 = arith.constant 0 : index
        %get3A_1178 = tpu.vector_load %arg13[%get3A_1176, %get3A_1177] {strides = array<i32>} : memref<80x16xf32, #tpu.memory_space<vmem>>, vector<1x16xf32>,
        %get3A_1179 = vector.shape_cast %get3A_1178 : vector<1x16xf32> to vector<16xf32>
        %broadcast_in_dim3A_1180 = arith.constant 11 : i32
        %broadcast_in_dim3A_1181 = vector.broadcast %broadcast_in_dim3A_1180 : i32 to vector<16x1xi32>
        %gather3A_1182 = vector.shape_cast %broadcast_in_dim3A_1181 : vector<16x1xi32> to vector<16xi32>
        %gather3A_1183 = tpu.dynamic_gather %select_n3A[%gather3A_1182] in [0] : vector<16xf32>, vector<16xi32> -> vector<16xf32>
        %mul3A_1184 = arith.mulf %gather3A_1183, %get3A_1179 : vector<16xf32>
        %swap3A_1185 = arith.index_cast %add3A_1175 : i32 to index
        %swap3A_1186 = arith.constant 0 : index
        %swap3A_1187 = tpu.vector_load %arg12[%swap3A_1185, %swap3A_1186] {strides = array<i32>} : memref<80x128xf32, #tpu.memory_space<vmem>>, vector<1x16xf32>,
        %swap3A_1188 = vector.shape_cast %swap3A_1187 : vector<1x16xf32> to vector<16xf32>
        %swap3A_1189 = vector.shape_cast %mul3A_1184 : vector<16xf32> to vector<1x16xf32>
        tpu.vector_store %arg12[%swap3A_1185, %swap3A_1186], %swap3A_1189 {strides = array<i32>} : memref<80x128xf32, #tpu.memory_space<vmem>>, vector<1x16xf32>,
        %broadcast_in_dim3A_1190 = arith.constant 11 : i32
        %broadcast_in_dim3A_1191 = vector.broadcast %broadcast_in_dim3A_1190 : i32 to vector<16x1xi32>
        %gather3A_1192 = vector.shape_cast %broadcast_in_dim3A_1191 : vector<16x1xi32> to vector<16xi32>
        %gather3A_1193 = tpu.dynamic_gather %select_n3A_180[%gather3A_1192] in [0] : vector<16xf32>, vector<16xi32> -> vector<16xf32>
        %mul3A_1194 = arith.mulf %gather3A_1193, %get3A_1179 : vector<16xf32>
        %swap3A_1195 = arith.index_cast %add3A_1175 : i32 to index
        %swap3A_1196 = arith.constant 16 : index
        %swap3A_1197 = tpu.vector_load %arg12[%swap3A_1195, %swap3A_1196] {strides = array<i32>} : memref<80x128xf32, #tpu.memory_space<vmem>>, vector<1x16xf32>,
        %swap3A_1198 = vector.shape_cast %swap3A_1197 : vector<1x16xf32> to vector<16xf32>
        %swap3A_1199 = vector.shape_cast %mul3A_1194 : vector<16xf32> to vector<1x16xf32>
        tpu.vector_store %arg12[%swap3A_1195, %swap3A_1196], %swap3A_1199 {strides = array<i32>} : memref<80x128xf32, #tpu.memory_space<vmem>>, vector<1x16xf32>,
        %broadcast_in_dim3A_1200 = arith.constant 11 : i32
        %broadcast_in_dim3A_1201 = vector.broadcast %broadcast_in_dim3A_1200 : i32 to vector<16x1xi32>
        %gather3A_1202 = vector.shape_cast %broadcast_in_dim3A_1201 : vector<16x1xi32> to vector<16xi32>
        %gather3A_1203 = tpu.dynamic_gather %select_n3A_184[%gather3A_1202] in [0] : vector<16xf32>, vector<16xi32> -> vector<16xf32>
        %mul3A_1204 = arith.mulf %gather3A_1203, %get3A_1179 : vector<16xf32>
        %swap3A_1205 = arith.index_cast %add3A_1175 : i32 to index
        %swap3A_1206 = arith.constant 32 : index
        %swap3A_1207 = tpu.vector_load %arg12[%swap3A_1205, %swap3A_1206] {strides = array<i32>} : memref<80x128xf32, #tpu.memory_space<vmem>>, vector<1x16xf32>,
        %swap3A_1208 = vector.shape_cast %swap3A_1207 : vector<1x16xf32> to vector<16xf32>
        %swap3A_1209 = vector.shape_cast %mul3A_1204 : vector<16xf32> to vector<1x16xf32>
        tpu.vector_store %arg12[%swap3A_1205, %swap3A_1206], %swap3A_1209 {strides = array<i32>} : memref<80x128xf32, #tpu.memory_space<vmem>>, vector<1x16xf32>,
        %broadcast_in_dim3A_1210 = arith.constant 11 : i32
        %broadcast_in_dim3A_1211 = vector.broadcast %broadcast_in_dim3A_1210 : i32 to vector<16x1xi32>
        %gather3A_1212 = vector.shape_cast %broadcast_in_dim3A_1211 : vector<16x1xi32> to vector<16xi32>
        %gather3A_1213 = tpu.dynamic_gather %select_n3A_188[%gather3A_1212] in [0] : vector<16xf32>, vector<16xi32> -> vector<16xf32>
        %mul3A_1214 = arith.mulf %gather3A_1213, %get3A_1179 : vector<16xf32>
        %swap3A_1215 = arith.index_cast %add3A_1175 : i32 to index
        %swap3A_1216 = arith.constant 48 : index
        %swap3A_1217 = tpu.vector_load %arg12[%swap3A_1215, %swap3A_1216] {strides = array<i32>} : memref<80x128xf32, #tpu.memory_space<vmem>>, vector<1x16xf32>,
        %swap3A_1218 = vector.shape_cast %swap3A_1217 : vector<1x16xf32> to vector<16xf32>
        %swap3A_1219 = vector.shape_cast %mul3A_1214 : vector<16xf32> to vector<1x16xf32>
        tpu.vector_store %arg12[%swap3A_1215, %swap3A_1216], %swap3A_1219 {strides = array<i32>} : memref<80x128xf32, #tpu.memory_space<vmem>>, vector<1x16xf32>,
        %broadcast_in_dim3A_1220 = arith.constant 11 : i32
        %broadcast_in_dim3A_1221 = vector.broadcast %broadcast_in_dim3A_1220 : i32 to vector<16x1xi32>
        %gather3A_1222 = vector.shape_cast %broadcast_in_dim3A_1221 : vector<16x1xi32> to vector<16xi32>
        %gather3A_1223 = tpu.dynamic_gather %select_n3A_192[%gather3A_1222] in [0] : vector<16xf32>, vector<16xi32> -> vector<16xf32>
        %mul3A_1224 = arith.mulf %gather3A_1223, %get3A_1179 : vector<16xf32>
        %swap3A_1225 = arith.index_cast %add3A_1175 : i32 to index
        %swap3A_1226 = arith.constant 64 : index
        %swap3A_1227 = tpu.vector_load %arg12[%swap3A_1225, %swap3A_1226] {strides = array<i32>} : memref<80x128xf32, #tpu.memory_space<vmem>>, vector<1x16xf32>,
        %swap3A_1228 = vector.shape_cast %swap3A_1227 : vector<1x16xf32> to vector<16xf32>
        %swap3A_1229 = vector.shape_cast %mul3A_1224 : vector<16xf32> to vector<1x16xf32>
        tpu.vector_store %arg12[%swap3A_1225, %swap3A_1226], %swap3A_1229 {strides = array<i32>} : memref<80x128xf32, #tpu.memory_space<vmem>>, vector<1x16xf32>,
        %broadcast_in_dim3A_1230 = arith.constant 11 : i32
        %broadcast_in_dim3A_1231 = vector.broadcast %broadcast_in_dim3A_1230 : i32 to vector<16x1xi32>
        %gather3A_1232 = vector.shape_cast %broadcast_in_dim3A_1231 : vector<16x1xi32> to vector<16xi32>
        %gather3A_1233 = tpu.dynamic_gather %select_n3A_196[%gather3A_1232] in [0] : vector<16xf32>, vector<16xi32> -> vector<16xf32>
        %mul3A_1234 = arith.mulf %gather3A_1233, %get3A_1179 : vector<16xf32>
        %swap3A_1235 = arith.index_cast %add3A_1175 : i32 to index
        %swap3A_1236 = arith.constant 80 : index
        %swap3A_1237 = tpu.vector_load %arg12[%swap3A_1235, %swap3A_1236] {strides = array<i32>} : memref<80x128xf32, #tpu.memory_space<vmem>>, vector<1x16xf32>,
        %swap3A_1238 = vector.shape_cast %swap3A_1237 : vector<1x16xf32> to vector<16xf32>
        %swap3A_1239 = vector.shape_cast %mul3A_1234 : vector<16xf32> to vector<1x16xf32>
        tpu.vector_store %arg12[%swap3A_1235, %swap3A_1236], %swap3A_1239 {strides = array<i32>} : memref<80x128xf32, #tpu.memory_space<vmem>>, vector<1x16xf32>,
        %broadcast_in_dim3A_1240 = arith.constant 11 : i32
        %broadcast_in_dim3A_1241 = vector.broadcast %broadcast_in_dim3A_1240 : i32 to vector<16x1xi32>
        %gather3A_1242 = vector.shape_cast %broadcast_in_dim3A_1241 : vector<16x1xi32> to vector<16xi32>
        %gather3A_1243 = tpu.dynamic_gather %select_n3A_200[%gather3A_1242] in [0] : vector<16xf32>, vector<16xi32> -> vector<16xf32>
        %mul3A_1244 = arith.mulf %gather3A_1243, %get3A_1179 : vector<16xf32>
        %swap3A_1245 = arith.index_cast %add3A_1175 : i32 to index
        %swap3A_1246 = arith.constant 96 : index
        %swap3A_1247 = tpu.vector_load %arg12[%swap3A_1245, %swap3A_1246] {strides = array<i32>} : memref<80x128xf32, #tpu.memory_space<vmem>>, vector<1x16xf32>,
        %swap3A_1248 = vector.shape_cast %swap3A_1247 : vector<1x16xf32> to vector<16xf32>
        %swap3A_1249 = vector.shape_cast %mul3A_1244 : vector<16xf32> to vector<1x16xf32>
        tpu.vector_store %arg12[%swap3A_1245, %swap3A_1246], %swap3A_1249 {strides = array<i32>} : memref<80x128xf32, #tpu.memory_space<vmem>>, vector<1x16xf32>,
        %broadcast_in_dim3A_1250 = arith.constant 11 : i32
        %broadcast_in_dim3A_1251 = vector.broadcast %broadcast_in_dim3A_1250 : i32 to vector<16x1xi32>
        %gather3A_1252 = vector.shape_cast %broadcast_in_dim3A_1251 : vector<16x1xi32> to vector<16xi32>
        %gather3A_1253 = tpu.dynamic_gather %select_n3A_204[%gather3A_1252] in [0] : vector<16xf32>, vector<16xi32> -> vector<16xf32>
        %mul3A_1254 = arith.mulf %gather3A_1253, %get3A_1179 : vector<16xf32>
        %swap3A_1255 = arith.index_cast %add3A_1175 : i32 to index
        %swap3A_1256 = arith.constant 112 : index
        %swap3A_1257 = tpu.vector_load %arg12[%swap3A_1255, %swap3A_1256] {strides = array<i32>} : memref<80x128xf32, #tpu.memory_space<vmem>>, vector<1x16xf32>,
        %swap3A_1258 = vector.shape_cast %swap3A_1257 : vector<1x16xf32> to vector<16xf32>
        %swap3A_1259 = vector.shape_cast %mul3A_1254 : vector<16xf32> to vector<1x16xf32>
        tpu.vector_store %arg12[%swap3A_1255, %swap3A_1256], %swap3A_1259 {strides = array<i32>} : memref<80x128xf32, #tpu.memory_space<vmem>>, vector<1x16xf32>,
        %mul3A_1260 = arith.constant 16 : i32
        %mul3A_1261 = arith.muli %scan3A_166, %mul3A_1260 : i32
        %add3A_1262 = arith.constant 12 : i32
        %add3A_1263 = arith.addi %mul3A_1261, %add3A_1262 : i32
        %get3A_1264 = arith.index_cast %add3A_1263 : i32 to index
        %get3A_1265 = arith.constant 0 : index
        %get3A_1266 = tpu.vector_load %arg13[%get3A_1264, %get3A_1265] {strides = array<i32>} : memref<80x16xf32, #tpu.memory_space<vmem>>, vector<1x16xf32>,
        %get3A_1267 = vector.shape_cast %get3A_1266 : vector<1x16xf32> to vector<16xf32>
        %broadcast_in_dim3A_1268 = arith.constant 12 : i32
        %broadcast_in_dim3A_1269 = vector.broadcast %broadcast_in_dim3A_1268 : i32 to vector<16x1xi32>
        %gather3A_1270 = vector.shape_cast %broadcast_in_dim3A_1269 : vector<16x1xi32> to vector<16xi32>
        %gather3A_1271 = tpu.dynamic_gather %select_n3A[%gather3A_1270] in [0] : vector<16xf32>, vector<16xi32> -> vector<16xf32>
        %mul3A_1272 = arith.mulf %gather3A_1271, %get3A_1267 : vector<16xf32>
        %swap3A_1273 = arith.index_cast %add3A_1263 : i32 to index
        %swap3A_1274 = arith.constant 0 : index
        %swap3A_1275 = tpu.vector_load %arg12[%swap3A_1273, %swap3A_1274] {strides = array<i32>} : memref<80x128xf32, #tpu.memory_space<vmem>>, vector<1x16xf32>,
        %swap3A_1276 = vector.shape_cast %swap3A_1275 : vector<1x16xf32> to vector<16xf32>
        %swap3A_1277 = vector.shape_cast %mul3A_1272 : vector<16xf32> to vector<1x16xf32>
        tpu.vector_store %arg12[%swap3A_1273, %swap3A_1274], %swap3A_1277 {strides = array<i32>} : memref<80x128xf32, #tpu.memory_space<vmem>>, vector<1x16xf32>,
        %broadcast_in_dim3A_1278 = arith.constant 12 : i32
        %broadcast_in_dim3A_1279 = vector.broadcast %broadcast_in_dim3A_1278 : i32 to vector<16x1xi32>
        %gather3A_1280 = vector.shape_cast %broadcast_in_dim3A_1279 : vector<16x1xi32> to vector<16xi32>
        %gather3A_1281 = tpu.dynamic_gather %select_n3A_180[%gather3A_1280] in [0] : vector<16xf32>, vector<16xi32> -> vector<16xf32>
        %mul3A_1282 = arith.mulf %gather3A_1281, %get3A_1267 : vector<16xf32>
        %swap3A_1283 = arith.index_cast %add3A_1263 : i32 to index
        %swap3A_1284 = arith.constant 16 : index
        %swap3A_1285 = tpu.vector_load %arg12[%swap3A_1283, %swap3A_1284] {strides = array<i32>} : memref<80x128xf32, #tpu.memory_space<vmem>>, vector<1x16xf32>,
        %swap3A_1286 = vector.shape_cast %swap3A_1285 : vector<1x16xf32> to vector<16xf32>
        %swap3A_1287 = vector.shape_cast %mul3A_1282 : vector<16xf32> to vector<1x16xf32>
        tpu.vector_store %arg12[%swap3A_1283, %swap3A_1284], %swap3A_1287 {strides = array<i32>} : memref<80x128xf32, #tpu.memory_space<vmem>>, vector<1x16xf32>,
        %broadcast_in_dim3A_1288 = arith.constant 12 : i32
        %broadcast_in_dim3A_1289 = vector.broadcast %broadcast_in_dim3A_1288 : i32 to vector<16x1xi32>
        %gather3A_1290 = vector.shape_cast %broadcast_in_dim3A_1289 : vector<16x1xi32> to vector<16xi32>
        %gather3A_1291 = tpu.dynamic_gather %select_n3A_184[%gather3A_1290] in [0] : vector<16xf32>, vector<16xi32> -> vector<16xf32>
        %mul3A_1292 = arith.mulf %gather3A_1291, %get3A_1267 : vector<16xf32>
        %swap3A_1293 = arith.index_cast %add3A_1263 : i32 to index
        %swap3A_1294 = arith.constant 32 : index
        %swap3A_1295 = tpu.vector_load %arg12[%swap3A_1293, %swap3A_1294] {strides = array<i32>} : memref<80x128xf32, #tpu.memory_space<vmem>>, vector<1x16xf32>,
        %swap3A_1296 = vector.shape_cast %swap3A_1295 : vector<1x16xf32> to vector<16xf32>
        %swap3A_1297 = vector.shape_cast %mul3A_1292 : vector<16xf32> to vector<1x16xf32>
        tpu.vector_store %arg12[%swap3A_1293, %swap3A_1294], %swap3A_1297 {strides = array<i32>} : memref<80x128xf32, #tpu.memory_space<vmem>>, vector<1x16xf32>,
        %broadcast_in_dim3A_1298 = arith.constant 12 : i32
        %broadcast_in_dim3A_1299 = vector.broadcast %broadcast_in_dim3A_1298 : i32 to vector<16x1xi32>
        %gather3A_1300 = vector.shape_cast %broadcast_in_dim3A_1299 : vector<16x1xi32> to vector<16xi32>
        %gather3A_1301 = tpu.dynamic_gather %select_n3A_188[%gather3A_1300] in [0] : vector<16xf32>, vector<16xi32> -> vector<16xf32>
        %mul3A_1302 = arith.mulf %gather3A_1301, %get3A_1267 : vector<16xf32>
        %swap3A_1303 = arith.index_cast %add3A_1263 : i32 to index
        %swap3A_1304 = arith.constant 48 : index
        %swap3A_1305 = tpu.vector_load %arg12[%swap3A_1303, %swap3A_1304] {strides = array<i32>} : memref<80x128xf32, #tpu.memory_space<vmem>>, vector<1x16xf32>,
        %swap3A_1306 = vector.shape_cast %swap3A_1305 : vector<1x16xf32> to vector<16xf32>
        %swap3A_1307 = vector.shape_cast %mul3A_1302 : vector<16xf32> to vector<1x16xf32>
        tpu.vector_store %arg12[%swap3A_1303, %swap3A_1304], %swap3A_1307 {strides = array<i32>} : memref<80x128xf32, #tpu.memory_space<vmem>>, vector<1x16xf32>,
        %broadcast_in_dim3A_1308 = arith.constant 12 : i32
        %broadcast_in_dim3A_1309 = vector.broadcast %broadcast_in_dim3A_1308 : i32 to vector<16x1xi32>
        %gather3A_1310 = vector.shape_cast %broadcast_in_dim3A_1309 : vector<16x1xi32> to vector<16xi32>
        %gather3A_1311 = tpu.dynamic_gather %select_n3A_192[%gather3A_1310] in [0] : vector<16xf32>, vector<16xi32> -> vector<16xf32>
        %mul3A_1312 = arith.mulf %gather3A_1311, %get3A_1267 : vector<16xf32>
        %swap3A_1313 = arith.index_cast %add3A_1263 : i32 to index
        %swap3A_1314 = arith.constant 64 : index
        %swap3A_1315 = tpu.vector_load %arg12[%swap3A_1313, %swap3A_1314] {strides = array<i32>} : memref<80x128xf32, #tpu.memory_space<vmem>>, vector<1x16xf32>,
        %swap3A_1316 = vector.shape_cast %swap3A_1315 : vector<1x16xf32> to vector<16xf32>
        %swap3A_1317 = vector.shape_cast %mul3A_1312 : vector<16xf32> to vector<1x16xf32>
        tpu.vector_store %arg12[%swap3A_1313, %swap3A_1314], %swap3A_1317 {strides = array<i32>} : memref<80x128xf32, #tpu.memory_space<vmem>>, vector<1x16xf32>,
        %broadcast_in_dim3A_1318 = arith.constant 12 : i32
        %broadcast_in_dim3A_1319 = vector.broadcast %broadcast_in_dim3A_1318 : i32 to vector<16x1xi32>
        %gather3A_1320 = vector.shape_cast %broadcast_in_dim3A_1319 : vector<16x1xi32> to vector<16xi32>
        %gather3A_1321 = tpu.dynamic_gather %select_n3A_196[%gather3A_1320] in [0] : vector<16xf32>, vector<16xi32> -> vector<16xf32>
        %mul3A_1322 = arith.mulf %gather3A_1321, %get3A_1267 : vector<16xf32>
        %swap3A_1323 = arith.index_cast %add3A_1263 : i32 to index
        %swap3A_1324 = arith.constant 80 : index
        %swap3A_1325 = tpu.vector_load %arg12[%swap3A_1323, %swap3A_1324] {strides = array<i32>} : memref<80x128xf32, #tpu.memory_space<vmem>>, vector<1x16xf32>,
        %swap3A_1326 = vector.shape_cast %swap3A_1325 : vector<1x16xf32> to vector<16xf32>
        %swap3A_1327 = vector.shape_cast %mul3A_1322 : vector<16xf32> to vector<1x16xf32>
        tpu.vector_store %arg12[%swap3A_1323, %swap3A_1324], %swap3A_1327 {strides = array<i32>} : memref<80x128xf32, #tpu.memory_space<vmem>>, vector<1x16xf32>,
        %broadcast_in_dim3A_1328 = arith.constant 12 : i32
        %broadcast_in_dim3A_1329 = vector.broadcast %broadcast_in_dim3A_1328 : i32 to vector<16x1xi32>
        %gather3A_1330 = vector.shape_cast %broadcast_in_dim3A_1329 : vector<16x1xi32> to vector<16xi32>
        %gather3A_1331 = tpu.dynamic_gather %select_n3A_200[%gather3A_1330] in [0] : vector<16xf32>, vector<16xi32> -> vector<16xf32>
        %mul3A_1332 = arith.mulf %gather3A_1331, %get3A_1267 : vector<16xf32>
        %swap3A_1333 = arith.index_cast %add3A_1263 : i32 to index
        %swap3A_1334 = arith.constant 96 : index
        %swap3A_1335 = tpu.vector_load %arg12[%swap3A_1333, %swap3A_1334] {strides = array<i32>} : memref<80x128xf32, #tpu.memory_space<vmem>>, vector<1x16xf32>,
        %swap3A_1336 = vector.shape_cast %swap3A_1335 : vector<1x16xf32> to vector<16xf32>
        %swap3A_1337 = vector.shape_cast %mul3A_1332 : vector<16xf32> to vector<1x16xf32>
        tpu.vector_store %arg12[%swap3A_1333, %swap3A_1334], %swap3A_1337 {strides = array<i32>} : memref<80x128xf32, #tpu.memory_space<vmem>>, vector<1x16xf32>,
        %broadcast_in_dim3A_1338 = arith.constant 12 : i32
        %broadcast_in_dim3A_1339 = vector.broadcast %broadcast_in_dim3A_1338 : i32 to vector<16x1xi32>
        %gather3A_1340 = vector.shape_cast %broadcast_in_dim3A_1339 : vector<16x1xi32> to vector<16xi32>
        %gather3A_1341 = tpu.dynamic_gather %select_n3A_204[%gather3A_1340] in [0] : vector<16xf32>, vector<16xi32> -> vector<16xf32>
        %mul3A_1342 = arith.mulf %gather3A_1341, %get3A_1267 : vector<16xf32>
        %swap3A_1343 = arith.index_cast %add3A_1263 : i32 to index
        %swap3A_1344 = arith.constant 112 : index
        %swap3A_1345 = tpu.vector_load %arg12[%swap3A_1343, %swap3A_1344] {strides = array<i32>} : memref<80x128xf32, #tpu.memory_space<vmem>>, vector<1x16xf32>,
        %swap3A_1346 = vector.shape_cast %swap3A_1345 : vector<1x16xf32> to vector<16xf32>
        %swap3A_1347 = vector.shape_cast %mul3A_1342 : vector<16xf32> to vector<1x16xf32>
        tpu.vector_store %arg12[%swap3A_1343, %swap3A_1344], %swap3A_1347 {strides = array<i32>} : memref<80x128xf32, #tpu.memory_space<vmem>>, vector<1x16xf32>,
        %mul3A_1348 = arith.constant 16 : i32
        %mul3A_1349 = arith.muli %scan3A_166, %mul3A_1348 : i32
        %add3A_1350 = arith.constant 13 : i32
        %add3A_1351 = arith.addi %mul3A_1349, %add3A_1350 : i32
        %get3A_1352 = arith.index_cast %add3A_1351 : i32 to index
        %get3A_1353 = arith.constant 0 : index
        %get3A_1354 = tpu.vector_load %arg13[%get3A_1352, %get3A_1353] {strides = array<i32>} : memref<80x16xf32, #tpu.memory_space<vmem>>, vector<1x16xf32>,
        %get3A_1355 = vector.shape_cast %get3A_1354 : vector<1x16xf32> to vector<16xf32>
        %broadcast_in_dim3A_1356 = arith.constant 13 : i32
        %broadcast_in_dim3A_1357 = vector.broadcast %broadcast_in_dim3A_1356 : i32 to vector<16x1xi32>
        %gather3A_1358 = vector.shape_cast %broadcast_in_dim3A_1357 : vector<16x1xi32> to vector<16xi32>
        %gather3A_1359 = tpu.dynamic_gather %select_n3A[%gather3A_1358] in [0] : vector<16xf32>, vector<16xi32> -> vector<16xf32>
        %mul3A_1360 = arith.mulf %gather3A_1359, %get3A_1355 : vector<16xf32>
        %swap3A_1361 = arith.index_cast %add3A_1351 : i32 to index
        %swap3A_1362 = arith.constant 0 : index
        %swap3A_1363 = tpu.vector_load %arg12[%swap3A_1361, %swap3A_1362] {strides = array<i32>} : memref<80x128xf32, #tpu.memory_space<vmem>>, vector<1x16xf32>,
        %swap3A_1364 = vector.shape_cast %swap3A_1363 : vector<1x16xf32> to vector<16xf32>
        %swap3A_1365 = vector.shape_cast %mul3A_1360 : vector<16xf32> to vector<1x16xf32>
        tpu.vector_store %arg12[%swap3A_1361, %swap3A_1362], %swap3A_1365 {strides = array<i32>} : memref<80x128xf32, #tpu.memory_space<vmem>>, vector<1x16xf32>,
        %broadcast_in_dim3A_1366 = arith.constant 13 : i32
        %broadcast_in_dim3A_1367 = vector.broadcast %broadcast_in_dim3A_1366 : i32 to vector<16x1xi32>
        %gather3A_1368 = vector.shape_cast %broadcast_in_dim3A_1367 : vector<16x1xi32> to vector<16xi32>
        %gather3A_1369 = tpu.dynamic_gather %select_n3A_180[%gather3A_1368] in [0] : vector<16xf32>, vector<16xi32> -> vector<16xf32>
        %mul3A_1370 = arith.mulf %gather3A_1369, %get3A_1355 : vector<16xf32>
        %swap3A_1371 = arith.index_cast %add3A_1351 : i32 to index
        %swap3A_1372 = arith.constant 16 : index
        %swap3A_1373 = tpu.vector_load %arg12[%swap3A_1371, %swap3A_1372] {strides = array<i32>} : memref<80x128xf32, #tpu.memory_space<vmem>>, vector<1x16xf32>,
        %swap3A_1374 = vector.shape_cast %swap3A_1373 : vector<1x16xf32> to vector<16xf32>
        %swap3A_1375 = vector.shape_cast %mul3A_1370 : vector<16xf32> to vector<1x16xf32>
        tpu.vector_store %arg12[%swap3A_1371, %swap3A_1372], %swap3A_1375 {strides = array<i32>} : memref<80x128xf32, #tpu.memory_space<vmem>>, vector<1x16xf32>,
        %broadcast_in_dim3A_1376 = arith.constant 13 : i32
        %broadcast_in_dim3A_1377 = vector.broadcast %broadcast_in_dim3A_1376 : i32 to vector<16x1xi32>
        %gather3A_1378 = vector.shape_cast %broadcast_in_dim3A_1377 : vector<16x1xi32> to vector<16xi32>
        %gather3A_1379 = tpu.dynamic_gather %select_n3A_184[%gather3A_1378] in [0] : vector<16xf32>, vector<16xi32> -> vector<16xf32>
        %mul3A_1380 = arith.mulf %gather3A_1379, %get3A_1355 : vector<16xf32>
        %swap3A_1381 = arith.index_cast %add3A_1351 : i32 to index
        %swap3A_1382 = arith.constant 32 : index
        %swap3A_1383 = tpu.vector_load %arg12[%swap3A_1381, %swap3A_1382] {strides = array<i32>} : memref<80x128xf32, #tpu.memory_space<vmem>>, vector<1x16xf32>,
        %swap3A_1384 = vector.shape_cast %swap3A_1383 : vector<1x16xf32> to vector<16xf32>
        %swap3A_1385 = vector.shape_cast %mul3A_1380 : vector<16xf32> to vector<1x16xf32>
        tpu.vector_store %arg12[%swap3A_1381, %swap3A_1382], %swap3A_1385 {strides = array<i32>} : memref<80x128xf32, #tpu.memory_space<vmem>>, vector<1x16xf32>,
        %broadcast_in_dim3A_1386 = arith.constant 13 : i32
        %broadcast_in_dim3A_1387 = vector.broadcast %broadcast_in_dim3A_1386 : i32 to vector<16x1xi32>
        %gather3A_1388 = vector.shape_cast %broadcast_in_dim3A_1387 : vector<16x1xi32> to vector<16xi32>
        %gather3A_1389 = tpu.dynamic_gather %select_n3A_188[%gather3A_1388] in [0] : vector<16xf32>, vector<16xi32> -> vector<16xf32>
        %mul3A_1390 = arith.mulf %gather3A_1389, %get3A_1355 : vector<16xf32>
        %swap3A_1391 = arith.index_cast %add3A_1351 : i32 to index
        %swap3A_1392 = arith.constant 48 : index
        %swap3A_1393 = tpu.vector_load %arg12[%swap3A_1391, %swap3A_1392] {strides = array<i32>} : memref<80x128xf32, #tpu.memory_space<vmem>>, vector<1x16xf32>,
        %swap3A_1394 = vector.shape_cast %swap3A_1393 : vector<1x16xf32> to vector<16xf32>
        %swap3A_1395 = vector.shape_cast %mul3A_1390 : vector<16xf32> to vector<1x16xf32>
        tpu.vector_store %arg12[%swap3A_1391, %swap3A_1392], %swap3A_1395 {strides = array<i32>} : memref<80x128xf32, #tpu.memory_space<vmem>>, vector<1x16xf32>,
        %broadcast_in_dim3A_1396 = arith.constant 13 : i32
        %broadcast_in_dim3A_1397 = vector.broadcast %broadcast_in_dim3A_1396 : i32 to vector<16x1xi32>
        %gather3A_1398 = vector.shape_cast %broadcast_in_dim3A_1397 : vector<16x1xi32> to vector<16xi32>
        %gather3A_1399 = tpu.dynamic_gather %select_n3A_192[%gather3A_1398] in [0] : vector<16xf32>, vector<16xi32> -> vector<16xf32>
        %mul3A_1400 = arith.mulf %gather3A_1399, %get3A_1355 : vector<16xf32>
        %swap3A_1401 = arith.index_cast %add3A_1351 : i32 to index
        %swap3A_1402 = arith.constant 64 : index
        %swap3A_1403 = tpu.vector_load %arg12[%swap3A_1401, %swap3A_1402] {strides = array<i32>} : memref<80x128xf32, #tpu.memory_space<vmem>>, vector<1x16xf32>,
        %swap3A_1404 = vector.shape_cast %swap3A_1403 : vector<1x16xf32> to vector<16xf32>
        %swap3A_1405 = vector.shape_cast %mul3A_1400 : vector<16xf32> to vector<1x16xf32>
        tpu.vector_store %arg12[%swap3A_1401, %swap3A_1402], %swap3A_1405 {strides = array<i32>} : memref<80x128xf32, #tpu.memory_space<vmem>>, vector<1x16xf32>,
        %broadcast_in_dim3A_1406 = arith.constant 13 : i32
        %broadcast_in_dim3A_1407 = vector.broadcast %broadcast_in_dim3A_1406 : i32 to vector<16x1xi32>
        %gather3A_1408 = vector.shape_cast %broadcast_in_dim3A_1407 : vector<16x1xi32> to vector<16xi32>
        %gather3A_1409 = tpu.dynamic_gather %select_n3A_196[%gather3A_1408] in [0] : vector<16xf32>, vector<16xi32> -> vector<16xf32>
        %mul3A_1410 = arith.mulf %gather3A_1409, %get3A_1355 : vector<16xf32>
        %swap3A_1411 = arith.index_cast %add3A_1351 : i32 to index
        %swap3A_1412 = arith.constant 80 : index
        %swap3A_1413 = tpu.vector_load %arg12[%swap3A_1411, %swap3A_1412] {strides = array<i32>} : memref<80x128xf32, #tpu.memory_space<vmem>>, vector<1x16xf32>,
        %swap3A_1414 = vector.shape_cast %swap3A_1413 : vector<1x16xf32> to vector<16xf32>
        %swap3A_1415 = vector.shape_cast %mul3A_1410 : vector<16xf32> to vector<1x16xf32>
        tpu.vector_store %arg12[%swap3A_1411, %swap3A_1412], %swap3A_1415 {strides = array<i32>} : memref<80x128xf32, #tpu.memory_space<vmem>>, vector<1x16xf32>,
        %broadcast_in_dim3A_1416 = arith.constant 13 : i32
        %broadcast_in_dim3A_1417 = vector.broadcast %broadcast_in_dim3A_1416 : i32 to vector<16x1xi32>
        %gather3A_1418 = vector.shape_cast %broadcast_in_dim3A_1417 : vector<16x1xi32> to vector<16xi32>
        %gather3A_1419 = tpu.dynamic_gather %select_n3A_200[%gather3A_1418] in [0] : vector<16xf32>, vector<16xi32> -> vector<16xf32>
        %mul3A_1420 = arith.mulf %gather3A_1419, %get3A_1355 : vector<16xf32>
        %swap3A_1421 = arith.index_cast %add3A_1351 : i32 to index
        %swap3A_1422 = arith.constant 96 : index
        %swap3A_1423 = tpu.vector_load %arg12[%swap3A_1421, %swap3A_1422] {strides = array<i32>} : memref<80x128xf32, #tpu.memory_space<vmem>>, vector<1x16xf32>,
        %swap3A_1424 = vector.shape_cast %swap3A_1423 : vector<1x16xf32> to vector<16xf32>
        %swap3A_1425 = vector.shape_cast %mul3A_1420 : vector<16xf32> to vector<1x16xf32>
        tpu.vector_store %arg12[%swap3A_1421, %swap3A_1422], %swap3A_1425 {strides = array<i32>} : memref<80x128xf32, #tpu.memory_space<vmem>>, vector<1x16xf32>,
        %broadcast_in_dim3A_1426 = arith.constant 13 : i32
        %broadcast_in_dim3A_1427 = vector.broadcast %broadcast_in_dim3A_1426 : i32 to vector<16x1xi32>
        %gather3A_1428 = vector.shape_cast %broadcast_in_dim3A_1427 : vector<16x1xi32> to vector<16xi32>
        %gather3A_1429 = tpu.dynamic_gather %select_n3A_204[%gather3A_1428] in [0] : vector<16xf32>, vector<16xi32> -> vector<16xf32>
        %mul3A_1430 = arith.mulf %gather3A_1429, %get3A_1355 : vector<16xf32>
        %swap3A_1431 = arith.index_cast %add3A_1351 : i32 to index
        %swap3A_1432 = arith.constant 112 : index
        %swap3A_1433 = tpu.vector_load %arg12[%swap3A_1431, %swap3A_1432] {strides = array<i32>} : memref<80x128xf32, #tpu.memory_space<vmem>>, vector<1x16xf32>,
        %swap3A_1434 = vector.shape_cast %swap3A_1433 : vector<1x16xf32> to vector<16xf32>
        %swap3A_1435 = vector.shape_cast %mul3A_1430 : vector<16xf32> to vector<1x16xf32>
        tpu.vector_store %arg12[%swap3A_1431, %swap3A_1432], %swap3A_1435 {strides = array<i32>} : memref<80x128xf32, #tpu.memory_space<vmem>>, vector<1x16xf32>,
        %mul3A_1436 = arith.constant 16 : i32
        %mul3A_1437 = arith.muli %scan3A_166, %mul3A_1436 : i32
        %add3A_1438 = arith.constant 14 : i32
        %add3A_1439 = arith.addi %mul3A_1437, %add3A_1438 : i32
        %get3A_1440 = arith.index_cast %add3A_1439 : i32 to index
        %get3A_1441 = arith.constant 0 : index
        %get3A_1442 = tpu.vector_load %arg13[%get3A_1440, %get3A_1441] {strides = array<i32>} : memref<80x16xf32, #tpu.memory_space<vmem>>, vector<1x16xf32>,
        %get3A_1443 = vector.shape_cast %get3A_1442 : vector<1x16xf32> to vector<16xf32>
        %broadcast_in_dim3A_1444 = arith.constant 14 : i32
        %broadcast_in_dim3A_1445 = vector.broadcast %broadcast_in_dim3A_1444 : i32 to vector<16x1xi32>
        %gather3A_1446 = vector.shape_cast %broadcast_in_dim3A_1445 : vector<16x1xi32> to vector<16xi32>
        %gather3A_1447 = tpu.dynamic_gather %select_n3A[%gather3A_1446] in [0] : vector<16xf32>, vector<16xi32> -> vector<16xf32>
        %mul3A_1448 = arith.mulf %gather3A_1447, %get3A_1443 : vector<16xf32>
        %swap3A_1449 = arith.index_cast %add3A_1439 : i32 to index
        %swap3A_1450 = arith.constant 0 : index
        %swap3A_1451 = tpu.vector_load %arg12[%swap3A_1449, %swap3A_1450] {strides = array<i32>} : memref<80x128xf32, #tpu.memory_space<vmem>>, vector<1x16xf32>,
        %swap3A_1452 = vector.shape_cast %swap3A_1451 : vector<1x16xf32> to vector<16xf32>
        %swap3A_1453 = vector.shape_cast %mul3A_1448 : vector<16xf32> to vector<1x16xf32>
        tpu.vector_store %arg12[%swap3A_1449, %swap3A_1450], %swap3A_1453 {strides = array<i32>} : memref<80x128xf32, #tpu.memory_space<vmem>>, vector<1x16xf32>,
        %broadcast_in_dim3A_1454 = arith.constant 14 : i32
        %broadcast_in_dim3A_1455 = vector.broadcast %broadcast_in_dim3A_1454 : i32 to vector<16x1xi32>
        %gather3A_1456 = vector.shape_cast %broadcast_in_dim3A_1455 : vector<16x1xi32> to vector<16xi32>
        %gather3A_1457 = tpu.dynamic_gather %select_n3A_180[%gather3A_1456] in [0] : vector<16xf32>, vector<16xi32> -> vector<16xf32>
        %mul3A_1458 = arith.mulf %gather3A_1457, %get3A_1443 : vector<16xf32>
        %swap3A_1459 = arith.index_cast %add3A_1439 : i32 to index
        %swap3A_1460 = arith.constant 16 : index
        %swap3A_1461 = tpu.vector_load %arg12[%swap3A_1459, %swap3A_1460] {strides = array<i32>} : memref<80x128xf32, #tpu.memory_space<vmem>>, vector<1x16xf32>,
        %swap3A_1462 = vector.shape_cast %swap3A_1461 : vector<1x16xf32> to vector<16xf32>
        %swap3A_1463 = vector.shape_cast %mul3A_1458 : vector<16xf32> to vector<1x16xf32>
        tpu.vector_store %arg12[%swap3A_1459, %swap3A_1460], %swap3A_1463 {strides = array<i32>} : memref<80x128xf32, #tpu.memory_space<vmem>>, vector<1x16xf32>,
        %broadcast_in_dim3A_1464 = arith.constant 14 : i32
        %broadcast_in_dim3A_1465 = vector.broadcast %broadcast_in_dim3A_1464 : i32 to vector<16x1xi32>
        %gather3A_1466 = vector.shape_cast %broadcast_in_dim3A_1465 : vector<16x1xi32> to vector<16xi32>
        %gather3A_1467 = tpu.dynamic_gather %select_n3A_184[%gather3A_1466] in [0] : vector<16xf32>, vector<16xi32> -> vector<16xf32>
        %mul3A_1468 = arith.mulf %gather3A_1467, %get3A_1443 : vector<16xf32>
        %swap3A_1469 = arith.index_cast %add3A_1439 : i32 to index
        %swap3A_1470 = arith.constant 32 : index
        %swap3A_1471 = tpu.vector_load %arg12[%swap3A_1469, %swap3A_1470] {strides = array<i32>} : memref<80x128xf32, #tpu.memory_space<vmem>>, vector<1x16xf32>,
        %swap3A_1472 = vector.shape_cast %swap3A_1471 : vector<1x16xf32> to vector<16xf32>
        %swap3A_1473 = vector.shape_cast %mul3A_1468 : vector<16xf32> to vector<1x16xf32>
        tpu.vector_store %arg12[%swap3A_1469, %swap3A_1470], %swap3A_1473 {strides = array<i32>} : memref<80x128xf32, #tpu.memory_space<vmem>>, vector<1x16xf32>,
        %broadcast_in_dim3A_1474 = arith.constant 14 : i32
        %broadcast_in_dim3A_1475 = vector.broadcast %broadcast_in_dim3A_1474 : i32 to vector<16x1xi32>
        %gather3A_1476 = vector.shape_cast %broadcast_in_dim3A_1475 : vector<16x1xi32> to vector<16xi32>
        %gather3A_1477 = tpu.dynamic_gather %select_n3A_188[%gather3A_1476] in [0] : vector<16xf32>, vector<16xi32> -> vector<16xf32>
        %mul3A_1478 = arith.mulf %gather3A_1477, %get3A_1443 : vector<16xf32>
        %swap3A_1479 = arith.index_cast %add3A_1439 : i32 to index
        %swap3A_1480 = arith.constant 48 : index
        %swap3A_1481 = tpu.vector_load %arg12[%swap3A_1479, %swap3A_1480] {strides = array<i32>} : memref<80x128xf32, #tpu.memory_space<vmem>>, vector<1x16xf32>,
        %swap3A_1482 = vector.shape_cast %swap3A_1481 : vector<1x16xf32> to vector<16xf32>
        %swap3A_1483 = vector.shape_cast %mul3A_1478 : vector<16xf32> to vector<1x16xf32>
        tpu.vector_store %arg12[%swap3A_1479, %swap3A_1480], %swap3A_1483 {strides = array<i32>} : memref<80x128xf32, #tpu.memory_space<vmem>>, vector<1x16xf32>,
        %broadcast_in_dim3A_1484 = arith.constant 14 : i32
        %broadcast_in_dim3A_1485 = vector.broadcast %broadcast_in_dim3A_1484 : i32 to vector<16x1xi32>
        %gather3A_1486 = vector.shape_cast %broadcast_in_dim3A_1485 : vector<16x1xi32> to vector<16xi32>
        %gather3A_1487 = tpu.dynamic_gather %select_n3A_192[%gather3A_1486] in [0] : vector<16xf32>, vector<16xi32> -> vector<16xf32>
        %mul3A_1488 = arith.mulf %gather3A_1487, %get3A_1443 : vector<16xf32>
        %swap3A_1489 = arith.index_cast %add3A_1439 : i32 to index
        %swap3A_1490 = arith.constant 64 : index
        %swap3A_1491 = tpu.vector_load %arg12[%swap3A_1489, %swap3A_1490] {strides = array<i32>} : memref<80x128xf32, #tpu.memory_space<vmem>>, vector<1x16xf32>,
        %swap3A_1492 = vector.shape_cast %swap3A_1491 : vector<1x16xf32> to vector<16xf32>
        %swap3A_1493 = vector.shape_cast %mul3A_1488 : vector<16xf32> to vector<1x16xf32>
        tpu.vector_store %arg12[%swap3A_1489, %swap3A_1490], %swap3A_1493 {strides = array<i32>} : memref<80x128xf32, #tpu.memory_space<vmem>>, vector<1x16xf32>,
        %broadcast_in_dim3A_1494 = arith.constant 14 : i32
        %broadcast_in_dim3A_1495 = vector.broadcast %broadcast_in_dim3A_1494 : i32 to vector<16x1xi32>
        %gather3A_1496 = vector.shape_cast %broadcast_in_dim3A_1495 : vector<16x1xi32> to vector<16xi32>
        %gather3A_1497 = tpu.dynamic_gather %select_n3A_196[%gather3A_1496] in [0] : vector<16xf32>, vector<16xi32> -> vector<16xf32>
        %mul3A_1498 = arith.mulf %gather3A_1497, %get3A_1443 : vector<16xf32>
        %swap3A_1499 = arith.index_cast %add3A_1439 : i32 to index
        %swap3A_1500 = arith.constant 80 : index
        %swap3A_1501 = tpu.vector_load %arg12[%swap3A_1499, %swap3A_1500] {strides = array<i32>} : memref<80x128xf32, #tpu.memory_space<vmem>>, vector<1x16xf32>,
        %swap3A_1502 = vector.shape_cast %swap3A_1501 : vector<1x16xf32> to vector<16xf32>
        %swap3A_1503 = vector.shape_cast %mul3A_1498 : vector<16xf32> to vector<1x16xf32>
        tpu.vector_store %arg12[%swap3A_1499, %swap3A_1500], %swap3A_1503 {strides = array<i32>} : memref<80x128xf32, #tpu.memory_space<vmem>>, vector<1x16xf32>,
        %broadcast_in_dim3A_1504 = arith.constant 14 : i32
        %broadcast_in_dim3A_1505 = vector.broadcast %broadcast_in_dim3A_1504 : i32 to vector<16x1xi32>
        %gather3A_1506 = vector.shape_cast %broadcast_in_dim3A_1505 : vector<16x1xi32> to vector<16xi32>
        %gather3A_1507 = tpu.dynamic_gather %select_n3A_200[%gather3A_1506] in [0] : vector<16xf32>, vector<16xi32> -> vector<16xf32>
        %mul3A_1508 = arith.mulf %gather3A_1507, %get3A_1443 : vector<16xf32>
        %swap3A_1509 = arith.index_cast %add3A_1439 : i32 to index
        %swap3A_1510 = arith.constant 96 : index
        %swap3A_1511 = tpu.vector_load %arg12[%swap3A_1509, %swap3A_1510] {strides = array<i32>} : memref<80x128xf32, #tpu.memory_space<vmem>>, vector<1x16xf32>,
        %swap3A_1512 = vector.shape_cast %swap3A_1511 : vector<1x16xf32> to vector<16xf32>
        %swap3A_1513 = vector.shape_cast %mul3A_1508 : vector<16xf32> to vector<1x16xf32>
        tpu.vector_store %arg12[%swap3A_1509, %swap3A_1510], %swap3A_1513 {strides = array<i32>} : memref<80x128xf32, #tpu.memory_space<vmem>>, vector<1x16xf32>,
        %broadcast_in_dim3A_1514 = arith.constant 14 : i32
        %broadcast_in_dim3A_1515 = vector.broadcast %broadcast_in_dim3A_1514 : i32 to vector<16x1xi32>
        %gather3A_1516 = vector.shape_cast %broadcast_in_dim3A_1515 : vector<16x1xi32> to vector<16xi32>
        %gather3A_1517 = tpu.dynamic_gather %select_n3A_204[%gather3A_1516] in [0] : vector<16xf32>, vector<16xi32> -> vector<16xf32>
        %mul3A_1518 = arith.mulf %gather3A_1517, %get3A_1443 : vector<16xf32>
        %swap3A_1519 = arith.index_cast %add3A_1439 : i32 to index
        %swap3A_1520 = arith.constant 112 : index
        %swap3A_1521 = tpu.vector_load %arg12[%swap3A_1519, %swap3A_1520] {strides = array<i32>} : memref<80x128xf32, #tpu.memory_space<vmem>>, vector<1x16xf32>,
        %swap3A_1522 = vector.shape_cast %swap3A_1521 : vector<1x16xf32> to vector<16xf32>
        %swap3A_1523 = vector.shape_cast %mul3A_1518 : vector<16xf32> to vector<1x16xf32>
        tpu.vector_store %arg12[%swap3A_1519, %swap3A_1520], %swap3A_1523 {strides = array<i32>} : memref<80x128xf32, #tpu.memory_space<vmem>>, vector<1x16xf32>,
        %mul3A_1524 = arith.constant 16 : i32
        %mul3A_1525 = arith.muli %scan3A_166, %mul3A_1524 : i32
        %add3A_1526 = arith.constant 15 : i32
        %add3A_1527 = arith.addi %mul3A_1525, %add3A_1526 : i32
        %get3A_1528 = arith.index_cast %add3A_1527 : i32 to index
        %get3A_1529 = arith.constant 0 : index
        %get3A_1530 = tpu.vector_load %arg13[%get3A_1528, %get3A_1529] {strides = array<i32>} : memref<80x16xf32, #tpu.memory_space<vmem>>, vector<1x16xf32>,
        %get3A_1531 = vector.shape_cast %get3A_1530 : vector<1x16xf32> to vector<16xf32>
        %broadcast_in_dim3A_1532 = arith.constant 15 : i32
        %broadcast_in_dim3A_1533 = vector.broadcast %broadcast_in_dim3A_1532 : i32 to vector<16x1xi32>
        %gather3A_1534 = vector.shape_cast %broadcast_in_dim3A_1533 : vector<16x1xi32> to vector<16xi32>
        %gather3A_1535 = tpu.dynamic_gather %select_n3A[%gather3A_1534] in [0] : vector<16xf32>, vector<16xi32> -> vector<16xf32>
        %mul3A_1536 = arith.mulf %gather3A_1535, %get3A_1531 : vector<16xf32>
        %swap3A_1537 = arith.index_cast %add3A_1527 : i32 to index
        %swap3A_1538 = arith.constant 0 : index
        %swap3A_1539 = tpu.vector_load %arg12[%swap3A_1537, %swap3A_1538] {strides = array<i32>} : memref<80x128xf32, #tpu.memory_space<vmem>>, vector<1x16xf32>,
        %swap3A_1540 = vector.shape_cast %swap3A_1539 : vector<1x16xf32> to vector<16xf32>
        %swap3A_1541 = vector.shape_cast %mul3A_1536 : vector<16xf32> to vector<1x16xf32>
        tpu.vector_store %arg12[%swap3A_1537, %swap3A_1538], %swap3A_1541 {strides = array<i32>} : memref<80x128xf32, #tpu.memory_space<vmem>>, vector<1x16xf32>,
        %broadcast_in_dim3A_1542 = arith.constant 15 : i32
        %broadcast_in_dim3A_1543 = vector.broadcast %broadcast_in_dim3A_1542 : i32 to vector<16x1xi32>
        %gather3A_1544 = vector.shape_cast %broadcast_in_dim3A_1543 : vector<16x1xi32> to vector<16xi32>
        %gather3A_1545 = tpu.dynamic_gather %select_n3A_180[%gather3A_1544] in [0] : vector<16xf32>, vector<16xi32> -> vector<16xf32>
        %mul3A_1546 = arith.mulf %gather3A_1545, %get3A_1531 : vector<16xf32>
        %swap3A_1547 = arith.index_cast %add3A_1527 : i32 to index
        %swap3A_1548 = arith.constant 16 : index
        %swap3A_1549 = tpu.vector_load %arg12[%swap3A_1547, %swap3A_1548] {strides = array<i32>} : memref<80x128xf32, #tpu.memory_space<vmem>>, vector<1x16xf32>,
        %swap3A_1550 = vector.shape_cast %swap3A_1549 : vector<1x16xf32> to vector<16xf32>
        %swap3A_1551 = vector.shape_cast %mul3A_1546 : vector<16xf32> to vector<1x16xf32>
        tpu.vector_store %arg12[%swap3A_1547, %swap3A_1548], %swap3A_1551 {strides = array<i32>} : memref<80x128xf32, #tpu.memory_space<vmem>>, vector<1x16xf32>,
        %broadcast_in_dim3A_1552 = arith.constant 15 : i32
        %broadcast_in_dim3A_1553 = vector.broadcast %broadcast_in_dim3A_1552 : i32 to vector<16x1xi32>
        %gather3A_1554 = vector.shape_cast %broadcast_in_dim3A_1553 : vector<16x1xi32> to vector<16xi32>
        %gather3A_1555 = tpu.dynamic_gather %select_n3A_184[%gather3A_1554] in [0] : vector<16xf32>, vector<16xi32> -> vector<16xf32>
        %mul3A_1556 = arith.mulf %gather3A_1555, %get3A_1531 : vector<16xf32>
        %swap3A_1557 = arith.index_cast %add3A_1527 : i32 to index
        %swap3A_1558 = arith.constant 32 : index
        %swap3A_1559 = tpu.vector_load %arg12[%swap3A_1557, %swap3A_1558] {strides = array<i32>} : memref<80x128xf32, #tpu.memory_space<vmem>>, vector<1x16xf32>,
        %swap3A_1560 = vector.shape_cast %swap3A_1559 : vector<1x16xf32> to vector<16xf32>
        %swap3A_1561 = vector.shape_cast %mul3A_1556 : vector<16xf32> to vector<1x16xf32>
        tpu.vector_store %arg12[%swap3A_1557, %swap3A_1558], %swap3A_1561 {strides = array<i32>} : memref<80x128xf32, #tpu.memory_space<vmem>>, vector<1x16xf32>,
        %broadcast_in_dim3A_1562 = arith.constant 15 : i32
        %broadcast_in_dim3A_1563 = vector.broadcast %broadcast_in_dim3A_1562 : i32 to vector<16x1xi32>
        %gather3A_1564 = vector.shape_cast %broadcast_in_dim3A_1563 : vector<16x1xi32> to vector<16xi32>
        %gather3A_1565 = tpu.dynamic_gather %select_n3A_188[%gather3A_1564] in [0] : vector<16xf32>, vector<16xi32> -> vector<16xf32>
        %mul3A_1566 = arith.mulf %gather3A_1565, %get3A_1531 : vector<16xf32>
        %swap3A_1567 = arith.index_cast %add3A_1527 : i32 to index
        %swap3A_1568 = arith.constant 48 : index
        %swap3A_1569 = tpu.vector_load %arg12[%swap3A_1567, %swap3A_1568] {strides = array<i32>} : memref<80x128xf32, #tpu.memory_space<vmem>>, vector<1x16xf32>,
        %swap3A_1570 = vector.shape_cast %swap3A_1569 : vector<1x16xf32> to vector<16xf32>
        %swap3A_1571 = vector.shape_cast %mul3A_1566 : vector<16xf32> to vector<1x16xf32>
        tpu.vector_store %arg12[%swap3A_1567, %swap3A_1568], %swap3A_1571 {strides = array<i32>} : memref<80x128xf32, #tpu.memory_space<vmem>>, vector<1x16xf32>,
        %broadcast_in_dim3A_1572 = arith.constant 15 : i32
        %broadcast_in_dim3A_1573 = vector.broadcast %broadcast_in_dim3A_1572 : i32 to vector<16x1xi32>
        %gather3A_1574 = vector.shape_cast %broadcast_in_dim3A_1573 : vector<16x1xi32> to vector<16xi32>
        %gather3A_1575 = tpu.dynamic_gather %select_n3A_192[%gather3A_1574] in [0] : vector<16xf32>, vector<16xi32> -> vector<16xf32>
        %mul3A_1576 = arith.mulf %gather3A_1575, %get3A_1531 : vector<16xf32>
        %swap3A_1577 = arith.index_cast %add3A_1527 : i32 to index
        %swap3A_1578 = arith.constant 64 : index
        %swap3A_1579 = tpu.vector_load %arg12[%swap3A_1577, %swap3A_1578] {strides = array<i32>} : memref<80x128xf32, #tpu.memory_space<vmem>>, vector<1x16xf32>,
        %swap3A_1580 = vector.shape_cast %swap3A_1579 : vector<1x16xf32> to vector<16xf32>
        %swap3A_1581 = vector.shape_cast %mul3A_1576 : vector<16xf32> to vector<1x16xf32>
        tpu.vector_store %arg12[%swap3A_1577, %swap3A_1578], %swap3A_1581 {strides = array<i32>} : memref<80x128xf32, #tpu.memory_space<vmem>>, vector<1x16xf32>,
        %broadcast_in_dim3A_1582 = arith.constant 15 : i32
        %broadcast_in_dim3A_1583 = vector.broadcast %broadcast_in_dim3A_1582 : i32 to vector<16x1xi32>
        %gather3A_1584 = vector.shape_cast %broadcast_in_dim3A_1583 : vector<16x1xi32> to vector<16xi32>
        %gather3A_1585 = tpu.dynamic_gather %select_n3A_196[%gather3A_1584] in [0] : vector<16xf32>, vector<16xi32> -> vector<16xf32>
        %mul3A_1586 = arith.mulf %gather3A_1585, %get3A_1531 : vector<16xf32>
        %swap3A_1587 = arith.index_cast %add3A_1527 : i32 to index
        %swap3A_1588 = arith.constant 80 : index
        %swap3A_1589 = tpu.vector_load %arg12[%swap3A_1587, %swap3A_1588] {strides = array<i32>} : memref<80x128xf32, #tpu.memory_space<vmem>>, vector<1x16xf32>,
        %swap3A_1590 = vector.shape_cast %swap3A_1589 : vector<1x16xf32> to vector<16xf32>
        %swap3A_1591 = vector.shape_cast %mul3A_1586 : vector<16xf32> to vector<1x16xf32>
        tpu.vector_store %arg12[%swap3A_1587, %swap3A_1588], %swap3A_1591 {strides = array<i32>} : memref<80x128xf32, #tpu.memory_space<vmem>>, vector<1x16xf32>,
        %broadcast_in_dim3A_1592 = arith.constant 15 : i32
        %broadcast_in_dim3A_1593 = vector.broadcast %broadcast_in_dim3A_1592 : i32 to vector<16x1xi32>
        %gather3A_1594 = vector.shape_cast %broadcast_in_dim3A_1593 : vector<16x1xi32> to vector<16xi32>
        %gather3A_1595 = tpu.dynamic_gather %select_n3A_200[%gather3A_1594] in [0] : vector<16xf32>, vector<16xi32> -> vector<16xf32>
        %mul3A_1596 = arith.mulf %gather3A_1595, %get3A_1531 : vector<16xf32>
        %swap3A_1597 = arith.index_cast %add3A_1527 : i32 to index
        %swap3A_1598 = arith.constant 96 : index
        %swap3A_1599 = tpu.vector_load %arg12[%swap3A_1597, %swap3A_1598] {strides = array<i32>} : memref<80x128xf32, #tpu.memory_space<vmem>>, vector<1x16xf32>,
        %swap3A_1600 = vector.shape_cast %swap3A_1599 : vector<1x16xf32> to vector<16xf32>
        %swap3A_1601 = vector.shape_cast %mul3A_1596 : vector<16xf32> to vector<1x16xf32>
        tpu.vector_store %arg12[%swap3A_1597, %swap3A_1598], %swap3A_1601 {strides = array<i32>} : memref<80x128xf32, #tpu.memory_space<vmem>>, vector<1x16xf32>,
        %broadcast_in_dim3A_1602 = arith.constant 15 : i32
        %broadcast_in_dim3A_1603 = vector.broadcast %broadcast_in_dim3A_1602 : i32 to vector<16x1xi32>
        %gather3A_1604 = vector.shape_cast %broadcast_in_dim3A_1603 : vector<16x1xi32> to vector<16xi32>
        %gather3A_1605 = tpu.dynamic_gather %select_n3A_204[%gather3A_1604] in [0] : vector<16xf32>, vector<16xi32> -> vector<16xf32>
        %mul3A_1606 = arith.mulf %gather3A_1605, %get3A_1531 : vector<16xf32>
        %swap3A_1607 = arith.index_cast %add3A_1527 : i32 to index
        %swap3A_1608 = arith.constant 112 : index
        %swap3A_1609 = tpu.vector_load %arg12[%swap3A_1607, %swap3A_1608] {strides = array<i32>} : memref<80x128xf32, #tpu.memory_space<vmem>>, vector<1x16xf32>,
        %swap3A_1610 = vector.shape_cast %swap3A_1609 : vector<1x16xf32> to vector<16xf32>
        %swap3A_1611 = vector.shape_cast %mul3A_1606 : vector<16xf32> to vector<1x16xf32>
        tpu.vector_store %arg12[%swap3A_1607, %swap3A_1608], %swap3A_1611 {strides = array<i32>} : memref<80x128xf32, #tpu.memory_space<vmem>>, vector<1x16xf32>,
        %scan3A_1612 = arith.constant 0 : i32
        scf.yield %scan3A_1612 : i32
      }
      %scan3A_164 = arith.constant 5 : i32
      "tpu.region"() ({
        %run_scoped3A = tpu.sem_alloc : memref<!tpu.dma_semaphore, #tpu.memory_space<semaphore_mem>>
        %dma_start3A_166 = arith.constant 0 : i32
        %dma_start3A_167 = arith.constant 0 : i32
        %dma_start3A_168 = tpu.memref_slice %arg14[%dma_start3A_166, %dma_start3A_167] : memref<11520x128xf32, #tpu.memory_space<vmem_shared>> -> memref<11520x128xf32, #tpu.memory_space<vmem_shared>>
        tpu.enqueue_indirect_dma source(%arg12 : memref<80x128xf32, #tpu.memory_space<vmem>>) target(%dma_start3A_168 : memref<11520x128xf32, #tpu.memory_space<vmem_shared>>) offsets(%arg10 : memref<80xi32, #tpu.memory_space<vmem>>) semaphore(%run_scoped3A : memref<!tpu.dma_semaphore, #tpu.memory_space<semaphore_mem>>) {add = true}
        %dma_wait3A_169 = arith.constant 0 : i32
        %dma_wait3A_170 = arith.constant 0 : i32
        %dma_wait3A_171 = tpu.memref_slice %arg14[%dma_wait3A_169, %dma_wait3A_170] : memref<11520x128xf32, #tpu.memory_space<vmem_shared>> -> memref<11520x128xf32, #tpu.memory_space<vmem_shared>>
        tpu.wait_indirect_dma semaphore(%run_scoped3A : memref<!tpu.dma_semaphore, #tpu.memory_space<semaphore_mem>>) src(%arg12 : memref<80x128xf32, #tpu.memory_space<vmem>>) dst(%dma_wait3A_171 : memref<11520x128xf32, #tpu.memory_space<vmem_shared>>)
        tpu.yield
      }) : () -> ()
      %scan3A_165 = arith.constant 0 : i32
      scf.yield %scan3A_165 : i32
    }
    %scan3A_27 = arith.constant 125 : i32
    %barrier3A_28 = arith.constant 0 : index
    tpu.barrier barrier_id(%barrier3A_28)
    %mul3A_29 = arith.constant 11520 : i32
    %mul3A_30 = arith.muli %arg0, %mul3A_29 : i32
    %add3A_31 = arith.addi %mul3A_30, %mul3A_9 : i32
    %scan3A_32 = arith.constant 0 : i32
    %scan3A_33 = arith.constant 0 : i32
    %scan3A_34 = arith.constant 8 : i32
    %scan3A_35 = arith.addi %scan3A_33, %scan3A_34 : i32
    %scan3A_36 = arith.constant 1 : i32
    %scan3A_37 = scf.for %scan3A_42 = %scan3A_33 to %scan3A_35 step %scan3A_36 iter_args(%scan3A_43 = %scan3A_32) -> (i32)  : i32 {
      %mul3A_44 = arith.constant 80 : i32
      %mul3A_45 = arith.muli %scan3A_42, %mul3A_44 : i32
      %add3A_46 = arith.addi %mul3A_9, %mul3A_45 : i32
      "tpu.region"() ({
        %run_scoped3A = tpu.sem_alloc : memref<!tpu.dma_semaphore, #tpu.memory_space<semaphore_mem>>
        %dma_start3A = arith.constant 0 : i32
        %dma_start3A_51 = tpu.memref_slice %arg14[%add3A_46, %dma_start3A] : memref<11520x128xf32, #tpu.memory_space<vmem_shared>> -> memref<80x128xf32, #tpu.memory_space<vmem_shared>>
        %dma_start3A_52 = arith.constant 0 : i32
        %dma_start3A_53 = tpu.memref_slice %arg14[%add3A_46, %dma_start3A_52] : memref<11520x128xf32, #tpu.memory_space<vmem_shared>> -> memref<80x128xf32, #tpu.memory_space<vmem_shared>>
        tpu.enqueue_dma source(%dma_start3A_53 : memref<80x128xf32, #tpu.memory_space<vmem_shared>>) target(%arg11 : memref<80x128xf32, #tpu.memory_space<vmem>>) target_semaphore(%run_scoped3A : memref<!tpu.dma_semaphore, #tpu.memory_space<semaphore_mem>>)
        %dma_wait3A = arith.constant 0 : i32
        %dma_wait3A_54 = tpu.memref_slice %arg14[%add3A_46, %dma_wait3A] : memref<11520x128xf32, #tpu.memory_space<vmem_shared>> -> memref<80x128xf32, #tpu.memory_space<vmem_shared>>
        %dma_wait3A_55 = arith.constant 0 : i32
        %dma_wait3A_56 = tpu.memref_slice %arg14[%add3A_46, %dma_wait3A_55] : memref<11520x128xf32, #tpu.memory_space<vmem_shared>> -> memref<80x128xf32, #tpu.memory_space<vmem_shared>>
        tpu.wait_dma2 semaphore(%run_scoped3A : memref<!tpu.dma_semaphore, #tpu.memory_space<semaphore_mem>>) src(%dma_wait3A_56 : memref<80x128xf32, #tpu.memory_space<vmem_shared>>) dst(%arg11 : memref<80x128xf32, #tpu.memory_space<vmem>>)
        tpu.yield
      }) : () -> ()
      %mul3A_47 = arith.constant 80 : i32
      %mul3A_48 = arith.muli %scan3A_42, %mul3A_47 : i32
      %add3A_49 = arith.addi %add3A_31, %mul3A_48 : i32
      "tpu.region"() ({
        %run_scoped3A = tpu.sem_alloc : memref<!tpu.dma_semaphore, #tpu.memory_space<semaphore_mem>>
        %dma_start3A = arith.constant 0 : i32
        %dma_start3A_51 = tpu.memref_slice %arg7[%add3A_49, %dma_start3A] : memref<23040x128xf32, #tpu.memory_space<hbm>> -> memref<80x128xf32, #tpu.memory_space<hbm>>
        %dma_start3A_52 = arith.constant 0 : i32
        %dma_start3A_53 = tpu.memref_slice %arg7[%add3A_49, %dma_start3A_52] : memref<23040x128xf32, #tpu.memory_space<hbm>> -> memref<80x128xf32, #tpu.memory_space<hbm>>
        tpu.enqueue_dma source(%arg11 : memref<80x128xf32, #tpu.memory_space<vmem>>) target(%dma_start3A_53 : memref<80x128xf32, #tpu.memory_space<hbm>>) target_semaphore(%run_scoped3A : memref<!tpu.dma_semaphore, #tpu.memory_space<semaphore_mem>>)
        %dma_wait3A = arith.constant 0 : i32
        %dma_wait3A_54 = tpu.memref_slice %arg7[%add3A_49, %dma_wait3A] : memref<23040x128xf32, #tpu.memory_space<hbm>> -> memref<80x128xf32, #tpu.memory_space<hbm>>
        %dma_wait3A_55 = arith.constant 0 : i32
        %dma_wait3A_56 = tpu.memref_slice %arg7[%add3A_49, %dma_wait3A_55] : memref<23040x128xf32, #tpu.memory_space<hbm>> -> memref<80x128xf32, #tpu.memory_space<hbm>>
        tpu.wait_dma2 semaphore(%run_scoped3A : memref<!tpu.dma_semaphore, #tpu.memory_space<semaphore_mem>>) src(%arg11 : memref<80x128xf32, #tpu.memory_space<vmem>>) dst(%dma_wait3A_56 : memref<80x128xf32, #tpu.memory_space<hbm>>)
        tpu.yield
      }) : () -> ()
      %scan3A_50 = arith.constant 0 : i32
      scf.yield %scan3A_50 : i32
    }
    %scan3A_38 = arith.constant 8 : i32
    %mul3A_39 = arith.constant 11520 : i32
    %mul3A_40 = arith.muli %arg0, %mul3A_39 : i32
    %add3A_41 = arith.addi %mul3A_40, %add3A_20 : i32
    "tpu.region"() ({
      %run_scoped3A = tpu.sem_alloc : memref<!tpu.dma_semaphore, #tpu.memory_space<semaphore_mem>>
      %dma_start3A = arith.constant 0 : i32
      %dma_start3A_42 = arith.constant 0 : i32
      %dma_start3A_43 = tpu.memref_slice %arg11[%dma_start3A, %dma_start3A_42] : memref<80x128xf32, #tpu.memory_space<vmem>> -> memref<80x128xf32, #tpu.memory_space<vmem>>
      %dma_start3A_44 = arith.constant 0 : i32
      %dma_start3A_45 = tpu.memref_slice %arg14[%add3A_20, %dma_start3A_44] : memref<11520x128xf32, #tpu.memory_space<vmem_shared>> -> memref<80x128xf32, #tpu.memory_space<vmem_shared>>
      %dma_start3A_46 = arith.constant 0 : i32
      %dma_start3A_47 = arith.constant 0 : i32
      %dma_start3A_48 = tpu.memref_slice %arg11[%dma_start3A_46, %dma_start3A_47] : memref<80x128xf32, #tpu.memory_space<vmem>> -> memref<80x128xf32, #tpu.memory_space<vmem>>
      %dma_start3A_49 = arith.constant 0 : i32
      %dma_start3A_50 = tpu.memref_slice %arg14[%add3A_20, %dma_start3A_49] : memref<11520x128xf32, #tpu.memory_space<vmem_shared>> -> memref<80x128xf32, #tpu.memory_space<vmem_shared>>
      tpu.enqueue_dma source(%dma_start3A_50 : memref<80x128xf32, #tpu.memory_space<vmem_shared>>) target(%dma_start3A_48 : memref<80x128xf32, #tpu.memory_space<vmem>>) target_semaphore(%run_scoped3A : memref<!tpu.dma_semaphore, #tpu.memory_space<semaphore_mem>>)
      %dma_wait3A = arith.constant 0 : i32
      %dma_wait3A_51 = arith.constant 0 : i32
      %dma_wait3A_52 = tpu.memref_slice %arg11[%dma_wait3A, %dma_wait3A_51] : memref<80x128xf32, #tpu.memory_space<vmem>> -> memref<80x128xf32, #tpu.memory_space<vmem>>
      %dma_wait3A_53 = arith.constant 0 : i32
      %dma_wait3A_54 = tpu.memref_slice %arg14[%add3A_20, %dma_wait3A_53] : memref<11520x128xf32, #tpu.memory_space<vmem_shared>> -> memref<80x128xf32, #tpu.memory_space<vmem_shared>>
      %dma_wait3A_55 = arith.constant 0 : i32
      %dma_wait3A_56 = arith.constant 0 : i32
      %dma_wait3A_57 = tpu.memref_slice %arg11[%dma_wait3A_55, %dma_wait3A_56] : memref<80x128xf32, #tpu.memory_space<vmem>> -> memref<80x128xf32, #tpu.memory_space<vmem>>
      %dma_wait3A_58 = arith.constant 0 : i32
      %dma_wait3A_59 = tpu.memref_slice %arg14[%add3A_20, %dma_wait3A_58] : memref<11520x128xf32, #tpu.memory_space<vmem_shared>> -> memref<80x128xf32, #tpu.memory_space<vmem_shared>>
      tpu.wait_dma2 semaphore(%run_scoped3A : memref<!tpu.dma_semaphore, #tpu.memory_space<semaphore_mem>>) src(%dma_wait3A_59 : memref<80x128xf32, #tpu.memory_space<vmem_shared>>) dst(%dma_wait3A_57 : memref<80x128xf32, #tpu.memory_space<vmem>>)
      tpu.yield
    }) : () -> ()
    "tpu.region"() ({
      %run_scoped3A = tpu.sem_alloc : memref<!tpu.dma_semaphore, #tpu.memory_space<semaphore_mem>>
      %dma_start3A = arith.constant 0 : i32
      %dma_start3A_42 = arith.constant 0 : i32
      %dma_start3A_43 = tpu.memref_slice %arg11[%dma_start3A, %dma_start3A_42] : memref<80x128xf32, #tpu.memory_space<vmem>> -> memref<80x128xf32, #tpu.memory_space<vmem>>
      %dma_start3A_44 = arith.constant 0 : i32
      %dma_start3A_45 = tpu.memref_slice %arg7[%add3A_41, %dma_start3A_44] : memref<23040x128xf32, #tpu.memory_space<hbm>> -> memref<80x128xf32, #tpu.memory_space<hbm>>
      %dma_start3A_46 = arith.constant 0 : i32
      %dma_start3A_47 = tpu.memref_slice %arg7[%add3A_41, %dma_start3A_46] : memref<23040x128xf32, #tpu.memory_space<hbm>> -> memref<80x128xf32, #tpu.memory_space<hbm>>
      %dma_start3A_48 = arith.constant 0 : i32
      %dma_start3A_49 = arith.constant 0 : i32
      %dma_start3A_50 = tpu.memref_slice %arg11[%dma_start3A_48, %dma_start3A_49] : memref<80x128xf32, #tpu.memory_space<vmem>> -> memref<80x128xf32, #tpu.memory_space<vmem>>
      tpu.enqueue_dma source(%dma_start3A_50 : memref<80x128xf32, #tpu.memory_space<vmem>>) target(%dma_start3A_47 : memref<80x128xf32, #tpu.memory_space<hbm>>) target_semaphore(%run_scoped3A : memref<!tpu.dma_semaphore, #tpu.memory_space<semaphore_mem>>)
      %dma_wait3A = arith.constant 0 : i32
      %dma_wait3A_51 = arith.constant 0 : i32
      %dma_wait3A_52 = tpu.memref_slice %arg11[%dma_wait3A, %dma_wait3A_51] : memref<80x128xf32, #tpu.memory_space<vmem>> -> memref<80x128xf32, #tpu.memory_space<vmem>>
      %dma_wait3A_53 = arith.constant 0 : i32
      %dma_wait3A_54 = tpu.memref_slice %arg7[%add3A_41, %dma_wait3A_53] : memref<23040x128xf32, #tpu.memory_space<hbm>> -> memref<80x128xf32, #tpu.memory_space<hbm>>
      %dma_wait3A_55 = arith.constant 0 : i32
      %dma_wait3A_56 = tpu.memref_slice %arg7[%add3A_41, %dma_wait3A_55] : memref<23040x128xf32, #tpu.memory_space<hbm>> -> memref<80x128xf32, #tpu.memory_space<hbm>>
      %dma_wait3A_57 = arith.constant 0 : i32
      %dma_wait3A_58 = arith.constant 0 : i32
      %dma_wait3A_59 = tpu.memref_slice %arg11[%dma_wait3A_57, %dma_wait3A_58] : memref<80x128xf32, #tpu.memory_space<vmem>> -> memref<80x128xf32, #tpu.memory_space<vmem>>
      tpu.wait_dma2 semaphore(%run_scoped3A : memref<!tpu.dma_semaphore, #tpu.memory_space<semaphore_mem>>) src(%dma_wait3A_59 : memref<80x128xf32, #tpu.memory_space<vmem>>) dst(%dma_wait3A_56 : memref<80x128xf32, #tpu.memory_space<hbm>>)
      tpu.yield
    }) : () -> ()
    return
  }
}

module attributes {stable_mosaic.version = 14 : i64} {
  func.func @_qkv_body(%arg0: i32, %arg1: memref<1000x128xf32, #tpu.memory_space<vmem>>, %arg2: memref<8x128xf32, #tpu.memory_space<vmem>>, %arg3: memref<1x128xf32, #tpu.memory_space<vmem>>, %arg4: memref<1x128xf32, #tpu.memory_space<vmem>>, %arg5: memref<128x128xf32, #tpu.memory_space<vmem>>, %arg6: memref<1x128xf32, #tpu.memory_space<vmem>>, %arg7: memref<128x128xf32, #tpu.memory_space<vmem>>, %arg8: memref<1x128xf32, #tpu.memory_space<vmem>>, %arg9: memref<128x128xf32, #tpu.memory_space<vmem>>, %arg10: memref<1x128xf32, #tpu.memory_space<vmem>>, %arg11: memref<1000x128xf32, #tpu.memory_space<vmem>>, %arg12: memref<1000x128xf32, #tpu.memory_space<vmem>>, %arg13: memref<1000x128xf32, #tpu.memory_space<vmem>>) attributes {dimension_semantics = [#tpu.dimension_semantics<arbitrary>], iteration_bounds = array<i64: 10>, scalar_prefetch = 0 : i64, scratch_operands = 0 : i64, tpu.core_type = #tpu.core_type<tc>, window_params = [{transform_indices = @transform_0, window_bounds = array<i64: 1000, 128>}, {pipeline_mode = #tpu.pipeline_mode<synchronous>, transform_indices = @transform_1, window_bounds = array<i64: 8, 128>}, {pipeline_mode = #tpu.pipeline_mode<synchronous>, transform_indices = @transform_2, window_bounds = array<i64: 1, 128>}, {pipeline_mode = #tpu.pipeline_mode<synchronous>, transform_indices = @transform_3, window_bounds = array<i64: 1, 128>}, {pipeline_mode = #tpu.pipeline_mode<synchronous>, transform_indices = @transform_4, window_bounds = array<i64: 128, 128>}, {pipeline_mode = #tpu.pipeline_mode<synchronous>, transform_indices = @transform_5, window_bounds = array<i64: 1, 128>}, {pipeline_mode = #tpu.pipeline_mode<synchronous>, transform_indices = @transform_6, window_bounds = array<i64: 128, 128>}, {pipeline_mode = #tpu.pipeline_mode<synchronous>, transform_indices = @transform_7, window_bounds = array<i64: 1, 128>}, {pipeline_mode = #tpu.pipeline_mode<synchronous>, transform_indices = @transform_8, window_bounds = array<i64: 128, 128>}, {pipeline_mode = #tpu.pipeline_mode<synchronous>, transform_indices = @transform_9, window_bounds = array<i64: 1, 128>}, {transform_indices = @transform_10, window_bounds = array<i64: 1000, 128>}, {transform_indices = @transform_11, window_bounds = array<i64: 1000, 128>}, {transform_indices = @transform_12, window_bounds = array<i64: 1000, 128>}]} {
    %get3A = arith.constant 0 : index
    %get3A_0 = arith.constant 0 : index
    %get3A_1 = vector.load %arg2[%get3A, %get3A_0] : memref<8x128xf32, #tpu.memory_space<vmem>>, vector<1x128xf32>
    %div3A = arith.constant 1.000000e+04 : f32
    %div3A_2 = vector.broadcast %div3A : f32 to vector<1x128xf32>
    %div3A_3 = arith.divf %get3A_1, %div3A_2 : vector<1x128xf32>
    %get3A_4 = arith.constant 1 : index
    %get3A_5 = arith.constant 0 : index
    %get3A_6 = vector.load %arg2[%get3A_4, %get3A_5] : memref<8x128xf32, #tpu.memory_space<vmem>>, vector<1x128xf32>
    %div3A_7 = arith.constant 1.000000e+04 : f32
    %div3A_8 = vector.broadcast %div3A_7 : f32 to vector<1x128xf32>
    %div3A_9 = arith.divf %get3A_6, %div3A_8 : vector<1x128xf32>
    %mul3A = arith.mulf %div3A_3, %div3A_3 : vector<1x128xf32>
    %sub3A = arith.subf %div3A_9, %mul3A : vector<1x128xf32>
    %get3A_10 = arith.constant 0 : index
    %get3A_11 = arith.constant 0 : index
    %get3A_12 = vector.load %arg3[%get3A_10, %get3A_11] : memref<1x128xf32, #tpu.memory_space<vmem>>, vector<1x128xf32>
    %get3A_13 = arith.constant 0 : index
    %get3A_14 = arith.constant 0 : index
    %get3A_15 = vector.load %arg1[%get3A_13, %get3A_14] : memref<1000x128xf32, #tpu.memory_space<vmem>>, vector<1000x128xf32>
    %sub3A_16 = vector.broadcast %div3A_3 : vector<1x128xf32> to vector<1000x128xf32>
    %sub3A_17 = arith.subf %get3A_15, %sub3A_16 : vector<1000x128xf32>
    %mul3A_18 = vector.broadcast %get3A_12 : vector<1x128xf32> to vector<1000x128xf32>
    %mul3A_19 = arith.mulf %mul3A_18, %sub3A_17 : vector<1000x128xf32>
    %add3A = arith.constant 9.99999974E-6 : f32
    %add3A_20 = vector.broadcast %add3A : f32 to vector<1x128xf32>
    %add3A_21 = arith.addf %sub3A, %add3A_20 : vector<1x128xf32>
    %rsqrt3A = math.rsqrt %add3A_21 : vector<1x128xf32>
    %mul3A_22 = vector.broadcast %rsqrt3A : vector<1x128xf32> to vector<1000x128xf32>
    %mul3A_23 = arith.mulf %mul3A_19, %mul3A_22 : vector<1000x128xf32>
    %get3A_24 = arith.constant 0 : index
    %get3A_25 = arith.constant 0 : index
    %get3A_26 = vector.load %arg4[%get3A_24, %get3A_25] : memref<1x128xf32, #tpu.memory_space<vmem>>, vector<1x128xf32>
    %add3A_27 = vector.broadcast %get3A_26 : vector<1x128xf32> to vector<1000x128xf32>
    %add3A_28 = arith.addf %mul3A_23, %add3A_27 : vector<1000x128xf32>
    %get3A_29 = arith.constant 0 : index
    %get3A_30 = arith.constant 0 : index
    %get3A_31 = vector.load %arg5[%get3A_29, %get3A_30] : memref<128x128xf32, #tpu.memory_space<vmem>>, vector<128x128xf32>
    %dot_general3A = arith.constant dense<0.000000e+00> : vector<1000x128xf32>
    %dot_general3A_32 = tpu.matmul %add3A_28, %get3A_31, %dot_general3A {dimension_numbers = #tpu.dot_dimension_numbers<[1], [0], [0], [1], [0, 0, 1, 1], [], []>, transpose_lhs_hint = false} : vector<1000x128xf32>, vector<128x128xf32>, vector<1000x128xf32> -> vector<1000x128xf32>
    %get3A_33 = arith.constant 0 : index
    %get3A_34 = arith.constant 0 : index
    %get3A_35 = vector.load %arg6[%get3A_33, %get3A_34] : memref<1x128xf32, #tpu.memory_space<vmem>>, vector<1x128xf32>
    %add3A_36 = vector.broadcast %get3A_35 : vector<1x128xf32> to vector<1000x128xf32>
    %add3A_37 = arith.addf %dot_general3A_32, %add3A_36 : vector<1000x128xf32>
    %mul3A_38 = arith.constant 2.500000e-01 : f32
    %mul3A_39 = vector.broadcast %mul3A_38 : f32 to vector<1000x128xf32>
    %mul3A_40 = arith.mulf %add3A_37, %mul3A_39 : vector<1000x128xf32>
    %swap3A = arith.constant 0 : index
    %swap3A_41 = arith.constant 0 : index
    %swap3A_42 = vector.load %arg11[%swap3A, %swap3A_41] : memref<1000x128xf32, #tpu.memory_space<vmem>>, vector<1000x128xf32>
    tpu.vector_store %arg11[%swap3A, %swap3A_41], %mul3A_40 {strides = array<i32>} : memref<1000x128xf32, #tpu.memory_space<vmem>>, vector<1000x128xf32>,
    %get3A_43 = arith.constant 0 : index
    %get3A_44 = arith.constant 0 : index
    %get3A_45 = vector.load %arg7[%get3A_43, %get3A_44] : memref<128x128xf32, #tpu.memory_space<vmem>>, vector<128x128xf32>
    %dot_general3A_46 = arith.constant dense<0.000000e+00> : vector<1000x128xf32>
    %dot_general3A_47 = tpu.matmul %add3A_28, %get3A_45, %dot_general3A_46 {dimension_numbers = #tpu.dot_dimension_numbers<[1], [0], [0], [1], [0, 0, 1, 1], [], []>, transpose_lhs_hint = false} : vector<1000x128xf32>, vector<128x128xf32>, vector<1000x128xf32> -> vector<1000x128xf32>
    %get3A_48 = arith.constant 0 : index
    %get3A_49 = arith.constant 0 : index
    %get3A_50 = vector.load %arg8[%get3A_48, %get3A_49] : memref<1x128xf32, #tpu.memory_space<vmem>>, vector<1x128xf32>
    %add3A_51 = vector.broadcast %get3A_50 : vector<1x128xf32> to vector<1000x128xf32>
    %add3A_52 = arith.addf %dot_general3A_47, %add3A_51 : vector<1000x128xf32>
    %swap3A_53 = arith.constant 0 : index
    %swap3A_54 = arith.constant 0 : index
    %swap3A_55 = vector.load %arg12[%swap3A_53, %swap3A_54] : memref<1000x128xf32, #tpu.memory_space<vmem>>, vector<1000x128xf32>
    tpu.vector_store %arg12[%swap3A_53, %swap3A_54], %add3A_52 {strides = array<i32>} : memref<1000x128xf32, #tpu.memory_space<vmem>>, vector<1000x128xf32>,
    %get3A_56 = arith.constant 0 : index
    %get3A_57 = arith.constant 0 : index
    %get3A_58 = vector.load %arg9[%get3A_56, %get3A_57] : memref<128x128xf32, #tpu.memory_space<vmem>>, vector<128x128xf32>
    %dot_general3A_59 = arith.constant dense<0.000000e+00> : vector<1000x128xf32>
    %dot_general3A_60 = tpu.matmul %add3A_28, %get3A_58, %dot_general3A_59 {dimension_numbers = #tpu.dot_dimension_numbers<[1], [0], [0], [1], [0, 0, 1, 1], [], []>, transpose_lhs_hint = false} : vector<1000x128xf32>, vector<128x128xf32>, vector<1000x128xf32> -> vector<1000x128xf32>
    %get3A_61 = arith.constant 0 : index
    %get3A_62 = arith.constant 0 : index
    %get3A_63 = vector.load %arg10[%get3A_61, %get3A_62] : memref<1x128xf32, #tpu.memory_space<vmem>>, vector<1x128xf32>
    %add3A_64 = vector.broadcast %get3A_63 : vector<1x128xf32> to vector<1000x128xf32>
    %add3A_65 = arith.addf %dot_general3A_60, %add3A_64 : vector<1000x128xf32>
    %swap3A_66 = arith.constant 0 : index
    %swap3A_67 = arith.constant 0 : index
    %swap3A_68 = vector.load %arg13[%swap3A_66, %swap3A_67] : memref<1000x128xf32, #tpu.memory_space<vmem>>, vector<1000x128xf32>
    tpu.vector_store %arg13[%swap3A_66, %swap3A_67], %add3A_65 {strides = array<i32>} : memref<1000x128xf32, #tpu.memory_space<vmem>>, vector<1000x128xf32>,
    return
  }
  func.func @transform_0(%arg0: i32) -> (i32, i32) {
    %c0_i32 = arith.constant 0 : i32
    %c0_i32_0 = arith.constant 0 : i32
    return %arg0, %c0_i32 : i32, i32
  }
  func.func @transform_1(%arg0: i32) -> (i32, i32) {
    %c0_i32 = arith.constant 0 : i32
    %c0_i32_0 = arith.constant 0 : i32
    %c0_i32_1 = arith.constant 0 : i32
    return %c0_i32, %c0_i32_0 : i32, i32
  }
  func.func @transform_2(%arg0: i32) -> (i32, i32) {
    %c0_i32 = arith.constant 0 : i32
    %c0_i32_0 = arith.constant 0 : i32
    %c0_i32_1 = arith.constant 0 : i32
    return %c0_i32, %c0_i32_0 : i32, i32
  }
  func.func @transform_3(%arg0: i32) -> (i32, i32) {
    %c0_i32 = arith.constant 0 : i32
    %c0_i32_0 = arith.constant 0 : i32
    %c0_i32_1 = arith.constant 0 : i32
    return %c0_i32, %c0_i32_0 : i32, i32
  }
  func.func @transform_4(%arg0: i32) -> (i32, i32) {
    %c0_i32 = arith.constant 0 : i32
    %c0_i32_0 = arith.constant 0 : i32
    %c0_i32_1 = arith.constant 0 : i32
    return %c0_i32, %c0_i32_0 : i32, i32
  }
  func.func @transform_5(%arg0: i32) -> (i32, i32) {
    %c0_i32 = arith.constant 0 : i32
    %c0_i32_0 = arith.constant 0 : i32
    %c0_i32_1 = arith.constant 0 : i32
    return %c0_i32, %c0_i32_0 : i32, i32
  }
  func.func @transform_6(%arg0: i32) -> (i32, i32) {
    %c0_i32 = arith.constant 0 : i32
    %c0_i32_0 = arith.constant 0 : i32
    %c0_i32_1 = arith.constant 0 : i32
    return %c0_i32, %c0_i32_0 : i32, i32
  }
  func.func @transform_7(%arg0: i32) -> (i32, i32) {
    %c0_i32 = arith.constant 0 : i32
    %c0_i32_0 = arith.constant 0 : i32
    %c0_i32_1 = arith.constant 0 : i32
    return %c0_i32, %c0_i32_0 : i32, i32
  }
  func.func @transform_8(%arg0: i32) -> (i32, i32) {
    %c0_i32 = arith.constant 0 : i32
    %c0_i32_0 = arith.constant 0 : i32
    %c0_i32_1 = arith.constant 0 : i32
    return %c0_i32, %c0_i32_0 : i32, i32
  }
  func.func @transform_9(%arg0: i32) -> (i32, i32) {
    %c0_i32 = arith.constant 0 : i32
    %c0_i32_0 = arith.constant 0 : i32
    %c0_i32_1 = arith.constant 0 : i32
    return %c0_i32, %c0_i32_0 : i32, i32
  }
  func.func @transform_10(%arg0: i32) -> (i32, i32) {
    %c0_i32 = arith.constant 0 : i32
    %c0_i32_0 = arith.constant 0 : i32
    return %arg0, %c0_i32 : i32, i32
  }
  func.func @transform_11(%arg0: i32) -> (i32, i32) {
    %c0_i32 = arith.constant 0 : i32
    %c0_i32_0 = arith.constant 0 : i32
    return %arg0, %c0_i32 : i32, i32
  }
  func.func @transform_12(%arg0: i32) -> (i32, i32) {
    %c0_i32 = arith.constant 0 : i32
    %c0_i32_0 = arith.constant 0 : i32
    return %arg0, %c0_i32 : i32, i32
  }
}

module attributes {stable_mosaic.version = 14 : i64} {
  func.func @_pre_body(%arg0: i32, %arg1: memref<1000x128xf32, #tpu.memory_space<vmem>>, %arg2: memref<1000x1xi32, #tpu.memory_space<vmem>>, %arg3: memref<128x128xf32, #tpu.memory_space<vmem>>, %arg4: memref<1x128xf32, #tpu.memory_space<vmem>>, %arg5: memref<1000x128xf32, #tpu.memory_space<vmem>>, %arg6: memref<8x128xf32, #tpu.memory_space<vmem>>) attributes {dimension_semantics = [#tpu.dimension_semantics<arbitrary>], iteration_bounds = array<i64: 10>, scalar_prefetch = 0 : i64, scratch_operands = 0 : i64, tpu.core_type = #tpu.core_type<tc>, window_params = [{transform_indices = @transform_0, window_bounds = array<i64: 1000, 128>}, {transform_indices = @transform_1, window_bounds = array<i64: 1000, 1>}, {pipeline_mode = #tpu.pipeline_mode<synchronous>, transform_indices = @transform_2, window_bounds = array<i64: 128, 128>}, {pipeline_mode = #tpu.pipeline_mode<synchronous>, transform_indices = @transform_3, window_bounds = array<i64: 1, 128>}, {transform_indices = @transform_4, window_bounds = array<i64: 1000, 128>}, {pipeline_mode = #tpu.pipeline_mode<synchronous>, transform_indices = @transform_5, window_bounds = array<i64: 8, 128>}]} {
    %get3A = arith.constant 0 : index
    %get3A_0 = arith.constant 0 : index
    %get3A_1 = vector.load %arg1[%get3A, %get3A_0] : memref<1000x128xf32, #tpu.memory_space<vmem>>, vector<1000x128xf32>
    %get3A_2 = arith.constant 0 : index
    %get3A_3 = arith.constant 0 : index
    %get3A_4 = vector.load %arg3[%get3A_2, %get3A_3] : memref<128x128xf32, #tpu.memory_space<vmem>>, vector<128x128xf32>
    %dot_general3A = arith.constant dense<0.000000e+00> : vector<1000x128xf32>
    %dot_general3A_5 = tpu.matmul %get3A_1, %get3A_4, %dot_general3A {dimension_numbers = #tpu.dot_dimension_numbers<[1], [0], [0], [1], [0, 0, 1, 1], [], []>, transpose_lhs_hint = false} : vector<1000x128xf32>, vector<128x128xf32>, vector<1000x128xf32> -> vector<1000x128xf32>
    %get3A_6 = arith.constant 0 : index
    %get3A_7 = arith.constant 0 : index
    %get3A_8 = vector.load %arg4[%get3A_6, %get3A_7] : memref<1x128xf32, #tpu.memory_space<vmem>>, vector<1x128xf32>
    %add3A = vector.broadcast %get3A_8 : vector<1x128xf32> to vector<1000x128xf32>
    %add3A_9 = arith.addf %dot_general3A_5, %add3A : vector<1000x128xf32>
    %get3A_10 = arith.constant 0 : index
    %get3A_11 = arith.constant 0 : index
    %get3A_12 = vector.load %arg2[%get3A_10, %get3A_11] : memref<1000x1xi32, #tpu.memory_space<vmem>>, vector<1000x1xi32>
    %convert_element_type3A = arith.sitofp %get3A_12 : vector<1000x1xi32> to vector<1000x1xf32>
    %iota3A = tpu.iota {dimensions = array<i32: 1>} : vector<1x64xi32>
    %convert_element_type3A_13 = arith.sitofp %iota3A : vector<1x64xi32> to vector<1x64xf32>
    %div3A = arith.constant 6.300000e+01 : f32
    %div3A_14 = vector.broadcast %div3A : f32 to vector<1x64xf32>
    %div3A_15 = arith.divf %convert_element_type3A_13, %div3A_14 : vector<1x64xf32>
    %mul3A = arith.constant -9.21034049 : f32
    %mul3A_16 = vector.broadcast %mul3A : f32 to vector<1x64xf32>
    %mul3A_17 = arith.mulf %div3A_15, %mul3A_16 : vector<1x64xf32>
    %exp3A = math.exp %mul3A_17 : vector<1x64xf32>
    %mul3A_18 = vector.broadcast %convert_element_type3A : vector<1000x1xf32> to vector<1000x64xf32>
    %mul3A_19 = vector.broadcast %exp3A : vector<1x64xf32> to vector<1000x64xf32>
    %mul3A_20 = arith.mulf %mul3A_18, %mul3A_19 : vector<1000x64xf32>
    %sin3A = math.sin %mul3A_20 : vector<1000x64xf32>
    %cos3A = math.cos %mul3A_20 : vector<1000x64xf32>
    %concatenate3A = tpu.concatenate %sin3A, %cos3A in 1 : vector<1000x64xf32>, vector<1000x64xf32> -> vector<1000x128xf32>
    %add3A_21 = arith.addf %add3A_9, %concatenate3A : vector<1000x128xf32>
    %swap3A = arith.constant 0 : index
    %swap3A_22 = arith.constant 0 : index
    %swap3A_23 = vector.load %arg5[%swap3A, %swap3A_22] : memref<1000x128xf32, #tpu.memory_space<vmem>>, vector<1000x128xf32>
    tpu.vector_store %arg5[%swap3A, %swap3A_22], %add3A_21 {strides = array<i32>} : memref<1000x128xf32, #tpu.memory_space<vmem>>, vector<1000x128xf32>,
    %eq3A = arith.constant 0 : i32
    %eq3A_24 = arith.cmpi eq, %arg0, %eq3A : i32
    %convert_element_type3A_25 = arith.extui %eq3A_24 : i1 to i32
    %cond3A = arith.constant 0 : i32
    %cond3A_26 = arith.cmpi ne, %convert_element_type3A_25, %cond3A : i32
    scf.if %cond3A_26 {
      %broadcast_in_dim3A_42 = arith.constant 0.000000e+00 : f32
      %broadcast_in_dim3A_43 = vector.broadcast %broadcast_in_dim3A_42 : f32 to vector<8x128xf32>
      %swap3A_44 = arith.constant 0 : index
      %swap3A_45 = arith.constant 0 : index
      %swap3A_46 = vector.load %arg6[%swap3A_44, %swap3A_45] : memref<8x128xf32, #tpu.memory_space<vmem>>, vector<8x128xf32>
      tpu.vector_store %arg6[%swap3A_44, %swap3A_45], %broadcast_in_dim3A_43 {strides = array<i32>} : memref<8x128xf32, #tpu.memory_space<vmem>>, vector<8x128xf32>,
    } else {
    }
    %reduce_sum3A = arith.constant dense<0.000000e+00> : vector<128xf32>
    %reduce_sum3A_27 = vector.multi_reduction <add>, %add3A_21, %reduce_sum3A [0] : vector<1000x128xf32> to vector<128xf32>
    %broadcast_in_dim3A = vector.shape_cast %reduce_sum3A_27 : vector<128xf32> to vector<1x128xf32>
    %mul3A_28 = arith.mulf %add3A_21, %add3A_21 : vector<1000x128xf32>
    %reduce_sum3A_29 = arith.constant dense<0.000000e+00> : vector<128xf32>
    %reduce_sum3A_30 = vector.multi_reduction <add>, %mul3A_28, %reduce_sum3A_29 [0] : vector<1000x128xf32> to vector<128xf32>
    %broadcast_in_dim3A_31 = vector.shape_cast %reduce_sum3A_30 : vector<128xf32> to vector<1x128xf32>
    %get3A_32 = arith.constant 0 : index
    %get3A_33 = arith.constant 0 : index
    %get3A_34 = vector.load %arg6[%get3A_32, %get3A_33] : memref<8x128xf32, #tpu.memory_space<vmem>>, vector<8x128xf32>
    %broadcast_in_dim3A_35 = arith.constant 0.000000e+00 : f32
    %broadcast_in_dim3A_36 = vector.broadcast %broadcast_in_dim3A_35 : f32 to vector<6x128xf32>
    %concatenate3A_37 = tpu.concatenate %broadcast_in_dim3A, %broadcast_in_dim3A_31, %broadcast_in_dim3A_36 in 0 : vector<1x128xf32>, vector<1x128xf32>, vector<6x128xf32> -> vector<8x128xf32>
    %add3A_38 = arith.addf %get3A_34, %concatenate3A_37 : vector<8x128xf32>
    %swap3A_39 = arith.constant 0 : index
    %swap3A_40 = arith.constant 0 : index
    %swap3A_41 = vector.load %arg6[%swap3A_39, %swap3A_40] : memref<8x128xf32, #tpu.memory_space<vmem>>, vector<8x128xf32>
    tpu.vector_store %arg6[%swap3A_39, %swap3A_40], %add3A_38 {strides = array<i32>} : memref<8x128xf32, #tpu.memory_space<vmem>>, vector<8x128xf32>,
    return
  }
  func.func @transform_0(%arg0: i32) -> (i32, i32) {
    %c0_i32 = arith.constant 0 : i32
    %c0_i32_0 = arith.constant 0 : i32
    return %arg0, %c0_i32 : i32, i32
  }
  func.func @transform_1(%arg0: i32) -> (i32, i32) {
    %c0_i32 = arith.constant 0 : i32
    %c0_i32_0 = arith.constant 0 : i32
    return %arg0, %c0_i32 : i32, i32
  }
  func.func @transform_2(%arg0: i32) -> (i32, i32) {
    %c0_i32 = arith.constant 0 : i32
    %c0_i32_0 = arith.constant 0 : i32
    %c0_i32_1 = arith.constant 0 : i32
    return %c0_i32, %c0_i32_0 : i32, i32
  }
  func.func @transform_3(%arg0: i32) -> (i32, i32) {
    %c0_i32 = arith.constant 0 : i32
    %c0_i32_0 = arith.constant 0 : i32
    %c0_i32_1 = arith.constant 0 : i32
    return %c0_i32, %c0_i32_0 : i32, i32
  }
  func.func @transform_4(%arg0: i32) -> (i32, i32) {
    %c0_i32 = arith.constant 0 : i32
    %c0_i32_0 = arith.constant 0 : i32
    return %arg0, %c0_i32 : i32, i32
  }
  func.func @transform_5(%arg0: i32) -> (i32, i32) {
    %c0_i32 = arith.constant 0 : i32
    %c0_i32_0 = arith.constant 0 : i32
    %c0_i32_1 = arith.constant 0 : i32
    return %c0_i32, %c0_i32_0 : i32, i32
  }
}

module attributes {stable_mosaic.version = 14 : i64} {
  func.func @_mid_body(%arg0: i32, %arg1: memref<2x1000x128xf32, #tpu.memory_space<vmem>>, %arg2: memref<2x1000x16xf32, #tpu.memory_space<vmem>>, %arg3: memref<1000x128xf32, #tpu.memory_space<vmem>>, %arg4: memref<16x128xf32, #tpu.memory_space<vmem>>, %arg5: memref<128x128xf32, #tpu.memory_space<vmem>>, %arg6: memref<1x128xf32, #tpu.memory_space<vmem>>, %arg7: memref<128x128xf32, #tpu.memory_space<vmem>>, %arg8: memref<1x128xf32, #tpu.memory_space<vmem>>, %arg9: memref<128x128xf32, #tpu.memory_space<vmem>>, %arg10: memref<1x128xf32, #tpu.memory_space<vmem>>, %arg11: memref<128x128xf32, #tpu.memory_space<vmem>>, %arg12: memref<1x128xf32, #tpu.memory_space<vmem>>, %arg13: memref<128x128xf32, #tpu.memory_space<vmem>>, %arg14: memref<1x128xf32, #tpu.memory_space<vmem>>, %arg15: memref<128x128xf32, #tpu.memory_space<vmem>>, %arg16: memref<1x128xf32, #tpu.memory_space<vmem>>, %arg17: memref<128x128xf32, #tpu.memory_space<vmem>>, %arg18: memref<1x128xf32, #tpu.memory_space<vmem>>, %arg19: memref<1000x128xf32, #tpu.memory_space<vmem>>, %arg20: memref<8x128xf32, #tpu.memory_space<vmem>>) attributes {dimension_semantics = [#tpu.dimension_semantics<arbitrary>], iteration_bounds = array<i64: 10>, scalar_prefetch = 0 : i64, scratch_operands = 0 : i64, tpu.core_type = #tpu.core_type<tc>, window_params = [{transform_indices = @transform_0, window_bounds = array<i64: 2, 1000, 128>}, {transform_indices = @transform_1, window_bounds = array<i64: 2, 1000, 16>}, {transform_indices = @transform_2, window_bounds = array<i64: 1000, 128>}, {pipeline_mode = #tpu.pipeline_mode<synchronous>, transform_indices = @transform_3, window_bounds = array<i64: 16, 128>}, {pipeline_mode = #tpu.pipeline_mode<synchronous>, transform_indices = @transform_4, window_bounds = array<i64: 128, 128>}, {pipeline_mode = #tpu.pipeline_mode<synchronous>, transform_indices = @transform_5, window_bounds = array<i64: 1, 128>}, {pipeline_mode = #tpu.pipeline_mode<synchronous>, transform_indices = @transform_6, window_bounds = array<i64: 128, 128>}, {pipeline_mode = #tpu.pipeline_mode<synchronous>, transform_indices = @transform_7, window_bounds = array<i64: 1, 128>}, {pipeline_mode = #tpu.pipeline_mode<synchronous>, transform_indices = @transform_8, window_bounds = array<i64: 128, 128>}, {pipeline_mode = #tpu.pipeline_mode<synchronous>, transform_indices = @transform_9, window_bounds = array<i64: 1, 128>}, {pipeline_mode = #tpu.pipeline_mode<synchronous>, transform_indices = @transform_10, window_bounds = array<i64: 128, 128>}, {pipeline_mode = #tpu.pipeline_mode<synchronous>, transform_indices = @transform_11, window_bounds = array<i64: 1, 128>}, {pipeline_mode = #tpu.pipeline_mode<synchronous>, transform_indices = @transform_12, window_bounds = array<i64: 128, 128>}, {pipeline_mode = #tpu.pipeline_mode<synchronous>, transform_indices = @transform_13, window_bounds = array<i64: 1, 128>}, {pipeline_mode = #tpu.pipeline_mode<synchronous>, transform_indices = @transform_14, window_bounds = array<i64: 128, 128>}, {pipeline_mode = #tpu.pipeline_mode<synchronous>, transform_indices = @transform_15, window_bounds = array<i64: 1, 128>}, {pipeline_mode = #tpu.pipeline_mode<synchronous>, transform_indices = @transform_16, window_bounds = array<i64: 128, 128>}, {pipeline_mode = #tpu.pipeline_mode<synchronous>, transform_indices = @transform_17, window_bounds = array<i64: 1, 128>}, {transform_indices = @transform_18, window_bounds = array<i64: 1000, 128>}, {pipeline_mode = #tpu.pipeline_mode<synchronous>, transform_indices = @transform_19, window_bounds = array<i64: 8, 128>}]} {
    %get3A = arith.constant 0 : index
    %get3A_0 = arith.constant 0 : index
    %get3A_1 = arith.constant 0 : index
    %get3A_2 = vector.load %arg1[%get3A, %get3A_0, %get3A_1] : memref<2x1000x128xf32, #tpu.memory_space<vmem>>, vector<1x1000x128xf32>
    %get3A_3 = vector.shape_cast %get3A_2 : vector<1x1000x128xf32> to vector<1000x128xf32>
    %get3A_4 = arith.constant 1 : index
    %get3A_5 = arith.constant 0 : index
    %get3A_6 = arith.constant 0 : index
    %get3A_7 = vector.load %arg1[%get3A_4, %get3A_5, %get3A_6] : memref<2x1000x128xf32, #tpu.memory_space<vmem>>, vector<1x1000x128xf32>
    %get3A_8 = vector.shape_cast %get3A_7 : vector<1x1000x128xf32> to vector<1000x128xf32>
    %add3A = arith.addf %get3A_3, %get3A_8 : vector<1000x128xf32>
    %get3A_9 = arith.constant 0 : index
    %get3A_10 = arith.constant 0 : index
    %get3A_11 = arith.constant 0 : index
    %get3A_12 = vector.load %arg2[%get3A_9, %get3A_10, %get3A_11] : memref<2x1000x16xf32, #tpu.memory_space<vmem>>, vector<1x1000x16xf32>
    %get3A_13 = vector.shape_cast %get3A_12 : vector<1x1000x16xf32> to vector<1000x16xf32>
    %get3A_14 = arith.constant 1 : index
    %get3A_15 = arith.constant 0 : index
    %get3A_16 = arith.constant 0 : index
    %get3A_17 = vector.load %arg2[%get3A_14, %get3A_15, %get3A_16] : memref<2x1000x16xf32, #tpu.memory_space<vmem>>, vector<1x1000x16xf32>
    %get3A_18 = vector.shape_cast %get3A_17 : vector<1x1000x16xf32> to vector<1000x16xf32>
    %add3A_19 = arith.addf %get3A_13, %get3A_18 : vector<1000x16xf32>
    %get3A_20 = arith.constant 0 : index
    %get3A_21 = arith.constant 0 : index
    %get3A_22 = vector.load %arg4[%get3A_20, %get3A_21] : memref<16x128xf32, #tpu.memory_space<vmem>>, vector<16x128xf32>
    %dot_general3A = arith.constant dense<0.000000e+00> : vector<1000x128xf32>
    %dot_general3A_23 = tpu.matmul %add3A_19, %get3A_22, %dot_general3A {dimension_numbers = #tpu.dot_dimension_numbers<[1], [0], [0], [1], [0, 0, 1, 1], [], []>, transpose_lhs_hint = false} : vector<1000x16xf32>, vector<16x128xf32>, vector<1000x128xf32> -> vector<1000x128xf32>
    %add3A_24 = arith.constant 1.000000e-16 : f32
    %add3A_25 = vector.broadcast %add3A_24 : f32 to vector<1000x128xf32>
    %add3A_26 = arith.addf %dot_general3A_23, %add3A_25 : vector<1000x128xf32>
    %div3A = arith.divf %add3A, %add3A_26 : vector<1000x128xf32>
    %get3A_27 = arith.constant 0 : index
    %get3A_28 = arith.constant 0 : index
    %get3A_29 = vector.load %arg5[%get3A_27, %get3A_28] : memref<128x128xf32, #tpu.memory_space<vmem>>, vector<128x128xf32>
    %dot_general3A_30 = arith.constant dense<0.000000e+00> : vector<1000x128xf32>
    %dot_general3A_31 = tpu.matmul %div3A, %get3A_29, %dot_general3A_30 {dimension_numbers = #tpu.dot_dimension_numbers<[1], [0], [0], [1], [0, 0, 1, 1], [], []>, transpose_lhs_hint = false} : vector<1000x128xf32>, vector<128x128xf32>, vector<1000x128xf32> -> vector<1000x128xf32>
    %get3A_32 = arith.constant 0 : index
    %get3A_33 = arith.constant 0 : index
    %get3A_34 = vector.load %arg6[%get3A_32, %get3A_33] : memref<1x128xf32, #tpu.memory_space<vmem>>, vector<1x128xf32>
    %add3A_35 = vector.broadcast %get3A_34 : vector<1x128xf32> to vector<1000x128xf32>
    %add3A_36 = arith.addf %dot_general3A_31, %add3A_35 : vector<1000x128xf32>
    %max3A = arith.constant 0.000000e+00 : f32
    %max3A_37 = vector.broadcast %max3A : f32 to vector<1000x128xf32>
    %max3A_38 = arith.maximumf %add3A_36, %max3A_37 : vector<1000x128xf32>
    %get3A_39 = arith.constant 0 : index
    %get3A_40 = arith.constant 0 : index
    %get3A_41 = vector.load %arg3[%get3A_39, %get3A_40] : memref<1000x128xf32, #tpu.memory_space<vmem>>, vector<1000x128xf32>
    %get3A_42 = arith.constant 0 : index
    %get3A_43 = arith.constant 0 : index
    %get3A_44 = vector.load %arg7[%get3A_42, %get3A_43] : memref<128x128xf32, #tpu.memory_space<vmem>>, vector<128x128xf32>
    %dot_general3A_45 = arith.constant dense<0.000000e+00> : vector<1000x128xf32>
    %dot_general3A_46 = tpu.matmul %max3A_38, %get3A_44, %dot_general3A_45 {dimension_numbers = #tpu.dot_dimension_numbers<[1], [0], [0], [1], [0, 0, 1, 1], [], []>, transpose_lhs_hint = false} : vector<1000x128xf32>, vector<128x128xf32>, vector<1000x128xf32> -> vector<1000x128xf32>
    %get3A_47 = arith.constant 0 : index
    %get3A_48 = arith.constant 0 : index
    %get3A_49 = vector.load %arg8[%get3A_47, %get3A_48] : memref<1x128xf32, #tpu.memory_space<vmem>>, vector<1x128xf32>
    %add3A_50 = vector.broadcast %get3A_49 : vector<1x128xf32> to vector<1000x128xf32>
    %add3A_51 = arith.addf %dot_general3A_46, %add3A_50 : vector<1000x128xf32>
    %get3A_52 = arith.constant 0 : index
    %get3A_53 = arith.constant 0 : index
    %get3A_54 = vector.load %arg9[%get3A_52, %get3A_53] : memref<128x128xf32, #tpu.memory_space<vmem>>, vector<128x128xf32>
    %dot_general3A_55 = arith.constant dense<0.000000e+00> : vector<1000x128xf32>
    %dot_general3A_56 = tpu.matmul %get3A_41, %get3A_54, %dot_general3A_55 {dimension_numbers = #tpu.dot_dimension_numbers<[1], [0], [0], [1], [0, 0, 1, 1], [], []>, transpose_lhs_hint = false} : vector<1000x128xf32>, vector<128x128xf32>, vector<1000x128xf32> -> vector<1000x128xf32>
    %add3A_57 = arith.addf %add3A_51, %dot_general3A_56 : vector<1000x128xf32>
    %get3A_58 = arith.constant 0 : index
    %get3A_59 = arith.constant 0 : index
    %get3A_60 = vector.load %arg10[%get3A_58, %get3A_59] : memref<1x128xf32, #tpu.memory_space<vmem>>, vector<1x128xf32>
    %add3A_61 = vector.broadcast %get3A_60 : vector<1x128xf32> to vector<1000x128xf32>
    %add3A_62 = arith.addf %add3A_57, %add3A_61 : vector<1000x128xf32>
    %logistic3A = arith.negf %add3A_62 : vector<1000x128xf32>
    %logistic3A_63 = math.exp %logistic3A : vector<1000x128xf32>
    %logistic3A_64 = arith.constant 1.000000e+00 : f32
    %logistic3A_65 = vector.broadcast %logistic3A_64 : f32 to vector<1000x128xf32>
    %logistic3A_66 = arith.addf %logistic3A_65, %logistic3A_63 : vector<1000x128xf32>
    %logistic3A_67 = arith.divf %logistic3A_65, %logistic3A_66 : vector<1000x128xf32>
    %get3A_68 = arith.constant 0 : index
    %get3A_69 = arith.constant 0 : index
    %get3A_70 = vector.load %arg11[%get3A_68, %get3A_69] : memref<128x128xf32, #tpu.memory_space<vmem>>, vector<128x128xf32>
    %dot_general3A_71 = arith.constant dense<0.000000e+00> : vector<1000x128xf32>
    %dot_general3A_72 = tpu.matmul %max3A_38, %get3A_70, %dot_general3A_71 {dimension_numbers = #tpu.dot_dimension_numbers<[1], [0], [0], [1], [0, 0, 1, 1], [], []>, transpose_lhs_hint = false} : vector<1000x128xf32>, vector<128x128xf32>, vector<1000x128xf32> -> vector<1000x128xf32>
    %get3A_73 = arith.constant 0 : index
    %get3A_74 = arith.constant 0 : index
    %get3A_75 = vector.load %arg12[%get3A_73, %get3A_74] : memref<1x128xf32, #tpu.memory_space<vmem>>, vector<1x128xf32>
    %add3A_76 = vector.broadcast %get3A_75 : vector<1x128xf32> to vector<1000x128xf32>
    %add3A_77 = arith.addf %dot_general3A_72, %add3A_76 : vector<1000x128xf32>
    %get3A_78 = arith.constant 0 : index
    %get3A_79 = arith.constant 0 : index
    %get3A_80 = vector.load %arg13[%get3A_78, %get3A_79] : memref<128x128xf32, #tpu.memory_space<vmem>>, vector<128x128xf32>
    %dot_general3A_81 = arith.constant dense<0.000000e+00> : vector<1000x128xf32>
    %dot_general3A_82 = tpu.matmul %get3A_41, %get3A_80, %dot_general3A_81 {dimension_numbers = #tpu.dot_dimension_numbers<[1], [0], [0], [1], [0, 0, 1, 1], [], []>, transpose_lhs_hint = false} : vector<1000x128xf32>, vector<128x128xf32>, vector<1000x128xf32> -> vector<1000x128xf32>
    %add3A_83 = arith.addf %add3A_77, %dot_general3A_82 : vector<1000x128xf32>
    %get3A_84 = arith.constant 0 : index
    %get3A_85 = arith.constant 0 : index
    %get3A_86 = vector.load %arg14[%get3A_84, %get3A_85] : memref<1x128xf32, #tpu.memory_space<vmem>>, vector<1x128xf32>
    %add3A_87 = vector.broadcast %get3A_86 : vector<1x128xf32> to vector<1000x128xf32>
    %add3A_88 = arith.addf %add3A_83, %add3A_87 : vector<1000x128xf32>
    %sub3A = arith.constant 1.000000e-01 : f32
    %sub3A_89 = vector.broadcast %sub3A : f32 to vector<1000x128xf32>
    %sub3A_90 = arith.subf %add3A_88, %sub3A_89 : vector<1000x128xf32>
    %logistic3A_91 = arith.negf %sub3A_90 : vector<1000x128xf32>
    %logistic3A_92 = math.exp %logistic3A_91 : vector<1000x128xf32>
    %logistic3A_93 = arith.constant 1.000000e+00 : f32
    %logistic3A_94 = vector.broadcast %logistic3A_93 : f32 to vector<1000x128xf32>
    %logistic3A_95 = arith.addf %logistic3A_94, %logistic3A_92 : vector<1000x128xf32>
    %logistic3A_96 = arith.divf %logistic3A_94, %logistic3A_95 : vector<1000x128xf32>
    %get3A_97 = arith.constant 0 : index
    %get3A_98 = arith.constant 0 : index
    %get3A_99 = vector.load %arg15[%get3A_97, %get3A_98] : memref<128x128xf32, #tpu.memory_space<vmem>>, vector<128x128xf32>
    %dot_general3A_100 = arith.constant dense<0.000000e+00> : vector<1000x128xf32>
    %dot_general3A_101 = tpu.matmul %max3A_38, %get3A_99, %dot_general3A_100 {dimension_numbers = #tpu.dot_dimension_numbers<[1], [0], [0], [1], [0, 0, 1, 1], [], []>, transpose_lhs_hint = false} : vector<1000x128xf32>, vector<128x128xf32>, vector<1000x128xf32> -> vector<1000x128xf32>
    %get3A_102 = arith.constant 0 : index
    %get3A_103 = arith.constant 0 : index
    %get3A_104 = vector.load %arg16[%get3A_102, %get3A_103] : memref<1x128xf32, #tpu.memory_space<vmem>>, vector<1x128xf32>
    %add3A_105 = vector.broadcast %get3A_104 : vector<1x128xf32> to vector<1000x128xf32>
    %add3A_106 = arith.addf %dot_general3A_101, %add3A_105 : vector<1000x128xf32>
    %mul3A = arith.mulf %logistic3A_67, %get3A_41 : vector<1000x128xf32>
    %get3A_107 = arith.constant 0 : index
    %get3A_108 = arith.constant 0 : index
    %get3A_109 = vector.load %arg17[%get3A_107, %get3A_108] : memref<128x128xf32, #tpu.memory_space<vmem>>, vector<128x128xf32>
    %dot_general3A_110 = arith.constant dense<0.000000e+00> : vector<1000x128xf32>
    %dot_general3A_111 = tpu.matmul %mul3A, %get3A_109, %dot_general3A_110 {dimension_numbers = #tpu.dot_dimension_numbers<[1], [0], [0], [1], [0, 0, 1, 1], [], []>, transpose_lhs_hint = false} : vector<1000x128xf32>, vector<128x128xf32>, vector<1000x128xf32> -> vector<1000x128xf32>
    %add3A_112 = arith.addf %add3A_106, %dot_general3A_111 : vector<1000x128xf32>
    %get3A_113 = arith.constant 0 : index
    %get3A_114 = arith.constant 0 : index
    %get3A_115 = vector.load %arg18[%get3A_113, %get3A_114] : memref<1x128xf32, #tpu.memory_space<vmem>>, vector<1x128xf32>
    %add3A_116 = vector.broadcast %get3A_115 : vector<1x128xf32> to vector<1000x128xf32>
    %add3A_117 = arith.addf %add3A_112, %add3A_116 : vector<1000x128xf32>
    %tanh3A = math.tanh %add3A_117 : vector<1000x128xf32>
    %sub3A_118 = arith.constant 1.000000e+00 : f32
    %sub3A_119 = vector.broadcast %sub3A_118 : f32 to vector<1000x128xf32>
    %sub3A_120 = arith.subf %sub3A_119, %logistic3A_96 : vector<1000x128xf32>
    %mul3A_121 = arith.mulf %sub3A_120, %get3A_41 : vector<1000x128xf32>
    %mul3A_122 = arith.mulf %logistic3A_96, %tanh3A : vector<1000x128xf32>
    %add3A_123 = arith.addf %mul3A_121, %mul3A_122 : vector<1000x128xf32>
    %swap3A = arith.constant 0 : index
    %swap3A_124 = arith.constant 0 : index
    %swap3A_125 = vector.load %arg19[%swap3A, %swap3A_124] : memref<1000x128xf32, #tpu.memory_space<vmem>>, vector<1000x128xf32>
    tpu.vector_store %arg19[%swap3A, %swap3A_124], %add3A_123 {strides = array<i32>} : memref<1000x128xf32, #tpu.memory_space<vmem>>, vector<1000x128xf32>,
    %eq3A = arith.constant 0 : i32
    %eq3A_126 = arith.cmpi eq, %arg0, %eq3A : i32
    %convert_element_type3A = arith.extui %eq3A_126 : i1 to i32
    %cond3A = arith.constant 0 : i32
    %cond3A_127 = arith.cmpi ne, %convert_element_type3A, %cond3A : i32
    scf.if %cond3A_127 {
      %broadcast_in_dim3A_142 = arith.constant 0.000000e+00 : f32
      %broadcast_in_dim3A_143 = vector.broadcast %broadcast_in_dim3A_142 : f32 to vector<8x128xf32>
      %swap3A_144 = arith.constant 0 : index
      %swap3A_145 = arith.constant 0 : index
      %swap3A_146 = vector.load %arg20[%swap3A_144, %swap3A_145] : memref<8x128xf32, #tpu.memory_space<vmem>>, vector<8x128xf32>
      tpu.vector_store %arg20[%swap3A_144, %swap3A_145], %broadcast_in_dim3A_143 {strides = array<i32>} : memref<8x128xf32, #tpu.memory_space<vmem>>, vector<8x128xf32>,
    } else {
    }
    %reduce_sum3A = arith.constant dense<0.000000e+00> : vector<128xf32>
    %reduce_sum3A_128 = vector.multi_reduction <add>, %add3A_123, %reduce_sum3A [0] : vector<1000x128xf32> to vector<128xf32>
    %broadcast_in_dim3A = vector.shape_cast %reduce_sum3A_128 : vector<128xf32> to vector<1x128xf32>
    %mul3A_129 = arith.mulf %add3A_123, %add3A_123 : vector<1000x128xf32>
    %reduce_sum3A_130 = arith.constant dense<0.000000e+00> : vector<128xf32>
    %reduce_sum3A_131 = vector.multi_reduction <add>, %mul3A_129, %reduce_sum3A_130 [0] : vector<1000x128xf32> to vector<128xf32>
    %broadcast_in_dim3A_132 = vector.shape_cast %reduce_sum3A_131 : vector<128xf32> to vector<1x128xf32>
    %get3A_133 = arith.constant 0 : index
    %get3A_134 = arith.constant 0 : index
    %get3A_135 = vector.load %arg20[%get3A_133, %get3A_134] : memref<8x128xf32, #tpu.memory_space<vmem>>, vector<8x128xf32>
    %broadcast_in_dim3A_136 = arith.constant 0.000000e+00 : f32
    %broadcast_in_dim3A_137 = vector.broadcast %broadcast_in_dim3A_136 : f32 to vector<6x128xf32>
    %concatenate3A = tpu.concatenate %broadcast_in_dim3A, %broadcast_in_dim3A_132, %broadcast_in_dim3A_137 in 0 : vector<1x128xf32>, vector<1x128xf32>, vector<6x128xf32> -> vector<8x128xf32>
    %add3A_138 = arith.addf %get3A_135, %concatenate3A : vector<8x128xf32>
    %swap3A_139 = arith.constant 0 : index
    %swap3A_140 = arith.constant 0 : index
    %swap3A_141 = vector.load %arg20[%swap3A_139, %swap3A_140] : memref<8x128xf32, #tpu.memory_space<vmem>>, vector<8x128xf32>
    tpu.vector_store %arg20[%swap3A_139, %swap3A_140], %add3A_138 {strides = array<i32>} : memref<8x128xf32, #tpu.memory_space<vmem>>, vector<8x128xf32>,
    return
  }
  func.func @transform_0(%arg0: i32) -> (i32, i32, i32) {
    %c0_i32 = arith.constant 0 : i32
    %c0_i32_0 = arith.constant 0 : i32
    %c0_i32_1 = arith.constant 0 : i32
    return %c0_i32, %arg0, %c0_i32_0 : i32, i32, i32
  }
  func.func @transform_1(%arg0: i32) -> (i32, i32, i32) {
    %c0_i32 = arith.constant 0 : i32
    %c0_i32_0 = arith.constant 0 : i32
    %c0_i32_1 = arith.constant 0 : i32
    return %c0_i32, %arg0, %c0_i32_0 : i32, i32, i32
  }
  func.func @transform_2(%arg0: i32) -> (i32, i32) {
    %c0_i32 = arith.constant 0 : i32
    %c0_i32_0 = arith.constant 0 : i32
    return %arg0, %c0_i32 : i32, i32
  }
  func.func @transform_3(%arg0: i32) -> (i32, i32) {
    %c0_i32 = arith.constant 0 : i32
    %c0_i32_0 = arith.constant 0 : i32
    %c0_i32_1 = arith.constant 0 : i32
    return %c0_i32, %c0_i32_0 : i32, i32
  }
  func.func @transform_4(%arg0: i32) -> (i32, i32) {
    %c0_i32 = arith.constant 0 : i32
    %c0_i32_0 = arith.constant 0 : i32
    %c0_i32_1 = arith.constant 0 : i32
    return %c0_i32, %c0_i32_0 : i32, i32
  }
  func.func @transform_5(%arg0: i32) -> (i32, i32) {
    %c0_i32 = arith.constant 0 : i32
    %c0_i32_0 = arith.constant 0 : i32
    %c0_i32_1 = arith.constant 0 : i32
    return %c0_i32, %c0_i32_0 : i32, i32
  }
  func.func @transform_6(%arg0: i32) -> (i32, i32) {
    %c0_i32 = arith.constant 0 : i32
    %c0_i32_0 = arith.constant 0 : i32
    %c0_i32_1 = arith.constant 0 : i32
    return %c0_i32, %c0_i32_0 : i32, i32
  }
  func.func @transform_7(%arg0: i32) -> (i32, i32) {
    %c0_i32 = arith.constant 0 : i32
    %c0_i32_0 = arith.constant 0 : i32
    %c0_i32_1 = arith.constant 0 : i32
    return %c0_i32, %c0_i32_0 : i32, i32
  }
  func.func @transform_8(%arg0: i32) -> (i32, i32) {
    %c0_i32 = arith.constant 0 : i32
    %c0_i32_0 = arith.constant 0 : i32
    %c0_i32_1 = arith.constant 0 : i32
    return %c0_i32, %c0_i32_0 : i32, i32
  }
  func.func @transform_9(%arg0: i32) -> (i32, i32) {
    %c0_i32 = arith.constant 0 : i32
    %c0_i32_0 = arith.constant 0 : i32
    %c0_i32_1 = arith.constant 0 : i32
    return %c0_i32, %c0_i32_0 : i32, i32
  }
  func.func @transform_10(%arg0: i32) -> (i32, i32) {
    %c0_i32 = arith.constant 0 : i32
    %c0_i32_0 = arith.constant 0 : i32
    %c0_i32_1 = arith.constant 0 : i32
    return %c0_i32, %c0_i32_0 : i32, i32
  }
  func.func @transform_11(%arg0: i32) -> (i32, i32) {
    %c0_i32 = arith.constant 0 : i32
    %c0_i32_0 = arith.constant 0 : i32
    %c0_i32_1 = arith.constant 0 : i32
    return %c0_i32, %c0_i32_0 : i32, i32
  }
  func.func @transform_12(%arg0: i32) -> (i32, i32) {
    %c0_i32 = arith.constant 0 : i32
    %c0_i32_0 = arith.constant 0 : i32
    %c0_i32_1 = arith.constant 0 : i32
    return %c0_i32, %c0_i32_0 : i32, i32
  }
  func.func @transform_13(%arg0: i32) -> (i32, i32) {
    %c0_i32 = arith.constant 0 : i32
    %c0_i32_0 = arith.constant 0 : i32
    %c0_i32_1 = arith.constant 0 : i32
    return %c0_i32, %c0_i32_0 : i32, i32
  }
  func.func @transform_14(%arg0: i32) -> (i32, i32) {
    %c0_i32 = arith.constant 0 : i32
    %c0_i32_0 = arith.constant 0 : i32
    %c0_i32_1 = arith.constant 0 : i32
    return %c0_i32, %c0_i32_0 : i32, i32
  }
  func.func @transform_15(%arg0: i32) -> (i32, i32) {
    %c0_i32 = arith.constant 0 : i32
    %c0_i32_0 = arith.constant 0 : i32
    %c0_i32_1 = arith.constant 0 : i32
    return %c0_i32, %c0_i32_0 : i32, i32
  }
  func.func @transform_16(%arg0: i32) -> (i32, i32) {
    %c0_i32 = arith.constant 0 : i32
    %c0_i32_0 = arith.constant 0 : i32
    %c0_i32_1 = arith.constant 0 : i32
    return %c0_i32, %c0_i32_0 : i32, i32
  }
  func.func @transform_17(%arg0: i32) -> (i32, i32) {
    %c0_i32 = arith.constant 0 : i32
    %c0_i32_0 = arith.constant 0 : i32
    %c0_i32_1 = arith.constant 0 : i32
    return %c0_i32, %c0_i32_0 : i32, i32
  }
  func.func @transform_18(%arg0: i32) -> (i32, i32) {
    %c0_i32 = arith.constant 0 : i32
    %c0_i32_0 = arith.constant 0 : i32
    return %arg0, %c0_i32 : i32, i32
  }
  func.func @transform_19(%arg0: i32) -> (i32, i32) {
    %c0_i32 = arith.constant 0 : i32
    %c0_i32_0 = arith.constant 0 : i32
    %c0_i32_1 = arith.constant 0 : i32
    return %c0_i32, %c0_i32_0 : i32, i32
  }
}

module attributes {stable_mosaic.version = 14 : i64} {
  func.func @_mlp_body(%arg0: i32, %arg1: memref<1000x128xf32, #tpu.memory_space<vmem>>, %arg2: memref<8x128xf32, #tpu.memory_space<vmem>>, %arg3: memref<1x128xf32, #tpu.memory_space<vmem>>, %arg4: memref<1x128xf32, #tpu.memory_space<vmem>>, %arg5: memref<128x256xf32, #tpu.memory_space<vmem>>, %arg6: memref<1x256xf32, #tpu.memory_space<vmem>>, %arg7: memref<256x128xf32, #tpu.memory_space<vmem>>, %arg8: memref<1x128xf32, #tpu.memory_space<vmem>>, %arg9: memref<128x128xf32, #tpu.memory_space<vmem>>, %arg10: memref<1x128xf32, #tpu.memory_space<vmem>>, %arg11: memref<128x128xf32, #tpu.memory_space<vmem>>, %arg12: memref<1x128xf32, #tpu.memory_space<vmem>>, %arg13: memref<128x128xf32, #tpu.memory_space<vmem>>, %arg14: memref<1x128xf32, #tpu.memory_space<vmem>>, %arg15: memref<128x128xf32, #tpu.memory_space<vmem>>, %arg16: memref<1x128xf32, #tpu.memory_space<vmem>>, %arg17: memref<128x128xf32, #tpu.memory_space<vmem>>, %arg18: memref<1x128xf32, #tpu.memory_space<vmem>>, %arg19: memref<128x128xf32, #tpu.memory_space<vmem>>, %arg20: memref<1x128xf32, #tpu.memory_space<vmem>>, %arg21: memref<1000x1xi32, #tpu.memory_space<vmem>>, %arg22: memref<1000x1xi32, #tpu.memory_space<vmem>>, %arg23: memref<1000x128xf32, #tpu.memory_space<vmem>>, %arg24: memref<64x128xf32, #tpu.memory_space<vmem>>) attributes {dimension_semantics = [#tpu.dimension_semantics<arbitrary>], iteration_bounds = array<i64: 10>, scalar_prefetch = 0 : i64, scratch_operands = 0 : i64, tpu.core_type = #tpu.core_type<tc>, window_params = [{transform_indices = @transform_0, window_bounds = array<i64: 1000, 128>}, {pipeline_mode = #tpu.pipeline_mode<synchronous>, transform_indices = @transform_1, window_bounds = array<i64: 8, 128>}, {pipeline_mode = #tpu.pipeline_mode<synchronous>, transform_indices = @transform_2, window_bounds = array<i64: 1, 128>}, {pipeline_mode = #tpu.pipeline_mode<synchronous>, transform_indices = @transform_3, window_bounds = array<i64: 1, 128>}, {pipeline_mode = #tpu.pipeline_mode<synchronous>, transform_indices = @transform_4, window_bounds = array<i64: 128, 256>}, {pipeline_mode = #tpu.pipeline_mode<synchronous>, transform_indices = @transform_5, window_bounds = array<i64: 1, 256>}, {pipeline_mode = #tpu.pipeline_mode<synchronous>, transform_indices = @transform_6, window_bounds = array<i64: 256, 128>}, {pipeline_mode = #tpu.pipeline_mode<synchronous>, transform_indices = @transform_7, window_bounds = array<i64: 1, 128>}, {pipeline_mode = #tpu.pipeline_mode<synchronous>, transform_indices = @transform_8, window_bounds = array<i64: 128, 128>}, {pipeline_mode = #tpu.pipeline_mode<synchronous>, transform_indices = @transform_9, window_bounds = array<i64: 1, 128>}, {pipeline_mode = #tpu.pipeline_mode<synchronous>, transform_indices = @transform_10, window_bounds = array<i64: 128, 128>}, {pipeline_mode = #tpu.pipeline_mode<synchronous>, transform_indices = @transform_11, window_bounds = array<i64: 1, 128>}, {pipeline_mode = #tpu.pipeline_mode<synchronous>, transform_indices = @transform_12, window_bounds = array<i64: 128, 128>}, {pipeline_mode = #tpu.pipeline_mode<synchronous>, transform_indices = @transform_13, window_bounds = array<i64: 1, 128>}, {pipeline_mode = #tpu.pipeline_mode<synchronous>, transform_indices = @transform_14, window_bounds = array<i64: 128, 128>}, {pipeline_mode = #tpu.pipeline_mode<synchronous>, transform_indices = @transform_15, window_bounds = array<i64: 1, 128>}, {pipeline_mode = #tpu.pipeline_mode<synchronous>, transform_indices = @transform_16, window_bounds = array<i64: 128, 128>}, {pipeline_mode = #tpu.pipeline_mode<synchronous>, transform_indices = @transform_17, window_bounds = array<i64: 1, 128>}, {pipeline_mode = #tpu.pipeline_mode<synchronous>, transform_indices = @transform_18, window_bounds = array<i64: 128, 128>}, {pipeline_mode = #tpu.pipeline_mode<synchronous>, transform_indices = @transform_19, window_bounds = array<i64: 1, 128>}, {transform_indices = @transform_20, window_bounds = array<i64: 1000, 1>}, {transform_indices = @transform_21, window_bounds = array<i64: 1000, 1>}, {transform_indices = @transform_22, window_bounds = array<i64: 1000, 128>}, {pipeline_mode = #tpu.pipeline_mode<synchronous>, transform_indices = @transform_23, window_bounds = array<i64: 64, 128>}]} {
    %get3A = arith.constant 0 : index
    %get3A_0 = arith.constant 0 : index
    %get3A_1 = vector.load %arg1[%get3A, %get3A_0] : memref<1000x128xf32, #tpu.memory_space<vmem>>, vector<1000x128xf32>
    %get3A_2 = arith.constant 0 : index
    %get3A_3 = arith.constant 0 : index
    %get3A_4 = vector.load %arg2[%get3A_2, %get3A_3] : memref<8x128xf32, #tpu.memory_space<vmem>>, vector<1x128xf32>
    %div3A = arith.constant 1.000000e+04 : f32
    %div3A_5 = vector.broadcast %div3A : f32 to vector<1x128xf32>
    %div3A_6 = arith.divf %get3A_4, %div3A_5 : vector<1x128xf32>
    %get3A_7 = arith.constant 1 : index
    %get3A_8 = arith.constant 0 : index
    %get3A_9 = vector.load %arg2[%get3A_7, %get3A_8] : memref<8x128xf32, #tpu.memory_space<vmem>>, vector<1x128xf32>
    %div3A_10 = arith.constant 1.000000e+04 : f32
    %div3A_11 = vector.broadcast %div3A_10 : f32 to vector<1x128xf32>
    %div3A_12 = arith.divf %get3A_9, %div3A_11 : vector<1x128xf32>
    %mul3A = arith.mulf %div3A_6, %div3A_6 : vector<1x128xf32>
    %sub3A = arith.subf %div3A_12, %mul3A : vector<1x128xf32>
    %get3A_13 = arith.constant 0 : index
    %get3A_14 = arith.constant 0 : index
    %get3A_15 = vector.load %arg3[%get3A_13, %get3A_14] : memref<1x128xf32, #tpu.memory_space<vmem>>, vector<1x128xf32>
    %sub3A_16 = vector.broadcast %div3A_6 : vector<1x128xf32> to vector<1000x128xf32>
    %sub3A_17 = arith.subf %get3A_1, %sub3A_16 : vector<1000x128xf32>
    %mul3A_18 = vector.broadcast %get3A_15 : vector<1x128xf32> to vector<1000x128xf32>
    %mul3A_19 = arith.mulf %mul3A_18, %sub3A_17 : vector<1000x128xf32>
    %add3A = arith.constant 9.99999974E-6 : f32
    %add3A_20 = vector.broadcast %add3A : f32 to vector<1x128xf32>
    %add3A_21 = arith.addf %sub3A, %add3A_20 : vector<1x128xf32>
    %rsqrt3A = math.rsqrt %add3A_21 : vector<1x128xf32>
    %mul3A_22 = vector.broadcast %rsqrt3A : vector<1x128xf32> to vector<1000x128xf32>
    %mul3A_23 = arith.mulf %mul3A_19, %mul3A_22 : vector<1000x128xf32>
    %get3A_24 = arith.constant 0 : index
    %get3A_25 = arith.constant 0 : index
    %get3A_26 = vector.load %arg4[%get3A_24, %get3A_25] : memref<1x128xf32, #tpu.memory_space<vmem>>, vector<1x128xf32>
    %add3A_27 = vector.broadcast %get3A_26 : vector<1x128xf32> to vector<1000x128xf32>
    %add3A_28 = arith.addf %mul3A_23, %add3A_27 : vector<1000x128xf32>
    %get3A_29 = arith.constant 0 : index
    %get3A_30 = arith.constant 0 : index
    %get3A_31 = vector.load %arg5[%get3A_29, %get3A_30] : memref<128x256xf32, #tpu.memory_space<vmem>>, vector<128x256xf32>
    %dot_general3A = arith.constant dense<0.000000e+00> : vector<1000x256xf32>
    %dot_general3A_32 = tpu.matmul %add3A_28, %get3A_31, %dot_general3A {dimension_numbers = #tpu.dot_dimension_numbers<[1], [0], [0], [1], [0, 0, 1, 1], [], []>, transpose_lhs_hint = false} : vector<1000x128xf32>, vector<128x256xf32>, vector<1000x256xf32> -> vector<1000x256xf32>
    %get3A_33 = arith.constant 0 : index
    %get3A_34 = arith.constant 0 : index
    %get3A_35 = vector.load %arg6[%get3A_33, %get3A_34] : memref<1x256xf32, #tpu.memory_space<vmem>>, vector<1x256xf32>
    %add3A_36 = vector.broadcast %get3A_35 : vector<1x256xf32> to vector<1000x256xf32>
    %add3A_37 = arith.addf %dot_general3A_32, %add3A_36 : vector<1000x256xf32>
    %max3A = arith.constant 0.000000e+00 : f32
    %max3A_38 = vector.broadcast %max3A : f32 to vector<1000x256xf32>
    %max3A_39 = arith.maximumf %add3A_37, %max3A_38 : vector<1000x256xf32>
    %get3A_40 = arith.constant 0 : index
    %get3A_41 = arith.constant 0 : index
    %get3A_42 = vector.load %arg7[%get3A_40, %get3A_41] : memref<256x128xf32, #tpu.memory_space<vmem>>, vector<256x128xf32>
    %dot_general3A_43 = arith.constant dense<0.000000e+00> : vector<1000x128xf32>
    %dot_general3A_44 = tpu.matmul %max3A_39, %get3A_42, %dot_general3A_43 {dimension_numbers = #tpu.dot_dimension_numbers<[1], [0], [0], [1], [0, 0, 1, 1], [], []>, transpose_lhs_hint = false} : vector<1000x256xf32>, vector<256x128xf32>, vector<1000x128xf32> -> vector<1000x128xf32>
    %get3A_45 = arith.constant 0 : index
    %get3A_46 = arith.constant 0 : index
    %get3A_47 = vector.load %arg8[%get3A_45, %get3A_46] : memref<1x128xf32, #tpu.memory_space<vmem>>, vector<1x128xf32>
    %add3A_48 = vector.broadcast %get3A_47 : vector<1x128xf32> to vector<1000x128xf32>
    %add3A_49 = arith.addf %dot_general3A_44, %add3A_48 : vector<1000x128xf32>
    %max3A_50 = arith.constant 0.000000e+00 : f32
    %max3A_51 = vector.broadcast %max3A_50 : f32 to vector<1000x128xf32>
    %max3A_52 = arith.maximumf %add3A_49, %max3A_51 : vector<1000x128xf32>
    %get3A_53 = arith.constant 0 : index
    %get3A_54 = arith.constant 0 : index
    %get3A_55 = vector.load %arg9[%get3A_53, %get3A_54] : memref<128x128xf32, #tpu.memory_space<vmem>>, vector<128x128xf32>
    %dot_general3A_56 = arith.constant dense<0.000000e+00> : vector<1000x128xf32>
    %dot_general3A_57 = tpu.matmul %max3A_52, %get3A_55, %dot_general3A_56 {dimension_numbers = #tpu.dot_dimension_numbers<[1], [0], [0], [1], [0, 0, 1, 1], [], []>, transpose_lhs_hint = false} : vector<1000x128xf32>, vector<128x128xf32>, vector<1000x128xf32> -> vector<1000x128xf32>
    %get3A_58 = arith.constant 0 : index
    %get3A_59 = arith.constant 0 : index
    %get3A_60 = vector.load %arg10[%get3A_58, %get3A_59] : memref<1x128xf32, #tpu.memory_space<vmem>>, vector<1x128xf32>
    %add3A_61 = vector.broadcast %get3A_60 : vector<1x128xf32> to vector<1000x128xf32>
    %add3A_62 = arith.addf %dot_general3A_57, %add3A_61 : vector<1000x128xf32>
    %get3A_63 = arith.constant 0 : index
    %get3A_64 = arith.constant 0 : index
    %get3A_65 = vector.load %arg11[%get3A_63, %get3A_64] : memref<128x128xf32, #tpu.memory_space<vmem>>, vector<128x128xf32>
    %dot_general3A_66 = arith.constant dense<0.000000e+00> : vector<1000x128xf32>
    %dot_general3A_67 = tpu.matmul %get3A_1, %get3A_65, %dot_general3A_66 {dimension_numbers = #tpu.dot_dimension_numbers<[1], [0], [0], [1], [0, 0, 1, 1], [], []>, transpose_lhs_hint = false} : vector<1000x128xf32>, vector<128x128xf32>, vector<1000x128xf32> -> vector<1000x128xf32>
    %add3A_68 = arith.addf %add3A_62, %dot_general3A_67 : vector<1000x128xf32>
    %get3A_69 = arith.constant 0 : index
    %get3A_70 = arith.constant 0 : index
    %get3A_71 = vector.load %arg12[%get3A_69, %get3A_70] : memref<1x128xf32, #tpu.memory_space<vmem>>, vector<1x128xf32>
    %add3A_72 = vector.broadcast %get3A_71 : vector<1x128xf32> to vector<1000x128xf32>
    %add3A_73 = arith.addf %add3A_68, %add3A_72 : vector<1000x128xf32>
    %logistic3A = arith.negf %add3A_73 : vector<1000x128xf32>
    %logistic3A_74 = math.exp %logistic3A : vector<1000x128xf32>
    %logistic3A_75 = arith.constant 1.000000e+00 : f32
    %logistic3A_76 = vector.broadcast %logistic3A_75 : f32 to vector<1000x128xf32>
    %logistic3A_77 = arith.addf %logistic3A_76, %logistic3A_74 : vector<1000x128xf32>
    %logistic3A_78 = arith.divf %logistic3A_76, %logistic3A_77 : vector<1000x128xf32>
    %get3A_79 = arith.constant 0 : index
    %get3A_80 = arith.constant 0 : index
    %get3A_81 = vector.load %arg13[%get3A_79, %get3A_80] : memref<128x128xf32, #tpu.memory_space<vmem>>, vector<128x128xf32>
    %dot_general3A_82 = arith.constant dense<0.000000e+00> : vector<1000x128xf32>
    %dot_general3A_83 = tpu.matmul %max3A_52, %get3A_81, %dot_general3A_82 {dimension_numbers = #tpu.dot_dimension_numbers<[1], [0], [0], [1], [0, 0, 1, 1], [], []>, transpose_lhs_hint = false} : vector<1000x128xf32>, vector<128x128xf32>, vector<1000x128xf32> -> vector<1000x128xf32>
    %get3A_84 = arith.constant 0 : index
    %get3A_85 = arith.constant 0 : index
    %get3A_86 = vector.load %arg14[%get3A_84, %get3A_85] : memref<1x128xf32, #tpu.memory_space<vmem>>, vector<1x128xf32>
    %add3A_87 = vector.broadcast %get3A_86 : vector<1x128xf32> to vector<1000x128xf32>
    %add3A_88 = arith.addf %dot_general3A_83, %add3A_87 : vector<1000x128xf32>
    %get3A_89 = arith.constant 0 : index
    %get3A_90 = arith.constant 0 : index
    %get3A_91 = vector.load %arg15[%get3A_89, %get3A_90] : memref<128x128xf32, #tpu.memory_space<vmem>>, vector<128x128xf32>
    %dot_general3A_92 = arith.constant dense<0.000000e+00> : vector<1000x128xf32>
    %dot_general3A_93 = tpu.matmul %get3A_1, %get3A_91, %dot_general3A_92 {dimension_numbers = #tpu.dot_dimension_numbers<[1], [0], [0], [1], [0, 0, 1, 1], [], []>, transpose_lhs_hint = false} : vector<1000x128xf32>, vector<128x128xf32>, vector<1000x128xf32> -> vector<1000x128xf32>
    %add3A_94 = arith.addf %add3A_88, %dot_general3A_93 : vector<1000x128xf32>
    %get3A_95 = arith.constant 0 : index
    %get3A_96 = arith.constant 0 : index
    %get3A_97 = vector.load %arg16[%get3A_95, %get3A_96] : memref<1x128xf32, #tpu.memory_space<vmem>>, vector<1x128xf32>
    %add3A_98 = vector.broadcast %get3A_97 : vector<1x128xf32> to vector<1000x128xf32>
    %add3A_99 = arith.addf %add3A_94, %add3A_98 : vector<1000x128xf32>
    %sub3A_100 = arith.constant 1.000000e-01 : f32
    %sub3A_101 = vector.broadcast %sub3A_100 : f32 to vector<1000x128xf32>
    %sub3A_102 = arith.subf %add3A_99, %sub3A_101 : vector<1000x128xf32>
    %logistic3A_103 = arith.negf %sub3A_102 : vector<1000x128xf32>
    %logistic3A_104 = math.exp %logistic3A_103 : vector<1000x128xf32>
    %logistic3A_105 = arith.constant 1.000000e+00 : f32
    %logistic3A_106 = vector.broadcast %logistic3A_105 : f32 to vector<1000x128xf32>
    %logistic3A_107 = arith.addf %logistic3A_106, %logistic3A_104 : vector<1000x128xf32>
    %logistic3A_108 = arith.divf %logistic3A_106, %logistic3A_107 : vector<1000x128xf32>
    %get3A_109 = arith.constant 0 : index
    %get3A_110 = arith.constant 0 : index
    %get3A_111 = vector.load %arg17[%get3A_109, %get3A_110] : memref<128x128xf32, #tpu.memory_space<vmem>>, vector<128x128xf32>
    %dot_general3A_112 = arith.constant dense<0.000000e+00> : vector<1000x128xf32>
    %dot_general3A_113 = tpu.matmul %max3A_52, %get3A_111, %dot_general3A_112 {dimension_numbers = #tpu.dot_dimension_numbers<[1], [0], [0], [1], [0, 0, 1, 1], [], []>, transpose_lhs_hint = false} : vector<1000x128xf32>, vector<128x128xf32>, vector<1000x128xf32> -> vector<1000x128xf32>
    %get3A_114 = arith.constant 0 : index
    %get3A_115 = arith.constant 0 : index
    %get3A_116 = vector.load %arg18[%get3A_114, %get3A_115] : memref<1x128xf32, #tpu.memory_space<vmem>>, vector<1x128xf32>
    %add3A_117 = vector.broadcast %get3A_116 : vector<1x128xf32> to vector<1000x128xf32>
    %add3A_118 = arith.addf %dot_general3A_113, %add3A_117 : vector<1000x128xf32>
    %mul3A_119 = arith.mulf %logistic3A_78, %get3A_1 : vector<1000x128xf32>
    %get3A_120 = arith.constant 0 : index
    %get3A_121 = arith.constant 0 : index
    %get3A_122 = vector.load %arg19[%get3A_120, %get3A_121] : memref<128x128xf32, #tpu.memory_space<vmem>>, vector<128x128xf32>
    %dot_general3A_123 = arith.constant dense<0.000000e+00> : vector<1000x128xf32>
    %dot_general3A_124 = tpu.matmul %mul3A_119, %get3A_122, %dot_general3A_123 {dimension_numbers = #tpu.dot_dimension_numbers<[1], [0], [0], [1], [0, 0, 1, 1], [], []>, transpose_lhs_hint = false} : vector<1000x128xf32>, vector<128x128xf32>, vector<1000x128xf32> -> vector<1000x128xf32>
    %add3A_125 = arith.addf %add3A_118, %dot_general3A_124 : vector<1000x128xf32>
    %get3A_126 = arith.constant 0 : index
    %get3A_127 = arith.constant 0 : index
    %get3A_128 = vector.load %arg20[%get3A_126, %get3A_127] : memref<1x128xf32, #tpu.memory_space<vmem>>, vector<1x128xf32>
    %add3A_129 = vector.broadcast %get3A_128 : vector<1x128xf32> to vector<1000x128xf32>
    %add3A_130 = arith.addf %add3A_125, %add3A_129 : vector<1000x128xf32>
    %tanh3A = math.tanh %add3A_130 : vector<1000x128xf32>
    %sub3A_131 = arith.constant 1.000000e+00 : f32
    %sub3A_132 = vector.broadcast %sub3A_131 : f32 to vector<1000x128xf32>
    %sub3A_133 = arith.subf %sub3A_132, %logistic3A_108 : vector<1000x128xf32>
    %mul3A_134 = arith.mulf %sub3A_133, %get3A_1 : vector<1000x128xf32>
    %mul3A_135 = arith.mulf %logistic3A_108, %tanh3A : vector<1000x128xf32>
    %add3A_136 = arith.addf %mul3A_134, %mul3A_135 : vector<1000x128xf32>
    %swap3A = arith.constant 0 : index
    %swap3A_137 = arith.constant 0 : index
    %swap3A_138 = vector.load %arg23[%swap3A, %swap3A_137] : memref<1000x128xf32, #tpu.memory_space<vmem>>, vector<1000x128xf32>
    tpu.vector_store %arg23[%swap3A, %swap3A_137], %add3A_136 {strides = array<i32>} : memref<1000x128xf32, #tpu.memory_space<vmem>>, vector<1000x128xf32>,
    %eq3A = arith.constant 0 : i32
    %eq3A_139 = arith.cmpi eq, %arg0, %eq3A : i32
    %convert_element_type3A = arith.extui %eq3A_139 : i1 to i32
    %cond3A = arith.constant 0 : i32
    %cond3A_140 = arith.cmpi ne, %convert_element_type3A, %cond3A : i32
    scf.if %cond3A_140 {
      %broadcast_in_dim3A_1302 = arith.constant 0xFF800000 : f32
      %broadcast_in_dim3A_1303 = vector.broadcast %broadcast_in_dim3A_1302 : f32 to vector<64x128xf32>
      %swap3A_1304 = arith.constant 0 : index
      %swap3A_1305 = arith.constant 0 : index
      %swap3A_1306 = vector.load %arg24[%swap3A_1304, %swap3A_1305] : memref<64x128xf32, #tpu.memory_space<vmem>>, vector<64x128xf32>
      tpu.vector_store %arg24[%swap3A_1304, %swap3A_1305], %broadcast_in_dim3A_1303 {strides = array<i32>} : memref<64x128xf32, #tpu.memory_space<vmem>>, vector<64x128xf32>,
    } else {
    }
    %get3A_141 = arith.constant 0 : index
    %get3A_142 = arith.constant 0 : index
    %get3A_143 = vector.load %arg21[%get3A_141, %get3A_142] : memref<1000x1xi32, #tpu.memory_space<vmem>>, vector<1000x1xi32>
    %get3A_144 = arith.constant 0 : index
    %get3A_145 = arith.constant 0 : index
    %get3A_146 = vector.load %arg22[%get3A_144, %get3A_145] : memref<1000x1xi32, #tpu.memory_space<vmem>>, vector<1000x1xi32>
    %gt3A = arith.constant 0 : i32
    %gt3A_147 = vector.broadcast %gt3A : i32 to vector<1000x1xi32>
    %gt3A_148 = arith.cmpi sgt, %get3A_146, %gt3A_147 : vector<1000x1xi32>
    %jit3A = arith.constant 0xFF800000 : f32
    %broadcast_in_dim3A = vector.shape_cast %gt3A_148 : vector<1000x1xi1> to vector<1000x1xi1>
    %broadcast_in_dim3A_149 = vector.broadcast %broadcast_in_dim3A : vector<1000x1xi1> to vector<1000x128xi1>
    %broadcast_in_dim3A_150 = vector.broadcast %jit3A : f32 to vector<1000x128xf32>
    %select_n3A = arith.select %broadcast_in_dim3A_149, %add3A_136, %broadcast_in_dim3A_150 : vector<1000x128xi1>, vector<1000x128xf32>
    %eq3A_151 = arith.constant 0 : i32
    %eq3A_152 = vector.broadcast %eq3A_151 : i32 to vector<1000x1xi32>
    %eq3A_153 = arith.cmpi eq, %get3A_143, %eq3A_152 : vector<1000x1xi32>
    %jit3A_154 = arith.constant 0xFF800000 : f32
    %broadcast_in_dim3A_155 = vector.shape_cast %eq3A_153 : vector<1000x1xi1> to vector<1000x1xi1>
    %broadcast_in_dim3A_156 = vector.broadcast %broadcast_in_dim3A_155 : vector<1000x1xi1> to vector<1000x128xi1>
    %broadcast_in_dim3A_157 = vector.broadcast %jit3A_154 : f32 to vector<1000x128xf32>
    %select_n3A_158 = arith.select %broadcast_in_dim3A_156, %select_n3A, %broadcast_in_dim3A_157 : vector<1000x128xi1>, vector<1000x128xf32>
    %reduce_max3A = arith.constant dense<0xFF800000> : vector<128xf32>
    %reduce_max3A_159 = vector.multi_reduction <maximumf>, %select_n3A_158, %reduce_max3A [0] : vector<1000x128xf32> to vector<128xf32>
    %broadcast_in_dim3A_160 = vector.shape_cast %reduce_max3A_159 : vector<128xf32> to vector<1x128xf32>
    %get3A_161 = arith.constant 0 : index
    %get3A_162 = arith.constant 0 : index
    %get3A_163 = vector.load %arg24[%get3A_161, %get3A_162] : memref<64x128xf32, #tpu.memory_space<vmem>>, vector<1x128xf32>
    %max3A_164 = arith.maximumf %get3A_163, %broadcast_in_dim3A_160 : vector<1x128xf32>
    %swap3A_165 = arith.constant 0 : index
    %swap3A_166 = arith.constant 0 : index
    %swap3A_167 = vector.load %arg24[%swap3A_165, %swap3A_166] : memref<64x128xf32, #tpu.memory_space<vmem>>, vector<1x128xf32>
    tpu.vector_store %arg24[%swap3A_165, %swap3A_166], %max3A_164 {strides = array<i32>} : memref<64x128xf32, #tpu.memory_space<vmem>>, vector<1x128xf32>,
    %eq3A_168 = arith.constant 1 : i32
    %eq3A_169 = vector.broadcast %eq3A_168 : i32 to vector<1000x1xi32>
    %eq3A_170 = arith.cmpi eq, %get3A_143, %eq3A_169 : vector<1000x1xi32>
    %jit3A_171 = arith.constant 0xFF800000 : f32
    %broadcast_in_dim3A_172 = vector.shape_cast %eq3A_170 : vector<1000x1xi1> to vector<1000x1xi1>
    %broadcast_in_dim3A_173 = vector.broadcast %broadcast_in_dim3A_172 : vector<1000x1xi1> to vector<1000x128xi1>
    %broadcast_in_dim3A_174 = vector.broadcast %jit3A_171 : f32 to vector<1000x128xf32>
    %select_n3A_175 = arith.select %broadcast_in_dim3A_173, %select_n3A, %broadcast_in_dim3A_174 : vector<1000x128xi1>, vector<1000x128xf32>
    %reduce_max3A_176 = arith.constant dense<0xFF800000> : vector<128xf32>
    %reduce_max3A_177 = vector.multi_reduction <maximumf>, %select_n3A_175, %reduce_max3A_176 [0] : vector<1000x128xf32> to vector<128xf32>
    %broadcast_in_dim3A_178 = vector.shape_cast %reduce_max3A_177 : vector<128xf32> to vector<1x128xf32>
    %get3A_179 = arith.constant 1 : index
    %get3A_180 = arith.constant 0 : index
    %get3A_181 = vector.load %arg24[%get3A_179, %get3A_180] : memref<64x128xf32, #tpu.memory_space<vmem>>, vector<1x128xf32>
    %max3A_182 = arith.maximumf %get3A_181, %broadcast_in_dim3A_178 : vector<1x128xf32>
    %swap3A_183 = arith.constant 1 : index
    %swap3A_184 = arith.constant 0 : index
    %swap3A_185 = vector.load %arg24[%swap3A_183, %swap3A_184] : memref<64x128xf32, #tpu.memory_space<vmem>>, vector<1x128xf32>
    tpu.vector_store %arg24[%swap3A_183, %swap3A_184], %max3A_182 {strides = array<i32>} : memref<64x128xf32, #tpu.memory_space<vmem>>, vector<1x128xf32>,
    %eq3A_186 = arith.constant 2 : i32
    %eq3A_187 = vector.broadcast %eq3A_186 : i32 to vector<1000x1xi32>
    %eq3A_188 = arith.cmpi eq, %get3A_143, %eq3A_187 : vector<1000x1xi32>
    %jit3A_189 = arith.constant 0xFF800000 : f32
    %broadcast_in_dim3A_190 = vector.shape_cast %eq3A_188 : vector<1000x1xi1> to vector<1000x1xi1>
    %broadcast_in_dim3A_191 = vector.broadcast %broadcast_in_dim3A_190 : vector<1000x1xi1> to vector<1000x128xi1>
    %broadcast_in_dim3A_192 = vector.broadcast %jit3A_189 : f32 to vector<1000x128xf32>
    %select_n3A_193 = arith.select %broadcast_in_dim3A_191, %select_n3A, %broadcast_in_dim3A_192 : vector<1000x128xi1>, vector<1000x128xf32>
    %reduce_max3A_194 = arith.constant dense<0xFF800000> : vector<128xf32>
    %reduce_max3A_195 = vector.multi_reduction <maximumf>, %select_n3A_193, %reduce_max3A_194 [0] : vector<1000x128xf32> to vector<128xf32>
    %broadcast_in_dim3A_196 = vector.shape_cast %reduce_max3A_195 : vector<128xf32> to vector<1x128xf32>
    %get3A_197 = arith.constant 2 : index
    %get3A_198 = arith.constant 0 : index
    %get3A_199 = vector.load %arg24[%get3A_197, %get3A_198] : memref<64x128xf32, #tpu.memory_space<vmem>>, vector<1x128xf32>
    %max3A_200 = arith.maximumf %get3A_199, %broadcast_in_dim3A_196 : vector<1x128xf32>
    %swap3A_201 = arith.constant 2 : index
    %swap3A_202 = arith.constant 0 : index
    %swap3A_203 = vector.load %arg24[%swap3A_201, %swap3A_202] : memref<64x128xf32, #tpu.memory_space<vmem>>, vector<1x128xf32>
    tpu.vector_store %arg24[%swap3A_201, %swap3A_202], %max3A_200 {strides = array<i32>} : memref<64x128xf32, #tpu.memory_space<vmem>>, vector<1x128xf32>,
    %eq3A_204 = arith.constant 3 : i32
    %eq3A_205 = vector.broadcast %eq3A_204 : i32 to vector<1000x1xi32>
    %eq3A_206 = arith.cmpi eq, %get3A_143, %eq3A_205 : vector<1000x1xi32>
    %jit3A_207 = arith.constant 0xFF800000 : f32
    %broadcast_in_dim3A_208 = vector.shape_cast %eq3A_206 : vector<1000x1xi1> to vector<1000x1xi1>
    %broadcast_in_dim3A_209 = vector.broadcast %broadcast_in_dim3A_208 : vector<1000x1xi1> to vector<1000x128xi1>
    %broadcast_in_dim3A_210 = vector.broadcast %jit3A_207 : f32 to vector<1000x128xf32>
    %select_n3A_211 = arith.select %broadcast_in_dim3A_209, %select_n3A, %broadcast_in_dim3A_210 : vector<1000x128xi1>, vector<1000x128xf32>
    %reduce_max3A_212 = arith.constant dense<0xFF800000> : vector<128xf32>
    %reduce_max3A_213 = vector.multi_reduction <maximumf>, %select_n3A_211, %reduce_max3A_212 [0] : vector<1000x128xf32> to vector<128xf32>
    %broadcast_in_dim3A_214 = vector.shape_cast %reduce_max3A_213 : vector<128xf32> to vector<1x128xf32>
    %get3A_215 = arith.constant 3 : index
    %get3A_216 = arith.constant 0 : index
    %get3A_217 = vector.load %arg24[%get3A_215, %get3A_216] : memref<64x128xf32, #tpu.memory_space<vmem>>, vector<1x128xf32>
    %max3A_218 = arith.maximumf %get3A_217, %broadcast_in_dim3A_214 : vector<1x128xf32>
    %swap3A_219 = arith.constant 3 : index
    %swap3A_220 = arith.constant 0 : index
    %swap3A_221 = vector.load %arg24[%swap3A_219, %swap3A_220] : memref<64x128xf32, #tpu.memory_space<vmem>>, vector<1x128xf32>
    tpu.vector_store %arg24[%swap3A_219, %swap3A_220], %max3A_218 {strides = array<i32>} : memref<64x128xf32, #tpu.memory_space<vmem>>, vector<1x128xf32>,
    %eq3A_222 = arith.constant 4 : i32
    %eq3A_223 = vector.broadcast %eq3A_222 : i32 to vector<1000x1xi32>
    %eq3A_224 = arith.cmpi eq, %get3A_143, %eq3A_223 : vector<1000x1xi32>
    %jit3A_225 = arith.constant 0xFF800000 : f32
    %broadcast_in_dim3A_226 = vector.shape_cast %eq3A_224 : vector<1000x1xi1> to vector<1000x1xi1>
    %broadcast_in_dim3A_227 = vector.broadcast %broadcast_in_dim3A_226 : vector<1000x1xi1> to vector<1000x128xi1>
    %broadcast_in_dim3A_228 = vector.broadcast %jit3A_225 : f32 to vector<1000x128xf32>
    %select_n3A_229 = arith.select %broadcast_in_dim3A_227, %select_n3A, %broadcast_in_dim3A_228 : vector<1000x128xi1>, vector<1000x128xf32>
    %reduce_max3A_230 = arith.constant dense<0xFF800000> : vector<128xf32>
    %reduce_max3A_231 = vector.multi_reduction <maximumf>, %select_n3A_229, %reduce_max3A_230 [0] : vector<1000x128xf32> to vector<128xf32>
    %broadcast_in_dim3A_232 = vector.shape_cast %reduce_max3A_231 : vector<128xf32> to vector<1x128xf32>
    %get3A_233 = arith.constant 4 : index
    %get3A_234 = arith.constant 0 : index
    %get3A_235 = vector.load %arg24[%get3A_233, %get3A_234] : memref<64x128xf32, #tpu.memory_space<vmem>>, vector<1x128xf32>
    %max3A_236 = arith.maximumf %get3A_235, %broadcast_in_dim3A_232 : vector<1x128xf32>
    %swap3A_237 = arith.constant 4 : index
    %swap3A_238 = arith.constant 0 : index
    %swap3A_239 = vector.load %arg24[%swap3A_237, %swap3A_238] : memref<64x128xf32, #tpu.memory_space<vmem>>, vector<1x128xf32>
    tpu.vector_store %arg24[%swap3A_237, %swap3A_238], %max3A_236 {strides = array<i32>} : memref<64x128xf32, #tpu.memory_space<vmem>>, vector<1x128xf32>,
    %eq3A_240 = arith.constant 5 : i32
    %eq3A_241 = vector.broadcast %eq3A_240 : i32 to vector<1000x1xi32>
    %eq3A_242 = arith.cmpi eq, %get3A_143, %eq3A_241 : vector<1000x1xi32>
    %jit3A_243 = arith.constant 0xFF800000 : f32
    %broadcast_in_dim3A_244 = vector.shape_cast %eq3A_242 : vector<1000x1xi1> to vector<1000x1xi1>
    %broadcast_in_dim3A_245 = vector.broadcast %broadcast_in_dim3A_244 : vector<1000x1xi1> to vector<1000x128xi1>
    %broadcast_in_dim3A_246 = vector.broadcast %jit3A_243 : f32 to vector<1000x128xf32>
    %select_n3A_247 = arith.select %broadcast_in_dim3A_245, %select_n3A, %broadcast_in_dim3A_246 : vector<1000x128xi1>, vector<1000x128xf32>
    %reduce_max3A_248 = arith.constant dense<0xFF800000> : vector<128xf32>
    %reduce_max3A_249 = vector.multi_reduction <maximumf>, %select_n3A_247, %reduce_max3A_248 [0] : vector<1000x128xf32> to vector<128xf32>
    %broadcast_in_dim3A_250 = vector.shape_cast %reduce_max3A_249 : vector<128xf32> to vector<1x128xf32>
    %get3A_251 = arith.constant 5 : index
    %get3A_252 = arith.constant 0 : index
    %get3A_253 = vector.load %arg24[%get3A_251, %get3A_252] : memref<64x128xf32, #tpu.memory_space<vmem>>, vector<1x128xf32>
    %max3A_254 = arith.maximumf %get3A_253, %broadcast_in_dim3A_250 : vector<1x128xf32>
    %swap3A_255 = arith.constant 5 : index
    %swap3A_256 = arith.constant 0 : index
    %swap3A_257 = vector.load %arg24[%swap3A_255, %swap3A_256] : memref<64x128xf32, #tpu.memory_space<vmem>>, vector<1x128xf32>
    tpu.vector_store %arg24[%swap3A_255, %swap3A_256], %max3A_254 {strides = array<i32>} : memref<64x128xf32, #tpu.memory_space<vmem>>, vector<1x128xf32>,
    %eq3A_258 = arith.constant 6 : i32
    %eq3A_259 = vector.broadcast %eq3A_258 : i32 to vector<1000x1xi32>
    %eq3A_260 = arith.cmpi eq, %get3A_143, %eq3A_259 : vector<1000x1xi32>
    %jit3A_261 = arith.constant 0xFF800000 : f32
    %broadcast_in_dim3A_262 = vector.shape_cast %eq3A_260 : vector<1000x1xi1> to vector<1000x1xi1>
    %broadcast_in_dim3A_263 = vector.broadcast %broadcast_in_dim3A_262 : vector<1000x1xi1> to vector<1000x128xi1>
    %broadcast_in_dim3A_264 = vector.broadcast %jit3A_261 : f32 to vector<1000x128xf32>
    %select_n3A_265 = arith.select %broadcast_in_dim3A_263, %select_n3A, %broadcast_in_dim3A_264 : vector<1000x128xi1>, vector<1000x128xf32>
    %reduce_max3A_266 = arith.constant dense<0xFF800000> : vector<128xf32>
    %reduce_max3A_267 = vector.multi_reduction <maximumf>, %select_n3A_265, %reduce_max3A_266 [0] : vector<1000x128xf32> to vector<128xf32>
    %broadcast_in_dim3A_268 = vector.shape_cast %reduce_max3A_267 : vector<128xf32> to vector<1x128xf32>
    %get3A_269 = arith.constant 6 : index
    %get3A_270 = arith.constant 0 : index
    %get3A_271 = vector.load %arg24[%get3A_269, %get3A_270] : memref<64x128xf32, #tpu.memory_space<vmem>>, vector<1x128xf32>
    %max3A_272 = arith.maximumf %get3A_271, %broadcast_in_dim3A_268 : vector<1x128xf32>
    %swap3A_273 = arith.constant 6 : index
    %swap3A_274 = arith.constant 0 : index
    %swap3A_275 = vector.load %arg24[%swap3A_273, %swap3A_274] : memref<64x128xf32, #tpu.memory_space<vmem>>, vector<1x128xf32>
    tpu.vector_store %arg24[%swap3A_273, %swap3A_274], %max3A_272 {strides = array<i32>} : memref<64x128xf32, #tpu.memory_space<vmem>>, vector<1x128xf32>,
    %eq3A_276 = arith.constant 7 : i32
    %eq3A_277 = vector.broadcast %eq3A_276 : i32 to vector<1000x1xi32>
    %eq3A_278 = arith.cmpi eq, %get3A_143, %eq3A_277 : vector<1000x1xi32>
    %jit3A_279 = arith.constant 0xFF800000 : f32
    %broadcast_in_dim3A_280 = vector.shape_cast %eq3A_278 : vector<1000x1xi1> to vector<1000x1xi1>
    %broadcast_in_dim3A_281 = vector.broadcast %broadcast_in_dim3A_280 : vector<1000x1xi1> to vector<1000x128xi1>
    %broadcast_in_dim3A_282 = vector.broadcast %jit3A_279 : f32 to vector<1000x128xf32>
    %select_n3A_283 = arith.select %broadcast_in_dim3A_281, %select_n3A, %broadcast_in_dim3A_282 : vector<1000x128xi1>, vector<1000x128xf32>
    %reduce_max3A_284 = arith.constant dense<0xFF800000> : vector<128xf32>
    %reduce_max3A_285 = vector.multi_reduction <maximumf>, %select_n3A_283, %reduce_max3A_284 [0] : vector<1000x128xf32> to vector<128xf32>
    %broadcast_in_dim3A_286 = vector.shape_cast %reduce_max3A_285 : vector<128xf32> to vector<1x128xf32>
    %get3A_287 = arith.constant 7 : index
    %get3A_288 = arith.constant 0 : index
    %get3A_289 = vector.load %arg24[%get3A_287, %get3A_288] : memref<64x128xf32, #tpu.memory_space<vmem>>, vector<1x128xf32>
    %max3A_290 = arith.maximumf %get3A_289, %broadcast_in_dim3A_286 : vector<1x128xf32>
    %swap3A_291 = arith.constant 7 : index
    %swap3A_292 = arith.constant 0 : index
    %swap3A_293 = vector.load %arg24[%swap3A_291, %swap3A_292] : memref<64x128xf32, #tpu.memory_space<vmem>>, vector<1x128xf32>
    tpu.vector_store %arg24[%swap3A_291, %swap3A_292], %max3A_290 {strides = array<i32>} : memref<64x128xf32, #tpu.memory_space<vmem>>, vector<1x128xf32>,
    %eq3A_294 = arith.constant 8 : i32
    %eq3A_295 = vector.broadcast %eq3A_294 : i32 to vector<1000x1xi32>
    %eq3A_296 = arith.cmpi eq, %get3A_143, %eq3A_295 : vector<1000x1xi32>
    %jit3A_297 = arith.constant 0xFF800000 : f32
    %broadcast_in_dim3A_298 = vector.shape_cast %eq3A_296 : vector<1000x1xi1> to vector<1000x1xi1>
    %broadcast_in_dim3A_299 = vector.broadcast %broadcast_in_dim3A_298 : vector<1000x1xi1> to vector<1000x128xi1>
    %broadcast_in_dim3A_300 = vector.broadcast %jit3A_297 : f32 to vector<1000x128xf32>
    %select_n3A_301 = arith.select %broadcast_in_dim3A_299, %select_n3A, %broadcast_in_dim3A_300 : vector<1000x128xi1>, vector<1000x128xf32>
    %reduce_max3A_302 = arith.constant dense<0xFF800000> : vector<128xf32>
    %reduce_max3A_303 = vector.multi_reduction <maximumf>, %select_n3A_301, %reduce_max3A_302 [0] : vector<1000x128xf32> to vector<128xf32>
    %broadcast_in_dim3A_304 = vector.shape_cast %reduce_max3A_303 : vector<128xf32> to vector<1x128xf32>
    %get3A_305 = arith.constant 8 : index
    %get3A_306 = arith.constant 0 : index
    %get3A_307 = vector.load %arg24[%get3A_305, %get3A_306] : memref<64x128xf32, #tpu.memory_space<vmem>>, vector<1x128xf32>
    %max3A_308 = arith.maximumf %get3A_307, %broadcast_in_dim3A_304 : vector<1x128xf32>
    %swap3A_309 = arith.constant 8 : index
    %swap3A_310 = arith.constant 0 : index
    %swap3A_311 = vector.load %arg24[%swap3A_309, %swap3A_310] : memref<64x128xf32, #tpu.memory_space<vmem>>, vector<1x128xf32>
    tpu.vector_store %arg24[%swap3A_309, %swap3A_310], %max3A_308 {strides = array<i32>} : memref<64x128xf32, #tpu.memory_space<vmem>>, vector<1x128xf32>,
    %eq3A_312 = arith.constant 9 : i32
    %eq3A_313 = vector.broadcast %eq3A_312 : i32 to vector<1000x1xi32>
    %eq3A_314 = arith.cmpi eq, %get3A_143, %eq3A_313 : vector<1000x1xi32>
    %jit3A_315 = arith.constant 0xFF800000 : f32
    %broadcast_in_dim3A_316 = vector.shape_cast %eq3A_314 : vector<1000x1xi1> to vector<1000x1xi1>
    %broadcast_in_dim3A_317 = vector.broadcast %broadcast_in_dim3A_316 : vector<1000x1xi1> to vector<1000x128xi1>
    %broadcast_in_dim3A_318 = vector.broadcast %jit3A_315 : f32 to vector<1000x128xf32>
    %select_n3A_319 = arith.select %broadcast_in_dim3A_317, %select_n3A, %broadcast_in_dim3A_318 : vector<1000x128xi1>, vector<1000x128xf32>
    %reduce_max3A_320 = arith.constant dense<0xFF800000> : vector<128xf32>
    %reduce_max3A_321 = vector.multi_reduction <maximumf>, %select_n3A_319, %reduce_max3A_320 [0] : vector<1000x128xf32> to vector<128xf32>
    %broadcast_in_dim3A_322 = vector.shape_cast %reduce_max3A_321 : vector<128xf32> to vector<1x128xf32>
    %get3A_323 = arith.constant 9 : index
    %get3A_324 = arith.constant 0 : index
    %get3A_325 = vector.load %arg24[%get3A_323, %get3A_324] : memref<64x128xf32, #tpu.memory_space<vmem>>, vector<1x128xf32>
    %max3A_326 = arith.maximumf %get3A_325, %broadcast_in_dim3A_322 : vector<1x128xf32>
    %swap3A_327 = arith.constant 9 : index
    %swap3A_328 = arith.constant 0 : index
    %swap3A_329 = vector.load %arg24[%swap3A_327, %swap3A_328] : memref<64x128xf32, #tpu.memory_space<vmem>>, vector<1x128xf32>
    tpu.vector_store %arg24[%swap3A_327, %swap3A_328], %max3A_326 {strides = array<i32>} : memref<64x128xf32, #tpu.memory_space<vmem>>, vector<1x128xf32>,
    %eq3A_330 = arith.constant 10 : i32
    %eq3A_331 = vector.broadcast %eq3A_330 : i32 to vector<1000x1xi32>
    %eq3A_332 = arith.cmpi eq, %get3A_143, %eq3A_331 : vector<1000x1xi32>
    %jit3A_333 = arith.constant 0xFF800000 : f32
    %broadcast_in_dim3A_334 = vector.shape_cast %eq3A_332 : vector<1000x1xi1> to vector<1000x1xi1>
    %broadcast_in_dim3A_335 = vector.broadcast %broadcast_in_dim3A_334 : vector<1000x1xi1> to vector<1000x128xi1>
    %broadcast_in_dim3A_336 = vector.broadcast %jit3A_333 : f32 to vector<1000x128xf32>
    %select_n3A_337 = arith.select %broadcast_in_dim3A_335, %select_n3A, %broadcast_in_dim3A_336 : vector<1000x128xi1>, vector<1000x128xf32>
    %reduce_max3A_338 = arith.constant dense<0xFF800000> : vector<128xf32>
    %reduce_max3A_339 = vector.multi_reduction <maximumf>, %select_n3A_337, %reduce_max3A_338 [0] : vector<1000x128xf32> to vector<128xf32>
    %broadcast_in_dim3A_340 = vector.shape_cast %reduce_max3A_339 : vector<128xf32> to vector<1x128xf32>
    %get3A_341 = arith.constant 10 : index
    %get3A_342 = arith.constant 0 : index
    %get3A_343 = vector.load %arg24[%get3A_341, %get3A_342] : memref<64x128xf32, #tpu.memory_space<vmem>>, vector<1x128xf32>
    %max3A_344 = arith.maximumf %get3A_343, %broadcast_in_dim3A_340 : vector<1x128xf32>
    %swap3A_345 = arith.constant 10 : index
    %swap3A_346 = arith.constant 0 : index
    %swap3A_347 = vector.load %arg24[%swap3A_345, %swap3A_346] : memref<64x128xf32, #tpu.memory_space<vmem>>, vector<1x128xf32>
    tpu.vector_store %arg24[%swap3A_345, %swap3A_346], %max3A_344 {strides = array<i32>} : memref<64x128xf32, #tpu.memory_space<vmem>>, vector<1x128xf32>,
    %eq3A_348 = arith.constant 11 : i32
    %eq3A_349 = vector.broadcast %eq3A_348 : i32 to vector<1000x1xi32>
    %eq3A_350 = arith.cmpi eq, %get3A_143, %eq3A_349 : vector<1000x1xi32>
    %jit3A_351 = arith.constant 0xFF800000 : f32
    %broadcast_in_dim3A_352 = vector.shape_cast %eq3A_350 : vector<1000x1xi1> to vector<1000x1xi1>
    %broadcast_in_dim3A_353 = vector.broadcast %broadcast_in_dim3A_352 : vector<1000x1xi1> to vector<1000x128xi1>
    %broadcast_in_dim3A_354 = vector.broadcast %jit3A_351 : f32 to vector<1000x128xf32>
    %select_n3A_355 = arith.select %broadcast_in_dim3A_353, %select_n3A, %broadcast_in_dim3A_354 : vector<1000x128xi1>, vector<1000x128xf32>
    %reduce_max3A_356 = arith.constant dense<0xFF800000> : vector<128xf32>
    %reduce_max3A_357 = vector.multi_reduction <maximumf>, %select_n3A_355, %reduce_max3A_356 [0] : vector<1000x128xf32> to vector<128xf32>
    %broadcast_in_dim3A_358 = vector.shape_cast %reduce_max3A_357 : vector<128xf32> to vector<1x128xf32>
    %get3A_359 = arith.constant 11 : index
    %get3A_360 = arith.constant 0 : index
    %get3A_361 = vector.load %arg24[%get3A_359, %get3A_360] : memref<64x128xf32, #tpu.memory_space<vmem>>, vector<1x128xf32>
    %max3A_362 = arith.maximumf %get3A_361, %broadcast_in_dim3A_358 : vector<1x128xf32>
    %swap3A_363 = arith.constant 11 : index
    %swap3A_364 = arith.constant 0 : index
    %swap3A_365 = vector.load %arg24[%swap3A_363, %swap3A_364] : memref<64x128xf32, #tpu.memory_space<vmem>>, vector<1x128xf32>
    tpu.vector_store %arg24[%swap3A_363, %swap3A_364], %max3A_362 {strides = array<i32>} : memref<64x128xf32, #tpu.memory_space<vmem>>, vector<1x128xf32>,
    %eq3A_366 = arith.constant 12 : i32
    %eq3A_367 = vector.broadcast %eq3A_366 : i32 to vector<1000x1xi32>
    %eq3A_368 = arith.cmpi eq, %get3A_143, %eq3A_367 : vector<1000x1xi32>
    %jit3A_369 = arith.constant 0xFF800000 : f32
    %broadcast_in_dim3A_370 = vector.shape_cast %eq3A_368 : vector<1000x1xi1> to vector<1000x1xi1>
    %broadcast_in_dim3A_371 = vector.broadcast %broadcast_in_dim3A_370 : vector<1000x1xi1> to vector<1000x128xi1>
    %broadcast_in_dim3A_372 = vector.broadcast %jit3A_369 : f32 to vector<1000x128xf32>
    %select_n3A_373 = arith.select %broadcast_in_dim3A_371, %select_n3A, %broadcast_in_dim3A_372 : vector<1000x128xi1>, vector<1000x128xf32>
    %reduce_max3A_374 = arith.constant dense<0xFF800000> : vector<128xf32>
    %reduce_max3A_375 = vector.multi_reduction <maximumf>, %select_n3A_373, %reduce_max3A_374 [0] : vector<1000x128xf32> to vector<128xf32>
    %broadcast_in_dim3A_376 = vector.shape_cast %reduce_max3A_375 : vector<128xf32> to vector<1x128xf32>
    %get3A_377 = arith.constant 12 : index
    %get3A_378 = arith.constant 0 : index
    %get3A_379 = vector.load %arg24[%get3A_377, %get3A_378] : memref<64x128xf32, #tpu.memory_space<vmem>>, vector<1x128xf32>
    %max3A_380 = arith.maximumf %get3A_379, %broadcast_in_dim3A_376 : vector<1x128xf32>
    %swap3A_381 = arith.constant 12 : index
    %swap3A_382 = arith.constant 0 : index
    %swap3A_383 = vector.load %arg24[%swap3A_381, %swap3A_382] : memref<64x128xf32, #tpu.memory_space<vmem>>, vector<1x128xf32>
    tpu.vector_store %arg24[%swap3A_381, %swap3A_382], %max3A_380 {strides = array<i32>} : memref<64x128xf32, #tpu.memory_space<vmem>>, vector<1x128xf32>,
    %eq3A_384 = arith.constant 13 : i32
    %eq3A_385 = vector.broadcast %eq3A_384 : i32 to vector<1000x1xi32>
    %eq3A_386 = arith.cmpi eq, %get3A_143, %eq3A_385 : vector<1000x1xi32>
    %jit3A_387 = arith.constant 0xFF800000 : f32
    %broadcast_in_dim3A_388 = vector.shape_cast %eq3A_386 : vector<1000x1xi1> to vector<1000x1xi1>
    %broadcast_in_dim3A_389 = vector.broadcast %broadcast_in_dim3A_388 : vector<1000x1xi1> to vector<1000x128xi1>
    %broadcast_in_dim3A_390 = vector.broadcast %jit3A_387 : f32 to vector<1000x128xf32>
    %select_n3A_391 = arith.select %broadcast_in_dim3A_389, %select_n3A, %broadcast_in_dim3A_390 : vector<1000x128xi1>, vector<1000x128xf32>
    %reduce_max3A_392 = arith.constant dense<0xFF800000> : vector<128xf32>
    %reduce_max3A_393 = vector.multi_reduction <maximumf>, %select_n3A_391, %reduce_max3A_392 [0] : vector<1000x128xf32> to vector<128xf32>
    %broadcast_in_dim3A_394 = vector.shape_cast %reduce_max3A_393 : vector<128xf32> to vector<1x128xf32>
    %get3A_395 = arith.constant 13 : index
    %get3A_396 = arith.constant 0 : index
    %get3A_397 = vector.load %arg24[%get3A_395, %get3A_396] : memref<64x128xf32, #tpu.memory_space<vmem>>, vector<1x128xf32>
    %max3A_398 = arith.maximumf %get3A_397, %broadcast_in_dim3A_394 : vector<1x128xf32>
    %swap3A_399 = arith.constant 13 : index
    %swap3A_400 = arith.constant 0 : index
    %swap3A_401 = vector.load %arg24[%swap3A_399, %swap3A_400] : memref<64x128xf32, #tpu.memory_space<vmem>>, vector<1x128xf32>
    tpu.vector_store %arg24[%swap3A_399, %swap3A_400], %max3A_398 {strides = array<i32>} : memref<64x128xf32, #tpu.memory_space<vmem>>, vector<1x128xf32>,
    %eq3A_402 = arith.constant 14 : i32
    %eq3A_403 = vector.broadcast %eq3A_402 : i32 to vector<1000x1xi32>
    %eq3A_404 = arith.cmpi eq, %get3A_143, %eq3A_403 : vector<1000x1xi32>
    %jit3A_405 = arith.constant 0xFF800000 : f32
    %broadcast_in_dim3A_406 = vector.shape_cast %eq3A_404 : vector<1000x1xi1> to vector<1000x1xi1>
    %broadcast_in_dim3A_407 = vector.broadcast %broadcast_in_dim3A_406 : vector<1000x1xi1> to vector<1000x128xi1>
    %broadcast_in_dim3A_408 = vector.broadcast %jit3A_405 : f32 to vector<1000x128xf32>
    %select_n3A_409 = arith.select %broadcast_in_dim3A_407, %select_n3A, %broadcast_in_dim3A_408 : vector<1000x128xi1>, vector<1000x128xf32>
    %reduce_max3A_410 = arith.constant dense<0xFF800000> : vector<128xf32>
    %reduce_max3A_411 = vector.multi_reduction <maximumf>, %select_n3A_409, %reduce_max3A_410 [0] : vector<1000x128xf32> to vector<128xf32>
    %broadcast_in_dim3A_412 = vector.shape_cast %reduce_max3A_411 : vector<128xf32> to vector<1x128xf32>
    %get3A_413 = arith.constant 14 : index
    %get3A_414 = arith.constant 0 : index
    %get3A_415 = vector.load %arg24[%get3A_413, %get3A_414] : memref<64x128xf32, #tpu.memory_space<vmem>>, vector<1x128xf32>
    %max3A_416 = arith.maximumf %get3A_415, %broadcast_in_dim3A_412 : vector<1x128xf32>
    %swap3A_417 = arith.constant 14 : index
    %swap3A_418 = arith.constant 0 : index
    %swap3A_419 = vector.load %arg24[%swap3A_417, %swap3A_418] : memref<64x128xf32, #tpu.memory_space<vmem>>, vector<1x128xf32>
    tpu.vector_store %arg24[%swap3A_417, %swap3A_418], %max3A_416 {strides = array<i32>} : memref<64x128xf32, #tpu.memory_space<vmem>>, vector<1x128xf32>,
    %eq3A_420 = arith.constant 15 : i32
    %eq3A_421 = vector.broadcast %eq3A_420 : i32 to vector<1000x1xi32>
    %eq3A_422 = arith.cmpi eq, %get3A_143, %eq3A_421 : vector<1000x1xi32>
    %jit3A_423 = arith.constant 0xFF800000 : f32
    %broadcast_in_dim3A_424 = vector.shape_cast %eq3A_422 : vector<1000x1xi1> to vector<1000x1xi1>
    %broadcast_in_dim3A_425 = vector.broadcast %broadcast_in_dim3A_424 : vector<1000x1xi1> to vector<1000x128xi1>
    %broadcast_in_dim3A_426 = vector.broadcast %jit3A_423 : f32 to vector<1000x128xf32>
    %select_n3A_427 = arith.select %broadcast_in_dim3A_425, %select_n3A, %broadcast_in_dim3A_426 : vector<1000x128xi1>, vector<1000x128xf32>
    %reduce_max3A_428 = arith.constant dense<0xFF800000> : vector<128xf32>
    %reduce_max3A_429 = vector.multi_reduction <maximumf>, %select_n3A_427, %reduce_max3A_428 [0] : vector<1000x128xf32> to vector<128xf32>
    %broadcast_in_dim3A_430 = vector.shape_cast %reduce_max3A_429 : vector<128xf32> to vector<1x128xf32>
    %get3A_431 = arith.constant 15 : index
    %get3A_432 = arith.constant 0 : index
    %get3A_433 = vector.load %arg24[%get3A_431, %get3A_432] : memref<64x128xf32, #tpu.memory_space<vmem>>, vector<1x128xf32>
    %max3A_434 = arith.maximumf %get3A_433, %broadcast_in_dim3A_430 : vector<1x128xf32>
    %swap3A_435 = arith.constant 15 : index
    %swap3A_436 = arith.constant 0 : index
    %swap3A_437 = vector.load %arg24[%swap3A_435, %swap3A_436] : memref<64x128xf32, #tpu.memory_space<vmem>>, vector<1x128xf32>
    tpu.vector_store %arg24[%swap3A_435, %swap3A_436], %max3A_434 {strides = array<i32>} : memref<64x128xf32, #tpu.memory_space<vmem>>, vector<1x128xf32>,
    %eq3A_438 = arith.constant 16 : i32
    %eq3A_439 = vector.broadcast %eq3A_438 : i32 to vector<1000x1xi32>
    %eq3A_440 = arith.cmpi eq, %get3A_143, %eq3A_439 : vector<1000x1xi32>
    %jit3A_441 = arith.constant 0xFF800000 : f32
    %broadcast_in_dim3A_442 = vector.shape_cast %eq3A_440 : vector<1000x1xi1> to vector<1000x1xi1>
    %broadcast_in_dim3A_443 = vector.broadcast %broadcast_in_dim3A_442 : vector<1000x1xi1> to vector<1000x128xi1>
    %broadcast_in_dim3A_444 = vector.broadcast %jit3A_441 : f32 to vector<1000x128xf32>
    %select_n3A_445 = arith.select %broadcast_in_dim3A_443, %select_n3A, %broadcast_in_dim3A_444 : vector<1000x128xi1>, vector<1000x128xf32>
    %reduce_max3A_446 = arith.constant dense<0xFF800000> : vector<128xf32>
    %reduce_max3A_447 = vector.multi_reduction <maximumf>, %select_n3A_445, %reduce_max3A_446 [0] : vector<1000x128xf32> to vector<128xf32>
    %broadcast_in_dim3A_448 = vector.shape_cast %reduce_max3A_447 : vector<128xf32> to vector<1x128xf32>
    %get3A_449 = arith.constant 16 : index
    %get3A_450 = arith.constant 0 : index
    %get3A_451 = vector.load %arg24[%get3A_449, %get3A_450] : memref<64x128xf32, #tpu.memory_space<vmem>>, vector<1x128xf32>
    %max3A_452 = arith.maximumf %get3A_451, %broadcast_in_dim3A_448 : vector<1x128xf32>
    %swap3A_453 = arith.constant 16 : index
    %swap3A_454 = arith.constant 0 : index
    %swap3A_455 = vector.load %arg24[%swap3A_453, %swap3A_454] : memref<64x128xf32, #tpu.memory_space<vmem>>, vector<1x128xf32>
    tpu.vector_store %arg24[%swap3A_453, %swap3A_454], %max3A_452 {strides = array<i32>} : memref<64x128xf32, #tpu.memory_space<vmem>>, vector<1x128xf32>,
    %eq3A_456 = arith.constant 17 : i32
    %eq3A_457 = vector.broadcast %eq3A_456 : i32 to vector<1000x1xi32>
    %eq3A_458 = arith.cmpi eq, %get3A_143, %eq3A_457 : vector<1000x1xi32>
    %jit3A_459 = arith.constant 0xFF800000 : f32
    %broadcast_in_dim3A_460 = vector.shape_cast %eq3A_458 : vector<1000x1xi1> to vector<1000x1xi1>
    %broadcast_in_dim3A_461 = vector.broadcast %broadcast_in_dim3A_460 : vector<1000x1xi1> to vector<1000x128xi1>
    %broadcast_in_dim3A_462 = vector.broadcast %jit3A_459 : f32 to vector<1000x128xf32>
    %select_n3A_463 = arith.select %broadcast_in_dim3A_461, %select_n3A, %broadcast_in_dim3A_462 : vector<1000x128xi1>, vector<1000x128xf32>
    %reduce_max3A_464 = arith.constant dense<0xFF800000> : vector<128xf32>
    %reduce_max3A_465 = vector.multi_reduction <maximumf>, %select_n3A_463, %reduce_max3A_464 [0] : vector<1000x128xf32> to vector<128xf32>
    %broadcast_in_dim3A_466 = vector.shape_cast %reduce_max3A_465 : vector<128xf32> to vector<1x128xf32>
    %get3A_467 = arith.constant 17 : index
    %get3A_468 = arith.constant 0 : index
    %get3A_469 = vector.load %arg24[%get3A_467, %get3A_468] : memref<64x128xf32, #tpu.memory_space<vmem>>, vector<1x128xf32>
    %max3A_470 = arith.maximumf %get3A_469, %broadcast_in_dim3A_466 : vector<1x128xf32>
    %swap3A_471 = arith.constant 17 : index
    %swap3A_472 = arith.constant 0 : index
    %swap3A_473 = vector.load %arg24[%swap3A_471, %swap3A_472] : memref<64x128xf32, #tpu.memory_space<vmem>>, vector<1x128xf32>
    tpu.vector_store %arg24[%swap3A_471, %swap3A_472], %max3A_470 {strides = array<i32>} : memref<64x128xf32, #tpu.memory_space<vmem>>, vector<1x128xf32>,
    %eq3A_474 = arith.constant 18 : i32
    %eq3A_475 = vector.broadcast %eq3A_474 : i32 to vector<1000x1xi32>
    %eq3A_476 = arith.cmpi eq, %get3A_143, %eq3A_475 : vector<1000x1xi32>
    %jit3A_477 = arith.constant 0xFF800000 : f32
    %broadcast_in_dim3A_478 = vector.shape_cast %eq3A_476 : vector<1000x1xi1> to vector<1000x1xi1>
    %broadcast_in_dim3A_479 = vector.broadcast %broadcast_in_dim3A_478 : vector<1000x1xi1> to vector<1000x128xi1>
    %broadcast_in_dim3A_480 = vector.broadcast %jit3A_477 : f32 to vector<1000x128xf32>
    %select_n3A_481 = arith.select %broadcast_in_dim3A_479, %select_n3A, %broadcast_in_dim3A_480 : vector<1000x128xi1>, vector<1000x128xf32>
    %reduce_max3A_482 = arith.constant dense<0xFF800000> : vector<128xf32>
    %reduce_max3A_483 = vector.multi_reduction <maximumf>, %select_n3A_481, %reduce_max3A_482 [0] : vector<1000x128xf32> to vector<128xf32>
    %broadcast_in_dim3A_484 = vector.shape_cast %reduce_max3A_483 : vector<128xf32> to vector<1x128xf32>
    %get3A_485 = arith.constant 18 : index
    %get3A_486 = arith.constant 0 : index
    %get3A_487 = vector.load %arg24[%get3A_485, %get3A_486] : memref<64x128xf32, #tpu.memory_space<vmem>>, vector<1x128xf32>
    %max3A_488 = arith.maximumf %get3A_487, %broadcast_in_dim3A_484 : vector<1x128xf32>
    %swap3A_489 = arith.constant 18 : index
    %swap3A_490 = arith.constant 0 : index
    %swap3A_491 = vector.load %arg24[%swap3A_489, %swap3A_490] : memref<64x128xf32, #tpu.memory_space<vmem>>, vector<1x128xf32>
    tpu.vector_store %arg24[%swap3A_489, %swap3A_490], %max3A_488 {strides = array<i32>} : memref<64x128xf32, #tpu.memory_space<vmem>>, vector<1x128xf32>,
    %eq3A_492 = arith.constant 19 : i32
    %eq3A_493 = vector.broadcast %eq3A_492 : i32 to vector<1000x1xi32>
    %eq3A_494 = arith.cmpi eq, %get3A_143, %eq3A_493 : vector<1000x1xi32>
    %jit3A_495 = arith.constant 0xFF800000 : f32
    %broadcast_in_dim3A_496 = vector.shape_cast %eq3A_494 : vector<1000x1xi1> to vector<1000x1xi1>
    %broadcast_in_dim3A_497 = vector.broadcast %broadcast_in_dim3A_496 : vector<1000x1xi1> to vector<1000x128xi1>
    %broadcast_in_dim3A_498 = vector.broadcast %jit3A_495 : f32 to vector<1000x128xf32>
    %select_n3A_499 = arith.select %broadcast_in_dim3A_497, %select_n3A, %broadcast_in_dim3A_498 : vector<1000x128xi1>, vector<1000x128xf32>
    %reduce_max3A_500 = arith.constant dense<0xFF800000> : vector<128xf32>
    %reduce_max3A_501 = vector.multi_reduction <maximumf>, %select_n3A_499, %reduce_max3A_500 [0] : vector<1000x128xf32> to vector<128xf32>
    %broadcast_in_dim3A_502 = vector.shape_cast %reduce_max3A_501 : vector<128xf32> to vector<1x128xf32>
    %get3A_503 = arith.constant 19 : index
    %get3A_504 = arith.constant 0 : index
    %get3A_505 = vector.load %arg24[%get3A_503, %get3A_504] : memref<64x128xf32, #tpu.memory_space<vmem>>, vector<1x128xf32>
    %max3A_506 = arith.maximumf %get3A_505, %broadcast_in_dim3A_502 : vector<1x128xf32>
    %swap3A_507 = arith.constant 19 : index
    %swap3A_508 = arith.constant 0 : index
    %swap3A_509 = vector.load %arg24[%swap3A_507, %swap3A_508] : memref<64x128xf32, #tpu.memory_space<vmem>>, vector<1x128xf32>
    tpu.vector_store %arg24[%swap3A_507, %swap3A_508], %max3A_506 {strides = array<i32>} : memref<64x128xf32, #tpu.memory_space<vmem>>, vector<1x128xf32>,
    %eq3A_510 = arith.constant 20 : i32
    %eq3A_511 = vector.broadcast %eq3A_510 : i32 to vector<1000x1xi32>
    %eq3A_512 = arith.cmpi eq, %get3A_143, %eq3A_511 : vector<1000x1xi32>
    %jit3A_513 = arith.constant 0xFF800000 : f32
    %broadcast_in_dim3A_514 = vector.shape_cast %eq3A_512 : vector<1000x1xi1> to vector<1000x1xi1>
    %broadcast_in_dim3A_515 = vector.broadcast %broadcast_in_dim3A_514 : vector<1000x1xi1> to vector<1000x128xi1>
    %broadcast_in_dim3A_516 = vector.broadcast %jit3A_513 : f32 to vector<1000x128xf32>
    %select_n3A_517 = arith.select %broadcast_in_dim3A_515, %select_n3A, %broadcast_in_dim3A_516 : vector<1000x128xi1>, vector<1000x128xf32>
    %reduce_max3A_518 = arith.constant dense<0xFF800000> : vector<128xf32>
    %reduce_max3A_519 = vector.multi_reduction <maximumf>, %select_n3A_517, %reduce_max3A_518 [0] : vector<1000x128xf32> to vector<128xf32>
    %broadcast_in_dim3A_520 = vector.shape_cast %reduce_max3A_519 : vector<128xf32> to vector<1x128xf32>
    %get3A_521 = arith.constant 20 : index
    %get3A_522 = arith.constant 0 : index
    %get3A_523 = vector.load %arg24[%get3A_521, %get3A_522] : memref<64x128xf32, #tpu.memory_space<vmem>>, vector<1x128xf32>
    %max3A_524 = arith.maximumf %get3A_523, %broadcast_in_dim3A_520 : vector<1x128xf32>
    %swap3A_525 = arith.constant 20 : index
    %swap3A_526 = arith.constant 0 : index
    %swap3A_527 = vector.load %arg24[%swap3A_525, %swap3A_526] : memref<64x128xf32, #tpu.memory_space<vmem>>, vector<1x128xf32>
    tpu.vector_store %arg24[%swap3A_525, %swap3A_526], %max3A_524 {strides = array<i32>} : memref<64x128xf32, #tpu.memory_space<vmem>>, vector<1x128xf32>,
    %eq3A_528 = arith.constant 21 : i32
    %eq3A_529 = vector.broadcast %eq3A_528 : i32 to vector<1000x1xi32>
    %eq3A_530 = arith.cmpi eq, %get3A_143, %eq3A_529 : vector<1000x1xi32>
    %jit3A_531 = arith.constant 0xFF800000 : f32
    %broadcast_in_dim3A_532 = vector.shape_cast %eq3A_530 : vector<1000x1xi1> to vector<1000x1xi1>
    %broadcast_in_dim3A_533 = vector.broadcast %broadcast_in_dim3A_532 : vector<1000x1xi1> to vector<1000x128xi1>
    %broadcast_in_dim3A_534 = vector.broadcast %jit3A_531 : f32 to vector<1000x128xf32>
    %select_n3A_535 = arith.select %broadcast_in_dim3A_533, %select_n3A, %broadcast_in_dim3A_534 : vector<1000x128xi1>, vector<1000x128xf32>
    %reduce_max3A_536 = arith.constant dense<0xFF800000> : vector<128xf32>
    %reduce_max3A_537 = vector.multi_reduction <maximumf>, %select_n3A_535, %reduce_max3A_536 [0] : vector<1000x128xf32> to vector<128xf32>
    %broadcast_in_dim3A_538 = vector.shape_cast %reduce_max3A_537 : vector<128xf32> to vector<1x128xf32>
    %get3A_539 = arith.constant 21 : index
    %get3A_540 = arith.constant 0 : index
    %get3A_541 = vector.load %arg24[%get3A_539, %get3A_540] : memref<64x128xf32, #tpu.memory_space<vmem>>, vector<1x128xf32>
    %max3A_542 = arith.maximumf %get3A_541, %broadcast_in_dim3A_538 : vector<1x128xf32>
    %swap3A_543 = arith.constant 21 : index
    %swap3A_544 = arith.constant 0 : index
    %swap3A_545 = vector.load %arg24[%swap3A_543, %swap3A_544] : memref<64x128xf32, #tpu.memory_space<vmem>>, vector<1x128xf32>
    tpu.vector_store %arg24[%swap3A_543, %swap3A_544], %max3A_542 {strides = array<i32>} : memref<64x128xf32, #tpu.memory_space<vmem>>, vector<1x128xf32>,
    %eq3A_546 = arith.constant 22 : i32
    %eq3A_547 = vector.broadcast %eq3A_546 : i32 to vector<1000x1xi32>
    %eq3A_548 = arith.cmpi eq, %get3A_143, %eq3A_547 : vector<1000x1xi32>
    %jit3A_549 = arith.constant 0xFF800000 : f32
    %broadcast_in_dim3A_550 = vector.shape_cast %eq3A_548 : vector<1000x1xi1> to vector<1000x1xi1>
    %broadcast_in_dim3A_551 = vector.broadcast %broadcast_in_dim3A_550 : vector<1000x1xi1> to vector<1000x128xi1>
    %broadcast_in_dim3A_552 = vector.broadcast %jit3A_549 : f32 to vector<1000x128xf32>
    %select_n3A_553 = arith.select %broadcast_in_dim3A_551, %select_n3A, %broadcast_in_dim3A_552 : vector<1000x128xi1>, vector<1000x128xf32>
    %reduce_max3A_554 = arith.constant dense<0xFF800000> : vector<128xf32>
    %reduce_max3A_555 = vector.multi_reduction <maximumf>, %select_n3A_553, %reduce_max3A_554 [0] : vector<1000x128xf32> to vector<128xf32>
    %broadcast_in_dim3A_556 = vector.shape_cast %reduce_max3A_555 : vector<128xf32> to vector<1x128xf32>
    %get3A_557 = arith.constant 22 : index
    %get3A_558 = arith.constant 0 : index
    %get3A_559 = vector.load %arg24[%get3A_557, %get3A_558] : memref<64x128xf32, #tpu.memory_space<vmem>>, vector<1x128xf32>
    %max3A_560 = arith.maximumf %get3A_559, %broadcast_in_dim3A_556 : vector<1x128xf32>
    %swap3A_561 = arith.constant 22 : index
    %swap3A_562 = arith.constant 0 : index
    %swap3A_563 = vector.load %arg24[%swap3A_561, %swap3A_562] : memref<64x128xf32, #tpu.memory_space<vmem>>, vector<1x128xf32>
    tpu.vector_store %arg24[%swap3A_561, %swap3A_562], %max3A_560 {strides = array<i32>} : memref<64x128xf32, #tpu.memory_space<vmem>>, vector<1x128xf32>,
    %eq3A_564 = arith.constant 23 : i32
    %eq3A_565 = vector.broadcast %eq3A_564 : i32 to vector<1000x1xi32>
    %eq3A_566 = arith.cmpi eq, %get3A_143, %eq3A_565 : vector<1000x1xi32>
    %jit3A_567 = arith.constant 0xFF800000 : f32
    %broadcast_in_dim3A_568 = vector.shape_cast %eq3A_566 : vector<1000x1xi1> to vector<1000x1xi1>
    %broadcast_in_dim3A_569 = vector.broadcast %broadcast_in_dim3A_568 : vector<1000x1xi1> to vector<1000x128xi1>
    %broadcast_in_dim3A_570 = vector.broadcast %jit3A_567 : f32 to vector<1000x128xf32>
    %select_n3A_571 = arith.select %broadcast_in_dim3A_569, %select_n3A, %broadcast_in_dim3A_570 : vector<1000x128xi1>, vector<1000x128xf32>
    %reduce_max3A_572 = arith.constant dense<0xFF800000> : vector<128xf32>
    %reduce_max3A_573 = vector.multi_reduction <maximumf>, %select_n3A_571, %reduce_max3A_572 [0] : vector<1000x128xf32> to vector<128xf32>
    %broadcast_in_dim3A_574 = vector.shape_cast %reduce_max3A_573 : vector<128xf32> to vector<1x128xf32>
    %get3A_575 = arith.constant 23 : index
    %get3A_576 = arith.constant 0 : index
    %get3A_577 = vector.load %arg24[%get3A_575, %get3A_576] : memref<64x128xf32, #tpu.memory_space<vmem>>, vector<1x128xf32>
    %max3A_578 = arith.maximumf %get3A_577, %broadcast_in_dim3A_574 : vector<1x128xf32>
    %swap3A_579 = arith.constant 23 : index
    %swap3A_580 = arith.constant 0 : index
    %swap3A_581 = vector.load %arg24[%swap3A_579, %swap3A_580] : memref<64x128xf32, #tpu.memory_space<vmem>>, vector<1x128xf32>
    tpu.vector_store %arg24[%swap3A_579, %swap3A_580], %max3A_578 {strides = array<i32>} : memref<64x128xf32, #tpu.memory_space<vmem>>, vector<1x128xf32>,
    %eq3A_582 = arith.constant 24 : i32
    %eq3A_583 = vector.broadcast %eq3A_582 : i32 to vector<1000x1xi32>
    %eq3A_584 = arith.cmpi eq, %get3A_143, %eq3A_583 : vector<1000x1xi32>
    %jit3A_585 = arith.constant 0xFF800000 : f32
    %broadcast_in_dim3A_586 = vector.shape_cast %eq3A_584 : vector<1000x1xi1> to vector<1000x1xi1>
    %broadcast_in_dim3A_587 = vector.broadcast %broadcast_in_dim3A_586 : vector<1000x1xi1> to vector<1000x128xi1>
    %broadcast_in_dim3A_588 = vector.broadcast %jit3A_585 : f32 to vector<1000x128xf32>
    %select_n3A_589 = arith.select %broadcast_in_dim3A_587, %select_n3A, %broadcast_in_dim3A_588 : vector<1000x128xi1>, vector<1000x128xf32>
    %reduce_max3A_590 = arith.constant dense<0xFF800000> : vector<128xf32>
    %reduce_max3A_591 = vector.multi_reduction <maximumf>, %select_n3A_589, %reduce_max3A_590 [0] : vector<1000x128xf32> to vector<128xf32>
    %broadcast_in_dim3A_592 = vector.shape_cast %reduce_max3A_591 : vector<128xf32> to vector<1x128xf32>
    %get3A_593 = arith.constant 24 : index
    %get3A_594 = arith.constant 0 : index
    %get3A_595 = vector.load %arg24[%get3A_593, %get3A_594] : memref<64x128xf32, #tpu.memory_space<vmem>>, vector<1x128xf32>
    %max3A_596 = arith.maximumf %get3A_595, %broadcast_in_dim3A_592 : vector<1x128xf32>
    %swap3A_597 = arith.constant 24 : index
    %swap3A_598 = arith.constant 0 : index
    %swap3A_599 = vector.load %arg24[%swap3A_597, %swap3A_598] : memref<64x128xf32, #tpu.memory_space<vmem>>, vector<1x128xf32>
    tpu.vector_store %arg24[%swap3A_597, %swap3A_598], %max3A_596 {strides = array<i32>} : memref<64x128xf32, #tpu.memory_space<vmem>>, vector<1x128xf32>,
    %eq3A_600 = arith.constant 25 : i32
    %eq3A_601 = vector.broadcast %eq3A_600 : i32 to vector<1000x1xi32>
    %eq3A_602 = arith.cmpi eq, %get3A_143, %eq3A_601 : vector<1000x1xi32>
    %jit3A_603 = arith.constant 0xFF800000 : f32
    %broadcast_in_dim3A_604 = vector.shape_cast %eq3A_602 : vector<1000x1xi1> to vector<1000x1xi1>
    %broadcast_in_dim3A_605 = vector.broadcast %broadcast_in_dim3A_604 : vector<1000x1xi1> to vector<1000x128xi1>
    %broadcast_in_dim3A_606 = vector.broadcast %jit3A_603 : f32 to vector<1000x128xf32>
    %select_n3A_607 = arith.select %broadcast_in_dim3A_605, %select_n3A, %broadcast_in_dim3A_606 : vector<1000x128xi1>, vector<1000x128xf32>
    %reduce_max3A_608 = arith.constant dense<0xFF800000> : vector<128xf32>
    %reduce_max3A_609 = vector.multi_reduction <maximumf>, %select_n3A_607, %reduce_max3A_608 [0] : vector<1000x128xf32> to vector<128xf32>
    %broadcast_in_dim3A_610 = vector.shape_cast %reduce_max3A_609 : vector<128xf32> to vector<1x128xf32>
    %get3A_611 = arith.constant 25 : index
    %get3A_612 = arith.constant 0 : index
    %get3A_613 = vector.load %arg24[%get3A_611, %get3A_612] : memref<64x128xf32, #tpu.memory_space<vmem>>, vector<1x128xf32>
    %max3A_614 = arith.maximumf %get3A_613, %broadcast_in_dim3A_610 : vector<1x128xf32>
    %swap3A_615 = arith.constant 25 : index
    %swap3A_616 = arith.constant 0 : index
    %swap3A_617 = vector.load %arg24[%swap3A_615, %swap3A_616] : memref<64x128xf32, #tpu.memory_space<vmem>>, vector<1x128xf32>
    tpu.vector_store %arg24[%swap3A_615, %swap3A_616], %max3A_614 {strides = array<i32>} : memref<64x128xf32, #tpu.memory_space<vmem>>, vector<1x128xf32>,
    %eq3A_618 = arith.constant 26 : i32
    %eq3A_619 = vector.broadcast %eq3A_618 : i32 to vector<1000x1xi32>
    %eq3A_620 = arith.cmpi eq, %get3A_143, %eq3A_619 : vector<1000x1xi32>
    %jit3A_621 = arith.constant 0xFF800000 : f32
    %broadcast_in_dim3A_622 = vector.shape_cast %eq3A_620 : vector<1000x1xi1> to vector<1000x1xi1>
    %broadcast_in_dim3A_623 = vector.broadcast %broadcast_in_dim3A_622 : vector<1000x1xi1> to vector<1000x128xi1>
    %broadcast_in_dim3A_624 = vector.broadcast %jit3A_621 : f32 to vector<1000x128xf32>
    %select_n3A_625 = arith.select %broadcast_in_dim3A_623, %select_n3A, %broadcast_in_dim3A_624 : vector<1000x128xi1>, vector<1000x128xf32>
    %reduce_max3A_626 = arith.constant dense<0xFF800000> : vector<128xf32>
    %reduce_max3A_627 = vector.multi_reduction <maximumf>, %select_n3A_625, %reduce_max3A_626 [0] : vector<1000x128xf32> to vector<128xf32>
    %broadcast_in_dim3A_628 = vector.shape_cast %reduce_max3A_627 : vector<128xf32> to vector<1x128xf32>
    %get3A_629 = arith.constant 26 : index
    %get3A_630 = arith.constant 0 : index
    %get3A_631 = vector.load %arg24[%get3A_629, %get3A_630] : memref<64x128xf32, #tpu.memory_space<vmem>>, vector<1x128xf32>
    %max3A_632 = arith.maximumf %get3A_631, %broadcast_in_dim3A_628 : vector<1x128xf32>
    %swap3A_633 = arith.constant 26 : index
    %swap3A_634 = arith.constant 0 : index
    %swap3A_635 = vector.load %arg24[%swap3A_633, %swap3A_634] : memref<64x128xf32, #tpu.memory_space<vmem>>, vector<1x128xf32>
    tpu.vector_store %arg24[%swap3A_633, %swap3A_634], %max3A_632 {strides = array<i32>} : memref<64x128xf32, #tpu.memory_space<vmem>>, vector<1x128xf32>,
    %eq3A_636 = arith.constant 27 : i32
    %eq3A_637 = vector.broadcast %eq3A_636 : i32 to vector<1000x1xi32>
    %eq3A_638 = arith.cmpi eq, %get3A_143, %eq3A_637 : vector<1000x1xi32>
    %jit3A_639 = arith.constant 0xFF800000 : f32
    %broadcast_in_dim3A_640 = vector.shape_cast %eq3A_638 : vector<1000x1xi1> to vector<1000x1xi1>
    %broadcast_in_dim3A_641 = vector.broadcast %broadcast_in_dim3A_640 : vector<1000x1xi1> to vector<1000x128xi1>
    %broadcast_in_dim3A_642 = vector.broadcast %jit3A_639 : f32 to vector<1000x128xf32>
    %select_n3A_643 = arith.select %broadcast_in_dim3A_641, %select_n3A, %broadcast_in_dim3A_642 : vector<1000x128xi1>, vector<1000x128xf32>
    %reduce_max3A_644 = arith.constant dense<0xFF800000> : vector<128xf32>
    %reduce_max3A_645 = vector.multi_reduction <maximumf>, %select_n3A_643, %reduce_max3A_644 [0] : vector<1000x128xf32> to vector<128xf32>
    %broadcast_in_dim3A_646 = vector.shape_cast %reduce_max3A_645 : vector<128xf32> to vector<1x128xf32>
    %get3A_647 = arith.constant 27 : index
    %get3A_648 = arith.constant 0 : index
    %get3A_649 = vector.load %arg24[%get3A_647, %get3A_648] : memref<64x128xf32, #tpu.memory_space<vmem>>, vector<1x128xf32>
    %max3A_650 = arith.maximumf %get3A_649, %broadcast_in_dim3A_646 : vector<1x128xf32>
    %swap3A_651 = arith.constant 27 : index
    %swap3A_652 = arith.constant 0 : index
    %swap3A_653 = vector.load %arg24[%swap3A_651, %swap3A_652] : memref<64x128xf32, #tpu.memory_space<vmem>>, vector<1x128xf32>
    tpu.vector_store %arg24[%swap3A_651, %swap3A_652], %max3A_650 {strides = array<i32>} : memref<64x128xf32, #tpu.memory_space<vmem>>, vector<1x128xf32>,
    %eq3A_654 = arith.constant 28 : i32
    %eq3A_655 = vector.broadcast %eq3A_654 : i32 to vector<1000x1xi32>
    %eq3A_656 = arith.cmpi eq, %get3A_143, %eq3A_655 : vector<1000x1xi32>
    %jit3A_657 = arith.constant 0xFF800000 : f32
    %broadcast_in_dim3A_658 = vector.shape_cast %eq3A_656 : vector<1000x1xi1> to vector<1000x1xi1>
    %broadcast_in_dim3A_659 = vector.broadcast %broadcast_in_dim3A_658 : vector<1000x1xi1> to vector<1000x128xi1>
    %broadcast_in_dim3A_660 = vector.broadcast %jit3A_657 : f32 to vector<1000x128xf32>
    %select_n3A_661 = arith.select %broadcast_in_dim3A_659, %select_n3A, %broadcast_in_dim3A_660 : vector<1000x128xi1>, vector<1000x128xf32>
    %reduce_max3A_662 = arith.constant dense<0xFF800000> : vector<128xf32>
    %reduce_max3A_663 = vector.multi_reduction <maximumf>, %select_n3A_661, %reduce_max3A_662 [0] : vector<1000x128xf32> to vector<128xf32>
    %broadcast_in_dim3A_664 = vector.shape_cast %reduce_max3A_663 : vector<128xf32> to vector<1x128xf32>
    %get3A_665 = arith.constant 28 : index
    %get3A_666 = arith.constant 0 : index
    %get3A_667 = vector.load %arg24[%get3A_665, %get3A_666] : memref<64x128xf32, #tpu.memory_space<vmem>>, vector<1x128xf32>
    %max3A_668 = arith.maximumf %get3A_667, %broadcast_in_dim3A_664 : vector<1x128xf32>
    %swap3A_669 = arith.constant 28 : index
    %swap3A_670 = arith.constant 0 : index
    %swap3A_671 = vector.load %arg24[%swap3A_669, %swap3A_670] : memref<64x128xf32, #tpu.memory_space<vmem>>, vector<1x128xf32>
    tpu.vector_store %arg24[%swap3A_669, %swap3A_670], %max3A_668 {strides = array<i32>} : memref<64x128xf32, #tpu.memory_space<vmem>>, vector<1x128xf32>,
    %eq3A_672 = arith.constant 29 : i32
    %eq3A_673 = vector.broadcast %eq3A_672 : i32 to vector<1000x1xi32>
    %eq3A_674 = arith.cmpi eq, %get3A_143, %eq3A_673 : vector<1000x1xi32>
    %jit3A_675 = arith.constant 0xFF800000 : f32
    %broadcast_in_dim3A_676 = vector.shape_cast %eq3A_674 : vector<1000x1xi1> to vector<1000x1xi1>
    %broadcast_in_dim3A_677 = vector.broadcast %broadcast_in_dim3A_676 : vector<1000x1xi1> to vector<1000x128xi1>
    %broadcast_in_dim3A_678 = vector.broadcast %jit3A_675 : f32 to vector<1000x128xf32>
    %select_n3A_679 = arith.select %broadcast_in_dim3A_677, %select_n3A, %broadcast_in_dim3A_678 : vector<1000x128xi1>, vector<1000x128xf32>
    %reduce_max3A_680 = arith.constant dense<0xFF800000> : vector<128xf32>
    %reduce_max3A_681 = vector.multi_reduction <maximumf>, %select_n3A_679, %reduce_max3A_680 [0] : vector<1000x128xf32> to vector<128xf32>
    %broadcast_in_dim3A_682 = vector.shape_cast %reduce_max3A_681 : vector<128xf32> to vector<1x128xf32>
    %get3A_683 = arith.constant 29 : index
    %get3A_684 = arith.constant 0 : index
    %get3A_685 = vector.load %arg24[%get3A_683, %get3A_684] : memref<64x128xf32, #tpu.memory_space<vmem>>, vector<1x128xf32>
    %max3A_686 = arith.maximumf %get3A_685, %broadcast_in_dim3A_682 : vector<1x128xf32>
    %swap3A_687 = arith.constant 29 : index
    %swap3A_688 = arith.constant 0 : index
    %swap3A_689 = vector.load %arg24[%swap3A_687, %swap3A_688] : memref<64x128xf32, #tpu.memory_space<vmem>>, vector<1x128xf32>
    tpu.vector_store %arg24[%swap3A_687, %swap3A_688], %max3A_686 {strides = array<i32>} : memref<64x128xf32, #tpu.memory_space<vmem>>, vector<1x128xf32>,
    %eq3A_690 = arith.constant 30 : i32
    %eq3A_691 = vector.broadcast %eq3A_690 : i32 to vector<1000x1xi32>
    %eq3A_692 = arith.cmpi eq, %get3A_143, %eq3A_691 : vector<1000x1xi32>
    %jit3A_693 = arith.constant 0xFF800000 : f32
    %broadcast_in_dim3A_694 = vector.shape_cast %eq3A_692 : vector<1000x1xi1> to vector<1000x1xi1>
    %broadcast_in_dim3A_695 = vector.broadcast %broadcast_in_dim3A_694 : vector<1000x1xi1> to vector<1000x128xi1>
    %broadcast_in_dim3A_696 = vector.broadcast %jit3A_693 : f32 to vector<1000x128xf32>
    %select_n3A_697 = arith.select %broadcast_in_dim3A_695, %select_n3A, %broadcast_in_dim3A_696 : vector<1000x128xi1>, vector<1000x128xf32>
    %reduce_max3A_698 = arith.constant dense<0xFF800000> : vector<128xf32>
    %reduce_max3A_699 = vector.multi_reduction <maximumf>, %select_n3A_697, %reduce_max3A_698 [0] : vector<1000x128xf32> to vector<128xf32>
    %broadcast_in_dim3A_700 = vector.shape_cast %reduce_max3A_699 : vector<128xf32> to vector<1x128xf32>
    %get3A_701 = arith.constant 30 : index
    %get3A_702 = arith.constant 0 : index
    %get3A_703 = vector.load %arg24[%get3A_701, %get3A_702] : memref<64x128xf32, #tpu.memory_space<vmem>>, vector<1x128xf32>
    %max3A_704 = arith.maximumf %get3A_703, %broadcast_in_dim3A_700 : vector<1x128xf32>
    %swap3A_705 = arith.constant 30 : index
    %swap3A_706 = arith.constant 0 : index
    %swap3A_707 = vector.load %arg24[%swap3A_705, %swap3A_706] : memref<64x128xf32, #tpu.memory_space<vmem>>, vector<1x128xf32>
    tpu.vector_store %arg24[%swap3A_705, %swap3A_706], %max3A_704 {strides = array<i32>} : memref<64x128xf32, #tpu.memory_space<vmem>>, vector<1x128xf32>,
    %eq3A_708 = arith.constant 31 : i32
    %eq3A_709 = vector.broadcast %eq3A_708 : i32 to vector<1000x1xi32>
    %eq3A_710 = arith.cmpi eq, %get3A_143, %eq3A_709 : vector<1000x1xi32>
    %jit3A_711 = arith.constant 0xFF800000 : f32
    %broadcast_in_dim3A_712 = vector.shape_cast %eq3A_710 : vector<1000x1xi1> to vector<1000x1xi1>
    %broadcast_in_dim3A_713 = vector.broadcast %broadcast_in_dim3A_712 : vector<1000x1xi1> to vector<1000x128xi1>
    %broadcast_in_dim3A_714 = vector.broadcast %jit3A_711 : f32 to vector<1000x128xf32>
    %select_n3A_715 = arith.select %broadcast_in_dim3A_713, %select_n3A, %broadcast_in_dim3A_714 : vector<1000x128xi1>, vector<1000x128xf32>
    %reduce_max3A_716 = arith.constant dense<0xFF800000> : vector<128xf32>
    %reduce_max3A_717 = vector.multi_reduction <maximumf>, %select_n3A_715, %reduce_max3A_716 [0] : vector<1000x128xf32> to vector<128xf32>
    %broadcast_in_dim3A_718 = vector.shape_cast %reduce_max3A_717 : vector<128xf32> to vector<1x128xf32>
    %get3A_719 = arith.constant 31 : index
    %get3A_720 = arith.constant 0 : index
    %get3A_721 = vector.load %arg24[%get3A_719, %get3A_720] : memref<64x128xf32, #tpu.memory_space<vmem>>, vector<1x128xf32>
    %max3A_722 = arith.maximumf %get3A_721, %broadcast_in_dim3A_718 : vector<1x128xf32>
    %swap3A_723 = arith.constant 31 : index
    %swap3A_724 = arith.constant 0 : index
    %swap3A_725 = vector.load %arg24[%swap3A_723, %swap3A_724] : memref<64x128xf32, #tpu.memory_space<vmem>>, vector<1x128xf32>
    tpu.vector_store %arg24[%swap3A_723, %swap3A_724], %max3A_722 {strides = array<i32>} : memref<64x128xf32, #tpu.memory_space<vmem>>, vector<1x128xf32>,
    %eq3A_726 = arith.constant 32 : i32
    %eq3A_727 = vector.broadcast %eq3A_726 : i32 to vector<1000x1xi32>
    %eq3A_728 = arith.cmpi eq, %get3A_143, %eq3A_727 : vector<1000x1xi32>
    %jit3A_729 = arith.constant 0xFF800000 : f32
    %broadcast_in_dim3A_730 = vector.shape_cast %eq3A_728 : vector<1000x1xi1> to vector<1000x1xi1>
    %broadcast_in_dim3A_731 = vector.broadcast %broadcast_in_dim3A_730 : vector<1000x1xi1> to vector<1000x128xi1>
    %broadcast_in_dim3A_732 = vector.broadcast %jit3A_729 : f32 to vector<1000x128xf32>
    %select_n3A_733 = arith.select %broadcast_in_dim3A_731, %select_n3A, %broadcast_in_dim3A_732 : vector<1000x128xi1>, vector<1000x128xf32>
    %reduce_max3A_734 = arith.constant dense<0xFF800000> : vector<128xf32>
    %reduce_max3A_735 = vector.multi_reduction <maximumf>, %select_n3A_733, %reduce_max3A_734 [0] : vector<1000x128xf32> to vector<128xf32>
    %broadcast_in_dim3A_736 = vector.shape_cast %reduce_max3A_735 : vector<128xf32> to vector<1x128xf32>
    %get3A_737 = arith.constant 32 : index
    %get3A_738 = arith.constant 0 : index
    %get3A_739 = vector.load %arg24[%get3A_737, %get3A_738] : memref<64x128xf32, #tpu.memory_space<vmem>>, vector<1x128xf32>
    %max3A_740 = arith.maximumf %get3A_739, %broadcast_in_dim3A_736 : vector<1x128xf32>
    %swap3A_741 = arith.constant 32 : index
    %swap3A_742 = arith.constant 0 : index
    %swap3A_743 = vector.load %arg24[%swap3A_741, %swap3A_742] : memref<64x128xf32, #tpu.memory_space<vmem>>, vector<1x128xf32>
    tpu.vector_store %arg24[%swap3A_741, %swap3A_742], %max3A_740 {strides = array<i32>} : memref<64x128xf32, #tpu.memory_space<vmem>>, vector<1x128xf32>,
    %eq3A_744 = arith.constant 33 : i32
    %eq3A_745 = vector.broadcast %eq3A_744 : i32 to vector<1000x1xi32>
    %eq3A_746 = arith.cmpi eq, %get3A_143, %eq3A_745 : vector<1000x1xi32>
    %jit3A_747 = arith.constant 0xFF800000 : f32
    %broadcast_in_dim3A_748 = vector.shape_cast %eq3A_746 : vector<1000x1xi1> to vector<1000x1xi1>
    %broadcast_in_dim3A_749 = vector.broadcast %broadcast_in_dim3A_748 : vector<1000x1xi1> to vector<1000x128xi1>
    %broadcast_in_dim3A_750 = vector.broadcast %jit3A_747 : f32 to vector<1000x128xf32>
    %select_n3A_751 = arith.select %broadcast_in_dim3A_749, %select_n3A, %broadcast_in_dim3A_750 : vector<1000x128xi1>, vector<1000x128xf32>
    %reduce_max3A_752 = arith.constant dense<0xFF800000> : vector<128xf32>
    %reduce_max3A_753 = vector.multi_reduction <maximumf>, %select_n3A_751, %reduce_max3A_752 [0] : vector<1000x128xf32> to vector<128xf32>
    %broadcast_in_dim3A_754 = vector.shape_cast %reduce_max3A_753 : vector<128xf32> to vector<1x128xf32>
    %get3A_755 = arith.constant 33 : index
    %get3A_756 = arith.constant 0 : index
    %get3A_757 = vector.load %arg24[%get3A_755, %get3A_756] : memref<64x128xf32, #tpu.memory_space<vmem>>, vector<1x128xf32>
    %max3A_758 = arith.maximumf %get3A_757, %broadcast_in_dim3A_754 : vector<1x128xf32>
    %swap3A_759 = arith.constant 33 : index
    %swap3A_760 = arith.constant 0 : index
    %swap3A_761 = vector.load %arg24[%swap3A_759, %swap3A_760] : memref<64x128xf32, #tpu.memory_space<vmem>>, vector<1x128xf32>
    tpu.vector_store %arg24[%swap3A_759, %swap3A_760], %max3A_758 {strides = array<i32>} : memref<64x128xf32, #tpu.memory_space<vmem>>, vector<1x128xf32>,
    %eq3A_762 = arith.constant 34 : i32
    %eq3A_763 = vector.broadcast %eq3A_762 : i32 to vector<1000x1xi32>
    %eq3A_764 = arith.cmpi eq, %get3A_143, %eq3A_763 : vector<1000x1xi32>
    %jit3A_765 = arith.constant 0xFF800000 : f32
    %broadcast_in_dim3A_766 = vector.shape_cast %eq3A_764 : vector<1000x1xi1> to vector<1000x1xi1>
    %broadcast_in_dim3A_767 = vector.broadcast %broadcast_in_dim3A_766 : vector<1000x1xi1> to vector<1000x128xi1>
    %broadcast_in_dim3A_768 = vector.broadcast %jit3A_765 : f32 to vector<1000x128xf32>
    %select_n3A_769 = arith.select %broadcast_in_dim3A_767, %select_n3A, %broadcast_in_dim3A_768 : vector<1000x128xi1>, vector<1000x128xf32>
    %reduce_max3A_770 = arith.constant dense<0xFF800000> : vector<128xf32>
    %reduce_max3A_771 = vector.multi_reduction <maximumf>, %select_n3A_769, %reduce_max3A_770 [0] : vector<1000x128xf32> to vector<128xf32>
    %broadcast_in_dim3A_772 = vector.shape_cast %reduce_max3A_771 : vector<128xf32> to vector<1x128xf32>
    %get3A_773 = arith.constant 34 : index
    %get3A_774 = arith.constant 0 : index
    %get3A_775 = vector.load %arg24[%get3A_773, %get3A_774] : memref<64x128xf32, #tpu.memory_space<vmem>>, vector<1x128xf32>
    %max3A_776 = arith.maximumf %get3A_775, %broadcast_in_dim3A_772 : vector<1x128xf32>
    %swap3A_777 = arith.constant 34 : index
    %swap3A_778 = arith.constant 0 : index
    %swap3A_779 = vector.load %arg24[%swap3A_777, %swap3A_778] : memref<64x128xf32, #tpu.memory_space<vmem>>, vector<1x128xf32>
    tpu.vector_store %arg24[%swap3A_777, %swap3A_778], %max3A_776 {strides = array<i32>} : memref<64x128xf32, #tpu.memory_space<vmem>>, vector<1x128xf32>,
    %eq3A_780 = arith.constant 35 : i32
    %eq3A_781 = vector.broadcast %eq3A_780 : i32 to vector<1000x1xi32>
    %eq3A_782 = arith.cmpi eq, %get3A_143, %eq3A_781 : vector<1000x1xi32>
    %jit3A_783 = arith.constant 0xFF800000 : f32
    %broadcast_in_dim3A_784 = vector.shape_cast %eq3A_782 : vector<1000x1xi1> to vector<1000x1xi1>
    %broadcast_in_dim3A_785 = vector.broadcast %broadcast_in_dim3A_784 : vector<1000x1xi1> to vector<1000x128xi1>
    %broadcast_in_dim3A_786 = vector.broadcast %jit3A_783 : f32 to vector<1000x128xf32>
    %select_n3A_787 = arith.select %broadcast_in_dim3A_785, %select_n3A, %broadcast_in_dim3A_786 : vector<1000x128xi1>, vector<1000x128xf32>
    %reduce_max3A_788 = arith.constant dense<0xFF800000> : vector<128xf32>
    %reduce_max3A_789 = vector.multi_reduction <maximumf>, %select_n3A_787, %reduce_max3A_788 [0] : vector<1000x128xf32> to vector<128xf32>
    %broadcast_in_dim3A_790 = vector.shape_cast %reduce_max3A_789 : vector<128xf32> to vector<1x128xf32>
    %get3A_791 = arith.constant 35 : index
    %get3A_792 = arith.constant 0 : index
    %get3A_793 = vector.load %arg24[%get3A_791, %get3A_792] : memref<64x128xf32, #tpu.memory_space<vmem>>, vector<1x128xf32>
    %max3A_794 = arith.maximumf %get3A_793, %broadcast_in_dim3A_790 : vector<1x128xf32>
    %swap3A_795 = arith.constant 35 : index
    %swap3A_796 = arith.constant 0 : index
    %swap3A_797 = vector.load %arg24[%swap3A_795, %swap3A_796] : memref<64x128xf32, #tpu.memory_space<vmem>>, vector<1x128xf32>
    tpu.vector_store %arg24[%swap3A_795, %swap3A_796], %max3A_794 {strides = array<i32>} : memref<64x128xf32, #tpu.memory_space<vmem>>, vector<1x128xf32>,
    %eq3A_798 = arith.constant 36 : i32
    %eq3A_799 = vector.broadcast %eq3A_798 : i32 to vector<1000x1xi32>
    %eq3A_800 = arith.cmpi eq, %get3A_143, %eq3A_799 : vector<1000x1xi32>
    %jit3A_801 = arith.constant 0xFF800000 : f32
    %broadcast_in_dim3A_802 = vector.shape_cast %eq3A_800 : vector<1000x1xi1> to vector<1000x1xi1>
    %broadcast_in_dim3A_803 = vector.broadcast %broadcast_in_dim3A_802 : vector<1000x1xi1> to vector<1000x128xi1>
    %broadcast_in_dim3A_804 = vector.broadcast %jit3A_801 : f32 to vector<1000x128xf32>
    %select_n3A_805 = arith.select %broadcast_in_dim3A_803, %select_n3A, %broadcast_in_dim3A_804 : vector<1000x128xi1>, vector<1000x128xf32>
    %reduce_max3A_806 = arith.constant dense<0xFF800000> : vector<128xf32>
    %reduce_max3A_807 = vector.multi_reduction <maximumf>, %select_n3A_805, %reduce_max3A_806 [0] : vector<1000x128xf32> to vector<128xf32>
    %broadcast_in_dim3A_808 = vector.shape_cast %reduce_max3A_807 : vector<128xf32> to vector<1x128xf32>
    %get3A_809 = arith.constant 36 : index
    %get3A_810 = arith.constant 0 : index
    %get3A_811 = vector.load %arg24[%get3A_809, %get3A_810] : memref<64x128xf32, #tpu.memory_space<vmem>>, vector<1x128xf32>
    %max3A_812 = arith.maximumf %get3A_811, %broadcast_in_dim3A_808 : vector<1x128xf32>
    %swap3A_813 = arith.constant 36 : index
    %swap3A_814 = arith.constant 0 : index
    %swap3A_815 = vector.load %arg24[%swap3A_813, %swap3A_814] : memref<64x128xf32, #tpu.memory_space<vmem>>, vector<1x128xf32>
    tpu.vector_store %arg24[%swap3A_813, %swap3A_814], %max3A_812 {strides = array<i32>} : memref<64x128xf32, #tpu.memory_space<vmem>>, vector<1x128xf32>,
    %eq3A_816 = arith.constant 37 : i32
    %eq3A_817 = vector.broadcast %eq3A_816 : i32 to vector<1000x1xi32>
    %eq3A_818 = arith.cmpi eq, %get3A_143, %eq3A_817 : vector<1000x1xi32>
    %jit3A_819 = arith.constant 0xFF800000 : f32
    %broadcast_in_dim3A_820 = vector.shape_cast %eq3A_818 : vector<1000x1xi1> to vector<1000x1xi1>
    %broadcast_in_dim3A_821 = vector.broadcast %broadcast_in_dim3A_820 : vector<1000x1xi1> to vector<1000x128xi1>
    %broadcast_in_dim3A_822 = vector.broadcast %jit3A_819 : f32 to vector<1000x128xf32>
    %select_n3A_823 = arith.select %broadcast_in_dim3A_821, %select_n3A, %broadcast_in_dim3A_822 : vector<1000x128xi1>, vector<1000x128xf32>
    %reduce_max3A_824 = arith.constant dense<0xFF800000> : vector<128xf32>
    %reduce_max3A_825 = vector.multi_reduction <maximumf>, %select_n3A_823, %reduce_max3A_824 [0] : vector<1000x128xf32> to vector<128xf32>
    %broadcast_in_dim3A_826 = vector.shape_cast %reduce_max3A_825 : vector<128xf32> to vector<1x128xf32>
    %get3A_827 = arith.constant 37 : index
    %get3A_828 = arith.constant 0 : index
    %get3A_829 = vector.load %arg24[%get3A_827, %get3A_828] : memref<64x128xf32, #tpu.memory_space<vmem>>, vector<1x128xf32>
    %max3A_830 = arith.maximumf %get3A_829, %broadcast_in_dim3A_826 : vector<1x128xf32>
    %swap3A_831 = arith.constant 37 : index
    %swap3A_832 = arith.constant 0 : index
    %swap3A_833 = vector.load %arg24[%swap3A_831, %swap3A_832] : memref<64x128xf32, #tpu.memory_space<vmem>>, vector<1x128xf32>
    tpu.vector_store %arg24[%swap3A_831, %swap3A_832], %max3A_830 {strides = array<i32>} : memref<64x128xf32, #tpu.memory_space<vmem>>, vector<1x128xf32>,
    %eq3A_834 = arith.constant 38 : i32
    %eq3A_835 = vector.broadcast %eq3A_834 : i32 to vector<1000x1xi32>
    %eq3A_836 = arith.cmpi eq, %get3A_143, %eq3A_835 : vector<1000x1xi32>
    %jit3A_837 = arith.constant 0xFF800000 : f32
    %broadcast_in_dim3A_838 = vector.shape_cast %eq3A_836 : vector<1000x1xi1> to vector<1000x1xi1>
    %broadcast_in_dim3A_839 = vector.broadcast %broadcast_in_dim3A_838 : vector<1000x1xi1> to vector<1000x128xi1>
    %broadcast_in_dim3A_840 = vector.broadcast %jit3A_837 : f32 to vector<1000x128xf32>
    %select_n3A_841 = arith.select %broadcast_in_dim3A_839, %select_n3A, %broadcast_in_dim3A_840 : vector<1000x128xi1>, vector<1000x128xf32>
    %reduce_max3A_842 = arith.constant dense<0xFF800000> : vector<128xf32>
    %reduce_max3A_843 = vector.multi_reduction <maximumf>, %select_n3A_841, %reduce_max3A_842 [0] : vector<1000x128xf32> to vector<128xf32>
    %broadcast_in_dim3A_844 = vector.shape_cast %reduce_max3A_843 : vector<128xf32> to vector<1x128xf32>
    %get3A_845 = arith.constant 38 : index
    %get3A_846 = arith.constant 0 : index
    %get3A_847 = vector.load %arg24[%get3A_845, %get3A_846] : memref<64x128xf32, #tpu.memory_space<vmem>>, vector<1x128xf32>
    %max3A_848 = arith.maximumf %get3A_847, %broadcast_in_dim3A_844 : vector<1x128xf32>
    %swap3A_849 = arith.constant 38 : index
    %swap3A_850 = arith.constant 0 : index
    %swap3A_851 = vector.load %arg24[%swap3A_849, %swap3A_850] : memref<64x128xf32, #tpu.memory_space<vmem>>, vector<1x128xf32>
    tpu.vector_store %arg24[%swap3A_849, %swap3A_850], %max3A_848 {strides = array<i32>} : memref<64x128xf32, #tpu.memory_space<vmem>>, vector<1x128xf32>,
    %eq3A_852 = arith.constant 39 : i32
    %eq3A_853 = vector.broadcast %eq3A_852 : i32 to vector<1000x1xi32>
    %eq3A_854 = arith.cmpi eq, %get3A_143, %eq3A_853 : vector<1000x1xi32>
    %jit3A_855 = arith.constant 0xFF800000 : f32
    %broadcast_in_dim3A_856 = vector.shape_cast %eq3A_854 : vector<1000x1xi1> to vector<1000x1xi1>
    %broadcast_in_dim3A_857 = vector.broadcast %broadcast_in_dim3A_856 : vector<1000x1xi1> to vector<1000x128xi1>
    %broadcast_in_dim3A_858 = vector.broadcast %jit3A_855 : f32 to vector<1000x128xf32>
    %select_n3A_859 = arith.select %broadcast_in_dim3A_857, %select_n3A, %broadcast_in_dim3A_858 : vector<1000x128xi1>, vector<1000x128xf32>
    %reduce_max3A_860 = arith.constant dense<0xFF800000> : vector<128xf32>
    %reduce_max3A_861 = vector.multi_reduction <maximumf>, %select_n3A_859, %reduce_max3A_860 [0] : vector<1000x128xf32> to vector<128xf32>
    %broadcast_in_dim3A_862 = vector.shape_cast %reduce_max3A_861 : vector<128xf32> to vector<1x128xf32>
    %get3A_863 = arith.constant 39 : index
    %get3A_864 = arith.constant 0 : index
    %get3A_865 = vector.load %arg24[%get3A_863, %get3A_864] : memref<64x128xf32, #tpu.memory_space<vmem>>, vector<1x128xf32>
    %max3A_866 = arith.maximumf %get3A_865, %broadcast_in_dim3A_862 : vector<1x128xf32>
    %swap3A_867 = arith.constant 39 : index
    %swap3A_868 = arith.constant 0 : index
    %swap3A_869 = vector.load %arg24[%swap3A_867, %swap3A_868] : memref<64x128xf32, #tpu.memory_space<vmem>>, vector<1x128xf32>
    tpu.vector_store %arg24[%swap3A_867, %swap3A_868], %max3A_866 {strides = array<i32>} : memref<64x128xf32, #tpu.memory_space<vmem>>, vector<1x128xf32>,
    %eq3A_870 = arith.constant 40 : i32
    %eq3A_871 = vector.broadcast %eq3A_870 : i32 to vector<1000x1xi32>
    %eq3A_872 = arith.cmpi eq, %get3A_143, %eq3A_871 : vector<1000x1xi32>
    %jit3A_873 = arith.constant 0xFF800000 : f32
    %broadcast_in_dim3A_874 = vector.shape_cast %eq3A_872 : vector<1000x1xi1> to vector<1000x1xi1>
    %broadcast_in_dim3A_875 = vector.broadcast %broadcast_in_dim3A_874 : vector<1000x1xi1> to vector<1000x128xi1>
    %broadcast_in_dim3A_876 = vector.broadcast %jit3A_873 : f32 to vector<1000x128xf32>
    %select_n3A_877 = arith.select %broadcast_in_dim3A_875, %select_n3A, %broadcast_in_dim3A_876 : vector<1000x128xi1>, vector<1000x128xf32>
    %reduce_max3A_878 = arith.constant dense<0xFF800000> : vector<128xf32>
    %reduce_max3A_879 = vector.multi_reduction <maximumf>, %select_n3A_877, %reduce_max3A_878 [0] : vector<1000x128xf32> to vector<128xf32>
    %broadcast_in_dim3A_880 = vector.shape_cast %reduce_max3A_879 : vector<128xf32> to vector<1x128xf32>
    %get3A_881 = arith.constant 40 : index
    %get3A_882 = arith.constant 0 : index
    %get3A_883 = vector.load %arg24[%get3A_881, %get3A_882] : memref<64x128xf32, #tpu.memory_space<vmem>>, vector<1x128xf32>
    %max3A_884 = arith.maximumf %get3A_883, %broadcast_in_dim3A_880 : vector<1x128xf32>
    %swap3A_885 = arith.constant 40 : index
    %swap3A_886 = arith.constant 0 : index
    %swap3A_887 = vector.load %arg24[%swap3A_885, %swap3A_886] : memref<64x128xf32, #tpu.memory_space<vmem>>, vector<1x128xf32>
    tpu.vector_store %arg24[%swap3A_885, %swap3A_886], %max3A_884 {strides = array<i32>} : memref<64x128xf32, #tpu.memory_space<vmem>>, vector<1x128xf32>,
    %eq3A_888 = arith.constant 41 : i32
    %eq3A_889 = vector.broadcast %eq3A_888 : i32 to vector<1000x1xi32>
    %eq3A_890 = arith.cmpi eq, %get3A_143, %eq3A_889 : vector<1000x1xi32>
    %jit3A_891 = arith.constant 0xFF800000 : f32
    %broadcast_in_dim3A_892 = vector.shape_cast %eq3A_890 : vector<1000x1xi1> to vector<1000x1xi1>
    %broadcast_in_dim3A_893 = vector.broadcast %broadcast_in_dim3A_892 : vector<1000x1xi1> to vector<1000x128xi1>
    %broadcast_in_dim3A_894 = vector.broadcast %jit3A_891 : f32 to vector<1000x128xf32>
    %select_n3A_895 = arith.select %broadcast_in_dim3A_893, %select_n3A, %broadcast_in_dim3A_894 : vector<1000x128xi1>, vector<1000x128xf32>
    %reduce_max3A_896 = arith.constant dense<0xFF800000> : vector<128xf32>
    %reduce_max3A_897 = vector.multi_reduction <maximumf>, %select_n3A_895, %reduce_max3A_896 [0] : vector<1000x128xf32> to vector<128xf32>
    %broadcast_in_dim3A_898 = vector.shape_cast %reduce_max3A_897 : vector<128xf32> to vector<1x128xf32>
    %get3A_899 = arith.constant 41 : index
    %get3A_900 = arith.constant 0 : index
    %get3A_901 = vector.load %arg24[%get3A_899, %get3A_900] : memref<64x128xf32, #tpu.memory_space<vmem>>, vector<1x128xf32>
    %max3A_902 = arith.maximumf %get3A_901, %broadcast_in_dim3A_898 : vector<1x128xf32>
    %swap3A_903 = arith.constant 41 : index
    %swap3A_904 = arith.constant 0 : index
    %swap3A_905 = vector.load %arg24[%swap3A_903, %swap3A_904] : memref<64x128xf32, #tpu.memory_space<vmem>>, vector<1x128xf32>
    tpu.vector_store %arg24[%swap3A_903, %swap3A_904], %max3A_902 {strides = array<i32>} : memref<64x128xf32, #tpu.memory_space<vmem>>, vector<1x128xf32>,
    %eq3A_906 = arith.constant 42 : i32
    %eq3A_907 = vector.broadcast %eq3A_906 : i32 to vector<1000x1xi32>
    %eq3A_908 = arith.cmpi eq, %get3A_143, %eq3A_907 : vector<1000x1xi32>
    %jit3A_909 = arith.constant 0xFF800000 : f32
    %broadcast_in_dim3A_910 = vector.shape_cast %eq3A_908 : vector<1000x1xi1> to vector<1000x1xi1>
    %broadcast_in_dim3A_911 = vector.broadcast %broadcast_in_dim3A_910 : vector<1000x1xi1> to vector<1000x128xi1>
    %broadcast_in_dim3A_912 = vector.broadcast %jit3A_909 : f32 to vector<1000x128xf32>
    %select_n3A_913 = arith.select %broadcast_in_dim3A_911, %select_n3A, %broadcast_in_dim3A_912 : vector<1000x128xi1>, vector<1000x128xf32>
    %reduce_max3A_914 = arith.constant dense<0xFF800000> : vector<128xf32>
    %reduce_max3A_915 = vector.multi_reduction <maximumf>, %select_n3A_913, %reduce_max3A_914 [0] : vector<1000x128xf32> to vector<128xf32>
    %broadcast_in_dim3A_916 = vector.shape_cast %reduce_max3A_915 : vector<128xf32> to vector<1x128xf32>
    %get3A_917 = arith.constant 42 : index
    %get3A_918 = arith.constant 0 : index
    %get3A_919 = vector.load %arg24[%get3A_917, %get3A_918] : memref<64x128xf32, #tpu.memory_space<vmem>>, vector<1x128xf32>
    %max3A_920 = arith.maximumf %get3A_919, %broadcast_in_dim3A_916 : vector<1x128xf32>
    %swap3A_921 = arith.constant 42 : index
    %swap3A_922 = arith.constant 0 : index
    %swap3A_923 = vector.load %arg24[%swap3A_921, %swap3A_922] : memref<64x128xf32, #tpu.memory_space<vmem>>, vector<1x128xf32>
    tpu.vector_store %arg24[%swap3A_921, %swap3A_922], %max3A_920 {strides = array<i32>} : memref<64x128xf32, #tpu.memory_space<vmem>>, vector<1x128xf32>,
    %eq3A_924 = arith.constant 43 : i32
    %eq3A_925 = vector.broadcast %eq3A_924 : i32 to vector<1000x1xi32>
    %eq3A_926 = arith.cmpi eq, %get3A_143, %eq3A_925 : vector<1000x1xi32>
    %jit3A_927 = arith.constant 0xFF800000 : f32
    %broadcast_in_dim3A_928 = vector.shape_cast %eq3A_926 : vector<1000x1xi1> to vector<1000x1xi1>
    %broadcast_in_dim3A_929 = vector.broadcast %broadcast_in_dim3A_928 : vector<1000x1xi1> to vector<1000x128xi1>
    %broadcast_in_dim3A_930 = vector.broadcast %jit3A_927 : f32 to vector<1000x128xf32>
    %select_n3A_931 = arith.select %broadcast_in_dim3A_929, %select_n3A, %broadcast_in_dim3A_930 : vector<1000x128xi1>, vector<1000x128xf32>
    %reduce_max3A_932 = arith.constant dense<0xFF800000> : vector<128xf32>
    %reduce_max3A_933 = vector.multi_reduction <maximumf>, %select_n3A_931, %reduce_max3A_932 [0] : vector<1000x128xf32> to vector<128xf32>
    %broadcast_in_dim3A_934 = vector.shape_cast %reduce_max3A_933 : vector<128xf32> to vector<1x128xf32>
    %get3A_935 = arith.constant 43 : index
    %get3A_936 = arith.constant 0 : index
    %get3A_937 = vector.load %arg24[%get3A_935, %get3A_936] : memref<64x128xf32, #tpu.memory_space<vmem>>, vector<1x128xf32>
    %max3A_938 = arith.maximumf %get3A_937, %broadcast_in_dim3A_934 : vector<1x128xf32>
    %swap3A_939 = arith.constant 43 : index
    %swap3A_940 = arith.constant 0 : index
    %swap3A_941 = vector.load %arg24[%swap3A_939, %swap3A_940] : memref<64x128xf32, #tpu.memory_space<vmem>>, vector<1x128xf32>
    tpu.vector_store %arg24[%swap3A_939, %swap3A_940], %max3A_938 {strides = array<i32>} : memref<64x128xf32, #tpu.memory_space<vmem>>, vector<1x128xf32>,
    %eq3A_942 = arith.constant 44 : i32
    %eq3A_943 = vector.broadcast %eq3A_942 : i32 to vector<1000x1xi32>
    %eq3A_944 = arith.cmpi eq, %get3A_143, %eq3A_943 : vector<1000x1xi32>
    %jit3A_945 = arith.constant 0xFF800000 : f32
    %broadcast_in_dim3A_946 = vector.shape_cast %eq3A_944 : vector<1000x1xi1> to vector<1000x1xi1>
    %broadcast_in_dim3A_947 = vector.broadcast %broadcast_in_dim3A_946 : vector<1000x1xi1> to vector<1000x128xi1>
    %broadcast_in_dim3A_948 = vector.broadcast %jit3A_945 : f32 to vector<1000x128xf32>
    %select_n3A_949 = arith.select %broadcast_in_dim3A_947, %select_n3A, %broadcast_in_dim3A_948 : vector<1000x128xi1>, vector<1000x128xf32>
    %reduce_max3A_950 = arith.constant dense<0xFF800000> : vector<128xf32>
    %reduce_max3A_951 = vector.multi_reduction <maximumf>, %select_n3A_949, %reduce_max3A_950 [0] : vector<1000x128xf32> to vector<128xf32>
    %broadcast_in_dim3A_952 = vector.shape_cast %reduce_max3A_951 : vector<128xf32> to vector<1x128xf32>
    %get3A_953 = arith.constant 44 : index
    %get3A_954 = arith.constant 0 : index
    %get3A_955 = vector.load %arg24[%get3A_953, %get3A_954] : memref<64x128xf32, #tpu.memory_space<vmem>>, vector<1x128xf32>
    %max3A_956 = arith.maximumf %get3A_955, %broadcast_in_dim3A_952 : vector<1x128xf32>
    %swap3A_957 = arith.constant 44 : index
    %swap3A_958 = arith.constant 0 : index
    %swap3A_959 = vector.load %arg24[%swap3A_957, %swap3A_958] : memref<64x128xf32, #tpu.memory_space<vmem>>, vector<1x128xf32>
    tpu.vector_store %arg24[%swap3A_957, %swap3A_958], %max3A_956 {strides = array<i32>} : memref<64x128xf32, #tpu.memory_space<vmem>>, vector<1x128xf32>,
    %eq3A_960 = arith.constant 45 : i32
    %eq3A_961 = vector.broadcast %eq3A_960 : i32 to vector<1000x1xi32>
    %eq3A_962 = arith.cmpi eq, %get3A_143, %eq3A_961 : vector<1000x1xi32>
    %jit3A_963 = arith.constant 0xFF800000 : f32
    %broadcast_in_dim3A_964 = vector.shape_cast %eq3A_962 : vector<1000x1xi1> to vector<1000x1xi1>
    %broadcast_in_dim3A_965 = vector.broadcast %broadcast_in_dim3A_964 : vector<1000x1xi1> to vector<1000x128xi1>
    %broadcast_in_dim3A_966 = vector.broadcast %jit3A_963 : f32 to vector<1000x128xf32>
    %select_n3A_967 = arith.select %broadcast_in_dim3A_965, %select_n3A, %broadcast_in_dim3A_966 : vector<1000x128xi1>, vector<1000x128xf32>
    %reduce_max3A_968 = arith.constant dense<0xFF800000> : vector<128xf32>
    %reduce_max3A_969 = vector.multi_reduction <maximumf>, %select_n3A_967, %reduce_max3A_968 [0] : vector<1000x128xf32> to vector<128xf32>
    %broadcast_in_dim3A_970 = vector.shape_cast %reduce_max3A_969 : vector<128xf32> to vector<1x128xf32>
    %get3A_971 = arith.constant 45 : index
    %get3A_972 = arith.constant 0 : index
    %get3A_973 = vector.load %arg24[%get3A_971, %get3A_972] : memref<64x128xf32, #tpu.memory_space<vmem>>, vector<1x128xf32>
    %max3A_974 = arith.maximumf %get3A_973, %broadcast_in_dim3A_970 : vector<1x128xf32>
    %swap3A_975 = arith.constant 45 : index
    %swap3A_976 = arith.constant 0 : index
    %swap3A_977 = vector.load %arg24[%swap3A_975, %swap3A_976] : memref<64x128xf32, #tpu.memory_space<vmem>>, vector<1x128xf32>
    tpu.vector_store %arg24[%swap3A_975, %swap3A_976], %max3A_974 {strides = array<i32>} : memref<64x128xf32, #tpu.memory_space<vmem>>, vector<1x128xf32>,
    %eq3A_978 = arith.constant 46 : i32
    %eq3A_979 = vector.broadcast %eq3A_978 : i32 to vector<1000x1xi32>
    %eq3A_980 = arith.cmpi eq, %get3A_143, %eq3A_979 : vector<1000x1xi32>
    %jit3A_981 = arith.constant 0xFF800000 : f32
    %broadcast_in_dim3A_982 = vector.shape_cast %eq3A_980 : vector<1000x1xi1> to vector<1000x1xi1>
    %broadcast_in_dim3A_983 = vector.broadcast %broadcast_in_dim3A_982 : vector<1000x1xi1> to vector<1000x128xi1>
    %broadcast_in_dim3A_984 = vector.broadcast %jit3A_981 : f32 to vector<1000x128xf32>
    %select_n3A_985 = arith.select %broadcast_in_dim3A_983, %select_n3A, %broadcast_in_dim3A_984 : vector<1000x128xi1>, vector<1000x128xf32>
    %reduce_max3A_986 = arith.constant dense<0xFF800000> : vector<128xf32>
    %reduce_max3A_987 = vector.multi_reduction <maximumf>, %select_n3A_985, %reduce_max3A_986 [0] : vector<1000x128xf32> to vector<128xf32>
    %broadcast_in_dim3A_988 = vector.shape_cast %reduce_max3A_987 : vector<128xf32> to vector<1x128xf32>
    %get3A_989 = arith.constant 46 : index
    %get3A_990 = arith.constant 0 : index
    %get3A_991 = vector.load %arg24[%get3A_989, %get3A_990] : memref<64x128xf32, #tpu.memory_space<vmem>>, vector<1x128xf32>
    %max3A_992 = arith.maximumf %get3A_991, %broadcast_in_dim3A_988 : vector<1x128xf32>
    %swap3A_993 = arith.constant 46 : index
    %swap3A_994 = arith.constant 0 : index
    %swap3A_995 = vector.load %arg24[%swap3A_993, %swap3A_994] : memref<64x128xf32, #tpu.memory_space<vmem>>, vector<1x128xf32>
    tpu.vector_store %arg24[%swap3A_993, %swap3A_994], %max3A_992 {strides = array<i32>} : memref<64x128xf32, #tpu.memory_space<vmem>>, vector<1x128xf32>,
    %eq3A_996 = arith.constant 47 : i32
    %eq3A_997 = vector.broadcast %eq3A_996 : i32 to vector<1000x1xi32>
    %eq3A_998 = arith.cmpi eq, %get3A_143, %eq3A_997 : vector<1000x1xi32>
    %jit3A_999 = arith.constant 0xFF800000 : f32
    %broadcast_in_dim3A_1000 = vector.shape_cast %eq3A_998 : vector<1000x1xi1> to vector<1000x1xi1>
    %broadcast_in_dim3A_1001 = vector.broadcast %broadcast_in_dim3A_1000 : vector<1000x1xi1> to vector<1000x128xi1>
    %broadcast_in_dim3A_1002 = vector.broadcast %jit3A_999 : f32 to vector<1000x128xf32>
    %select_n3A_1003 = arith.select %broadcast_in_dim3A_1001, %select_n3A, %broadcast_in_dim3A_1002 : vector<1000x128xi1>, vector<1000x128xf32>
    %reduce_max3A_1004 = arith.constant dense<0xFF800000> : vector<128xf32>
    %reduce_max3A_1005 = vector.multi_reduction <maximumf>, %select_n3A_1003, %reduce_max3A_1004 [0] : vector<1000x128xf32> to vector<128xf32>
    %broadcast_in_dim3A_1006 = vector.shape_cast %reduce_max3A_1005 : vector<128xf32> to vector<1x128xf32>
    %get3A_1007 = arith.constant 47 : index
    %get3A_1008 = arith.constant 0 : index
    %get3A_1009 = vector.load %arg24[%get3A_1007, %get3A_1008] : memref<64x128xf32, #tpu.memory_space<vmem>>, vector<1x128xf32>
    %max3A_1010 = arith.maximumf %get3A_1009, %broadcast_in_dim3A_1006 : vector<1x128xf32>
    %swap3A_1011 = arith.constant 47 : index
    %swap3A_1012 = arith.constant 0 : index
    %swap3A_1013 = vector.load %arg24[%swap3A_1011, %swap3A_1012] : memref<64x128xf32, #tpu.memory_space<vmem>>, vector<1x128xf32>
    tpu.vector_store %arg24[%swap3A_1011, %swap3A_1012], %max3A_1010 {strides = array<i32>} : memref<64x128xf32, #tpu.memory_space<vmem>>, vector<1x128xf32>,
    %eq3A_1014 = arith.constant 48 : i32
    %eq3A_1015 = vector.broadcast %eq3A_1014 : i32 to vector<1000x1xi32>
    %eq3A_1016 = arith.cmpi eq, %get3A_143, %eq3A_1015 : vector<1000x1xi32>
    %jit3A_1017 = arith.constant 0xFF800000 : f32
    %broadcast_in_dim3A_1018 = vector.shape_cast %eq3A_1016 : vector<1000x1xi1> to vector<1000x1xi1>
    %broadcast_in_dim3A_1019 = vector.broadcast %broadcast_in_dim3A_1018 : vector<1000x1xi1> to vector<1000x128xi1>
    %broadcast_in_dim3A_1020 = vector.broadcast %jit3A_1017 : f32 to vector<1000x128xf32>
    %select_n3A_1021 = arith.select %broadcast_in_dim3A_1019, %select_n3A, %broadcast_in_dim3A_1020 : vector<1000x128xi1>, vector<1000x128xf32>
    %reduce_max3A_1022 = arith.constant dense<0xFF800000> : vector<128xf32>
    %reduce_max3A_1023 = vector.multi_reduction <maximumf>, %select_n3A_1021, %reduce_max3A_1022 [0] : vector<1000x128xf32> to vector<128xf32>
    %broadcast_in_dim3A_1024 = vector.shape_cast %reduce_max3A_1023 : vector<128xf32> to vector<1x128xf32>
    %get3A_1025 = arith.constant 48 : index
    %get3A_1026 = arith.constant 0 : index
    %get3A_1027 = vector.load %arg24[%get3A_1025, %get3A_1026] : memref<64x128xf32, #tpu.memory_space<vmem>>, vector<1x128xf32>
    %max3A_1028 = arith.maximumf %get3A_1027, %broadcast_in_dim3A_1024 : vector<1x128xf32>
    %swap3A_1029 = arith.constant 48 : index
    %swap3A_1030 = arith.constant 0 : index
    %swap3A_1031 = vector.load %arg24[%swap3A_1029, %swap3A_1030] : memref<64x128xf32, #tpu.memory_space<vmem>>, vector<1x128xf32>
    tpu.vector_store %arg24[%swap3A_1029, %swap3A_1030], %max3A_1028 {strides = array<i32>} : memref<64x128xf32, #tpu.memory_space<vmem>>, vector<1x128xf32>,
    %eq3A_1032 = arith.constant 49 : i32
    %eq3A_1033 = vector.broadcast %eq3A_1032 : i32 to vector<1000x1xi32>
    %eq3A_1034 = arith.cmpi eq, %get3A_143, %eq3A_1033 : vector<1000x1xi32>
    %jit3A_1035 = arith.constant 0xFF800000 : f32
    %broadcast_in_dim3A_1036 = vector.shape_cast %eq3A_1034 : vector<1000x1xi1> to vector<1000x1xi1>
    %broadcast_in_dim3A_1037 = vector.broadcast %broadcast_in_dim3A_1036 : vector<1000x1xi1> to vector<1000x128xi1>
    %broadcast_in_dim3A_1038 = vector.broadcast %jit3A_1035 : f32 to vector<1000x128xf32>
    %select_n3A_1039 = arith.select %broadcast_in_dim3A_1037, %select_n3A, %broadcast_in_dim3A_1038 : vector<1000x128xi1>, vector<1000x128xf32>
    %reduce_max3A_1040 = arith.constant dense<0xFF800000> : vector<128xf32>
    %reduce_max3A_1041 = vector.multi_reduction <maximumf>, %select_n3A_1039, %reduce_max3A_1040 [0] : vector<1000x128xf32> to vector<128xf32>
    %broadcast_in_dim3A_1042 = vector.shape_cast %reduce_max3A_1041 : vector<128xf32> to vector<1x128xf32>
    %get3A_1043 = arith.constant 49 : index
    %get3A_1044 = arith.constant 0 : index
    %get3A_1045 = vector.load %arg24[%get3A_1043, %get3A_1044] : memref<64x128xf32, #tpu.memory_space<vmem>>, vector<1x128xf32>
    %max3A_1046 = arith.maximumf %get3A_1045, %broadcast_in_dim3A_1042 : vector<1x128xf32>
    %swap3A_1047 = arith.constant 49 : index
    %swap3A_1048 = arith.constant 0 : index
    %swap3A_1049 = vector.load %arg24[%swap3A_1047, %swap3A_1048] : memref<64x128xf32, #tpu.memory_space<vmem>>, vector<1x128xf32>
    tpu.vector_store %arg24[%swap3A_1047, %swap3A_1048], %max3A_1046 {strides = array<i32>} : memref<64x128xf32, #tpu.memory_space<vmem>>, vector<1x128xf32>,
    %eq3A_1050 = arith.constant 50 : i32
    %eq3A_1051 = vector.broadcast %eq3A_1050 : i32 to vector<1000x1xi32>
    %eq3A_1052 = arith.cmpi eq, %get3A_143, %eq3A_1051 : vector<1000x1xi32>
    %jit3A_1053 = arith.constant 0xFF800000 : f32
    %broadcast_in_dim3A_1054 = vector.shape_cast %eq3A_1052 : vector<1000x1xi1> to vector<1000x1xi1>
    %broadcast_in_dim3A_1055 = vector.broadcast %broadcast_in_dim3A_1054 : vector<1000x1xi1> to vector<1000x128xi1>
    %broadcast_in_dim3A_1056 = vector.broadcast %jit3A_1053 : f32 to vector<1000x128xf32>
    %select_n3A_1057 = arith.select %broadcast_in_dim3A_1055, %select_n3A, %broadcast_in_dim3A_1056 : vector<1000x128xi1>, vector<1000x128xf32>
    %reduce_max3A_1058 = arith.constant dense<0xFF800000> : vector<128xf32>
    %reduce_max3A_1059 = vector.multi_reduction <maximumf>, %select_n3A_1057, %reduce_max3A_1058 [0] : vector<1000x128xf32> to vector<128xf32>
    %broadcast_in_dim3A_1060 = vector.shape_cast %reduce_max3A_1059 : vector<128xf32> to vector<1x128xf32>
    %get3A_1061 = arith.constant 50 : index
    %get3A_1062 = arith.constant 0 : index
    %get3A_1063 = vector.load %arg24[%get3A_1061, %get3A_1062] : memref<64x128xf32, #tpu.memory_space<vmem>>, vector<1x128xf32>
    %max3A_1064 = arith.maximumf %get3A_1063, %broadcast_in_dim3A_1060 : vector<1x128xf32>
    %swap3A_1065 = arith.constant 50 : index
    %swap3A_1066 = arith.constant 0 : index
    %swap3A_1067 = vector.load %arg24[%swap3A_1065, %swap3A_1066] : memref<64x128xf32, #tpu.memory_space<vmem>>, vector<1x128xf32>
    tpu.vector_store %arg24[%swap3A_1065, %swap3A_1066], %max3A_1064 {strides = array<i32>} : memref<64x128xf32, #tpu.memory_space<vmem>>, vector<1x128xf32>,
    %eq3A_1068 = arith.constant 51 : i32
    %eq3A_1069 = vector.broadcast %eq3A_1068 : i32 to vector<1000x1xi32>
    %eq3A_1070 = arith.cmpi eq, %get3A_143, %eq3A_1069 : vector<1000x1xi32>
    %jit3A_1071 = arith.constant 0xFF800000 : f32
    %broadcast_in_dim3A_1072 = vector.shape_cast %eq3A_1070 : vector<1000x1xi1> to vector<1000x1xi1>
    %broadcast_in_dim3A_1073 = vector.broadcast %broadcast_in_dim3A_1072 : vector<1000x1xi1> to vector<1000x128xi1>
    %broadcast_in_dim3A_1074 = vector.broadcast %jit3A_1071 : f32 to vector<1000x128xf32>
    %select_n3A_1075 = arith.select %broadcast_in_dim3A_1073, %select_n3A, %broadcast_in_dim3A_1074 : vector<1000x128xi1>, vector<1000x128xf32>
    %reduce_max3A_1076 = arith.constant dense<0xFF800000> : vector<128xf32>
    %reduce_max3A_1077 = vector.multi_reduction <maximumf>, %select_n3A_1075, %reduce_max3A_1076 [0] : vector<1000x128xf32> to vector<128xf32>
    %broadcast_in_dim3A_1078 = vector.shape_cast %reduce_max3A_1077 : vector<128xf32> to vector<1x128xf32>
    %get3A_1079 = arith.constant 51 : index
    %get3A_1080 = arith.constant 0 : index
    %get3A_1081 = vector.load %arg24[%get3A_1079, %get3A_1080] : memref<64x128xf32, #tpu.memory_space<vmem>>, vector<1x128xf32>
    %max3A_1082 = arith.maximumf %get3A_1081, %broadcast_in_dim3A_1078 : vector<1x128xf32>
    %swap3A_1083 = arith.constant 51 : index
    %swap3A_1084 = arith.constant 0 : index
    %swap3A_1085 = vector.load %arg24[%swap3A_1083, %swap3A_1084] : memref<64x128xf32, #tpu.memory_space<vmem>>, vector<1x128xf32>
    tpu.vector_store %arg24[%swap3A_1083, %swap3A_1084], %max3A_1082 {strides = array<i32>} : memref<64x128xf32, #tpu.memory_space<vmem>>, vector<1x128xf32>,
    %eq3A_1086 = arith.constant 52 : i32
    %eq3A_1087 = vector.broadcast %eq3A_1086 : i32 to vector<1000x1xi32>
    %eq3A_1088 = arith.cmpi eq, %get3A_143, %eq3A_1087 : vector<1000x1xi32>
    %jit3A_1089 = arith.constant 0xFF800000 : f32
    %broadcast_in_dim3A_1090 = vector.shape_cast %eq3A_1088 : vector<1000x1xi1> to vector<1000x1xi1>
    %broadcast_in_dim3A_1091 = vector.broadcast %broadcast_in_dim3A_1090 : vector<1000x1xi1> to vector<1000x128xi1>
    %broadcast_in_dim3A_1092 = vector.broadcast %jit3A_1089 : f32 to vector<1000x128xf32>
    %select_n3A_1093 = arith.select %broadcast_in_dim3A_1091, %select_n3A, %broadcast_in_dim3A_1092 : vector<1000x128xi1>, vector<1000x128xf32>
    %reduce_max3A_1094 = arith.constant dense<0xFF800000> : vector<128xf32>
    %reduce_max3A_1095 = vector.multi_reduction <maximumf>, %select_n3A_1093, %reduce_max3A_1094 [0] : vector<1000x128xf32> to vector<128xf32>
    %broadcast_in_dim3A_1096 = vector.shape_cast %reduce_max3A_1095 : vector<128xf32> to vector<1x128xf32>
    %get3A_1097 = arith.constant 52 : index
    %get3A_1098 = arith.constant 0 : index
    %get3A_1099 = vector.load %arg24[%get3A_1097, %get3A_1098] : memref<64x128xf32, #tpu.memory_space<vmem>>, vector<1x128xf32>
    %max3A_1100 = arith.maximumf %get3A_1099, %broadcast_in_dim3A_1096 : vector<1x128xf32>
    %swap3A_1101 = arith.constant 52 : index
    %swap3A_1102 = arith.constant 0 : index
    %swap3A_1103 = vector.load %arg24[%swap3A_1101, %swap3A_1102] : memref<64x128xf32, #tpu.memory_space<vmem>>, vector<1x128xf32>
    tpu.vector_store %arg24[%swap3A_1101, %swap3A_1102], %max3A_1100 {strides = array<i32>} : memref<64x128xf32, #tpu.memory_space<vmem>>, vector<1x128xf32>,
    %eq3A_1104 = arith.constant 53 : i32
    %eq3A_1105 = vector.broadcast %eq3A_1104 : i32 to vector<1000x1xi32>
    %eq3A_1106 = arith.cmpi eq, %get3A_143, %eq3A_1105 : vector<1000x1xi32>
    %jit3A_1107 = arith.constant 0xFF800000 : f32
    %broadcast_in_dim3A_1108 = vector.shape_cast %eq3A_1106 : vector<1000x1xi1> to vector<1000x1xi1>
    %broadcast_in_dim3A_1109 = vector.broadcast %broadcast_in_dim3A_1108 : vector<1000x1xi1> to vector<1000x128xi1>
    %broadcast_in_dim3A_1110 = vector.broadcast %jit3A_1107 : f32 to vector<1000x128xf32>
    %select_n3A_1111 = arith.select %broadcast_in_dim3A_1109, %select_n3A, %broadcast_in_dim3A_1110 : vector<1000x128xi1>, vector<1000x128xf32>
    %reduce_max3A_1112 = arith.constant dense<0xFF800000> : vector<128xf32>
    %reduce_max3A_1113 = vector.multi_reduction <maximumf>, %select_n3A_1111, %reduce_max3A_1112 [0] : vector<1000x128xf32> to vector<128xf32>
    %broadcast_in_dim3A_1114 = vector.shape_cast %reduce_max3A_1113 : vector<128xf32> to vector<1x128xf32>
    %get3A_1115 = arith.constant 53 : index
    %get3A_1116 = arith.constant 0 : index
    %get3A_1117 = vector.load %arg24[%get3A_1115, %get3A_1116] : memref<64x128xf32, #tpu.memory_space<vmem>>, vector<1x128xf32>
    %max3A_1118 = arith.maximumf %get3A_1117, %broadcast_in_dim3A_1114 : vector<1x128xf32>
    %swap3A_1119 = arith.constant 53 : index
    %swap3A_1120 = arith.constant 0 : index
    %swap3A_1121 = vector.load %arg24[%swap3A_1119, %swap3A_1120] : memref<64x128xf32, #tpu.memory_space<vmem>>, vector<1x128xf32>
    tpu.vector_store %arg24[%swap3A_1119, %swap3A_1120], %max3A_1118 {strides = array<i32>} : memref<64x128xf32, #tpu.memory_space<vmem>>, vector<1x128xf32>,
    %eq3A_1122 = arith.constant 54 : i32
    %eq3A_1123 = vector.broadcast %eq3A_1122 : i32 to vector<1000x1xi32>
    %eq3A_1124 = arith.cmpi eq, %get3A_143, %eq3A_1123 : vector<1000x1xi32>
    %jit3A_1125 = arith.constant 0xFF800000 : f32
    %broadcast_in_dim3A_1126 = vector.shape_cast %eq3A_1124 : vector<1000x1xi1> to vector<1000x1xi1>
    %broadcast_in_dim3A_1127 = vector.broadcast %broadcast_in_dim3A_1126 : vector<1000x1xi1> to vector<1000x128xi1>
    %broadcast_in_dim3A_1128 = vector.broadcast %jit3A_1125 : f32 to vector<1000x128xf32>
    %select_n3A_1129 = arith.select %broadcast_in_dim3A_1127, %select_n3A, %broadcast_in_dim3A_1128 : vector<1000x128xi1>, vector<1000x128xf32>
    %reduce_max3A_1130 = arith.constant dense<0xFF800000> : vector<128xf32>
    %reduce_max3A_1131 = vector.multi_reduction <maximumf>, %select_n3A_1129, %reduce_max3A_1130 [0] : vector<1000x128xf32> to vector<128xf32>
    %broadcast_in_dim3A_1132 = vector.shape_cast %reduce_max3A_1131 : vector<128xf32> to vector<1x128xf32>
    %get3A_1133 = arith.constant 54 : index
    %get3A_1134 = arith.constant 0 : index
    %get3A_1135 = vector.load %arg24[%get3A_1133, %get3A_1134] : memref<64x128xf32, #tpu.memory_space<vmem>>, vector<1x128xf32>
    %max3A_1136 = arith.maximumf %get3A_1135, %broadcast_in_dim3A_1132 : vector<1x128xf32>
    %swap3A_1137 = arith.constant 54 : index
    %swap3A_1138 = arith.constant 0 : index
    %swap3A_1139 = vector.load %arg24[%swap3A_1137, %swap3A_1138] : memref<64x128xf32, #tpu.memory_space<vmem>>, vector<1x128xf32>
    tpu.vector_store %arg24[%swap3A_1137, %swap3A_1138], %max3A_1136 {strides = array<i32>} : memref<64x128xf32, #tpu.memory_space<vmem>>, vector<1x128xf32>,
    %eq3A_1140 = arith.constant 55 : i32
    %eq3A_1141 = vector.broadcast %eq3A_1140 : i32 to vector<1000x1xi32>
    %eq3A_1142 = arith.cmpi eq, %get3A_143, %eq3A_1141 : vector<1000x1xi32>
    %jit3A_1143 = arith.constant 0xFF800000 : f32
    %broadcast_in_dim3A_1144 = vector.shape_cast %eq3A_1142 : vector<1000x1xi1> to vector<1000x1xi1>
    %broadcast_in_dim3A_1145 = vector.broadcast %broadcast_in_dim3A_1144 : vector<1000x1xi1> to vector<1000x128xi1>
    %broadcast_in_dim3A_1146 = vector.broadcast %jit3A_1143 : f32 to vector<1000x128xf32>
    %select_n3A_1147 = arith.select %broadcast_in_dim3A_1145, %select_n3A, %broadcast_in_dim3A_1146 : vector<1000x128xi1>, vector<1000x128xf32>
    %reduce_max3A_1148 = arith.constant dense<0xFF800000> : vector<128xf32>
    %reduce_max3A_1149 = vector.multi_reduction <maximumf>, %select_n3A_1147, %reduce_max3A_1148 [0] : vector<1000x128xf32> to vector<128xf32>
    %broadcast_in_dim3A_1150 = vector.shape_cast %reduce_max3A_1149 : vector<128xf32> to vector<1x128xf32>
    %get3A_1151 = arith.constant 55 : index
    %get3A_1152 = arith.constant 0 : index
    %get3A_1153 = vector.load %arg24[%get3A_1151, %get3A_1152] : memref<64x128xf32, #tpu.memory_space<vmem>>, vector<1x128xf32>
    %max3A_1154 = arith.maximumf %get3A_1153, %broadcast_in_dim3A_1150 : vector<1x128xf32>
    %swap3A_1155 = arith.constant 55 : index
    %swap3A_1156 = arith.constant 0 : index
    %swap3A_1157 = vector.load %arg24[%swap3A_1155, %swap3A_1156] : memref<64x128xf32, #tpu.memory_space<vmem>>, vector<1x128xf32>
    tpu.vector_store %arg24[%swap3A_1155, %swap3A_1156], %max3A_1154 {strides = array<i32>} : memref<64x128xf32, #tpu.memory_space<vmem>>, vector<1x128xf32>,
    %eq3A_1158 = arith.constant 56 : i32
    %eq3A_1159 = vector.broadcast %eq3A_1158 : i32 to vector<1000x1xi32>
    %eq3A_1160 = arith.cmpi eq, %get3A_143, %eq3A_1159 : vector<1000x1xi32>
    %jit3A_1161 = arith.constant 0xFF800000 : f32
    %broadcast_in_dim3A_1162 = vector.shape_cast %eq3A_1160 : vector<1000x1xi1> to vector<1000x1xi1>
    %broadcast_in_dim3A_1163 = vector.broadcast %broadcast_in_dim3A_1162 : vector<1000x1xi1> to vector<1000x128xi1>
    %broadcast_in_dim3A_1164 = vector.broadcast %jit3A_1161 : f32 to vector<1000x128xf32>
    %select_n3A_1165 = arith.select %broadcast_in_dim3A_1163, %select_n3A, %broadcast_in_dim3A_1164 : vector<1000x128xi1>, vector<1000x128xf32>
    %reduce_max3A_1166 = arith.constant dense<0xFF800000> : vector<128xf32>
    %reduce_max3A_1167 = vector.multi_reduction <maximumf>, %select_n3A_1165, %reduce_max3A_1166 [0] : vector<1000x128xf32> to vector<128xf32>
    %broadcast_in_dim3A_1168 = vector.shape_cast %reduce_max3A_1167 : vector<128xf32> to vector<1x128xf32>
    %get3A_1169 = arith.constant 56 : index
    %get3A_1170 = arith.constant 0 : index
    %get3A_1171 = vector.load %arg24[%get3A_1169, %get3A_1170] : memref<64x128xf32, #tpu.memory_space<vmem>>, vector<1x128xf32>
    %max3A_1172 = arith.maximumf %get3A_1171, %broadcast_in_dim3A_1168 : vector<1x128xf32>
    %swap3A_1173 = arith.constant 56 : index
    %swap3A_1174 = arith.constant 0 : index
    %swap3A_1175 = vector.load %arg24[%swap3A_1173, %swap3A_1174] : memref<64x128xf32, #tpu.memory_space<vmem>>, vector<1x128xf32>
    tpu.vector_store %arg24[%swap3A_1173, %swap3A_1174], %max3A_1172 {strides = array<i32>} : memref<64x128xf32, #tpu.memory_space<vmem>>, vector<1x128xf32>,
    %eq3A_1176 = arith.constant 57 : i32
    %eq3A_1177 = vector.broadcast %eq3A_1176 : i32 to vector<1000x1xi32>
    %eq3A_1178 = arith.cmpi eq, %get3A_143, %eq3A_1177 : vector<1000x1xi32>
    %jit3A_1179 = arith.constant 0xFF800000 : f32
    %broadcast_in_dim3A_1180 = vector.shape_cast %eq3A_1178 : vector<1000x1xi1> to vector<1000x1xi1>
    %broadcast_in_dim3A_1181 = vector.broadcast %broadcast_in_dim3A_1180 : vector<1000x1xi1> to vector<1000x128xi1>
    %broadcast_in_dim3A_1182 = vector.broadcast %jit3A_1179 : f32 to vector<1000x128xf32>
    %select_n3A_1183 = arith.select %broadcast_in_dim3A_1181, %select_n3A, %broadcast_in_dim3A_1182 : vector<1000x128xi1>, vector<1000x128xf32>
    %reduce_max3A_1184 = arith.constant dense<0xFF800000> : vector<128xf32>
    %reduce_max3A_1185 = vector.multi_reduction <maximumf>, %select_n3A_1183, %reduce_max3A_1184 [0] : vector<1000x128xf32> to vector<128xf32>
    %broadcast_in_dim3A_1186 = vector.shape_cast %reduce_max3A_1185 : vector<128xf32> to vector<1x128xf32>
    %get3A_1187 = arith.constant 57 : index
    %get3A_1188 = arith.constant 0 : index
    %get3A_1189 = vector.load %arg24[%get3A_1187, %get3A_1188] : memref<64x128xf32, #tpu.memory_space<vmem>>, vector<1x128xf32>
    %max3A_1190 = arith.maximumf %get3A_1189, %broadcast_in_dim3A_1186 : vector<1x128xf32>
    %swap3A_1191 = arith.constant 57 : index
    %swap3A_1192 = arith.constant 0 : index
    %swap3A_1193 = vector.load %arg24[%swap3A_1191, %swap3A_1192] : memref<64x128xf32, #tpu.memory_space<vmem>>, vector<1x128xf32>
    tpu.vector_store %arg24[%swap3A_1191, %swap3A_1192], %max3A_1190 {strides = array<i32>} : memref<64x128xf32, #tpu.memory_space<vmem>>, vector<1x128xf32>,
    %eq3A_1194 = arith.constant 58 : i32
    %eq3A_1195 = vector.broadcast %eq3A_1194 : i32 to vector<1000x1xi32>
    %eq3A_1196 = arith.cmpi eq, %get3A_143, %eq3A_1195 : vector<1000x1xi32>
    %jit3A_1197 = arith.constant 0xFF800000 : f32
    %broadcast_in_dim3A_1198 = vector.shape_cast %eq3A_1196 : vector<1000x1xi1> to vector<1000x1xi1>
    %broadcast_in_dim3A_1199 = vector.broadcast %broadcast_in_dim3A_1198 : vector<1000x1xi1> to vector<1000x128xi1>
    %broadcast_in_dim3A_1200 = vector.broadcast %jit3A_1197 : f32 to vector<1000x128xf32>
    %select_n3A_1201 = arith.select %broadcast_in_dim3A_1199, %select_n3A, %broadcast_in_dim3A_1200 : vector<1000x128xi1>, vector<1000x128xf32>
    %reduce_max3A_1202 = arith.constant dense<0xFF800000> : vector<128xf32>
    %reduce_max3A_1203 = vector.multi_reduction <maximumf>, %select_n3A_1201, %reduce_max3A_1202 [0] : vector<1000x128xf32> to vector<128xf32>
    %broadcast_in_dim3A_1204 = vector.shape_cast %reduce_max3A_1203 : vector<128xf32> to vector<1x128xf32>
    %get3A_1205 = arith.constant 58 : index
    %get3A_1206 = arith.constant 0 : index
    %get3A_1207 = vector.load %arg24[%get3A_1205, %get3A_1206] : memref<64x128xf32, #tpu.memory_space<vmem>>, vector<1x128xf32>
    %max3A_1208 = arith.maximumf %get3A_1207, %broadcast_in_dim3A_1204 : vector<1x128xf32>
    %swap3A_1209 = arith.constant 58 : index
    %swap3A_1210 = arith.constant 0 : index
    %swap3A_1211 = vector.load %arg24[%swap3A_1209, %swap3A_1210] : memref<64x128xf32, #tpu.memory_space<vmem>>, vector<1x128xf32>
    tpu.vector_store %arg24[%swap3A_1209, %swap3A_1210], %max3A_1208 {strides = array<i32>} : memref<64x128xf32, #tpu.memory_space<vmem>>, vector<1x128xf32>,
    %eq3A_1212 = arith.constant 59 : i32
    %eq3A_1213 = vector.broadcast %eq3A_1212 : i32 to vector<1000x1xi32>
    %eq3A_1214 = arith.cmpi eq, %get3A_143, %eq3A_1213 : vector<1000x1xi32>
    %jit3A_1215 = arith.constant 0xFF800000 : f32
    %broadcast_in_dim3A_1216 = vector.shape_cast %eq3A_1214 : vector<1000x1xi1> to vector<1000x1xi1>
    %broadcast_in_dim3A_1217 = vector.broadcast %broadcast_in_dim3A_1216 : vector<1000x1xi1> to vector<1000x128xi1>
    %broadcast_in_dim3A_1218 = vector.broadcast %jit3A_1215 : f32 to vector<1000x128xf32>
    %select_n3A_1219 = arith.select %broadcast_in_dim3A_1217, %select_n3A, %broadcast_in_dim3A_1218 : vector<1000x128xi1>, vector<1000x128xf32>
    %reduce_max3A_1220 = arith.constant dense<0xFF800000> : vector<128xf32>
    %reduce_max3A_1221 = vector.multi_reduction <maximumf>, %select_n3A_1219, %reduce_max3A_1220 [0] : vector<1000x128xf32> to vector<128xf32>
    %broadcast_in_dim3A_1222 = vector.shape_cast %reduce_max3A_1221 : vector<128xf32> to vector<1x128xf32>
    %get3A_1223 = arith.constant 59 : index
    %get3A_1224 = arith.constant 0 : index
    %get3A_1225 = vector.load %arg24[%get3A_1223, %get3A_1224] : memref<64x128xf32, #tpu.memory_space<vmem>>, vector<1x128xf32>
    %max3A_1226 = arith.maximumf %get3A_1225, %broadcast_in_dim3A_1222 : vector<1x128xf32>
    %swap3A_1227 = arith.constant 59 : index
    %swap3A_1228 = arith.constant 0 : index
    %swap3A_1229 = vector.load %arg24[%swap3A_1227, %swap3A_1228] : memref<64x128xf32, #tpu.memory_space<vmem>>, vector<1x128xf32>
    tpu.vector_store %arg24[%swap3A_1227, %swap3A_1228], %max3A_1226 {strides = array<i32>} : memref<64x128xf32, #tpu.memory_space<vmem>>, vector<1x128xf32>,
    %eq3A_1230 = arith.constant 60 : i32
    %eq3A_1231 = vector.broadcast %eq3A_1230 : i32 to vector<1000x1xi32>
    %eq3A_1232 = arith.cmpi eq, %get3A_143, %eq3A_1231 : vector<1000x1xi32>
    %jit3A_1233 = arith.constant 0xFF800000 : f32
    %broadcast_in_dim3A_1234 = vector.shape_cast %eq3A_1232 : vector<1000x1xi1> to vector<1000x1xi1>
    %broadcast_in_dim3A_1235 = vector.broadcast %broadcast_in_dim3A_1234 : vector<1000x1xi1> to vector<1000x128xi1>
    %broadcast_in_dim3A_1236 = vector.broadcast %jit3A_1233 : f32 to vector<1000x128xf32>
    %select_n3A_1237 = arith.select %broadcast_in_dim3A_1235, %select_n3A, %broadcast_in_dim3A_1236 : vector<1000x128xi1>, vector<1000x128xf32>
    %reduce_max3A_1238 = arith.constant dense<0xFF800000> : vector<128xf32>
    %reduce_max3A_1239 = vector.multi_reduction <maximumf>, %select_n3A_1237, %reduce_max3A_1238 [0] : vector<1000x128xf32> to vector<128xf32>
    %broadcast_in_dim3A_1240 = vector.shape_cast %reduce_max3A_1239 : vector<128xf32> to vector<1x128xf32>
    %get3A_1241 = arith.constant 60 : index
    %get3A_1242 = arith.constant 0 : index
    %get3A_1243 = vector.load %arg24[%get3A_1241, %get3A_1242] : memref<64x128xf32, #tpu.memory_space<vmem>>, vector<1x128xf32>
    %max3A_1244 = arith.maximumf %get3A_1243, %broadcast_in_dim3A_1240 : vector<1x128xf32>
    %swap3A_1245 = arith.constant 60 : index
    %swap3A_1246 = arith.constant 0 : index
    %swap3A_1247 = vector.load %arg24[%swap3A_1245, %swap3A_1246] : memref<64x128xf32, #tpu.memory_space<vmem>>, vector<1x128xf32>
    tpu.vector_store %arg24[%swap3A_1245, %swap3A_1246], %max3A_1244 {strides = array<i32>} : memref<64x128xf32, #tpu.memory_space<vmem>>, vector<1x128xf32>,
    %eq3A_1248 = arith.constant 61 : i32
    %eq3A_1249 = vector.broadcast %eq3A_1248 : i32 to vector<1000x1xi32>
    %eq3A_1250 = arith.cmpi eq, %get3A_143, %eq3A_1249 : vector<1000x1xi32>
    %jit3A_1251 = arith.constant 0xFF800000 : f32
    %broadcast_in_dim3A_1252 = vector.shape_cast %eq3A_1250 : vector<1000x1xi1> to vector<1000x1xi1>
    %broadcast_in_dim3A_1253 = vector.broadcast %broadcast_in_dim3A_1252 : vector<1000x1xi1> to vector<1000x128xi1>
    %broadcast_in_dim3A_1254 = vector.broadcast %jit3A_1251 : f32 to vector<1000x128xf32>
    %select_n3A_1255 = arith.select %broadcast_in_dim3A_1253, %select_n3A, %broadcast_in_dim3A_1254 : vector<1000x128xi1>, vector<1000x128xf32>
    %reduce_max3A_1256 = arith.constant dense<0xFF800000> : vector<128xf32>
    %reduce_max3A_1257 = vector.multi_reduction <maximumf>, %select_n3A_1255, %reduce_max3A_1256 [0] : vector<1000x128xf32> to vector<128xf32>
    %broadcast_in_dim3A_1258 = vector.shape_cast %reduce_max3A_1257 : vector<128xf32> to vector<1x128xf32>
    %get3A_1259 = arith.constant 61 : index
    %get3A_1260 = arith.constant 0 : index
    %get3A_1261 = vector.load %arg24[%get3A_1259, %get3A_1260] : memref<64x128xf32, #tpu.memory_space<vmem>>, vector<1x128xf32>
    %max3A_1262 = arith.maximumf %get3A_1261, %broadcast_in_dim3A_1258 : vector<1x128xf32>
    %swap3A_1263 = arith.constant 61 : index
    %swap3A_1264 = arith.constant 0 : index
    %swap3A_1265 = vector.load %arg24[%swap3A_1263, %swap3A_1264] : memref<64x128xf32, #tpu.memory_space<vmem>>, vector<1x128xf32>
    tpu.vector_store %arg24[%swap3A_1263, %swap3A_1264], %max3A_1262 {strides = array<i32>} : memref<64x128xf32, #tpu.memory_space<vmem>>, vector<1x128xf32>,
    %eq3A_1266 = arith.constant 62 : i32
    %eq3A_1267 = vector.broadcast %eq3A_1266 : i32 to vector<1000x1xi32>
    %eq3A_1268 = arith.cmpi eq, %get3A_143, %eq3A_1267 : vector<1000x1xi32>
    %jit3A_1269 = arith.constant 0xFF800000 : f32
    %broadcast_in_dim3A_1270 = vector.shape_cast %eq3A_1268 : vector<1000x1xi1> to vector<1000x1xi1>
    %broadcast_in_dim3A_1271 = vector.broadcast %broadcast_in_dim3A_1270 : vector<1000x1xi1> to vector<1000x128xi1>
    %broadcast_in_dim3A_1272 = vector.broadcast %jit3A_1269 : f32 to vector<1000x128xf32>
    %select_n3A_1273 = arith.select %broadcast_in_dim3A_1271, %select_n3A, %broadcast_in_dim3A_1272 : vector<1000x128xi1>, vector<1000x128xf32>
    %reduce_max3A_1274 = arith.constant dense<0xFF800000> : vector<128xf32>
    %reduce_max3A_1275 = vector.multi_reduction <maximumf>, %select_n3A_1273, %reduce_max3A_1274 [0] : vector<1000x128xf32> to vector<128xf32>
    %broadcast_in_dim3A_1276 = vector.shape_cast %reduce_max3A_1275 : vector<128xf32> to vector<1x128xf32>
    %get3A_1277 = arith.constant 62 : index
    %get3A_1278 = arith.constant 0 : index
    %get3A_1279 = vector.load %arg24[%get3A_1277, %get3A_1278] : memref<64x128xf32, #tpu.memory_space<vmem>>, vector<1x128xf32>
    %max3A_1280 = arith.maximumf %get3A_1279, %broadcast_in_dim3A_1276 : vector<1x128xf32>
    %swap3A_1281 = arith.constant 62 : index
    %swap3A_1282 = arith.constant 0 : index
    %swap3A_1283 = vector.load %arg24[%swap3A_1281, %swap3A_1282] : memref<64x128xf32, #tpu.memory_space<vmem>>, vector<1x128xf32>
    tpu.vector_store %arg24[%swap3A_1281, %swap3A_1282], %max3A_1280 {strides = array<i32>} : memref<64x128xf32, #tpu.memory_space<vmem>>, vector<1x128xf32>,
    %eq3A_1284 = arith.constant 63 : i32
    %eq3A_1285 = vector.broadcast %eq3A_1284 : i32 to vector<1000x1xi32>
    %eq3A_1286 = arith.cmpi eq, %get3A_143, %eq3A_1285 : vector<1000x1xi32>
    %jit3A_1287 = arith.constant 0xFF800000 : f32
    %broadcast_in_dim3A_1288 = vector.shape_cast %eq3A_1286 : vector<1000x1xi1> to vector<1000x1xi1>
    %broadcast_in_dim3A_1289 = vector.broadcast %broadcast_in_dim3A_1288 : vector<1000x1xi1> to vector<1000x128xi1>
    %broadcast_in_dim3A_1290 = vector.broadcast %jit3A_1287 : f32 to vector<1000x128xf32>
    %select_n3A_1291 = arith.select %broadcast_in_dim3A_1289, %select_n3A, %broadcast_in_dim3A_1290 : vector<1000x128xi1>, vector<1000x128xf32>
    %reduce_max3A_1292 = arith.constant dense<0xFF800000> : vector<128xf32>
    %reduce_max3A_1293 = vector.multi_reduction <maximumf>, %select_n3A_1291, %reduce_max3A_1292 [0] : vector<1000x128xf32> to vector<128xf32>
    %broadcast_in_dim3A_1294 = vector.shape_cast %reduce_max3A_1293 : vector<128xf32> to vector<1x128xf32>
    %get3A_1295 = arith.constant 63 : index
    %get3A_1296 = arith.constant 0 : index
    %get3A_1297 = vector.load %arg24[%get3A_1295, %get3A_1296] : memref<64x128xf32, #tpu.memory_space<vmem>>, vector<1x128xf32>
    %max3A_1298 = arith.maximumf %get3A_1297, %broadcast_in_dim3A_1294 : vector<1x128xf32>
    %swap3A_1299 = arith.constant 63 : index
    %swap3A_1300 = arith.constant 0 : index
    %swap3A_1301 = vector.load %arg24[%swap3A_1299, %swap3A_1300] : memref<64x128xf32, #tpu.memory_space<vmem>>, vector<1x128xf32>
    tpu.vector_store %arg24[%swap3A_1299, %swap3A_1300], %max3A_1298 {strides = array<i32>} : memref<64x128xf32, #tpu.memory_space<vmem>>, vector<1x128xf32>,
    return
  }
  func.func @transform_0(%arg0: i32) -> (i32, i32) {
    %c0_i32 = arith.constant 0 : i32
    %c0_i32_0 = arith.constant 0 : i32
    return %arg0, %c0_i32 : i32, i32
  }
  func.func @transform_1(%arg0: i32) -> (i32, i32) {
    %c0_i32 = arith.constant 0 : i32
    %c0_i32_0 = arith.constant 0 : i32
    %c0_i32_1 = arith.constant 0 : i32
    return %c0_i32, %c0_i32_0 : i32, i32
  }
  func.func @transform_2(%arg0: i32) -> (i32, i32) {
    %c0_i32 = arith.constant 0 : i32
    %c0_i32_0 = arith.constant 0 : i32
    %c0_i32_1 = arith.constant 0 : i32
    return %c0_i32, %c0_i32_0 : i32, i32
  }
  func.func @transform_3(%arg0: i32) -> (i32, i32) {
    %c0_i32 = arith.constant 0 : i32
    %c0_i32_0 = arith.constant 0 : i32
    %c0_i32_1 = arith.constant 0 : i32
    return %c0_i32, %c0_i32_0 : i32, i32
  }
  func.func @transform_4(%arg0: i32) -> (i32, i32) {
    %c0_i32 = arith.constant 0 : i32
    %c0_i32_0 = arith.constant 0 : i32
    %c0_i32_1 = arith.constant 0 : i32
    return %c0_i32, %c0_i32_0 : i32, i32
  }
  func.func @transform_5(%arg0: i32) -> (i32, i32) {
    %c0_i32 = arith.constant 0 : i32
    %c0_i32_0 = arith.constant 0 : i32
    %c0_i32_1 = arith.constant 0 : i32
    return %c0_i32, %c0_i32_0 : i32, i32
  }
  func.func @transform_6(%arg0: i32) -> (i32, i32) {
    %c0_i32 = arith.constant 0 : i32
    %c0_i32_0 = arith.constant 0 : i32
    %c0_i32_1 = arith.constant 0 : i32
    return %c0_i32, %c0_i32_0 : i32, i32
  }
  func.func @transform_7(%arg0: i32) -> (i32, i32) {
    %c0_i32 = arith.constant 0 : i32
    %c0_i32_0 = arith.constant 0 : i32
    %c0_i32_1 = arith.constant 0 : i32
    return %c0_i32, %c0_i32_0 : i32, i32
  }
  func.func @transform_8(%arg0: i32) -> (i32, i32) {
    %c0_i32 = arith.constant 0 : i32
    %c0_i32_0 = arith.constant 0 : i32
    %c0_i32_1 = arith.constant 0 : i32
    return %c0_i32, %c0_i32_0 : i32, i32
  }
  func.func @transform_9(%arg0: i32) -> (i32, i32) {
    %c0_i32 = arith.constant 0 : i32
    %c0_i32_0 = arith.constant 0 : i32
    %c0_i32_1 = arith.constant 0 : i32
    return %c0_i32, %c0_i32_0 : i32, i32
  }
  func.func @transform_10(%arg0: i32) -> (i32, i32) {
    %c0_i32 = arith.constant 0 : i32
    %c0_i32_0 = arith.constant 0 : i32
    %c0_i32_1 = arith.constant 0 : i32
    return %c0_i32, %c0_i32_0 : i32, i32
  }
  func.func @transform_11(%arg0: i32) -> (i32, i32) {
    %c0_i32 = arith.constant 0 : i32
    %c0_i32_0 = arith.constant 0 : i32
    %c0_i32_1 = arith.constant 0 : i32
    return %c0_i32, %c0_i32_0 : i32, i32
  }
  func.func @transform_12(%arg0: i32) -> (i32, i32) {
    %c0_i32 = arith.constant 0 : i32
    %c0_i32_0 = arith.constant 0 : i32
    %c0_i32_1 = arith.constant 0 : i32
    return %c0_i32, %c0_i32_0 : i32, i32
  }
  func.func @transform_13(%arg0: i32) -> (i32, i32) {
    %c0_i32 = arith.constant 0 : i32
    %c0_i32_0 = arith.constant 0 : i32
    %c0_i32_1 = arith.constant 0 : i32
    return %c0_i32, %c0_i32_0 : i32, i32
  }
  func.func @transform_14(%arg0: i32) -> (i32, i32) {
    %c0_i32 = arith.constant 0 : i32
    %c0_i32_0 = arith.constant 0 : i32
    %c0_i32_1 = arith.constant 0 : i32
    return %c0_i32, %c0_i32_0 : i32, i32
  }
  func.func @transform_15(%arg0: i32) -> (i32, i32) {
    %c0_i32 = arith.constant 0 : i32
    %c0_i32_0 = arith.constant 0 : i32
    %c0_i32_1 = arith.constant 0 : i32
    return %c0_i32, %c0_i32_0 : i32, i32
  }
  func.func @transform_16(%arg0: i32) -> (i32, i32) {
    %c0_i32 = arith.constant 0 : i32
    %c0_i32_0 = arith.constant 0 : i32
    %c0_i32_1 = arith.constant 0 : i32
    return %c0_i32, %c0_i32_0 : i32, i32
  }
  func.func @transform_17(%arg0: i32) -> (i32, i32) {
    %c0_i32 = arith.constant 0 : i32
    %c0_i32_0 = arith.constant 0 : i32
    %c0_i32_1 = arith.constant 0 : i32
    return %c0_i32, %c0_i32_0 : i32, i32
  }
  func.func @transform_18(%arg0: i32) -> (i32, i32) {
    %c0_i32 = arith.constant 0 : i32
    %c0_i32_0 = arith.constant 0 : i32
    %c0_i32_1 = arith.constant 0 : i32
    return %c0_i32, %c0_i32_0 : i32, i32
  }
  func.func @transform_19(%arg0: i32) -> (i32, i32) {
    %c0_i32 = arith.constant 0 : i32
    %c0_i32_0 = arith.constant 0 : i32
    %c0_i32_1 = arith.constant 0 : i32
    return %c0_i32, %c0_i32_0 : i32, i32
  }
  func.func @transform_20(%arg0: i32) -> (i32, i32) {
    %c0_i32 = arith.constant 0 : i32
    %c0_i32_0 = arith.constant 0 : i32
    return %arg0, %c0_i32 : i32, i32
  }
  func.func @transform_21(%arg0: i32) -> (i32, i32) {
    %c0_i32 = arith.constant 0 : i32
    %c0_i32_0 = arith.constant 0 : i32
    return %arg0, %c0_i32 : i32, i32
  }
  func.func @transform_22(%arg0: i32) -> (i32, i32) {
    %c0_i32 = arith.constant 0 : i32
    %c0_i32_0 = arith.constant 0 : i32
    return %arg0, %c0_i32 : i32, i32
  }
  func.func @transform_23(%arg0: i32) -> (i32, i32) {
    %c0_i32 = arith.constant 0 : i32
    %c0_i32_0 = arith.constant 0 : i32
    %c0_i32_1 = arith.constant 0 : i32
    return %c0_i32, %c0_i32_0 : i32, i32
  }
}

module attributes {stable_mosaic.version = 14 : i64} {
  func.func @_head_body(%arg0: i32, %arg1: memref<64x128xf32, #tpu.memory_space<vmem>>, %arg2: memref<128x128xf32, #tpu.memory_space<vmem>>, %arg3: memref<1x128xf32, #tpu.memory_space<vmem>>, %arg4: memref<128x128xf32, #tpu.memory_space<vmem>>, %arg5: memref<1x128xf32, #tpu.memory_space<vmem>>, %arg6: memref<2x64xf32, #tpu.memory_space<vmem>>, %arg7: memref<64x128xf32, #tpu.memory_space<vmem>>, %arg8: memref<2x128xf32, #tpu.memory_space<vmem>>) attributes {dimension_semantics = [#tpu.dimension_semantics<arbitrary>], iteration_bounds = array<i64: 1>, scalar_prefetch = 0 : i64, scratch_operands = 0 : i64, tpu.core_type = #tpu.core_type<tc>, window_params = [{pipeline_mode = #tpu.pipeline_mode<synchronous>, transform_indices = @transform_0, window_bounds = array<i64: 64, 128>}, {pipeline_mode = #tpu.pipeline_mode<synchronous>, transform_indices = @transform_1, window_bounds = array<i64: 128, 128>}, {pipeline_mode = #tpu.pipeline_mode<synchronous>, transform_indices = @transform_2, window_bounds = array<i64: 1, 128>}, {pipeline_mode = #tpu.pipeline_mode<synchronous>, transform_indices = @transform_3, window_bounds = array<i64: 128, 128>}, {pipeline_mode = #tpu.pipeline_mode<synchronous>, transform_indices = @transform_4, window_bounds = array<i64: 1, 128>}, {pipeline_mode = #tpu.pipeline_mode<synchronous>, transform_indices = @transform_5, window_bounds = array<i64: 2, 64>}, {pipeline_mode = #tpu.pipeline_mode<synchronous>, transform_indices = @transform_6, window_bounds = array<i64: 64, 128>}, {pipeline_mode = #tpu.pipeline_mode<synchronous>, transform_indices = @transform_7, window_bounds = array<i64: 2, 128>}]} {
    %get3A = arith.constant 0 : index
    %get3A_0 = arith.constant 0 : index
    %get3A_1 = vector.load %arg1[%get3A, %get3A_0] : memref<64x128xf32, #tpu.memory_space<vmem>>, vector<64x128xf32>
    %gt3A = arith.constant -3.000000e+38 : f32
    %gt3A_2 = vector.broadcast %gt3A : f32 to vector<64x128xf32>
    %gt3A_3 = arith.cmpf ogt, %get3A_1, %gt3A_2 : vector<64x128xf32>
    %jit3A = arith.constant 0.000000e+00 : f32
    %broadcast_in_dim3A = vector.broadcast %jit3A : f32 to vector<64x128xf32>
    %select_n3A = arith.select %gt3A_3, %get3A_1, %broadcast_in_dim3A : vector<64x128xi1>, vector<64x128xf32>
    %get3A_4 = arith.constant 0 : index
    %get3A_5 = arith.constant 0 : index
    %get3A_6 = vector.load %arg2[%get3A_4, %get3A_5] : memref<128x128xf32, #tpu.memory_space<vmem>>, vector<128x128xf32>
    %dot_general3A = arith.constant dense<0.000000e+00> : vector<64x128xf32>
    %dot_general3A_7 = tpu.matmul %select_n3A, %get3A_6, %dot_general3A {dimension_numbers = #tpu.dot_dimension_numbers<[1], [0], [0], [1], [0, 0, 1, 1], [], []>, transpose_lhs_hint = false} : vector<64x128xf32>, vector<128x128xf32>, vector<64x128xf32> -> vector<64x128xf32>
    %get3A_8 = arith.constant 0 : index
    %get3A_9 = arith.constant 0 : index
    %get3A_10 = vector.load %arg3[%get3A_8, %get3A_9] : memref<1x128xf32, #tpu.memory_space<vmem>>, vector<1x128xf32>
    %add3A = vector.broadcast %get3A_10 : vector<1x128xf32> to vector<64x128xf32>
    %add3A_11 = arith.addf %dot_general3A_7, %add3A : vector<64x128xf32>
    %swap3A = arith.constant 0 : index
    %swap3A_12 = arith.constant 0 : index
    %swap3A_13 = vector.load %arg7[%swap3A, %swap3A_12] : memref<64x128xf32, #tpu.memory_space<vmem>>, vector<64x128xf32>
    tpu.vector_store %arg7[%swap3A, %swap3A_12], %add3A_11 {strides = array<i32>} : memref<64x128xf32, #tpu.memory_space<vmem>>, vector<64x128xf32>,
    %get3A_14 = arith.constant 0 : index
    %get3A_15 = arith.constant 0 : index
    %get3A_16 = vector.load %arg6[%get3A_14, %get3A_15] : memref<2x64xf32, #tpu.memory_space<vmem>>, vector<2x64xf32>
    %slice3A = vector.extract_strided_slice %get3A_16 {offsets = [0, 0], sizes = [1, 64], strides = [1, 1]} : vector<2x64xf32> to vector<1x64xf32>
    %transpose3A = tpu.transpose %slice3A, [1, 0] : vector<1x64xf32> -> vector<64x1xf32>
    %gt3A_17 = arith.constant 0.000000e+00 : f32
    %gt3A_18 = vector.broadcast %gt3A_17 : f32 to vector<64x1xf32>
    %gt3A_19 = arith.cmpf ogt, %transpose3A, %gt3A_18 : vector<64x1xf32>
    %jit3A_20 = arith.constant 0xFF800000 : f32
    %broadcast_in_dim3A_21 = vector.shape_cast %gt3A_19 : vector<64x1xi1> to vector<64x1xi1>
    %broadcast_in_dim3A_22 = vector.broadcast %broadcast_in_dim3A_21 : vector<64x1xi1> to vector<64x128xi1>
    %broadcast_in_dim3A_23 = vector.broadcast %jit3A_20 : f32 to vector<64x128xf32>
    %select_n3A_24 = arith.select %broadcast_in_dim3A_22, %add3A_11, %broadcast_in_dim3A_23 : vector<64x128xi1>, vector<64x128xf32>
    %reduce_max3A = arith.constant dense<0xFF800000> : vector<128xf32>
    %reduce_max3A_25 = vector.multi_reduction <maximumf>, %select_n3A_24, %reduce_max3A [0] : vector<64x128xf32> to vector<128xf32>
    %broadcast_in_dim3A_26 = vector.shape_cast %reduce_max3A_25 : vector<128xf32> to vector<1x128xf32>
    %slice3A_27 = vector.extract_strided_slice %get3A_16 {offsets = [1, 0], sizes = [1, 64], strides = [1, 1]} : vector<2x64xf32> to vector<1x64xf32>
    %transpose3A_28 = tpu.transpose %slice3A_27, [1, 0] : vector<1x64xf32> -> vector<64x1xf32>
    %gt3A_29 = arith.constant 0.000000e+00 : f32
    %gt3A_30 = vector.broadcast %gt3A_29 : f32 to vector<64x1xf32>
    %gt3A_31 = arith.cmpf ogt, %transpose3A_28, %gt3A_30 : vector<64x1xf32>
    %jit3A_32 = arith.constant 0xFF800000 : f32
    %broadcast_in_dim3A_33 = vector.shape_cast %gt3A_31 : vector<64x1xi1> to vector<64x1xi1>
    %broadcast_in_dim3A_34 = vector.broadcast %broadcast_in_dim3A_33 : vector<64x1xi1> to vector<64x128xi1>
    %broadcast_in_dim3A_35 = vector.broadcast %jit3A_32 : f32 to vector<64x128xf32>
    %select_n3A_36 = arith.select %broadcast_in_dim3A_34, %add3A_11, %broadcast_in_dim3A_35 : vector<64x128xi1>, vector<64x128xf32>
    %reduce_max3A_37 = arith.constant dense<0xFF800000> : vector<128xf32>
    %reduce_max3A_38 = vector.multi_reduction <maximumf>, %select_n3A_36, %reduce_max3A_37 [0] : vector<64x128xf32> to vector<128xf32>
    %broadcast_in_dim3A_39 = vector.shape_cast %reduce_max3A_38 : vector<128xf32> to vector<1x128xf32>
    %concatenate3A = tpu.concatenate %broadcast_in_dim3A_26, %broadcast_in_dim3A_39 in 0 : vector<1x128xf32>, vector<1x128xf32> -> vector<2x128xf32>
    %gt3A_40 = arith.constant -3.000000e+38 : f32
    %gt3A_41 = vector.broadcast %gt3A_40 : f32 to vector<2x128xf32>
    %gt3A_42 = arith.cmpf ogt, %concatenate3A, %gt3A_41 : vector<2x128xf32>
    %jit3A_43 = arith.constant 0.000000e+00 : f32
    %broadcast_in_dim3A_44 = vector.broadcast %jit3A_43 : f32 to vector<2x128xf32>
    %select_n3A_45 = arith.select %gt3A_42, %concatenate3A, %broadcast_in_dim3A_44 : vector<2x128xi1>, vector<2x128xf32>
    %get3A_46 = arith.constant 0 : index
    %get3A_47 = arith.constant 0 : index
    %get3A_48 = vector.load %arg4[%get3A_46, %get3A_47] : memref<128x128xf32, #tpu.memory_space<vmem>>, vector<128x128xf32>
    %dot_general3A_49 = arith.constant dense<0.000000e+00> : vector<2x128xf32>
    %dot_general3A_50 = tpu.matmul %select_n3A_45, %get3A_48, %dot_general3A_49 {dimension_numbers = #tpu.dot_dimension_numbers<[1], [0], [0], [1], [0, 0, 1, 1], [], []>, transpose_lhs_hint = false} : vector<2x128xf32>, vector<128x128xf32>, vector<2x128xf32> -> vector<2x128xf32>
    %get3A_51 = arith.constant 0 : index
    %get3A_52 = arith.constant 0 : index
    %get3A_53 = vector.load %arg5[%get3A_51, %get3A_52] : memref<1x128xf32, #tpu.memory_space<vmem>>, vector<1x128xf32>
    %add3A_54 = vector.broadcast %get3A_53 : vector<1x128xf32> to vector<2x128xf32>
    %add3A_55 = arith.addf %dot_general3A_50, %add3A_54 : vector<2x128xf32>
    %swap3A_56 = arith.constant 0 : index
    %swap3A_57 = arith.constant 0 : index
    %swap3A_58 = vector.load %arg8[%swap3A_56, %swap3A_57] : memref<2x128xf32, #tpu.memory_space<vmem>>, vector<2x128xf32>
    tpu.vector_store %arg8[%swap3A_56, %swap3A_57], %add3A_55 {strides = array<i32>} : memref<2x128xf32, #tpu.memory_space<vmem>>, vector<2x128xf32>,
    return
  }
  func.func @transform_0(%arg0: i32) -> (i32, i32) {
    %c0_i32 = arith.constant 0 : i32
    %c0_i32_0 = arith.constant 0 : i32
    %c0_i32_1 = arith.constant 0 : i32
    return %c0_i32, %c0_i32_0 : i32, i32
  }
  func.func @transform_1(%arg0: i32) -> (i32, i32) {
    %c0_i32 = arith.constant 0 : i32
    %c0_i32_0 = arith.constant 0 : i32
    %c0_i32_1 = arith.constant 0 : i32
    return %c0_i32, %c0_i32_0 : i32, i32
  }
  func.func @transform_2(%arg0: i32) -> (i32, i32) {
    %c0_i32 = arith.constant 0 : i32
    %c0_i32_0 = arith.constant 0 : i32
    %c0_i32_1 = arith.constant 0 : i32
    return %c0_i32, %c0_i32_0 : i32, i32
  }
  func.func @transform_3(%arg0: i32) -> (i32, i32) {
    %c0_i32 = arith.constant 0 : i32
    %c0_i32_0 = arith.constant 0 : i32
    %c0_i32_1 = arith.constant 0 : i32
    return %c0_i32, %c0_i32_0 : i32, i32
  }
  func.func @transform_4(%arg0: i32) -> (i32, i32) {
    %c0_i32 = arith.constant 0 : i32
    %c0_i32_0 = arith.constant 0 : i32
    %c0_i32_1 = arith.constant 0 : i32
    return %c0_i32, %c0_i32_0 : i32, i32
  }
  func.func @transform_5(%arg0: i32) -> (i32, i32) {
    %c0_i32 = arith.constant 0 : i32
    %c0_i32_0 = arith.constant 0 : i32
    %c0_i32_1 = arith.constant 0 : i32
    return %c0_i32, %c0_i32_0 : i32, i32
  }
  func.func @transform_6(%arg0: i32) -> (i32, i32) {
    %c0_i32 = arith.constant 0 : i32
    %c0_i32_0 = arith.constant 0 : i32
    %c0_i32_1 = arith.constant 0 : i32
    return %c0_i32, %c0_i32_0 : i32, i32
  }
  func.func @transform_7(%arg0: i32) -> (i32, i32) {
    %c0_i32 = arith.constant 0 : i32
    %c0_i32_0 = arith.constant 0 : i32
    %c0_i32_1 = arith.constant 0 : i32
    return %c0_i32, %c0_i32_0 : i32, i32
  }
}

</mosaic_0001>

<sc_bundles>
// kernel: kernel.8.cloned.1.call-start
scs
__scs_entry_jumppad:
0x0: {  	(pc) =	sbr.rel $0x88, $3  }
0x1: {  	(tag) =	ssettag $0x0;
	lr =	simm.s32 $0x1  }
0x2: {  	[smem:$0x3F6C] =	sst lr;
	_ =	strace $0xD0000000  }
0x3: {  	_ = 	snop  }
0x4: {  	_ = 	snop  }
0x5: {  	_ = 	snop  }
0x6: {  	_ = 	snop  }
0x7: {  	_ = 	snop  }
__scs_overlays_trampoline_lowered:
0x8: {  	[smem:$0x3F7B] =	sst s0  }
0x9: {  	[smem:$0x3F7C] =	sst s1  }
0xa: {  	[smem:$0x3F7D] =	sst s2  }
0xb: {  	[smem:$0x3F7E] =	sst s3  }
0xc: {  	[smem:$0x3F7F] =	sst s4  }
0xd: {  	[smem:$0x3F80] =	sst s5  }
0xe: {  	[smem:$0x3F81] =	sst s6  }
0xf: {  	[smem:$0x3F82] =	sst s7  }
0x10: {  	[smem:$0x3F83] =	sst s8  }
0x11: {  	[smem:$0x3F84] =	sst s9;
	s0 =	simm.s32 @!p0 $0x0  }
0x12: {  	s1 =	sld [smem:$0x3F6A];
	s0 =	simm.s32 @p0 $0x1  }
0x13: {  	[smem:$0x3F85] =	sst s0;
	s0 =	simm.s32 @!p1 $0x0  }
0x14: {  	s2 =	sld [smem:$0x3F69];
	s0 =	simm.s32 @p1 $0x1  }
0x15: {  	[smem:$0x3F86] =	sst s0;
	s0 =	simm.s32 @!p2 $0x0  }
0x16: {  	s3 =	sld [smem:$0x3FDB];
	s0 =	simm.s32 @p2 $0x1  }
0x17: {  	s4 =	simm.s32 $0x1BF5;
	[smem:$0x3F88] =	sst s0  }
0x18: {  	s0 =	sld [smem:$0x3F6B];
	_ =	swait.ge [sflag:s4], $0x0  }
0x19: {  	s7 =	sld [smem:$0x3F6C]  }
0x1a: {  	s8 =	sadd.s32 $0xFFFFE003, lr  }
0x1b: {  	s9 =	sadd.s32 $0xFFFFFEF7, lr;
	s5 =	simm.s32 $0xFFFFFFFF;
	p2 =	slt.u32 s8, $0xFFFFF086  }
0x1c: {  	p1 =	slt.u32 s9, $0xF7A;
	s5 =	simm.s32 @!p2 $0x0  }
0x1d: {  	s5 =	simm.s32 @p1 $0x1;
	p0 =	seq.s32 s7, s2  }
0x1e: {  	s7 =	smul.u32 @!p0 $0xF7A, s2;
	p2 =	seq.s32 @!p0 s5, $0x0  }
0x1f: {  	s9 =	smul.u32 $0xF7A, s1;
	s8 =	simm.s32 @!p0 $0x1BF5;
	p2 =	por !p2, p0  }
0x20: {  	[sflag:s8] =	ssyncset.s32 @!p0 $0xFFFFF086;
	s6 =	sadd.s32 @!p0 s3, s7;
	s7 =	simm.s32 @!p0 $0x108  }
0x21: {  	s3 =	sadd.s32 s3, s9;
	s6 =	sadd.s32 @!p0 $0x88, s6;
	s7 =	simm.s32 @p2 $0x1082  }
0x22: {  	[simem:s7], [sflag:s8] =	dma.local @!p0 [hbm:s6], $0xF7A  }
0x23: {  	s9 =	sor.u32 $0xD0000000, s2;
	s6 =	simm.s32 $0x108;
	_ =	swait.ge @!p0 [sflag:s8], $0x0  }
0x24: {  	s3 =	sadd.s32 $0x88, s3;
	s6 =	simm.s32 @!p1 $0x1082;
	[sflag:s4] =	ssyncset.s32 $0xFFFFF086  }
0x25: {  	[simem:s6], [sflag:s4] =	dma.local [hbm:s3], $0xF7A  }
0x26: {  	[smem:$0x3F6C] =	sst s1;
	(tag) =	ssettag s2;
	_ =	strace s9  }
0x27: {  	s1 =	sld [smem:$0x3F7C]  }
0x28: {  	s2 =	sld [smem:$0x3F7D]  }
0x29: {  	s4 =	sld [smem:$0x3F7F]  }
0x2a: {  	p0 =	seq.s32 s5, $0x0;
	s5 =	sld [smem:$0x3F80]  }
0x2b: {  	s6 =	sld [smem:$0x3F81]  }
0x2c: {  	s7 =	sld [smem:$0x3F82]  }
0x2d: {  	s3 =	simm.s32 $0x108;
	s8 =	sld [smem:$0x3F83]  }
0x2e: {  	s3 =	simm.s32 @!p0 $0x1082;
	s9 =	sld [smem:$0x3F84]  }
0x2f: {  	lr =	sadd.s32 s0, s3;
	s0 =	sld [smem:$0x3F7B]  }
0x30: {  	s3 =	sld [smem:$0x3F7E]  }
0x31: {  	[smem:$0x3F87] =	sst s10  }
0x32: {  	s10 =	sld [smem:$0x3F85];
	_ =	sdelay $0x3  }
0x33: {  	p0 =	seq.s32 s10, $0x1;
	s10 =	sld [smem:$0x3F87];
	_ =	sdelay $0x3  }
0x34: {  	[smem:$0x3F87] =	sst s10  }
0x35: {  	s10 =	sld [smem:$0x3F86];
	_ =	sdelay $0x3  }
0x36: {  	p1 =	seq.s32 s10, $0x1;
	s10 =	sld [smem:$0x3F87];
	_ =	sdelay $0x3  }
0x37: {  	[smem:$0x3F87] =	sst s10  }
0x38: {  	s10 =	sld [smem:$0x3F88]  }
0x39: {  	_ = 	snop;
	(pc) =	sbr.ind lr, $3  }
0x3a: {  	_ = 	snop  }
0x3b: {  	_ = 	snop  }
0x3c: {  	p2 =	seq.s32 s10, $0x1;
	s10 =	sld [smem:$0x3F87]  }
0x3d: {  	_ =	shalt  }
0x3e: {  	_ =	shalt  }
0x3f: {  	_ =	shalt  }
0x40: {  	_ =	shalt  }
0x41: {  	_ =	shalt  }
0x42: {  	_ =	shalt  }
0x43: {  	_ =	shalt  }
0x44: {  	_ =	shalt  }
0x45: {  	_ =	shalt  }
0x46: {  	_ =	shalt  }
0x47: {  	_ =	shalt  }
0x48: {  	_ =	shalt  }
0x49: {  	_ =	shalt  }
0x4a: {  	_ =	shalt  }
0x4b: {  	_ =	shalt  }
0x4c: {  	_ =	shalt  }
0x4d: {  	_ =	shalt  }
0x4e: {  	_ =	shalt  }
0x4f: {  	_ =	shalt  }
0x50: {  	_ =	shalt  }
0x51: {  	_ =	shalt  }
0x52: {  	_ =	shalt  }
0x53: {  	_ =	shalt  }
0x54: {  	_ =	shalt  }
0x55: {  	_ =	shalt  }
0x56: {  	_ =	shalt  }
0x57: {  	_ =	shalt  }
0x58: {  	_ =	shalt  }
0x59: {  	_ =	shalt  }
0x5a: {  	_ =	shalt  }
0x5b: {  	_ =	shalt  }
0x5c: {  	_ =	shalt  }
0x5d: {  	_ =	shalt  }
0x5e: {  	_ =	shalt  }
0x5f: {  	_ =	shalt  }
0x60: {  	_ =	shalt  }
0x61: {  	_ =	shalt  }
0x62: {  	_ =	shalt  }
0x63: {  	_ =	shalt  }
0x64: {  	_ =	shalt  }
0x65: {  	_ =	shalt  }
0x66: {  	_ =	shalt  }
0x67: {  	_ =	shalt  }
0x68: {  	_ =	shalt  }
0x69: {  	_ =	shalt  }
0x6a: {  	_ =	shalt  }
0x6b: {  	_ =	shalt  }
0x6c: {  	_ =	shalt  }
0x6d: {  	_ =	shalt  }
0x6e: {  	_ =	shalt  }
0x6f: {  	_ =	shalt  }
0x70: {  	_ =	shalt  }
0x71: {  	_ =	shalt  }
0x72: {  	_ =	shalt  }
0x73: {  	_ =	shalt  }
0x74: {  	_ =	shalt  }
0x75: {  	_ =	shalt  }
0x76: {  	_ =	shalt  }
0x77: {  	_ =	shalt  }
0x78: {  	_ =	shalt  }
0x79: {  	_ =	shalt  }
0x7a: {  	_ =	shalt  }
0x7b: {  	_ =	shalt  }
0x7c: {  	_ =	shalt  }
0x7d: {  	_ =	shalt  }
0x7e: {  	_ =	shalt  }
0x7f: {  	_ =	shalt  }
0x80: {  	_ =	shalt  }
0x81: {  	_ =	shalt  }
0x82: {  	_ =	shalt  }
0x83: {  	_ =	shalt  }
0x84: {  	_ =	shalt  }
0x85: {  	_ =	shalt  }
0x86: {  	_ =	shalt  }
0x87: {  	_ =	shalt  }
.Lfunc_end0:
.L_simem_size_0:
called_computation_lowered:
.L_overlay_start_0:
0x88: {  	s2 =	sld [smem:$0x3FD9]  }
0x89: {  	s3 =	sld [smem:$0x3FFE];
	_ =	sdelay $0x1  }
0x8a: {  	s1 =	srdreg.scid  }
0x8b: {  	s0 =	sand.u32 $0x1, s1  }
0x8c: {  	s14 =	sshll.u32 s0, $0xA;
	s2 =	sadd.s32 s3, s2  }
0x8d: {  	s2 =	sadd.s32 s2, s14  }
0x8e: {  	[smem:$0x3F93] =	sst s2  }
0x8f: {  	_ = 	snop  }
0x90: {  	s2 =	sld [smem:$0x3FD0];
	_ =	sdelay $0x2  }
0x91: {  	s15 =	simm.s32 $0xA;
	s4 =	simm.s32 $0x10  }
0x92: {  	[smem:s4], [sflag:s15] =	dma.local [hbm:s2], $0x1  }
0x93: {  	_ =	swait.eq [sflag:s15], $0x1  }
0x94: {  	[sflag:s15] =	ssyncset.done $0x0  }
0x95: {  	[sflag:s15] =	ssyncadd.s32 $0xFFFFFFFF  }
0x96: {  	s16 =	sld [smem:$0x10];
	(tm) =	ssettm $0x1  }
0x97: {  	s17 =	sld [smem:$0x3FFB];
	_ =	sdelay $0x3  }
0x98: {  	_ =	strace s17  }
0x99: {  	s3 =	sld [smem:$0x3FFC];
	_ =	sdelay $0x3  }
0x9a: {  	_ =	strace s3  }
0x9b: {  	s3 =	sld [smem:$0x3FFD];
	_ =	sdelay $0x3  }
0x9c: {  	_ =	strace s3  }
0x9d: {  	_ =	strace $0x8FFFFFFF  }
0x9e: {  	s18 =	sld [smem:$0x3FDB];
	_ =	sdelay $0x1  }
0x9f: {  	s19 =	simm.s32 $_scs_section_size  }
0xa0: {  	s5 =	simm.s32 $_size__tile_overlayer_lowered;
	s6 =	simm.s32 $_tile_overlayer_lowered  }
0xa1: {  	s22 =	simm.s32 $0x1BFF;
	s21 =	sshll.u32 s6, $0x1;
	s3 =	sadd.s32 s19, s18  }
0xa2: {  	s7 =	simm.s32 $0x0;
	s20 =	sshll.u32 s5, $0x1;
	s5 =	sadd.s32 s21, s3  }
0xa3: {  	[timem:s7], [sflag:s22] =	dma.local [hbm:s5], s20  }
0xa4: {  	_ =	swait.ge [sflag:s22], s20  }
0xa5: {  	s4 =	ssub.s32 $0x0, s20;
	[sflag:s22] =	ssyncset.done $0x0  }
0xa6: {  	[sflag:s22] =	ssyncadd.s32 s4;
	_ =	sdelay $0x1  }
0xa7: {  	s23 =	simm.s32 $0x1B8B  }
0xa8: {  	_ =	swait.ge [sflag:s23], $0x1  }
0xa9: {  	[sflag:s23] =	ssyncset.done $0x0  }
0xaa: {  	s25 =	simm.s32 $0x1B8E;
	s24 =	sld [smem:$0x3FFE];
	[sflag:s23] =	ssyncadd.s32 $0xFFFFFFFF  }
0xab: {  	s26 =	simm.s32 $execute0_lowered;
	[smem:$0x3FD2] =	sst s25  }
0xac: {  	s5 =	sshll.u32 s26, $0x1;
	_ =	strace $0x80000046;
	[dreg:$0x1] =	wrdreg $0xFFFFFFFF  }
0xad: {  	s28 =	simm.s32 $_size_execute0_lowered;
	s3 =	sadd.s32 s3, s5;
	[dreg:$0x0] =	wrdreg $0x0  }
0xae: {  	s5 =	sshll.u32 s28, $0x1;
	[dreg:$0x2] =	wrdreg s3  }
0xaf: {  	[dreg:$0x3] =	wrdreg s5  }
0xb0: {  	[dreg:$0x4] =	wrdreg $0xC0  }
0xb1: {  	_ =	task [dreg:s7], $0x5FFFF  }
0xb2: {  	[dreg:$0x1] =	wrdreg $0xFFFFFFFF  }
0xb3: {  	[dreg:$0x0] =	wrdreg $0x60  }
0xb4: {  	[dreg:$0x2] =	wrdreg s16  }
0xb5: {  	[dreg:$0x3] =	wrdreg s24  }
0xb6: {  	[dreg:$0x4] =	wrdreg $0x79800  }
0xb7: {  	[dreg:$0x5] =	wrdreg $0x9  }
0xb8: {  	_ =	task.clear_ibuf [dreg:s7], $0x6FFFF;
	_ =	strace $0x90000046  }
0xb9: {  	s29 =	simm.s32 $0x9;
	_ =	strace $0x80000048  }
0xba: {  	_ =	swait.ge [sflag:s29], $0x1  }
0xbb: {  	[sflag:s29] =	ssyncadd.s32 $0xFFFFFFFF  }
0xbc: {  	_ =	strace $0x90000048  }
0xbd: {  	_ =	sfence  }
0xbe: {  	s30 =	sld [smem:$0x0];
	_ =	sdelay $0x2  }
0xbf: {  	s31 =	sshll.u32 s1, $0xD;
	s1 =	sshrl.u32 s1, $0x2  }
0xc0: {  	s3 =	sand.u32 $0x4000, s31;
	s1 =	sadd.s32 s1, s30  }
0xc1: {  	s0 =	sor.u32 s3, s0;
	s1 =	sshll.u32 s1, $0x11  }
0xc2: {  	s0 =	sor.u32 s1, s0  }
0xc3: {  	s0 =	sadd.s32 $0x8F2B, s0  }
0xc4: {  	[sflag:s0] =	ssyncadd.remote.s32 $0x1  }
0xc5: {  	_ =	sfence.sel $0xFFFF  }
0xc6: {  	[dreg:$0x0] =	wrdreg $0xFFFFFFFF;
	(pc) =	sbr.abs _section_cstart, $3  }
0xc7: {  	[dreg:$0x1] =	wrdreg $0xFFFFFFFF  }
0xc8: {  	_ =	task.clear_ibuf [dreg:s7], $0x2FFFF;
	_ =	strace $0x9FFFFFFF  }
0xc9: {  	(tm) =	ssettm $0x7FFFFFFF  }
tec
execute0_lowered:
.L_overlay_start_1:
0x0: {  	(tag) =	ssettag $0x1  }
0x1: {  	s1 =	rddreg [dreg:$0x0]  }
0x2: {  	s0 =	rddreg [dreg:$0x1]  }
0x3: {  	s2 =	rddreg [dreg:$0x2]  }
0x4: {  	s3 =	simm.s32 $0x0;
	s4 =	srdreg.scid;
	s14 =	stileid.u32  }
0x5: {  	v0 =	vimm.s32 $0xEFCDAB89;
	[smem:$0x7FF] =	sst s3;
	s5 =	sadd.s32 $0x43600, s0;
	s4 =	sand.u32 $0x1, s4  }
0x6: {  	v1 =	vimm.s32 $0x67452301;
	s6 =	sadd.s32 $0x6A800, s0;
	s7 =	sadd.s32 $0x12600, s0;
	s11 =	smul.u32 $0x50, s14  }
0x7: {  	v2 =	vimm.s32 $0xDCFE98BA;
	s8 =	sadd.s32 $0x8800, s0;
	s0 =	sadd.s32 $0x91A00, s0;
	s13 =	smul.u32 $0x50000, s14  }
0x8: {  	v3 =	vimm.s32 $0x54761032;
	s21 =	sshll.u32 s14, $0x1;
	s14 =	smul.u32 $0x280, s14;
	_ =	strace $0x80000047  }
0x9: {  	v4 =	vimm.s32 $0xBA98FEDC;
	v5 =	vimm.s32 $0x32107654;
	s9 =	ssub.s32 $0x2, s4;
	s12 =	smul.u32 $0x2D00, s4;
	s4 =	sor.u32 s4, s21  }
0xa: {  	v6 =	vimm.s32 $0xFEDCBA98;
	v7 =	vimm.s32 $0x76543210;
	vm0 =	vmmov $0x1;
	s10 =	sshrl.u32 s9, $0x1;
	s11 =	sor.u32 $0x2800, s11;
	s24 =	sshrl.u32 s13, $0x2  }
0xb: {  	vm1 =	vcmask $0x320;
	vm2 =	vcmask $0x720;
	vm3 =	vcmask $0xB20;
	s9 =	ssub.s32 s9, s10;
	s22 =	sshll.u32 s11, $0x7;
	s11 =	sadd.s32 s12, s11  }
0xc: {  	vm4 =	vcmask $0xF20;
	vm5 =	vcmask $0x1320;
	vm6 =	vcmask $0x1720;
	s25 =	sadd.s32 s14, s12;
	s12 =	sadd.s32 s24, s2;
	s14 =	smax.u32 s9, $0x1  }
0xd: {  	vm7 =	vcmask $0x1B20;
	v8 =	vimm.s32 $0x2;
	v9 =	vimm.s32 $0x3;
	s10 =	smul.u32 $0x2710, s4;
	s15 =	sadd.s32 $0xA000, s12;
	[dreg:$0x5] =	wrdreg s14  }
0xe: {  	v10 =	vimm.s32 $0x4;
	v11 =	vimm.s32 $0x5;
	v12 =	vimm.s32 $0x6;
	s23 =	sshll.u32 s11, $0x4;
	s17 =	sadd.s32 $0xC800, s12;
	[dreg:$0x6] =	wrdreg s15  }
0xf: {  	v13 =	vimm.s32 $0x8;
	v14 =	vimm.s32 $0x9;
	v15 =	vimm.s32 $0xA;
	s16 =	sshll.u32 s25, $0x4;
	s4 =	sadd.s32 s0, s23;
	[dreg:$0x7] =	wrdreg s17  }
0x10: {  	s30 =	simm.s32 $0x180;
	v16 =	vimm.s32 $0xB;
	v17 =	vimm.s32 $0xC;
	v18 =	vimm.s32 $0xD;
	s0 =	sadd.s32 s0, s16;
	[dreg:$0x4] =	wrdreg s4  }
0x11: {  	s31 =	simm.s32 $0x4;
	v19 =	vimm.s32 $0xE;
	v0 =	vunpack.c.l.s4.s8 v0;
	v1 =	vunpack.c.l.s4.s8 v1;
	s4 =	sadd.s32 $0x500, s0;
	[dreg:$0x8] =	wrdreg s0  }
0x12: {  	v2 =	vunpack.c.l.s4.s8 v2;
	v3 =	vunpack.c.l.s4.s8 v3;
	v4 =	vunpack.c.l.s4.s8 v4;
	s13 =	simm.s32 $0x1;
	s18 =	sadd.s32 $0xA00, s0;
	[dreg:$0x9] =	wrdreg s4  }
0x13: {  	v5 =	vunpack.c.l.s4.s8 v5;
	v6 =	vunpack.c.l.s4.s8 v6;
	v7 =	vunpack.c.l.s4.s8 v7;
	s20 =	sadd.s32 s22, s2;
	s22 =	sadd.s32 $0xF00, s0;
	[dreg:$0xa] =	wrdreg s18  }
0x14: {  	v0 =	vunpack.c.0.s8.s32 v0;
	v1 =	vunpack.c.0.s8.s32 v1;
	v2 =	vunpack.c.0.s8.s32 v2;
	s26 =	sadd.s32 $0x2800, s12;
	s23 =	sadd.s32 $0x1400, s0;
	[dreg:$0xb] =	wrdreg s22  }
0x15: {  	v3 =	vunpack.c.0.s8.s32 v3;
	v4 =	vunpack.c.0.s8.s32 v4;
	v5 =	vunpack.c.0.s8.s32 v5;
	s28 =	sadd.s32 $0x5000, s12;
	s24 =	sadd.s32 $0x1900, s0;
	[dreg:$0xc] =	wrdreg s23  }
0x16: {  	v20 =	vimm.s32 $0xF;
	v6 =	vunpack.c.0.s8.s32 v6;
	v1 =	vcombine.low v1, v0;
	s29 =	sadd.s32 $0x7800, s12;
	s25 =	sadd.s32 $0x1E00, s0;
	[dreg:$0xd] =	wrdreg s24  }
0x17: {  	v2 =	vcombine.low v3, v2;
	v3 =	vcombine.low v5, v4;
	v4 =	vunpack.c.0.s8.s32 v7;
	s19 =	sadd.s32 $0xF000, s12;
	s0 =	sadd.s32 $0x2300, s0;
	[dreg:$0xe] =	wrdreg s25  }
0x18: {  	v0 =	vimm.f32 $0.0e+00;
	v5 =	vand.u32 $0xF, v6;
	s21 =	sadd.s32 $0x11800, s12;
	v6 =	vimm.s32 $0x0;
	s11 =	simm.s32 $0x2980;
	[dreg:$0xf] =	wrdreg s0  }
0x19: {  	v7 =	vimm.s32 $0x1;
	v1 =	vand.u32 $0xF, v1;
	v2 =	vand.u32 $0xF, v2;
	s0 =	simm.s32 $0x80;
	s4 =	simm.s32 $0x50;
	s22 =	simm.s32 $0x2  }
0x1a: {  	v3 =	vand.u32 $0xF, v3;
	v4 =	vcombine.low v5, v4;
	v5 =	vimm.s32 $0x7;
	s23 =	simm.s32 $0x3;
	s24 =	simm.s32 $0x100;
	s25 =	simm.s32 $0x0  }
.LBB2_1:
0x1b: {  	s9 =	simm.s32 $0x0;
	s14 =	simm.s32 $0x200  }
.LBB2_2:
0x1c: {  	p0 =	sne.s32 s14, $0x9E00;
	[tilespmem:s9+$0x5180] =	vst v0  }
0x1d: {  	[tilespmem:s9+$0x180] =	vst v0  }
0x1e: {  	[tilespmem:s9+$0x190] =	vst v0  }
0x1f: {  	[tilespmem:s9+$0x1A0] =	vst v0  }
.Ltmp0:
0x20: {  	[tilespmem:s9+$0x1B0] =	vst v0;
	(pc) =	sbr.rel @p0 .LBB2_2-.Ltmp0, $4  }
0x21: {  	[tilespmem:s9+$0x1C0] =	vst v0  }
0x22: {  	[tilespmem:s9+$0x1D0] =	vst v0  }
0x23: {  	[tilespmem:s9+$0x1E0] =	vst v0  }
0x24: {  	[tilespmem:s9+$0x1F0] =	vst v0;
	s9 =	sshra.s32 s14, $0x2;
	s14 =	sadd.s32 $0x200, s14  }
0x25: {  	[tilespmem:s9+$0x5180] =	vst v0  }
0x26: {  	[tilespmem:s9+$0x180] =	vst v0  }
0x27: {  	[tilespmem:s9+$0x190] =	vst v0  }
0x28: {  	[tilespmem:s9+$0x1A0] =	vst v0  }
0x29: {  	[tilespmem:s9+$0x1B0] =	vst v0  }
0x2a: {  	[tilespmem:s9+$0x1C0] =	vst v0  }
0x2b: {  	[tilespmem:s9+$0x1D0] =	vst v0  }
0x2c: {  	[tilespmem:s9+$0x1E0] =	vst v0  }
0x2d: {  	[tilespmem:s9+$0x1F0] =	vst v0  }
0x2e: {  	[spmem:s12] =	stream.linear.scatter [tilespmem:s30], [sflag:$0x4], $0x2800, $0x38;
	[tilespmem:$0x1E180] =	vst v63  }
0x2f: {  	_ =	swait.ge [sflag:s31], $0x2800  }
0x30: {  	[sflag:s31] =	ssyncset.done $0x0  }
0x31: {  	[sflag:s31] =	ssyncadd.s32 $0xFFFFD800  }
0x32: {  	[spmem:s26] =	stream.linear.scatter [tilespmem:s30], [sflag:$0x4], $0x2800, $0x38;
	[tilespmem:$0x1E180] =	vst v63  }
0x33: {  	_ =	swait.ge [sflag:s31], $0x2800  }
0x34: {  	[sflag:s31] =	ssyncset.done $0x0  }
0x35: {  	[sflag:s31] =	ssyncadd.s32 $0xFFFFD800  }
0x36: {  	[spmem:s28] =	stream.linear.scatter [tilespmem:s30], [sflag:$0x4], $0x2800, $0x38;
	[tilespmem:$0x1E180] =	vst v63  }
0x37: {  	_ =	swait.ge [sflag:s31], $0x2800  }
0x38: {  	[sflag:s31] =	ssyncset.done $0x0  }
0x39: {  	[sflag:s31] =	ssyncadd.s32 $0xFFFFD800  }
0x3a: {  	[spmem:s29] =	stream.linear.scatter [tilespmem:s30], [sflag:$0x4], $0x2800, $0x38;
	[tilespmem:$0x1E180] =	vst v63  }
0x3b: {  	_ =	swait.ge [sflag:s31], $0x2800  }
0x3c: {  	[sflag:s31] =	ssyncset.done $0x0  }
0x3d: {  	s16 =	smov.u32 s26;
	s26 =	rddreg [dreg:$0x6];
	[sflag:s31] =	ssyncadd.s32 $0xFFFFD800  }
0x3e: {  	[spmem:s26] =	stream.linear.scatter [tilespmem:s30], [sflag:$0x4], $0x2800, $0x38;
	[tilespmem:$0x1E180] =	vst v63  }
0x3f: {  	_ =	swait.ge [sflag:s31], $0x2800  }
0x40: {  	[sflag:s31] =	ssyncset.done $0x0  }
0x41: {  	s18 =	smov.u32 s29;
	s29 =	rddreg [dreg:$0x7];
	[sflag:s31] =	ssyncadd.s32 $0xFFFFD800  }
0x42: {  	[spmem:s29] =	stream.linear.scatter [tilespmem:s30], [sflag:$0x4], $0x2800, $0x38;
	[tilespmem:$0x1E180] =	vst v63  }
0x43: {  	_ =	swait.ge [sflag:s31], $0x2800  }
0x44: {  	[sflag:s31] =	ssyncset.done $0x0  }
0x45: {  	[sflag:s31] =	ssyncadd.s32 $0xFFFFD800  }
0x46: {  	[spmem:s19] =	stream.linear.scatter [tilespmem:s30], [sflag:$0x4], $0x2800, $0x38;
	[tilespmem:$0x1E180] =	vst v63  }
0x47: {  	_ =	swait.ge [sflag:s31], $0x2800  }
0x48: {  	[sflag:s31] =	ssyncset.done $0x0  }
0x49: {  	[sflag:s31] =	ssyncadd.s32 $0xFFFFD800  }
0x4a: {  	[spmem:s21] =	stream.linear.scatter [tilespmem:s30], [sflag:$0x4], $0x2800, $0x38;
	[tilespmem:$0x1E180] =	vst v63  }
0x4b: {  	_ =	swait.ge [sflag:s31], $0x2800  }
0x4c: {  	[sflag:s31] =	ssyncset.done $0x0  }
0x4d: {  	[sflag:s31] =	ssyncadd.s32 $0xFFFFD800  }
0x4e: {  	[spmem:s20] =	stream.linear.scatter [tilespmem:s30], [sflag:$0x4], $0x2800, $0x38;
	[tilespmem:$0x1E180] =	vst v63  }
0x4f: {  	_ =	swait.ge [sflag:s31], $0x2800  }
0x50: {  	[sflag:s31] =	ssyncset.done $0x0  }
0x51: {  	s17 =	smov.u32 s28;
	s15 =	smov.u32 s20;
	[sflag:s31] =	ssyncadd.s32 $0xFFFFD800  }
0x52: {  	s28 =	simm.s32 $0x0;
	s26 =	simm.s32 $0x0;
	[bflag:$0x0] =	sbarrier.arrive $0xFFFF  }
.LBB2_4:
0x53: {  	s9 =	smul.u32 $0x50, s28;
	_ =	sdelay $0x1  }
0x54: {  	s9 =	sadd.s32 s10, s9  }
0x55: {  	s9 =	sshrl.u32 s9, $0x3  }
0x56: {  	s14 =	sadd.s32 s8, s9  }
0x57: {  	[tilespmem:s26], [sflag:$0x4] =	stream.linear.gather [hbm4b:s14+s26], $0x50, $0x38;
	[tilespmem:$0x1E180] =	vst v63  }
0x58: {  	_ =	swait.ge [sflag:s31], $0x50  }
0x59: {  	[sflag:s31] =	ssyncset.done $0x0  }
0x5a: {  	s9 =	sadd.s32 s7, s9;
	[sflag:s31] =	ssyncadd.s32 $0xFFFFFFB0  }
0x5b: {  	[tilespmem:s0], [sflag:$0x4] =	stream.linear.gather [hbm4b:s9+s26], $0x50, $0x38;
	[tilespmem:$0x1E180] =	vst v63  }
0x5c: {  	_ =	swait.ge [sflag:s31], $0x50  }
0x5d: {  	[sflag:s31] =	ssyncset.done $0x0  }
0x5e: {  	[sflag:s31] =	ssyncadd.s32 $0xFFFFFFB0  }
0x5f: {  	[tilespmem:s30], [sflag:$0x1] =	stream.indirect.gather [hbm4b:s1+s4], $0x80, s26, s4, $0xb8;
	[tilespmem:$0x1E180] =	vst v63  }
0x60: {  	_ = 	snop  }
0x61: {  	[tilespmem:s11], [sflag:$0x2] =	stream.indirect.gather [hbm4b:s5+s4], $0x80, s0, s4, $0xb8;
	[tilespmem:$0x1E180] =	vst v63  }
0x62: {  	v21 =	vld [tilespmem:$0x0]  }
0x63: {  	v22 =	vld [tilespmem:$0x10]  }
0x64: {  	v23 =	vld [tilespmem:$0x20]  }
0x65: {  	v24 =	vld [tilespmem:$0x30]  }
0x66: {  	v25 =	vld [tilespmem:$0x40]  }
0x67: {  	v21 =	vshrl.u32 v21, $0x3  }
0x68: {  	v22 =	vshrl.u32 v22, $0x3;
	v21 =	vadd.s32 $0x2800, v21  }
0x69: {  	[tilespmem:$0x100] =	vst v21;
	v21 =	vadd.s32 $0x2800, v22;
	v22 =	vshrl.u32 v23, $0x3  }
0x6a: {  	[tilespmem:$0x110] =	vst v21;
	v21 =	vadd.s32 $0x2800, v22;
	v22 =	vshrl.u32 v24, $0x3  }
0x6b: {  	[tilespmem:$0x120] =	vst v21;
	v21 =	vadd.s32 $0x2800, v22;
	v22 =	vshrl.u32 v25, $0x3  }
0x6c: {  	[tilespmem:$0x130] =	vst v21;
	v21 =	vadd.s32 $0x2800, v22  }
0x6d: {  	[tilespmem:$0x140] =	vst v21  }
0x6e: {  	_ =	swait.ge [sflag:s13], $0x2800  }
0x6f: {  	[sflag:s13] =	ssyncset.done $0x0  }
0x70: {  	[sflag:s13] =	ssyncadd.s32 $0xFFFFD800  }
0x71: {  	_ =	swait.ge [sflag:s22], $0x2800  }
0x72: {  	[sflag:s22] =	ssyncset.done $0x0  }
0x73: {  	s9 =	simm.s32 $0x0;
	[sflag:s22] =	ssyncadd.s32 $0xFFFFD800  }
0x74: {  	v21 =	vld [tilespmem:s9+$0x29C0]  }
0x75: {  	v22 =	vld [tilespmem:s9+$0x1C0];
	_ =	sdelay $0x1  }
0x76: {  	v23 =	vld [tilespmem:s9+$0x29F0]  }
0x77: {  	v24 =	vld [tilespmem:s9+$0x1F0];
	_ =	sdelay $0x1  }
0x78: {  	v21 =	vmul.f32 v21, v22;
	_ =	sdelay $0x1  }
0x79: {  	v25 =	vperm.xlane v21, v1  }
0x7a: {  	v26 =	vld [tilespmem:s9+$0x1B0];
	v23 =	vmul.f32 v23, v24  }
0x7b: {  	v22 =	vld [tilespmem:s9+$0x29B0];
	v21 =	vadd.f32 v25, v21  }
0x7c: {  	v27 =	vld [tilespmem:s9+$0x1E0];
	v25 =	vperm.xlane v23, v1  }
0x7d: {  	v24 =	vld [tilespmem:s9+$0x29E0];
	v28 =	vperm.xlane v21, v2  }
0x7e: {  	v23 =	vadd.f32 v25, v23;
	v25 =	vld [tilespmem:s9+$0x29D0]  }
0x7f: {  	v21 =	vadd.f32 v28, v21;
	v28 =	vld [tilespmem:s9+$0x1D0]  }
0x80: {  	v22 =	vmul.f32 v22, v26;
	v26 =	vperm.xlane v23, v2  }
0x81: {  	v29 =	vperm.xlane v21, v3  }
0x82: {  	v23 =	vadd.f32 v26, v23  }
0x83: {  	v24 =	vmul.f32 v24, v27;
	v26 =	vperm.xlane v22, v1;
	v21 =	vadd.f32 v29, v21  }
0x84: {  	v29 =	vperm.xlane v23, v3;
	v25 =	vmul.f32 v25, v28  }
0x85: {  	v27 =	vperm.xlane v24, v1;
	v22 =	vadd.f32 v26, v22;
	v26 =	vperm.xlane v21, v4  }
0x86: {  	v23 =	vadd.f32 v29, v23;
	v28 =	vperm.xlane v25, v1  }
0x87: {  	v24 =	vadd.f32 v27, v24;
	v27 =	vperm.xlane v22, v2;
	v29 =	vld [tilespmem:s9+$0x2980];
	v21 =	vadd.f32 v26, v21  }
0x88: {  	v26 =	vld [tilespmem:s9+$0x180];
	v25 =	vadd.f32 v28, v25;
	v28 =	vperm.xlane v23, v4  }
0x89: {  	v30 =	vperm.xlane v24, v2;
	v22 =	vadd.f32 v27, v22;
	v27 =	vld [tilespmem:s9+$0x2990];
	v21 =	vmul.f32 $1.442695020e+00, v21  }
0x8a: {  	v31 =	vperm.xlane v25, v2;
	v23 =	vadd.f32 v28, v23;
	v28 =	vld [tilespmem:s9+$0x190]  }
0x8b: {  	v24 =	vadd.f32 v30, v24;
	v30 =	vperm.xlane v22, v3;
	(erf) = vpow2.f32 v21;
	v21 =	vld [tilespmem:s9+$0x1A0]  }
0x8c: {  	v25 =	vadd.f32 v31, v25;
	v31 =	vld [tilespmem:s9+$0x29A0]  }
0x8d: {  	v22 =	vadd.f32 v30, v22;
	v23 =	vmul.f32 $1.442695020e+00, v23  }
0x8e: {  	v26 =	vmul.f32 v29, v26  }
0x8f: {  	(erf) = vpow2.f32 v23;
	v23 =	vperm.xlane v22, v4  }
0x90: {  	v27 =	vmul.f32 v27, v28  }
0x91: {  	v28 =	vperm.xlane v26, v1;
	v31 =	vmul.f32 v31, v21;
	v21 =	vadd.f32 v23, v22  }
0x92: {  	v32 =	vperm.xlane v24, v3  }
0x93: {  	v22 =	vadd.f32 v28, v26;
	v28 =	vmul.f32 $1.442695020e+00, v21  }
0x94: {  	v24 =	vadd.f32 v32, v24;
	v29 =	vperm.xlane v25, v3  }
0x95: {  	v21 =	vpop (erf);
	(erf) = vpow2.f32 v28  }
0x96: {  	v25 =	vadd.f32 v29, v25;
	v29 =	vperm.xlane v24, v4  }
0x97: {  	v30 =	vperm.xlane v27, v1  }
0x98: {  	v26 =	vperm.xlane v25, v4;
	v24 =	vadd.f32 v29, v24  }
0x99: {  	s14 =	simm.s32 $0x80;
	v29 =	vadd.f32 v30, v27;
	v27 =	vperm.xlane v31, v1  }
0x9a: {  	v23 =	vld [tilespmem:s14+$0x29F0];
	v30 =	vperm.xlane v22, v2;
	v25 =	vadd.f32 v26, v25;
	v63 =	vmul.f32 $1.442695020e+00, v24;
	[tilespmem:s9+$0x1C0] =	vst v21  }
0x9b: {  	v33 =	vperm.xlane v29, v2;
	v26 =	vadd.f32 v27, v31;
	v24 =	vld [tilespmem:s14+$0x29C0]  }
0x9c: {  	v28 =	vadd.f32 v30, v22;
	v27 =	vmul.f32 $1.442695020e+00, v25;
	(erf) = vpow2.f32 v63;
	v25 =	vld [tilespmem:s14+$0x1C0]  }
0x9d: {  	s20 =	simm.s32 $0x400;
	v29 =	vadd.f32 v33, v29;
	v30 =	vperm.xlane v26, v2;
	v22 =	vpop (erf)  }
.LBB2_5:
0x9e: {  	p0 =	sne.s32 s20, $0x9E00;
	v31 =	vld [tilespmem:s14+$0x29B0];
	v32 =	vperm.xlane v28, v3;
	[tilespmem:s9+$0x1F0] =	vst v22;
	v33 =	vpop (erf);
	s29 =	smov.u32 s20;
	s20 =	sadd.s32 $0x200, s20  }
0x9f: {  	v34 =	vld [tilespmem:s14+$0x1F0];
	v35 =	vperm.xlane v29, v3;
	v26 =	vadd.f32 v30, v26;
	[tilespmem:s9+$0x1B0] =	vst v33;
	(erf) = vpow2.f32 v27  }
0xa0: {  	v27 =	vld [tilespmem:s14+$0x1B0];
	v28 =	vadd.f32 v32, v28  }
0xa1: {  	v24 =	vmul.f32 v24, v25;
	v25 =	vadd.f32 v35, v29;
	v29 =	vperm.xlane v26, v3  }
0xa2: {  	v36 =	vperm.xlane v28, v4  }
0xa3: {  	v32 =	vperm.xlane v24, v1;
	v35 =	vperm.xlane v25, v4;
	v26 =	vadd.f32 v29, v26  }
0xa4: {  	v23 =	vmul.f32 v23, v34;
	v28 =	vadd.f32 v36, v28  }
0xa5: {  	v27 =	vmul.f32 v31, v27;
	v24 =	vadd.f32 v32, v24;
	v29 =	vperm.xlane v26, v4;
	v30 =	vpop (erf)  }
0xa6: {  	v25 =	vadd.f32 v35, v25;
	v31 =	vld [tilespmem:s14+$0x29E0];
	v32 =	vperm.xlane v23, v1;
	v37 =	vmul.f32 $1.442695020e+00, v28;
	[tilespmem:s9+$0x1E0] =	vst v30  }
0xa7: {  	v34 =	vperm.xlane v27, v1;
	v35 =	vperm.xlane v24, v2;
	v36 =	vld [tilespmem:s14+$0x1E0];
	v26 =	vadd.f32 v29, v26  }
0xa8: {  	v25 =	vmul.f32 $1.442695020e+00, v25;
	v23 =	vadd.f32 v32, v23;
	(erf) = vpow2.f32 v37;
	v28 =	vpop (erf)  }
0xa9: {  	v27 =	vadd.f32 v34, v27;
	v24 =	vadd.f32 v35, v24;
	v29 =	vld [tilespmem:s14+$0x29D0];
	v26 =	vmul.f32 $1.442695020e+00, v26;
	[tilespmem:s9+$0x1D0] =	vst v28  }
0xaa: {  	v32 =	vld [tilespmem:s14+$0x1D0];
	v34 =	vperm.xlane v23, v2;
	(erf) = vpow2.f32 v25  }
0xab: {  	v25 =	vperm.xlane v24, v3;
	(erf) = vpow2.f32 v26  }
0xac: {  	v26 =	vperm.xlane v27, v2;
	v31 =	vmul.f32 v31, v36;
	v23 =	vadd.f32 v34, v23  }
0xad: {  	v24 =	vadd.f32 v25, v24  }
0xae: {  	v25 =	vadd.f32 v26, v27;
	v26 =	vperm.xlane v31, v1;
	v35 =	vperm.xlane v23, v3  }
0xaf: {  	v34 =	vperm.xlane v24, v4;
	v29 =	vmul.f32 v29, v32  }
0xb0: {  	v32 =	vperm.xlane v25, v3  }
0xb1: {  	v23 =	vadd.f32 v35, v23;
	v24 =	vadd.f32 v34, v24;
	v36 =	vperm.xlane v29, v1;
	v27 =	vpop (erf)  }
0xb2: {  	v26 =	vadd.f32 v26, v31;
	v25 =	vadd.f32 v32, v25;
	[tilespmem:s9+$0x180] =	vst v27;
	v27 =	vnsel vm0, $0x0, v27  }
0xb3: {  	v32 =	vperm.xlane v23, v4;
	v31 =	vld [tilespmem:s14+$0x180];
	v24 =	vmul.f32 $1.442695020e+00, v24;
	v29 =	vadd.f32 v36, v29;
	v34 =	vpop (erf)  }
0xb4: {  	v37 =	vperm.xlane v26, v2;
	v36 =	vperm.xlane v25, v4;
	v35 =	vld [tilespmem:s14+$0x2980];
	v27 =	vsel vm1, v27, v34;
	v38 =	vpop (erf)  }
0xb5: {  	v23 =	vadd.f32 v32, v23;
	v39 =	vld [tilespmem:s14+$0x2990];
	v40 =	vperm.xlane v29, v2;
	[tilespmem:s9+$0x190] =	vst v34;
	v27 =	vsel vm2, v27, v38  }
0xb6: {  	v26 =	vadd.f32 v37, v26;
	v25 =	vadd.f32 v36, v25;
	v32 =	vld [tilespmem:s14+$0x190];
	(erf) = vpow2.f32 v24;
	[tilespmem:s9+$0x1A0] =	vst v38  }
0xb7: {  	v23 =	vmul.f32 $1.442695020e+00, v23;
	v27 =	vsel vm3, v27, v33;
	v24 =	vld [tilespmem:s14+$0x1A0];
	v29 =	vadd.f32 v40, v29  }
0xb8: {  	v34 =	vperm.xlane v26, v3;
	v25 =	vmul.f32 $1.442695020e+00, v25;
	v21 =	vsel vm4, v27, v21;
	v33 =	vld [tilespmem:s14+$0x29A0]  }
0xb9: {  	v21 =	vsel vm5, v21, v28;
	v27 =	vmul.f32 v35, v31;
	v31 =	vperm.xlane v29, v3  }
0xba: {  	v26 =	vadd.f32 v34, v26;
	v21 =	vsel vm6, v21, v30;
	(erf) = vpow2.f32 v23  }
0xbb: {  	v28 =	vmul.f32 v39, v32;
	v29 =	vadd.f32 v31, v29;
	(erf) = vpow2.f32 v25  }
0xbc: {  	v21 =	vsel vm7, v21, v22;
	v23 =	vperm.xlane v27, v1;
	v25 =	vperm.xlane v26, v4  }
0xbd: {  	v22 =	vperm.xlane v28, v1;
	v30 =	vmul.f32 v33, v24;
	[tilespmem:s9+$0x5180] =	vst v21;
	s9 =	smov.u32 s14  }
0xbe: {  	s14 =	sshra.s32 s29, $0x2;
	v27 =	vadd.f32 v23, v27;
	v24 =	vperm.xlane v29, v4;
	v25 =	vadd.f32 v25, v26  }
.Ltmp1:
0xbf: {  	v23 =	vld [tilespmem:s14+$0x29F0];
	v22 =	vadd.f32 v22, v28;
	v26 =	vperm.xlane v30, v1;
	v21 =	vpop (erf);
	(pc) =	sbr.rel @p0 .LBB2_5-.Ltmp1, $4  }
0xc0: {  	v28 =	vperm.xlane v27, v2;
	v29 =	vadd.f32 v24, v29;
	v31 =	vmul.f32 $1.442695020e+00, v25;
	[tilespmem:s9+$0x1C0] =	vst v21  }
0xc1: {  	v24 =	vld [tilespmem:s14+$0x29C0];
	v32 =	vperm.xlane v22, v2;
	v26 =	vadd.f32 v26, v30  }
0xc2: {  	v28 =	vadd.f32 v28, v27;
	v27 =	vmul.f32 $1.442695020e+00, v29;
	v25 =	vld [tilespmem:s14+$0x1C0];
	(erf) = vpow2.f32 v31  }
0xc3: {  	v29 =	vadd.f32 v32, v22;
	v30 =	vperm.xlane v26, v2;
	v22 =	vpop (erf)  }
0xc4: {  	v31 =	vperm.xlane v28, v3;
	_ =	sdelay $0x1  }
0xc5: {  	v28 =	vadd.f32 v31, v28;
	v31 =	vperm.xlane v29, v3  }
0xc6: {  	v26 =	vadd.f32 v30, v26  }
0xc7: {  	v30 =	vperm.xlane v28, v4;
	v29 =	vadd.f32 v31, v29  }
0xc8: {  	v31 =	vperm.xlane v26, v3  }
0xc9: {  	(erf) = vpow2.f32 v27;
	v28 =	vadd.f32 v30, v28;
	v27 =	vperm.xlane v29, v4  }
0xca: {  	v26 =	vadd.f32 v31, v26  }
0xcb: {  	v28 =	vmul.f32 $1.442695020e+00, v28;
	v27 =	vadd.f32 v27, v29  }
0xcc: {  	v24 =	vmul.f32 v24, v25;
	v31 =	vperm.xlane v26, v4  }
0xcd: {  	v30 =	vld [tilespmem:s14+$0x29B0];
	[tilespmem:s9+$0x1F0] =	vst v22;
	(erf) = vpow2.f32 v28;
	v27 =	vmul.f32 $1.442695020e+00, v27  }
0xce: {  	v29 =	vld [tilespmem:s14+$0x1F0];
	v26 =	vadd.f32 v31, v26  }
0xcf: {  	v28 =	vpop (erf);
	(erf) = vpow2.f32 v27;
	v27 =	vperm.xlane v24, v1  }
0xd0: {  	v26 =	vmul.f32 $1.442695020e+00, v26;
	[tilespmem:s9+$0x1B0] =	vst v28  }
0xd1: {  	v31 =	vld [tilespmem:s14+$0x1B0];
	v24 =	vadd.f32 v27, v24  }
0xd2: {  	(erf) = vpow2.f32 v26  }
0xd3: {  	v25 =	vpop (erf);
	v23 =	vmul.f32 v23, v29;
	v29 =	vperm.xlane v24, v2  }
0xd4: {  	v32 =	vld [tilespmem:s14+$0x29E0];
	[tilespmem:s9+$0x1E0] =	vst v25  }
0xd5: {  	v33 =	vld [tilespmem:s14+$0x1E0];
	v26 =	vpop (erf);
	v24 =	vadd.f32 v29, v24  }
0xd6: {  	v27 =	vld [tilespmem:s14+$0x29D0];
	[tilespmem:s9+$0x1D0] =	vst v26;
	v35 =	vpop (erf);
	v30 =	vmul.f32 v30, v31  }
0xd7: {  	v34 =	vld [tilespmem:s14+$0x1D0];
	v31 =	vperm.xlane v23, v1;
	[tilespmem:s9+$0x180] =	vst v35;
	v37 =	vperm.xlane v24, v3  }
0xd8: {  	v29 =	vld [tilespmem:s14+$0x180]  }
0xd9: {  	v23 =	vadd.f32 v31, v23;
	v31 =	vld [tilespmem:s14+$0x2980];
	v38 =	vpop (erf)  }
0xda: {  	v36 =	vperm.xlane v30, v1;
	v39 =	vld [tilespmem:s14+$0x2990];
	[tilespmem:s9+$0x190] =	vst v38;
	v24 =	vadd.f32 v37, v24  }
0xdb: {  	v32 =	vmul.f32 v32, v33;
	v60 =	vperm.xlane v23, v2;
	v40 =	vld [tilespmem:s14+$0x190];
	v37 =	vpop (erf)  }
0xdc: {  	v30 =	vadd.f32 v36, v30;
	v61 =	vperm.xlane v24, v4;
	[tilespmem:s9+$0x1A0] =	vst v37  }
0xdd: {  	v43 =	vperm.xlane v32, v1;
	v27 =	vmul.f32 v27, v34;
	v23 =	vadd.f32 v60, v23;
	v62 =	vld [tilespmem:s14+$0x1A0]  }
0xde: {  	v41 =	vperm.xlane v30, v2;
	v42 =	vld [tilespmem:s14+$0x29A0];
	v24 =	vadd.f32 v61, v24;
	v29 =	vmul.f32 v31, v29  }
0xdf: {  	v32 =	vadd.f32 v43, v32;
	v31 =	vperm.xlane v27, v1;
	v63 =	vperm.xlane v23, v3  }
0xe0: {  	v30 =	vadd.f32 v41, v30;
	v24 =	vmul.f32 $1.442695020e+00, v24;
	v45 =	vmul.f32 v39, v40  }
0xe1: {  	v47 =	vperm.xlane v29, v1;
	v27 =	vadd.f32 v31, v27;
	v31 =	vperm.xlane v32, v2  }
0xe2: {  	v23 =	vadd.f32 v63, v23;
	v44 =	vperm.xlane v30, v3;
	v40 =	vperm.xlane v45, v1  }
0xe3: {  	v29 =	vadd.f32 v47, v29;
	v50 =	vperm.xlane v27, v2;
	v36 =	vmul.f32 v42, v62  }
0xe4: {  	v31 =	vadd.f32 v31, v32;
	(erf) = vpow2.f32 v24;
	v46 =	vperm.xlane v23, v4  }
0xe5: {  	v30 =	vadd.f32 v44, v30;
	v33 =	vadd.f32 v40, v45;
	v48 =	vperm.xlane v36, v1  }
0xe6: {  	v51 =	vperm.xlane v29, v2;
	v27 =	vadd.f32 v50, v27;
	v53 =	vperm.xlane v31, v3  }
0xe7: {  	v23 =	vadd.f32 v46, v23;
	v52 =	vperm.xlane v33, v2;
	v34 =	vadd.f32 v48, v36  }
0xe8: {  	v49 =	vperm.xlane v30, v4;
	v29 =	vadd.f32 v51, v29;
	v24 =	vperm.xlane v27, v3  }
0xe9: {  	v31 =	vadd.f32 v53, v31;
	v33 =	vadd.f32 v52, v33;
	v54 =	vperm.xlane v34, v2  }
0xea: {  	v30 =	vadd.f32 v49, v30;
	v23 =	vmul.f32 $1.442695020e+00, v23;
	v55 =	vperm.xlane v29, v3  }
0xeb: {  	v24 =	vadd.f32 v24, v27;
	v27 =	vperm.xlane v33, v3;
	v32 =	vadd.f32 v54, v34  }
0xec: {  	v56 =	vperm.xlane v31, v4;
	v30 =	vmul.f32 $1.442695020e+00, v30;
	v29 =	vadd.f32 v55, v29  }
0xed: {  	v58 =	vperm.xlane v24, v4;
	v27 =	vadd.f32 v27, v33;
	v57 =	vperm.xlane v32, v3  }
0xee: {  	(erf) = vpow2.f32 v23;
	v31 =	vadd.f32 v56, v31;
	v59 =	vperm.xlane v29, v4  }
0xef: {  	v23 =	vadd.f32 v58, v24;
	v24 =	vperm.xlane v27, v4;
	v32 =	vadd.f32 v57, v32  }
0xf0: {  	(erf) = vpow2.f32 v30;
	v31 =	vmul.f32 $1.442695020e+00, v31;
	v29 =	vadd.f32 v59, v29  }
0xf1: {  	v23 =	vmul.f32 $1.442695020e+00, v23;
	v24 =	vadd.f32 v24, v27;
	v60 =	vperm.xlane v32, v4  }
0xf2: {  	(erf) = vpow2.f32 v31;
	v27 =	vmul.f32 $1.442695020e+00, v29  }
0xf3: {  	(erf) = vpow2.f32 v23;
	v23 =	vmul.f32 $1.442695020e+00, v24;
	v29 =	vadd.f32 v60, v32  }
0xf4: {  	(erf) = vpow2.f32 v27;
	v27 =	vnsel vm0, $0x0, v35  }
0xf5: {  	(erf) = vpow2.f32 v23;
	v23 =	vsel vm1, v27, v38;
	v24 =	vmul.f32 $1.442695020e+00, v29  }
0xf6: {  	v23 =	vsel vm2, v23, v37  }
0xf7: {  	v23 =	vsel vm3, v23, v28;
	(erf) = vpow2.f32 v24  }
0xf8: {  	v21 =	vsel vm4, v23, v21  }
0xf9: {  	v21 =	vsel vm5, v21, v26;
	v24 =	vpop (erf)  }
0xfa: {  	v21 =	vsel vm6, v21, v25;
	v27 =	vpop (erf)  }
0xfb: {  	v21 =	vsel vm7, v21, v22;
	v23 =	vpop (erf)  }
0xfc: {  	v26 =	vpop (erf)  }
0xfd: {  	v25 =	vpop (erf)  }
0xfe: {  	[tilespmem:s9+$0x5180] =	vst v21;
	v21 =	vpop (erf)  }
0xff: {  	[tilespmem:s14+$0x1C0] =	vst v24;
	v22 =	vnsel vm0, $0x0, v21;
	v28 =	vpop (erf)  }
0x100: {  	[tilespmem:s14+$0x1F0] =	vst v27;
	v22 =	vsel vm1, v22, v28;
	v29 =	vpop (erf)  }
0x101: {  	[tilespmem:s14+$0x1B0] =	vst v23;
	v22 =	vsel vm2, v22, v29  }
0x102: {  	[tilespmem:s14+$0x1E0] =	vst v26;
	v22 =	vsel vm3, v22, v23  }
0x103: {  	[tilespmem:s14+$0x1D0] =	vst v25;
	v22 =	vsel vm4, v22, v24  }
0x104: {  	[tilespmem:s14+$0x180] =	vst v21;
	v21 =	vsel vm5, v22, v25  }
0x105: {  	[tilespmem:s14+$0x190] =	vst v28;
	v21 =	vsel vm6, v21, v26  }
0x106: {  	[tilespmem:s14+$0x1A0] =	vst v29;
	v21 =	vsel vm7, v21, v27  }
0x107: {  	[tilespmem:s14+$0x5180] =	vst v21  }
0x108: {  	[tilespmem:s11], [sflag:$0x3] =	stream.indirect.gather [hbm4b:s6+s4], $0x80, s0, s4, $0xb8;
	[tilespmem:$0x1E180] =	vst v63  }
0x109: {  	_ =	swait.ge [sflag:s23], $0x2800  }
0x10a: {  	[sflag:s23] =	ssyncset.done $0x0  }
0x10b: {  	s9 =	simm.s32 $0x0;
	[sflag:s23] =	ssyncadd.s32 $0xFFFFD800  }
0x10c: {  	v28 =	vld [tilespmem:s9+$0x2980]  }
0x10d: {  	v61 =	vld [tilespmem:s9+$0x2990]  }
0x10e: {  	v26 =	vld [tilespmem:s9+$0x29A0]  }
0x10f: {  	v25 =	vld [tilespmem:s9+$0x29B0]  }
0x110: {  	v24 =	vld [tilespmem:s9+$0x29C0]  }
0x111: {  	v23 =	vld [tilespmem:s9+$0x29D0]  }
0x112: {  	v22 =	vld [tilespmem:s9+$0x29E0]  }
0x113: {  	v21 =	vld [tilespmem:s9+$0x29F0]  }
0x114: {  	v62 =	vld [tilespmem:s9+$0x180]  }
0x115: {  	v63 =	vld [tilespmem:s9+$0x190]  }
0x116: {  	v31 =	vld [tilespmem:s9+$0x1A0]  }
0x117: {  	v30 =	vld [tilespmem:s9+$0x1B0]  }
0x118: {  	v29 =	vld [tilespmem:s9+$0x1C0]  }
0x119: {  	v27 =	vld [tilespmem:s9+$0x1D0];
	v33 =	vmul.f32 v28, v62  }
0x11a: {  	s14 =	simm.s32 $0x200;
	v32 =	vmul.f32 v61, v63;
	v28 =	vld [tilespmem:s9+$0x1E0]  }
.LBB2_7:
0x11b: {  	s20 =	sshra.s32 s14, $0x2;
	p0 =	sne.s32 s14, $0x9E00;
	[tilespmem:s9+$0x180] =	vst v33;
	v26 =	vmul.f32 v26, v31;
	v31 =	vld [tilespmem:s9+$0x1F0]  }
0x11c: {  	v33 =	vld [tilespmem:s20+$0x2980];
	[tilespmem:s9+$0x190] =	vst v32;
	v25 =	vmul.f32 v25, v30  }
0x11d: {  	v32 =	vld [tilespmem:s20+$0x2990];
	[tilespmem:s9+$0x1A0] =	vst v26;
	v24 =	vmul.f32 v24, v29  }
0x11e: {  	v26 =	vld [tilespmem:s20+$0x29A0];
	[tilespmem:s9+$0x1B0] =	vst v25;
	v23 =	vmul.f32 v23, v27  }
0x11f: {  	v25 =	vld [tilespmem:s20+$0x29B0];
	[tilespmem:s9+$0x1C0] =	vst v24;
	v22 =	vmul.f32 v22, v28  }
0x120: {  	v24 =	vld [tilespmem:s20+$0x29C0];
	[tilespmem:s9+$0x1D0] =	vst v23;
	v21 =	vmul.f32 v21, v31  }
0x121: {  	v23 =	vld [tilespmem:s20+$0x29D0];
	[tilespmem:s9+$0x1E0] =	vst v22  }
0x122: {  	v22 =	vld [tilespmem:s20+$0x29E0];
	[tilespmem:s9+$0x1F0] =	vst v21;
	s9 =	smov.u32 s20  }
0x123: {  	v21 =	vld [tilespmem:s9+$0x29F0]  }
0x124: {  	v27 =	vld [tilespmem:s9+$0x180]  }
0x125: {  	v28 =	vld [tilespmem:s9+$0x190]  }
.Ltmp2:
0x126: {  	v31 =	vld [tilespmem:s9+$0x1A0];
	(pc) =	sbr.rel @p0 .LBB2_7-.Ltmp2, $4  }
0x127: {  	v30 =	vld [tilespmem:s9+$0x1B0]  }
0x128: {  	v29 =	vld [tilespmem:s9+$0x1C0]  }
0x129: {  	v33 =	vmul.f32 v33, v27;
	v27 =	vld [tilespmem:s9+$0x1D0]  }
0x12a: {  	s14 =	sadd.s32 $0x200, s14;
	v32 =	vmul.f32 v32, v28;
	v28 =	vld [tilespmem:s9+$0x1E0]  }
0x12b: {  	[tilespmem:s9+$0x180] =	vst v33;
	v26 =	vmul.f32 v26, v31;
	v63 =	vld [tilespmem:s9+$0x1F0]  }
0x12c: {  	[tilespmem:s9+$0x190] =	vst v32;
	v25 =	vmul.f32 v25, v30  }
0x12d: {  	[tilespmem:s9+$0x1A0] =	vst v26;
	v24 =	vmul.f32 v24, v29  }
0x12e: {  	[tilespmem:s9+$0x1B0] =	vst v25;
	v23 =	vmul.f32 v23, v27  }
0x12f: {  	[tilespmem:s9+$0x1C0] =	vst v24;
	v22 =	vmul.f32 v22, v28  }
0x130: {  	[tilespmem:s9+$0x1D0] =	vst v23;
	v21 =	vmul.f32 v21, v63  }
0x131: {  	[tilespmem:s9+$0x1E0] =	vst v22  }
0x132: {  	s29 =	simm.s32 $0x0;
	[tilespmem:s9+$0x1F0] =	vst v21  }
0x133: {  	[spmem:s2] =	stream.indirect.scatter.add.f32 [tilespmem:s30], [sflag:$0x4], $0x80, s29, s4, $0xb8;
	[tilespmem:$0x1E180] =	vst v63  }
0x134: {  	_ =	swait.ge [sflag:s31], $0x2800  }
0x135: {  	[sflag:s31] =	ssyncset.done $0x0  }
0x136: {  	[sflag:s31] =	ssyncadd.s32 $0xFFFFD800  }
0x137: {  	s20 =	simm.s32 $0x2000;
	s9 =	simm.s32 $0x0;
	v21 =	vld [tilespmem:s29+$0x0]  }
.LBB2_9:
0x138: {  	p0 =	sne.s32 s20, $0x8000;
	_ =	sdelay $0x2  }
0x139: {  	s14 =	sshra.s32 s29, $0x2;
	s29 =	smov.u32 s20  }
0x13a: {  	v28 =	vand.u32 $0x7, v21;
	v29 =	vld [tilespmem:s14+$0x5180]  }
0x13b: {  	vm8 =	veq.s32 v28, $0x0;
	vm9 =	veq.s32 v28, $0x1;
	vm10 =	veq.s32 v28, $0x2  }
0x13c: {  	v25 =	vsel vm8, $0x3F800000, v0;
	v24 =	vsel vm9, $0x3F800000, v0;
	v21 =	vsel vm10, $0x3F800000, v0  }
0x13d: {  	vm8 =	veq.s32 v28, $0x3;
	v26 =	vperm.xlane v25, v6;
	v27 =	vperm.xlane v24, v6  }
0x13e: {  	v22 =	vsel vm8, $0x3F800000, v0;
	vm8 =	veq.s32 v28, $0x4;
	v30 =	vperm.xlane v21, v6  }
0x13f: {  	v23 =	vsel vm8, $0x3F800000, v0;
	v31 =	vmul.f32 v26, v29;
	v32 =	vmul.f32 v27, v29  }
0x140: {  	vm8 =	veq.s32 v28, $0x5;
	v33 =	vperm.xlane v22, v6;
	v30 =	vmul.f32 v30, v29  }
0x141: {  	v26 =	vsel vm8, $0x3F800000, v0;
	vm8 =	veq.s32 v28, $0x6;
	[tilespmem:s14+$0x2980] =	vst v31;
	v31 =	vperm.xlane v23, v6;
	v34 =	vld [tilespmem:s14+$0x5200]  }
0x142: {  	v27 =	vsel vm8, $0x3F800000, v0;
	[tilespmem:s14+$0x2990] =	vst v32;
	v32 =	vmul.f32 v33, v29;
	v33 =	vperm.xlane v26, v6  }
0x143: {  	vm8 =	veq.s32 v28, $0x7;
	[tilespmem:s14+$0x29A0] =	vst v30;
	v30 =	vmul.f32 v31, v29;
	v31 =	vperm.xlane v27, v6  }
0x144: {  	v28 =	vsel vm8, $0x3F800000, v0;
	[tilespmem:s14+$0x29B0] =	vst v32;
	v32 =	vmul.f32 v33, v29;
	v33 =	vperm.xlane v25, v7  }
0x145: {  	[tilespmem:s14+$0x29C0] =	vst v30;
	v30 =	vmul.f32 v31, v29;
	v31 =	vperm.xlane v28, v6  }
0x146: {  	[tilespmem:s14+$0x29D0] =	vst v32;
	v32 =	vmul.f32 v33, v34;
	v33 =	vperm.xlane v24, v7  }
0x147: {  	[tilespmem:s14+$0x29E0] =	vst v30;
	v29 =	vmul.f32 v31, v29;
	v30 =	vperm.xlane v21, v7  }
0x148: {  	[tilespmem:s14+$0x2A00] =	vst v32;
	v31 =	vmul.f32 v33, v34;
	v32 =	vperm.xlane v22, v7  }
0x149: {  	[tilespmem:s14+$0x29F0] =	vst v29;
	v29 =	vmul.f32 v30, v34;
	v30 =	vperm.xlane v23, v7  }
0x14a: {  	[tilespmem:s14+$0x2A10] =	vst v31;
	v31 =	vmul.f32 v32, v34;
	v32 =	vperm.xlane v26, v7;
	v33 =	vld [tilespmem:s14+$0x5280]  }
0x14b: {  	[tilespmem:s14+$0x2A20] =	vst v29;
	v29 =	vmul.f32 v30, v34;
	v30 =	vperm.xlane v27, v7  }
0x14c: {  	[tilespmem:s14+$0x2A30] =	vst v31;
	v31 =	vmul.f32 v32, v34;
	v32 =	vperm.xlane v28, v7  }
0x14d: {  	[tilespmem:s14+$0x2A40] =	vst v29;
	v29 =	vmul.f32 v30, v34;
	v30 =	vperm.xlane v25, v8  }
0x14e: {  	[tilespmem:s14+$0x2A50] =	vst v31;
	v31 =	vmul.f32 v32, v34;
	v32 =	vperm.xlane v24, v8  }
0x14f: {  	[tilespmem:s14+$0x2A60] =	vst v29;
	v29 =	vmul.f32 v30, v33;
	v30 =	vperm.xlane v21, v8  }
0x150: {  	[tilespmem:s14+$0x2A70] =	vst v31;
	v31 =	vmul.f32 v32, v33;
	v32 =	vperm.xlane v22, v8  }
0x151: {  	[tilespmem:s14+$0x2A80] =	vst v29;
	v29 =	vmul.f32 v30, v33;
	v30 =	vperm.xlane v23, v8  }
0x152: {  	[tilespmem:s14+$0x2A90] =	vst v31;
	v31 =	vmul.f32 v32, v33;
	v32 =	vperm.xlane v26, v8;
	v34 =	vld [tilespmem:s14+$0x5300]  }
0x153: {  	[tilespmem:s14+$0x2AA0] =	vst v29;
	v29 =	vmul.f32 v30, v33;
	v30 =	vperm.xlane v27, v8  }
0x154: {  	[tilespmem:s14+$0x2AB0] =	vst v31;
	v31 =	vmul.f32 v32, v33;
	v32 =	vperm.xlane v28, v8  }
0x155: {  	[tilespmem:s14+$0x2AC0] =	vst v29;
	v29 =	vmul.f32 v30, v33;
	v30 =	vperm.xlane v25, v9  }
0x156: {  	[tilespmem:s14+$0x2AD0] =	vst v31;
	v31 =	vmul.f32 v32, v33;
	v32 =	vperm.xlane v24, v9  }
0x157: {  	[tilespmem:s14+$0x2AE0] =	vst v29;
	v29 =	vmul.f32 v30, v34;
	v30 =	vperm.xlane v21, v9  }
0x158: {  	[tilespmem:s14+$0x2AF0] =	vst v31;
	v31 =	vmul.f32 v32, v34;
	v32 =	vperm.xlane v22, v9  }
0x159: {  	[tilespmem:s14+$0x2B00] =	vst v29;
	v29 =	vmul.f32 v30, v34;
	v30 =	vperm.xlane v23, v9  }
0x15a: {  	[tilespmem:s14+$0x2B10] =	vst v31;
	v31 =	vmul.f32 v32, v34;
	v32 =	vperm.xlane v26, v9;
	v33 =	vld [tilespmem:s14+$0x5380]  }
0x15b: {  	[tilespmem:s14+$0x2B20] =	vst v29;
	v29 =	vmul.f32 v30, v34;
	v30 =	vperm.xlane v27, v9  }
0x15c: {  	[tilespmem:s14+$0x2B30] =	vst v31;
	v31 =	vmul.f32 v32, v34;
	v32 =	vperm.xlane v28, v9  }
0x15d: {  	[tilespmem:s14+$0x2B40] =	vst v29;
	v29 =	vmul.f32 v30, v34;
	v30 =	vperm.xlane v25, v10  }
0x15e: {  	[tilespmem:s14+$0x2B50] =	vst v31;
	v31 =	vmul.f32 v32, v34;
	v32 =	vperm.xlane v24, v10  }
0x15f: {  	[tilespmem:s14+$0x2B60] =	vst v29;
	v29 =	vmul.f32 v30, v33;
	v30 =	vperm.xlane v21, v10  }
0x160: {  	[tilespmem:s14+$0x2B70] =	vst v31;
	v31 =	vmul.f32 v32, v33;
	v32 =	vperm.xlane v22, v10  }
0x161: {  	[tilespmem:s14+$0x2B80] =	vst v29;
	v29 =	vmul.f32 v30, v33;
	v30 =	vperm.xlane v23, v10  }
0x162: {  	[tilespmem:s14+$0x2B90] =	vst v31;
	v31 =	vmul.f32 v32, v33;
	v32 =	vperm.xlane v26, v10;
	v34 =	vld [tilespmem:s14+$0x5400]  }
0x163: {  	[tilespmem:s14+$0x2BA0] =	vst v29;
	v29 =	vmul.f32 v30, v33;
	v30 =	vperm.xlane v27, v10  }
0x164: {  	[tilespmem:s14+$0x2BB0] =	vst v31;
	v31 =	vmul.f32 v32, v33;
	v32 =	vperm.xlane v28, v10  }
0x165: {  	[tilespmem:s14+$0x2BC0] =	vst v29;
	v29 =	vmul.f32 v30, v33;
	v30 =	vperm.xlane v25, v11  }
0x166: {  	[tilespmem:s14+$0x2BD0] =	vst v31;
	v31 =	vmul.f32 v32, v33;
	v32 =	vperm.xlane v24, v11  }
0x167: {  	[tilespmem:s14+$0x2BE0] =	vst v29;
	v29 =	vmul.f32 v30, v34;
	v30 =	vperm.xlane v21, v11  }
0x168: {  	[tilespmem:s14+$0x2BF0] =	vst v31;
	v31 =	vmul.f32 v32, v34;
	v32 =	vperm.xlane v22, v11  }
0x169: {  	[tilespmem:s14+$0x2C00] =	vst v29;
	v29 =	vmul.f32 v30, v34;
	v30 =	vperm.xlane v23, v11  }
0x16a: {  	[tilespmem:s14+$0x2C10] =	vst v31;
	v31 =	vmul.f32 v32, v34;
	v32 =	vperm.xlane v26, v11;
	v33 =	vld [tilespmem:s14+$0x5480]  }
0x16b: {  	[tilespmem:s14+$0x2C20] =	vst v29;
	v29 =	vmul.f32 v30, v34;
	v30 =	vperm.xlane v27, v11  }
0x16c: {  	[tilespmem:s14+$0x2C30] =	vst v31;
	v31 =	vmul.f32 v32, v34;
	v32 =	vperm.xlane v28, v11  }
0x16d: {  	[tilespmem:s14+$0x2C40] =	vst v29;
	v29 =	vmul.f32 v30, v34;
	v30 =	vperm.xlane v25, v12  }
0x16e: {  	[tilespmem:s14+$0x2C50] =	vst v31;
	v31 =	vmul.f32 v32, v34;
	v32 =	vperm.xlane v24, v12  }
0x16f: {  	[tilespmem:s14+$0x2C60] =	vst v29;
	v29 =	vmul.f32 v30, v33;
	v30 =	vperm.xlane v21, v12  }
0x170: {  	[tilespmem:s14+$0x2C70] =	vst v31;
	v31 =	vmul.f32 v32, v33;
	v32 =	vperm.xlane v22, v12  }
0x171: {  	[tilespmem:s14+$0x2C80] =	vst v29;
	v29 =	vmul.f32 v30, v33;
	v30 =	vperm.xlane v23, v12  }
0x172: {  	[tilespmem:s14+$0x2C90] =	vst v31;
	v31 =	vmul.f32 v32, v33;
	v32 =	vperm.xlane v26, v12;
	v34 =	vld [tilespmem:s14+$0x5500]  }
0x173: {  	[tilespmem:s14+$0x2CA0] =	vst v29;
	v29 =	vmul.f32 v30, v33;
	v30 =	vperm.xlane v27, v12  }
0x174: {  	[tilespmem:s14+$0x2CB0] =	vst v31;
	v31 =	vmul.f32 v32, v33;
	v32 =	vperm.xlane v28, v12  }
0x175: {  	[tilespmem:s14+$0x2CC0] =	vst v29;
	v29 =	vmul.f32 v30, v33;
	v30 =	vperm.xlane v25, v5  }
0x176: {  	[tilespmem:s14+$0x2CD0] =	vst v31;
	v31 =	vmul.f32 v32, v33;
	v32 =	vperm.xlane v24, v5  }
0x177: {  	[tilespmem:s14+$0x2CE0] =	vst v29;
	v29 =	vmul.f32 v30, v34;
	v30 =	vperm.xlane v21, v5  }
0x178: {  	[tilespmem:s14+$0x2CF0] =	vst v31;
	v31 =	vmul.f32 v32, v34;
	v32 =	vperm.xlane v22, v5  }
0x179: {  	[tilespmem:s14+$0x2D00] =	vst v29;
	v29 =	vmul.f32 v30, v34;
	v30 =	vperm.xlane v23, v5  }
0x17a: {  	[tilespmem:s14+$0x2D10] =	vst v31;
	v31 =	vmul.f32 v32, v34;
	v32 =	vperm.xlane v26, v5;
	v33 =	vld [tilespmem:s14+$0x5580]  }
0x17b: {  	[tilespmem:s14+$0x2D20] =	vst v29;
	v29 =	vmul.f32 v30, v34;
	v30 =	vperm.xlane v27, v5  }
0x17c: {  	[tilespmem:s14+$0x2D30] =	vst v31;
	v31 =	vmul.f32 v32, v34;
	v32 =	vperm.xlane v28, v5  }
0x17d: {  	[tilespmem:s14+$0x2D40] =	vst v29;
	v29 =	vmul.f32 v30, v34;
	v30 =	vperm.xlane v25, v13  }
0x17e: {  	[tilespmem:s14+$0x2D50] =	vst v31;
	v31 =	vmul.f32 v32, v34;
	v32 =	vperm.xlane v24, v13  }
0x17f: {  	[tilespmem:s14+$0x2D60] =	vst v29;
	v29 =	vmul.f32 v30, v33;
	v30 =	vperm.xlane v21, v13  }
0x180: {  	[tilespmem:s14+$0x2D70] =	vst v31;
	v31 =	vmul.f32 v32, v33;
	v32 =	vperm.xlane v22, v13  }
0x181: {  	[tilespmem:s14+$0x2D80] =	vst v29;
	v29 =	vmul.f32 v30, v33;
	v30 =	vperm.xlane v23, v13  }
0x182: {  	[tilespmem:s14+$0x2D90] =	vst v31;
	v31 =	vmul.f32 v32, v33;
	v32 =	vperm.xlane v26, v13;
	v34 =	vld [tilespmem:s14+$0x5600]  }
0x183: {  	[tilespmem:s14+$0x2DA0] =	vst v29;
	v29 =	vmul.f32 v30, v33;
	v30 =	vperm.xlane v27, v13  }
0x184: {  	[tilespmem:s14+$0x2DB0] =	vst v31;
	v31 =	vmul.f32 v32, v33;
	v32 =	vperm.xlane v28, v13  }
0x185: {  	[tilespmem:s14+$0x2DC0] =	vst v29;
	v29 =	vmul.f32 v30, v33;
	v30 =	vperm.xlane v25, v14  }
0x186: {  	[tilespmem:s14+$0x2DD0] =	vst v31;
	v31 =	vmul.f32 v32, v33;
	v32 =	vperm.xlane v24, v14  }
0x187: {  	[tilespmem:s14+$0x2DE0] =	vst v29;
	v29 =	vmul.f32 v30, v34;
	v30 =	vperm.xlane v21, v14  }
0x188: {  	[tilespmem:s14+$0x2DF0] =	vst v31;
	v31 =	vmul.f32 v32, v34;
	v32 =	vperm.xlane v22, v14  }
0x189: {  	[tilespmem:s14+$0x2E00] =	vst v29;
	v29 =	vmul.f32 v30, v34;
	v30 =	vperm.xlane v23, v14  }
0x18a: {  	[tilespmem:s14+$0x2E10] =	vst v31;
	v31 =	vmul.f32 v32, v34;
	v32 =	vperm.xlane v26, v14;
	v33 =	vld [tilespmem:s14+$0x5680]  }
0x18b: {  	[tilespmem:s14+$0x2E20] =	vst v29;
	v29 =	vmul.f32 v30, v34;
	v30 =	vperm.xlane v27, v14  }
0x18c: {  	[tilespmem:s14+$0x2E30] =	vst v31;
	v31 =	vmul.f32 v32, v34;
	v32 =	vperm.xlane v28, v14  }
0x18d: {  	[tilespmem:s14+$0x2E40] =	vst v29;
	v29 =	vmul.f32 v30, v34;
	v30 =	vperm.xlane v25, v15  }
0x18e: {  	[tilespmem:s14+$0x2E50] =	vst v31;
	v31 =	vmul.f32 v32, v34;
	v32 =	vperm.xlane v24, v15  }
0x18f: {  	[tilespmem:s14+$0x2E60] =	vst v29;
	v29 =	vmul.f32 v30, v33;
	v30 =	vperm.xlane v21, v15  }
0x190: {  	[tilespmem:s14+$0x2E70] =	vst v31;
	v31 =	vmul.f32 v32, v33;
	v32 =	vperm.xlane v22, v15  }
0x191: {  	[tilespmem:s14+$0x2E80] =	vst v29;
	v29 =	vmul.f32 v30, v33;
	v30 =	vperm.xlane v23, v15  }
0x192: {  	[tilespmem:s14+$0x2E90] =	vst v31;
	v31 =	vmul.f32 v32, v33;
	v32 =	vperm.xlane v26, v15;
	v34 =	vld [tilespmem:s14+$0x5700]  }
0x193: {  	[tilespmem:s14+$0x2EA0] =	vst v29;
	v29 =	vmul.f32 v30, v33;
	v30 =	vperm.xlane v27, v15  }
0x194: {  	[tilespmem:s14+$0x2EB0] =	vst v31;
	v31 =	vmul.f32 v32, v33;
	v32 =	vperm.xlane v28, v15  }
0x195: {  	[tilespmem:s14+$0x2EC0] =	vst v29;
	v29 =	vmul.f32 v30, v33;
	v30 =	vperm.xlane v25, v16  }
0x196: {  	[tilespmem:s14+$0x2ED0] =	vst v31;
	v31 =	vmul.f32 v32, v33;
	v32 =	vperm.xlane v24, v16  }
0x197: {  	[tilespmem:s14+$0x2EE0] =	vst v29;
	v29 =	vmul.f32 v30, v34;
	v30 =	vperm.xlane v21, v16  }
0x198: {  	[tilespmem:s14+$0x2EF0] =	vst v31;
	v31 =	vmul.f32 v32, v34;
	v32 =	vperm.xlane v22, v16  }
0x199: {  	[tilespmem:s14+$0x2F00] =	vst v29;
	v29 =	vmul.f32 v30, v34;
	v30 =	vperm.xlane v23, v16  }
0x19a: {  	[tilespmem:s14+$0x2F10] =	vst v31;
	v31 =	vmul.f32 v32, v34;
	v32 =	vperm.xlane v26, v16;
	v33 =	vld [tilespmem:s14+$0x5780]  }
0x19b: {  	[tilespmem:s14+$0x2F20] =	vst v29;
	v29 =	vmul.f32 v30, v34;
	v30 =	vperm.xlane v27, v16  }
0x19c: {  	[tilespmem:s14+$0x2F30] =	vst v31;
	v31 =	vmul.f32 v32, v34;
	v32 =	vperm.xlane v28, v16  }
0x19d: {  	[tilespmem:s14+$0x2F40] =	vst v29;
	v29 =	vmul.f32 v30, v34;
	v30 =	vperm.xlane v25, v17  }
0x19e: {  	[tilespmem:s14+$0x2F50] =	vst v31;
	v31 =	vmul.f32 v32, v34;
	v32 =	vperm.xlane v24, v17  }
0x19f: {  	[tilespmem:s14+$0x2F60] =	vst v29;
	v29 =	vmul.f32 v30, v33;
	v30 =	vperm.xlane v21, v17  }
0x1a0: {  	[tilespmem:s14+$0x2F70] =	vst v31;
	v31 =	vmul.f32 v32, v33;
	v32 =	vperm.xlane v22, v17  }
0x1a1: {  	[tilespmem:s14+$0x2F80] =	vst v29;
	v29 =	vmul.f32 v30, v33;
	v30 =	vperm.xlane v23, v17  }
0x1a2: {  	[tilespmem:s14+$0x2F90] =	vst v31;
	v31 =	vmul.f32 v32, v33;
	v32 =	vperm.xlane v26, v17;
	v34 =	vld [tilespmem:s14+$0x5800]  }
0x1a3: {  	[tilespmem:s14+$0x2FA0] =	vst v29;
	v29 =	vmul.f32 v30, v33;
	v30 =	vperm.xlane v27, v17  }
0x1a4: {  	[tilespmem:s14+$0x2FB0] =	vst v31;
	v31 =	vmul.f32 v32, v33;
	v32 =	vperm.xlane v28, v17  }
0x1a5: {  	[tilespmem:s14+$0x2FC0] =	vst v29;
	v29 =	vmul.f32 v30, v33;
	v30 =	vperm.xlane v25, v18  }
0x1a6: {  	[tilespmem:s14+$0x2FD0] =	vst v31;
	v31 =	vmul.f32 v32, v33;
	v32 =	vperm.xlane v24, v18  }
0x1a7: {  	[tilespmem:s14+$0x2FE0] =	vst v29;
	v29 =	vmul.f32 v30, v34;
	v30 =	vperm.xlane v21, v18  }
0x1a8: {  	[tilespmem:s14+$0x2FF0] =	vst v31;
	v31 =	vmul.f32 v32, v34;
	v32 =	vperm.xlane v22, v18  }
0x1a9: {  	[tilespmem:s14+$0x3000] =	vst v29;
	v29 =	vmul.f32 v30, v34;
	v30 =	vperm.xlane v23, v18  }
0x1aa: {  	[tilespmem:s14+$0x3010] =	vst v31;
	v31 =	vmul.f32 v32, v34;
	v32 =	vperm.xlane v26, v18;
	v33 =	vld [tilespmem:s14+$0x5880]  }
0x1ab: {  	[tilespmem:s14+$0x3020] =	vst v29;
	v29 =	vmul.f32 v30, v34;
	v30 =	vperm.xlane v27, v18  }
0x1ac: {  	[tilespmem:s14+$0x3030] =	vst v31;
	v31 =	vmul.f32 v32, v34;
	v32 =	vperm.xlane v28, v18  }
0x1ad: {  	[tilespmem:s14+$0x3040] =	vst v29;
	v29 =	vmul.f32 v30, v34;
	v30 =	vperm.xlane v25, v19  }
0x1ae: {  	[tilespmem:s14+$0x3050] =	vst v31;
	v31 =	vmul.f32 v32, v34;
	v32 =	vperm.xlane v24, v19  }
0x1af: {  	[tilespmem:s14+$0x3060] =	vst v29;
	v29 =	vmul.f32 v30, v33;
	v30 =	vperm.xlane v21, v19  }
0x1b0: {  	[tilespmem:s14+$0x3070] =	vst v31;
	v31 =	vmul.f32 v32, v33;
	v32 =	vperm.xlane v22, v19  }
0x1b1: {  	[tilespmem:s14+$0x3080] =	vst v29;
	v29 =	vmul.f32 v30, v33;
	v30 =	vperm.xlane v23, v19  }
0x1b2: {  	[tilespmem:s14+$0x3090] =	vst v31;
	v31 =	vmul.f32 v32, v33;
	v32 =	vperm.xlane v26, v19;
	v34 =	vld [tilespmem:s14+$0x5900]  }
0x1b3: {  	[tilespmem:s14+$0x30A0] =	vst v29;
	v29 =	vmul.f32 v30, v33;
	v30 =	vperm.xlane v27, v19  }
0x1b4: {  	[tilespmem:s14+$0x30B0] =	vst v31;
	v31 =	vmul.f32 v32, v33;
	v32 =	vperm.xlane v28, v19  }
0x1b5: {  	v25 =	vperm.xlane v25, v20;
	[tilespmem:s14+$0x30C0] =	vst v29;
	v29 =	vmul.f32 v30, v33  }
0x1b6: {  	v24 =	vperm.xlane v24, v20;
	[tilespmem:s14+$0x30D0] =	vst v31;
	v30 =	vmul.f32 v32, v33  }
0x1b7: {  	v21 =	vperm.xlane v21, v20;
	[tilespmem:s14+$0x30E0] =	vst v29;
	v25 =	vmul.f32 v25, v34  }
0x1b8: {  	v22 =	vperm.xlane v22, v20;
	v24 =	vmul.f32 v24, v34;
	[tilespmem:s14+$0x30F0] =	vst v30  }
0x1b9: {  	v23 =	vperm.xlane v23, v20;
	v21 =	vmul.f32 v21, v34;
	[tilespmem:s14+$0x3100] =	vst v25  }
0x1ba: {  	v22 =	vmul.f32 v22, v34;
	[tilespmem:s14+$0x3110] =	vst v24;
	v24 =	vperm.xlane v26, v20  }
0x1bb: {  	[tilespmem:s14+$0x3120] =	vst v21;
	v21 =	vmul.f32 v23, v34;
	v23 =	vperm.xlane v27, v20  }
0x1bc: {  	[tilespmem:s14+$0x3130] =	vst v22;
	v22 =	vmul.f32 v24, v34;
	v24 =	vperm.xlane v28, v20  }
.Ltmp3:
0x1bd: {  	[tilespmem:s14+$0x3140] =	vst v21;
	v21 =	vmul.f32 v23, v34;
	(pc) =	sbr.rel @p0 .LBB2_9-.Ltmp3, $4  }
0x1be: {  	[tilespmem:s14+$0x3150] =	vst v22;
	v22 =	vmul.f32 v24, v34  }
0x1bf: {  	[tilespmem:s14+$0x3160] =	vst v21  }
0x1c0: {  	s9 =	sadd.s32 $0x10, s9;
	[tilespmem:s14+$0x3170] =	vst v22  }
0x1c1: {  	s20 =	sadd.s32 $0x2000, s20;
	v21 =	vld [tilespmem:s9+$0x0]  }
0x1c2: {  	_ =	sdelay $0x2  }
0x1c3: {  	s9 =	sshra.s32 s29, $0x2  }
0x1c4: {  	v29 =	vld [tilespmem:s9+$0x5180];
	v28 =	vand.u32 $0x7, v21  }
0x1c5: {  	vm8 =	veq.s32 v28, $0x0  }
0x1c6: {  	vm9 =	veq.s32 v28, $0x1;
	v25 =	vsel vm8, $0x3F800000, v0  }
0x1c7: {  	v34 =	vld [tilespmem:s9+$0x5200];
	vm10 =	veq.s32 v28, $0x2;
	v24 =	vsel vm9, $0x3F800000, v0;
	v26 =	vperm.xlane v25, v6  }
0x1c8: {  	v21 =	vsel vm10, $0x3F800000, v0;
	v27 =	vperm.xlane v24, v6  }
0x1c9: {  	v30 =	vperm.xlane v21, v6;
	v31 =	vmul.f32 v26, v29  }
0x1ca: {  	v58 =	vld [tilespmem:s9+$0x5280];
	v46 =	vperm.xlane v25, v7;
	v32 =	vmul.f32 v27, v29  }
0x1cb: {  	v50 =	vperm.xlane v24, v7;
	v30 =	vmul.f32 v30, v29;
	[tilespmem:s9+$0x2980] =	vst v31  }
0x1cc: {  	vm8 =	veq.s32 v28, $0x3;
	v51 =	vperm.xlane v21, v7;
	v49 =	vmul.f32 v46, v34;
	[tilespmem:s9+$0x2990] =	vst v32  }
0x1cd: {  	v22 =	vsel vm8, $0x3F800000, v0;
	v36 =	vperm.xlane v25, v8;
	v52 =	vmul.f32 v50, v34;
	[tilespmem:s9+$0x29A0] =	vst v30  }
0x1ce: {  	vm8 =	veq.s32 v28, $0x4;
	v33 =	vperm.xlane v22, v6;
	v54 =	vmul.f32 v51, v34;
	[tilespmem:s9+$0x2A00] =	vst v49  }
0x1cf: {  	v23 =	vsel vm8, $0x3F800000, v0;
	v53 =	vperm.xlane v22, v7;
	v39 =	vmul.f32 v36, v58;
	[tilespmem:s9+$0x2A10] =	vst v52  }
0x1d0: {  	vm8 =	veq.s32 v28, $0x5;
	v40 =	vperm.xlane v23, v6;
	v41 =	vmul.f32 v33, v29;
	[tilespmem:s9+$0x2A20] =	vst v54  }
0x1d1: {  	v26 =	vsel vm8, $0x3F800000, v0;
	v55 =	vperm.xlane v23, v7;
	v56 =	vmul.f32 v53, v34;
	[tilespmem:s9+$0x2A80] =	vst v39  }
0x1d2: {  	v42 =	vperm.xlane v26, v6;
	v43 =	vmul.f32 v40, v29;
	[tilespmem:s9+$0x29B0] =	vst v41  }
0x1d3: {  	v57 =	vperm.xlane v26, v7;
	v59 =	vmul.f32 v55, v34;
	[tilespmem:s9+$0x2A30] =	vst v56  }
0x1d4: {  	v38 =	vperm.xlane v24, v8;
	vm8 =	veq.s32 v28, $0x6;
	v45 =	vmul.f32 v42, v29;
	[tilespmem:s9+$0x29C0] =	vst v43  }
0x1d5: {  	v27 =	vsel vm8, $0x3F800000, v0;
	v46 =	vperm.xlane v26, v8;
	v61 =	vmul.f32 v57, v34;
	[tilespmem:s9+$0x2A40] =	vst v59  }
0x1d6: {  	v44 =	vperm.xlane v27, v6;
	v41 =	vmul.f32 v38, v58;
	[tilespmem:s9+$0x29D0] =	vst v45  }
0x1d7: {  	v60 =	vperm.xlane v27, v7;
	v50 =	vmul.f32 v46, v58;
	[tilespmem:s9+$0x2A50] =	vst v61  }
0x1d8: {  	vm8 =	veq.s32 v28, $0x7;
	v40 =	vperm.xlane v21, v8;
	v47 =	vmul.f32 v44, v29;
	[tilespmem:s9+$0x2A90] =	vst v41  }
0x1d9: {  	v28 =	vsel vm8, $0x3F800000, v0;
	v49 =	vperm.xlane v27, v8;
	v63 =	vmul.f32 v60, v34;
	[tilespmem:s9+$0x2AD0] =	vst v50  }
0x1da: {  	v48 =	vperm.xlane v28, v6;
	v43 =	vmul.f32 v40, v58;
	[tilespmem:s9+$0x29E0] =	vst v47  }
0x1db: {  	v62 =	vperm.xlane v28, v7;
	v52 =	vmul.f32 v49, v58;
	[tilespmem:s9+$0x2A60] =	vst v63  }
0x1dc: {  	v36 =	vld [tilespmem:s9+$0x5380];
	v42 =	vperm.xlane v22, v8;
	v29 =	vmul.f32 v48, v29;
	[tilespmem:s9+$0x2AA0] =	vst v43  }
0x1dd: {  	v51 =	vperm.xlane v28, v8;
	v37 =	vmul.f32 v62, v34;
	[tilespmem:s9+$0x2AE0] =	vst v52  }
0x1de: {  	v44 =	vperm.xlane v23, v8;
	v45 =	vmul.f32 v42, v58;
	[tilespmem:s9+$0x29F0] =	vst v29  }
0x1df: {  	v46 =	vperm.xlane v21, v10;
	v54 =	vmul.f32 v51, v58;
	[tilespmem:s9+$0x2A70] =	vst v37  }
0x1e0: {  	v42 =	vperm.xlane v25, v10;
	v47 =	vld [tilespmem:s9+$0x5300];
	v48 =	vmul.f32 v44, v58;
	[tilespmem:s9+$0x2AB0] =	vst v45  }
0x1e1: {  	v49 =	vmul.f32 v46, v36;
	v50 =	vperm.xlane v23, v10;
	[tilespmem:s9+$0x2AF0] =	vst v54  }
0x1e2: {  	v45 =	vmul.f32 v42, v36;
	[tilespmem:s9+$0x2AC0] =	vst v48;
	v48 =	vperm.xlane v22, v10  }
0x1e3: {  	v53 =	vperm.xlane v25, v9;
	[tilespmem:s9+$0x2BA0] =	vst v49;
	v54 =	vmul.f32 v50, v36  }
0x1e4: {  	v55 =	vperm.xlane v24, v9;
	[tilespmem:s9+$0x2B80] =	vst v45;
	v51 =	vmul.f32 v48, v36  }
0x1e5: {  	v57 =	vperm.xlane v21, v9;
	[tilespmem:s9+$0x2BC0] =	vst v54;
	v56 =	vmul.f32 v53, v47  }
0x1e6: {  	v59 =	vperm.xlane v22, v9;
	v58 =	vmul.f32 v55, v47;
	[tilespmem:s9+$0x2BB0] =	vst v51  }
0x1e7: {  	v61 =	vperm.xlane v23, v9;
	v60 =	vmul.f32 v57, v47;
	[tilespmem:s9+$0x2B00] =	vst v56  }
0x1e8: {  	v63 =	vperm.xlane v26, v9;
	v62 =	vmul.f32 v59, v47;
	[tilespmem:s9+$0x2B10] =	vst v58  }
0x1e9: {  	v38 =	vperm.xlane v27, v9;
	v42 =	vld [tilespmem:s9+$0x5480];
	v37 =	vmul.f32 v61, v47;
	[tilespmem:s9+$0x2B20] =	vst v60  }
0x1ea: {  	v40 =	vperm.xlane v28, v9;
	v39 =	vmul.f32 v63, v47;
	[tilespmem:s9+$0x2B30] =	vst v62  }
0x1eb: {  	v44 =	vperm.xlane v24, v10;
	v41 =	vmul.f32 v38, v47;
	[tilespmem:s9+$0x2B40] =	vst v37  }
0x1ec: {  	v48 =	vperm.xlane v25, v12;
	v43 =	vmul.f32 v40, v47;
	[tilespmem:s9+$0x2B50] =	vst v39  }
0x1ed: {  	v52 =	vperm.xlane v26, v10;
	v47 =	vmul.f32 v44, v36;
	[tilespmem:s9+$0x2B60] =	vst v41  }
0x1ee: {  	v55 =	vperm.xlane v27, v10;
	v51 =	vmul.f32 v48, v42;
	[tilespmem:s9+$0x2B70] =	vst v43  }
0x1ef: {  	v53 =	vld [tilespmem:s9+$0x5400];
	v57 =	vperm.xlane v28, v10;
	[tilespmem:s9+$0x2B90] =	vst v47;
	v56 =	vmul.f32 v52, v36  }
0x1f0: {  	v54 =	vperm.xlane v22, v12;
	v58 =	vmul.f32 v55, v36;
	[tilespmem:s9+$0x2C80] =	vst v51  }
0x1f1: {  	v60 =	vmul.f32 v57, v36;
	v52 =	vperm.xlane v21, v12;
	[tilespmem:s9+$0x2BD0] =	vst v56  }
0x1f2: {  	v59 =	vperm.xlane v25, v11;
	v57 =	vmul.f32 v54, v42;
	[tilespmem:s9+$0x2BE0] =	vst v58  }
0x1f3: {  	v61 =	vperm.xlane v24, v11;
	[tilespmem:s9+$0x2BF0] =	vst v60;
	v55 =	vmul.f32 v52, v42  }
0x1f4: {  	v63 =	vperm.xlane v21, v11;
	[tilespmem:s9+$0x2CB0] =	vst v57;
	v62 =	vmul.f32 v59, v53  }
0x1f5: {  	v37 =	vperm.xlane v22, v11;
	v36 =	vmul.f32 v61, v53;
	[tilespmem:s9+$0x2CA0] =	vst v55  }
0x1f6: {  	v39 =	vperm.xlane v23, v11;
	v38 =	vmul.f32 v63, v53;
	[tilespmem:s9+$0x2C00] =	vst v62  }
0x1f7: {  	v41 =	vperm.xlane v26, v11;
	v40 =	vmul.f32 v37, v53;
	[tilespmem:s9+$0x2C10] =	vst v36  }
0x1f8: {  	v44 =	vperm.xlane v27, v11;
	v43 =	vmul.f32 v39, v53;
	[tilespmem:s9+$0x2C20] =	vst v38  }
0x1f9: {  	v46 =	vperm.xlane v28, v11;
	v48 =	vld [tilespmem:s9+$0x5580];
	v45 =	vmul.f32 v41, v53;
	[tilespmem:s9+$0x2C30] =	vst v40  }
0x1fa: {  	v50 =	vperm.xlane v24, v12;
	v47 =	vmul.f32 v44, v53;
	[tilespmem:s9+$0x2C40] =	vst v43  }
0x1fb: {  	v56 =	vperm.xlane v23, v12;
	v49 =	vmul.f32 v46, v53;
	[tilespmem:s9+$0x2C50] =	vst v45  }
0x1fc: {  	v54 =	vperm.xlane v25, v13;
	v53 =	vmul.f32 v50, v42;
	[tilespmem:s9+$0x2C60] =	vst v47  }
0x1fd: {  	v58 =	vperm.xlane v26, v12;
	v60 =	vmul.f32 v56, v42;
	[tilespmem:s9+$0x2C70] =	vst v49  }
0x1fe: {  	v59 =	vld [tilespmem:s9+$0x5500];
	v61 =	vperm.xlane v27, v12;
	v57 =	vmul.f32 v54, v48;
	[tilespmem:s9+$0x2C90] =	vst v53  }
0x1ff: {  	v63 =	vperm.xlane v28, v12;
	v62 =	vmul.f32 v58, v42;
	[tilespmem:s9+$0x2CC0] =	vst v60  }
0x200: {  	v36 =	vmul.f32 v61, v42;
	v58 =	vperm.xlane v21, v13;
	[tilespmem:s9+$0x2D80] =	vst v57  }
0x201: {  	v37 =	vperm.xlane v25, v5;
	v38 =	vmul.f32 v63, v42;
	[tilespmem:s9+$0x2CD0] =	vst v62  }
0x202: {  	v39 =	vperm.xlane v24, v5;
	[tilespmem:s9+$0x2CE0] =	vst v36;
	v61 =	vmul.f32 v58, v48  }
0x203: {  	v41 =	vperm.xlane v21, v5;
	[tilespmem:s9+$0x2CF0] =	vst v38;
	v40 =	vmul.f32 v37, v59  }
0x204: {  	v43 =	vperm.xlane v22, v5;
	v42 =	vmul.f32 v39, v59;
	[tilespmem:s9+$0x2DA0] =	vst v61  }
0x205: {  	v45 =	vperm.xlane v23, v5;
	v44 =	vmul.f32 v41, v59;
	[tilespmem:s9+$0x2D00] =	vst v40  }
0x206: {  	v47 =	vperm.xlane v26, v5;
	v46 =	vmul.f32 v43, v59;
	[tilespmem:s9+$0x2D10] =	vst v42  }
0x207: {  	v50 =	vperm.xlane v27, v5;
	v49 =	vmul.f32 v45, v59;
	[tilespmem:s9+$0x2D20] =	vst v44  }
0x208: {  	v52 =	vperm.xlane v28, v5;
	v51 =	vmul.f32 v47, v59;
	[tilespmem:s9+$0x2D30] =	vst v46  }
0x209: {  	v56 =	vperm.xlane v24, v13;
	v53 =	vmul.f32 v50, v59;
	[tilespmem:s9+$0x2D40] =	vst v49  }
0x20a: {  	v60 =	vperm.xlane v22, v13;
	v55 =	vmul.f32 v52, v59;
	[tilespmem:s9+$0x2D50] =	vst v51  }
0x20b: {  	v62 =	vperm.xlane v23, v13;
	v59 =	vmul.f32 v56, v48;
	[tilespmem:s9+$0x2D60] =	vst v53  }
0x20c: {  	v54 =	vld [tilespmem:s9+$0x5680];
	v36 =	vperm.xlane v26, v13;
	v63 =	vmul.f32 v60, v48;
	[tilespmem:s9+$0x2D70] =	vst v55  }
0x20d: {  	v39 =	vperm.xlane v27, v13;
	v38 =	vmul.f32 v62, v48;
	[tilespmem:s9+$0x2D90] =	vst v59  }
0x20e: {  	v37 =	vld [tilespmem:s9+$0x5600];
	v41 =	vperm.xlane v28, v13;
	[tilespmem:s9+$0x2DB0] =	vst v63;
	v40 =	vmul.f32 v36, v48  }
0x20f: {  	v60 =	vperm.xlane v25, v15;
	v42 =	vmul.f32 v39, v48;
	[tilespmem:s9+$0x2DC0] =	vst v38  }
0x210: {  	v44 =	vmul.f32 v41, v48;
	v36 =	vperm.xlane v21, v15;
	[tilespmem:s9+$0x2DD0] =	vst v40  }
0x211: {  	v43 =	vperm.xlane v25, v14;
	v63 =	vmul.f32 v60, v54;
	[tilespmem:s9+$0x2DE0] =	vst v42  }
0x212: {  	v45 =	vperm.xlane v24, v14;
	[tilespmem:s9+$0x2DF0] =	vst v44;
	v39 =	vmul.f32 v36, v54  }
0x213: {  	v47 =	vperm.xlane v21, v14;
	[tilespmem:s9+$0x2E80] =	vst v63;
	v46 =	vmul.f32 v43, v37  }
0x214: {  	v49 =	vperm.xlane v22, v14;
	v48 =	vmul.f32 v45, v37;
	[tilespmem:s9+$0x2EA0] =	vst v39  }
0x215: {  	v51 =	vperm.xlane v23, v14;
	v50 =	vmul.f32 v47, v37;
	[tilespmem:s9+$0x2E00] =	vst v46  }
0x216: {  	v53 =	vperm.xlane v26, v14;
	v52 =	vmul.f32 v49, v37;
	[tilespmem:s9+$0x2E10] =	vst v48  }
0x217: {  	v56 =	vperm.xlane v27, v14;
	v55 =	vmul.f32 v51, v37;
	[tilespmem:s9+$0x2E20] =	vst v50  }
0x218: {  	v58 =	vperm.xlane v28, v14;
	v57 =	vmul.f32 v53, v37;
	[tilespmem:s9+$0x2E30] =	vst v52  }
0x219: {  	v62 =	vperm.xlane v24, v15;
	v59 =	vmul.f32 v56, v37;
	[tilespmem:s9+$0x2E40] =	vst v55  }
0x21a: {  	v38 =	vperm.xlane v22, v15;
	v61 =	vmul.f32 v58, v37;
	[tilespmem:s9+$0x2E50] =	vst v57  }
0x21b: {  	v40 =	vperm.xlane v23, v15;
	v37 =	vmul.f32 v62, v54;
	[tilespmem:s9+$0x2E60] =	vst v59  }
0x21c: {  	v60 =	vld [tilespmem:s9+$0x5780];
	v42 =	vperm.xlane v26, v15;
	v41 =	vmul.f32 v38, v54;
	[tilespmem:s9+$0x2E70] =	vst v61  }
0x21d: {  	v45 =	vperm.xlane v27, v15;
	v44 =	vmul.f32 v40, v54;
	[tilespmem:s9+$0x2E90] =	vst v37  }
0x21e: {  	v43 =	vld [tilespmem:s9+$0x5700];
	v47 =	vperm.xlane v28, v15;
	[tilespmem:s9+$0x2EB0] =	vst v41;
	v46 =	vmul.f32 v42, v54  }
0x21f: {  	v38 =	vperm.xlane v25, v17;
	v48 =	vmul.f32 v45, v54;
	[tilespmem:s9+$0x2EC0] =	vst v44  }
0x220: {  	v50 =	vmul.f32 v47, v54;
	v42 =	vperm.xlane v21, v17;
	[tilespmem:s9+$0x2ED0] =	vst v46  }
0x221: {  	v49 =	vperm.xlane v25, v16;
	v41 =	vmul.f32 v38, v60;
	[tilespmem:s9+$0x2EE0] =	vst v48  }
0x222: {  	v51 =	vperm.xlane v24, v16;
	[tilespmem:s9+$0x2EF0] =	vst v50;
	v45 =	vmul.f32 v42, v60  }
0x223: {  	v53 =	vperm.xlane v21, v16;
	[tilespmem:s9+$0x2F80] =	vst v41;
	v52 =	vmul.f32 v49, v43  }
0x224: {  	v55 =	vperm.xlane v22, v16;
	v54 =	vmul.f32 v51, v43;
	[tilespmem:s9+$0x2FA0] =	vst v45  }
0x225: {  	v57 =	vperm.xlane v23, v16;
	v56 =	vmul.f32 v53, v43;
	[tilespmem:s9+$0x2F00] =	vst v52  }
0x226: {  	v59 =	vperm.xlane v26, v16;
	v58 =	vmul.f32 v55, v43;
	[tilespmem:s9+$0x2F10] =	vst v54  }
0x227: {  	v62 =	vperm.xlane v27, v16;
	v61 =	vmul.f32 v57, v43;
	[tilespmem:s9+$0x2F20] =	vst v56  }
0x228: {  	v36 =	vperm.xlane v28, v16;
	v63 =	vmul.f32 v59, v43;
	[tilespmem:s9+$0x2F30] =	vst v58  }
0x229: {  	v40 =	vperm.xlane v24, v17;
	v37 =	vmul.f32 v62, v43;
	[tilespmem:s9+$0x2F40] =	vst v61  }
0x22a: {  	v44 =	vperm.xlane v22, v17;
	v39 =	vmul.f32 v36, v43;
	[tilespmem:s9+$0x2F50] =	vst v63  }
0x22b: {  	v46 =	vperm.xlane v23, v17;
	v43 =	vmul.f32 v40, v60;
	[tilespmem:s9+$0x2F60] =	vst v37  }
0x22c: {  	v38 =	vld [tilespmem:s9+$0x5880];
	v48 =	vperm.xlane v26, v17;
	v47 =	vmul.f32 v44, v60;
	[tilespmem:s9+$0x2F70] =	vst v39  }
0x22d: {  	v51 =	vperm.xlane v27, v17;
	v50 =	vmul.f32 v46, v60;
	[tilespmem:s9+$0x2F90] =	vst v43  }
0x22e: {  	v49 =	vld [tilespmem:s9+$0x5800];
	v53 =	vperm.xlane v28, v17;
	[tilespmem:s9+$0x2FB0] =	vst v47;
	v52 =	vmul.f32 v48, v60  }
0x22f: {  	v44 =	vperm.xlane v25, v19;
	v54 =	vmul.f32 v51, v60;
	[tilespmem:s9+$0x2FC0] =	vst v50  }
0x230: {  	v56 =	vmul.f32 v53, v60;
	v48 =	vperm.xlane v21, v19;
	[tilespmem:s9+$0x2FD0] =	vst v52  }
0x231: {  	v55 =	vperm.xlane v25, v18;
	v47 =	vmul.f32 v44, v38;
	[tilespmem:s9+$0x2FE0] =	vst v54  }
0x232: {  	v57 =	vperm.xlane v24, v18;
	[tilespmem:s9+$0x2FF0] =	vst v56;
	v51 =	vmul.f32 v48, v38  }
0x233: {  	v59 =	vperm.xlane v21, v18;
	[tilespmem:s9+$0x3080] =	vst v47;
	v58 =	vmul.f32 v55, v49  }
0x234: {  	v61 =	vperm.xlane v22, v18;
	v60 =	vmul.f32 v57, v49;
	[tilespmem:s9+$0x30A0] =	vst v51  }
0x235: {  	v63 =	vperm.xlane v23, v18;
	v62 =	vmul.f32 v59, v49;
	[tilespmem:s9+$0x3000] =	vst v58  }
0x236: {  	v37 =	vperm.xlane v26, v18;
	v36 =	vmul.f32 v61, v49;
	[tilespmem:s9+$0x3010] =	vst v60  }
0x237: {  	v40 =	vperm.xlane v27, v18;
	v39 =	vmul.f32 v63, v49;
	[tilespmem:s9+$0x3020] =	vst v62  }
0x238: {  	v42 =	vperm.xlane v28, v18;
	v41 =	vmul.f32 v37, v49;
	[tilespmem:s9+$0x3030] =	vst v36  }
0x239: {  	v46 =	vperm.xlane v24, v19;
	v43 =	vmul.f32 v40, v49;
	[tilespmem:s9+$0x3040] =	vst v39  }
0x23a: {  	v50 =	vperm.xlane v22, v19;
	v45 =	vmul.f32 v42, v49;
	[tilespmem:s9+$0x3050] =	vst v41  }
0x23b: {  	v52 =	vperm.xlane v23, v19;
	v49 =	vmul.f32 v46, v38;
	[tilespmem:s9+$0x3060] =	vst v43  }
0x23c: {  	v54 =	vperm.xlane v26, v19;
	v53 =	vmul.f32 v50, v38;
	v55 =	vld [tilespmem:s9+$0x5900];
	[tilespmem:s9+$0x3070] =	vst v45  }
0x23d: {  	v57 =	vperm.xlane v27, v19;
	v56 =	vmul.f32 v52, v38;
	[tilespmem:s9+$0x3090] =	vst v49  }
0x23e: {  	v59 =	vperm.xlane v28, v19;
	[tilespmem:s9+$0x30B0] =	vst v53;
	v58 =	vmul.f32 v54, v38  }
0x23f: {  	v25 =	vperm.xlane v25, v20;
	v60 =	vmul.f32 v57, v38;
	[tilespmem:s9+$0x30C0] =	vst v56  }
0x240: {  	v24 =	vperm.xlane v24, v20;
	v61 =	vmul.f32 v59, v38;
	[tilespmem:s9+$0x30D0] =	vst v58  }
0x241: {  	v21 =	vperm.xlane v21, v20;
	[tilespmem:s9+$0x30E0] =	vst v60;
	v25 =	vmul.f32 v25, v55  }
0x242: {  	v22 =	vperm.xlane v22, v20;
	[tilespmem:s9+$0x30F0] =	vst v61;
	v24 =	vmul.f32 v24, v55  }
0x243: {  	v23 =	vperm.xlane v23, v20;
	v21 =	vmul.f32 v21, v55;
	[tilespmem:s9+$0x3100] =	vst v25  }
0x244: {  	v62 =	vperm.xlane v26, v20;
	v22 =	vmul.f32 v22, v55;
	[tilespmem:s9+$0x3110] =	vst v24  }
0x245: {  	[tilespmem:s9+$0x3120] =	vst v21;
	v21 =	vmul.f32 v23, v55;
	v23 =	vperm.xlane v27, v20  }
0x246: {  	v63 =	vperm.xlane v28, v20;
	[tilespmem:s9+$0x3130] =	vst v22;
	v22 =	vmul.f32 v62, v55  }
0x247: {  	[tilespmem:s9+$0x3140] =	vst v21;
	v21 =	vmul.f32 v23, v55  }
0x248: {  	s28 =	sadd.s32 $0x1, s28;
	[tilespmem:s9+$0x3150] =	vst v22;
	v22 =	vmul.f32 v63, v55  }
0x249: {  	p0 =	sne.s32 s28, $0x7D;
	[tilespmem:s9+$0x3160] =	vst v21  }
.Ltmp4:
0x24a: {  	[tilespmem:s9+$0x3170] =	vst v22;
	(pc) =	sbr.rel @p0 .LBB2_4-.Ltmp4, $4  }
0x24b: {  	[spmem:s2] =	stream.indirect.scatter.add.f32 [tilespmem:s11], [sflag:$0x4], $0x80, s24, s4, $0xb8;
	[tilespmem:$0x1E180] =	vst v63  }
0x24c: {  	_ =	swait.ge [sflag:s31], $0x2800  }
0x24d: {  	[sflag:s31] =	ssyncset.done $0x0  }
0x24e: {  	[sflag:s31] =	ssyncadd.s32 $0xFFFFD800  }
0x24f: {  	[bflag:$0x0] =	sbarrier.arrive $0xFFFF  }
0x250: {  	[tilespmem:s30], [sflag:$0x4] =	stream.linear.gather [spmem:s12], $0x2800, $0x38;
	[tilespmem:$0x1E180] =	vst v63  }
0x251: {  	_ =	swait.ge [sflag:s31], $0x2800  }
0x252: {  	[sflag:s31] =	ssyncset.done $0x0  }
0x253: {  	s9 =	rddreg [dreg:$0x8];
	[sflag:s31] =	ssyncadd.s32 $0xFFFFD800  }
0x254: {  	[hbm4b:s9+s3] =	stream.linear.scatter [tilespmem:s30], [sflag:$0x4], $0x2800, $0x38;
	[tilespmem:$0x1E180] =	vst v63  }
0x255: {  	_ =	swait.ge [sflag:s31], $0x2800  }
0x256: {  	[sflag:s31] =	ssyncset.done $0x0  }
0x257: {  	[sflag:s31] =	ssyncadd.s32 $0xFFFFD800  }
0x258: {  	[tilespmem:s30], [sflag:$0x4] =	stream.linear.gather [spmem:s16], $0x2800, $0x38;
	[tilespmem:$0x1E180] =	vst v63  }
0x259: {  	_ =	swait.ge [sflag:s31], $0x2800  }
0x25a: {  	[sflag:s31] =	ssyncset.done $0x0  }
0x25b: {  	s26 =	smov.u32 s16;
	s16 =	rddreg [dreg:$0x9];
	[sflag:s31] =	ssyncadd.s32 $0xFFFFD800  }
0x25c: {  	[hbm4b:s16+s3] =	stream.linear.scatter [tilespmem:s30], [sflag:$0x4], $0x2800, $0x38;
	[tilespmem:$0x1E180] =	vst v63  }
0x25d: {  	_ =	swait.ge [sflag:s31], $0x2800  }
0x25e: {  	[sflag:s31] =	ssyncset.done $0x0  }
0x25f: {  	[sflag:s31] =	ssyncadd.s32 $0xFFFFD800  }
0x260: {  	[tilespmem:s30], [sflag:$0x4] =	stream.linear.gather [spmem:s17], $0x2800, $0x38;
	[tilespmem:$0x1E180] =	vst v63  }
0x261: {  	_ =	swait.ge [sflag:s31], $0x2800  }
0x262: {  	[sflag:s31] =	ssyncset.done $0x0  }
0x263: {  	s20 =	rddreg [dreg:$0xa];
	[sflag:s31] =	ssyncadd.s32 $0xFFFFD800  }
0x264: {  	[hbm4b:s20+s3] =	stream.linear.scatter [tilespmem:s30], [sflag:$0x4], $0x2800, $0x38;
	[tilespmem:$0x1E180] =	vst v63  }
0x265: {  	_ =	swait.ge [sflag:s31], $0x2800  }
0x266: {  	[sflag:s31] =	ssyncset.done $0x0  }
0x267: {  	[sflag:s31] =	ssyncadd.s32 $0xFFFFD800  }
0x268: {  	[tilespmem:s30], [sflag:$0x4] =	stream.linear.gather [spmem:s18], $0x2800, $0x38;
	[tilespmem:$0x1E180] =	vst v63  }
0x269: {  	_ =	swait.ge [sflag:s31], $0x2800  }
0x26a: {  	[sflag:s31] =	ssyncset.done $0x0  }
0x26b: {  	s14 =	rddreg [dreg:$0xb];
	[sflag:s31] =	ssyncadd.s32 $0xFFFFD800  }
0x26c: {  	[hbm4b:s14+s3] =	stream.linear.scatter [tilespmem:s30], [sflag:$0x4], $0x2800, $0x38;
	[tilespmem:$0x1E180] =	vst v63  }
0x26d: {  	_ =	swait.ge [sflag:s31], $0x2800  }
0x26e: {  	[sflag:s31] =	ssyncset.done $0x0  }
0x26f: {  	s16 =	rddreg [dreg:$0x6];
	[sflag:s31] =	ssyncadd.s32 $0xFFFFD800  }
0x270: {  	[tilespmem:s30], [sflag:$0x4] =	stream.linear.gather [spmem:s16], $0x2800, $0x38;
	[tilespmem:$0x1E180] =	vst v63  }
0x271: {  	_ =	swait.ge [sflag:s31], $0x2800  }
0x272: {  	[sflag:s31] =	ssyncset.done $0x0  }
0x273: {  	s28 =	smov.u32 s17;
	s17 =	rddreg [dreg:$0xc];
	[sflag:s31] =	ssyncadd.s32 $0xFFFFD800  }
0x274: {  	[hbm4b:s17+s3] =	stream.linear.scatter [tilespmem:s30], [sflag:$0x4], $0x2800, $0x38;
	[tilespmem:$0x1E180] =	vst v63  }
0x275: {  	_ =	swait.ge [sflag:s31], $0x2800  }
0x276: {  	[sflag:s31] =	ssyncset.done $0x0  }
0x277: {  	s29 =	smov.u32 s18;
	s18 =	rddreg [dreg:$0x7];
	[sflag:s31] =	ssyncadd.s32 $0xFFFFD800  }
0x278: {  	[tilespmem:s30], [sflag:$0x4] =	stream.linear.gather [spmem:s18], $0x2800, $0x38;
	[tilespmem:$0x1E180] =	vst v63  }
0x279: {  	_ =	swait.ge [sflag:s31], $0x2800  }
0x27a: {  	[sflag:s31] =	ssyncset.done $0x0  }
0x27b: {  	s20 =	rddreg [dreg:$0xd];
	[sflag:s31] =	ssyncadd.s32 $0xFFFFD800  }
0x27c: {  	[hbm4b:s20+s3] =	stream.linear.scatter [tilespmem:s30], [sflag:$0x4], $0x2800, $0x38;
	[tilespmem:$0x1E180] =	vst v63  }
0x27d: {  	_ =	swait.ge [sflag:s31], $0x2800  }
0x27e: {  	[sflag:s31] =	ssyncset.done $0x0  }
0x27f: {  	[sflag:s31] =	ssyncadd.s32 $0xFFFFD800  }
0x280: {  	[tilespmem:s30], [sflag:$0x4] =	stream.linear.gather [spmem:s19], $0x2800, $0x38;
	[tilespmem:$0x1E180] =	vst v63  }
0x281: {  	_ =	swait.ge [sflag:s31], $0x2800  }
0x282: {  	[sflag:s31] =	ssyncset.done $0x0  }
0x283: {  	s14 =	rddreg [dreg:$0xe];
	[sflag:s31] =	ssyncadd.s32 $0xFFFFD800  }
0x284: {  	[hbm4b:s14+s3] =	stream.linear.scatter [tilespmem:s30], [sflag:$0x4], $0x2800, $0x38;
	[tilespmem:$0x1E180] =	vst v63  }
0x285: {  	_ =	swait.ge [sflag:s31], $0x2800  }
0x286: {  	[sflag:s31] =	ssyncset.done $0x0  }
0x287: {  	[sflag:s31] =	ssyncadd.s32 $0xFFFFD800  }
0x288: {  	[tilespmem:s30], [sflag:$0x4] =	stream.linear.gather [spmem:s21], $0x2800, $0x38;
	[tilespmem:$0x1E180] =	vst v63  }
0x289: {  	_ =	swait.ge [sflag:s31], $0x2800  }
0x28a: {  	[sflag:s31] =	ssyncset.done $0x0  }
0x28b: {  	s16 =	rddreg [dreg:$0xf];
	[sflag:s31] =	ssyncadd.s32 $0xFFFFD800  }
0x28c: {  	[hbm4b:s16+s3] =	stream.linear.scatter [tilespmem:s30], [sflag:$0x4], $0x2800, $0x38;
	[tilespmem:$0x1E180] =	vst v63  }
0x28d: {  	_ =	swait.ge [sflag:s31], $0x2800  }
0x28e: {  	[sflag:s31] =	ssyncset.done $0x0  }
0x28f: {  	[sflag:s31] =	ssyncadd.s32 $0xFFFFD800  }
0x290: {  	[tilespmem:s30], [sflag:$0x4] =	stream.linear.gather [spmem:s15], $0x2800, $0x38;
	[tilespmem:$0x1E180] =	vst v63  }
0x291: {  	_ =	swait.ge [sflag:s31], $0x2800  }
0x292: {  	[sflag:s31] =	ssyncset.done $0x0  }
0x293: {  	s17 =	rddreg [dreg:$0x4];
	[sflag:s31] =	ssyncadd.s32 $0xFFFFD800  }
0x294: {  	[hbm4b:s17+s3] =	stream.linear.scatter [tilespmem:s30], [sflag:$0x4], $0x2800, $0x38;
	[tilespmem:$0x1E180] =	vst v63  }
0x295: {  	_ =	swait.ge [sflag:s31], $0x2800  }
0x296: {  	s25 =	sadd.s32 $0x1, s25;
	s18 =	rddreg [dreg:$0x5]  }
0x297: {  	p0 =	sne.s32 s25, s18  }
.Ltmp5:
0x298: {  	_ = 	snop;
	(pc) =	sbr.rel @p0 .LBB2_1-.Ltmp5, $3  }
0x299: {  	_ =	sdelay $0x1  }
0x29a: {  	[sflag:s31] =	ssyncset.done $0x0  }
0x29b: {  	s20 =	smov.u32 s15;
	[sflag:s31] =	ssyncadd.s32 $0xFFFFD800  }
0x29c: {  	_ =	sfence.sel $0x180000  }
0x29d: {  	[bflag:$0x0] =	sbarrier.arrive $0xFFFF  }
0x29e: {  	_ =	strace $0x90000047  }
0x29f: {  	s0 =	stileid.u32;
	[bflag:$0x2] =	sbarrier.arrive $0xFFFF  }
0x2a0: {  	p0 =	sne.s32 s0, $0x0;
	s0 =	rddreg [dreg:$0x3]  }
0x2a1: {  	s0 =	sadd.s32 @!p0 $0x100000, s0  }
0x2a2: {  	[sflag:s0] =	ssyncadd.tile.s32 @!p0 $0x1;
	_ =	shalt  }
.Lfunc_end2:
_tile_overlayer_lowered:
.L_overlay_start_2:
0x2a3: {  	(tag) =	ssettag $0x2  }
0x2a4: {  	s0 =	rddreg [dreg:$0x0];
	s2 =	stileid.u32  }
0x2a5: {  	s1 =	rddreg [dreg:$0x1];
	p0 =	sne.s32 s2, $0x0  }
0x2a6: {  	s3 =	rddreg [dreg:$0x2];
	[bflag:$0x3] =	sbarrier.arrive $0xFFFF;
	s2 =	simm.s32 @!p0 $0x1C04  }
0x2a7: {  	[timem:s3], [sflag:s2] =	dma.local @!p0 [hbm:s0], s1  }
0x2a8: {  	s0 =	simm.s32 @!p0 $0x4  }
0x2a9: {  	_ =	swait.ge @!p0 [sflag:s0], s1  }
0x2aa: {  	s1 =	ssub.s32 @!p0 $0x0, s1;
	[sflag:s0] =	ssyncset.done @!p0 $0x0  }
0x2ab: {  	[sflag:s0] =	ssyncadd.s32 @!p0 s1  }
0x2ac: {  	[bflag:$0x3] =	sbarrier.arrive $0xFFFF  }
0x2ad: {  	_ =	shalt  }

</sc_bundles>
